<compile_context>
chip_gen: v7x
topology: tpu7x:2x2x1
jax: 0.10.2.dev20260603
libtpu: 0.0.44.dev20260713+nightly
codegen_flags: <defaults>
</compile_context>

<pallas_src>
import functools

import jax
import jax.numpy as jnp
from jax import lax
from jax.experimental import pallas as pl
from jax.experimental.pallas import tpu as pltpu
from jax.experimental.pallas import tpu_sc as plsc

NCORES = 2
NSUB = 16
NW = NCORES * NSUB
LANES = 16
CHUNK = 16
NBINS = 65
NFREQ = 64


def _make_hist_fn(nrows, rowlen):
    assert nrows % (NW * CHUNK) == 0
    rows_per_w = nrows // NW
    nchunks = rows_per_w // CHUNK
    assert nchunks % 2 == 0
    assert rowlen % 128 == 0 and (rowlen & (rowlen - 1)) == 0

    mesh = plsc.VectorSubcoreMesh(
        core_axis_name="c", subcore_axis_name="s",
        num_cores=NCORES, num_subcores=NSUB)

    @functools.partial(
        pl.kernel,
        out_type=jax.ShapeDtypeStruct((nrows, NFREQ), jnp.float32),
        mesh=mesh,
        scratch_types=[
            pltpu.VMEM((CHUNK, rowlen), jnp.int32),
            pltpu.VMEM((CHUNK, rowlen), jnp.int32),
            pltpu.VMEM((CHUNK * NBINS,), jnp.float32),
            pltpu.VMEM((CHUNK, NFREQ), jnp.float32),
            pltpu.SemaphoreType.DMA,
            pltpu.SemaphoreType.DMA,
        ],
        compiler_params=pltpu.CompilerParams(
            needs_layout_passes=False, use_tc_tiling_on_sc=True),
    )
    def hist_kernel(rna_hbm, freq_hbm, data0, data1, hist, fbuf, sem0, sem1):
        c = lax.axis_index("c")
        s = lax.axis_index("s")
        wid = s * NCORES + c
        row0 = wid * rows_per_w

        lane = lax.broadcasted_iota(jnp.int32, (LANES,), 0)
        ones = jnp.full((LANES,), 1.0, jnp.float32)
        zeros = jnp.zeros((LANES,), jnp.float32)

        def dma_in(chunk_idx, data_ref, sem):
            r0 = row0 + chunk_idx * CHUNK
            return pltpu.make_async_copy(
                rna_hbm.at[pl.ds(r0, CHUNK)], data_ref, sem)

        def process(chunk_idx, data_ref):
            for k in range(NBINS):
                hist[pl.ds(k * LANES, LANES)] = zeros

            @plsc.parallel_loop(0, rowlen, 1, unroll=16)
            def _(j):
                col = (j & -128) + ((lane + j) & 127)
                v = plsc.load_gather(data_ref, [lane, col])
                plsc.addupdate_scatter(hist, [(v << 4) | lane], ones)

            for r in range(CHUNK):
                cs = []
                for k in range(4):
                    idx = (lane << 4) + (r + 16 * (1 + 16 * k))
                    cs.append(plsc.load_gather(hist, [idx]))
                total = jnp.sum(cs[0] + cs[1] + cs[2] + cs[3])
                for k in range(4):
                    fbuf[r, pl.ds(k * 16, 16)] = cs[k] / total

            out_r0 = row0 + chunk_idx * CHUNK
            pltpu.sync_copy(fbuf, freq_hbm.at[pl.ds(out_r0, CHUNK)])

        dma_in(0, data0, sem0).start()
        npairs = nchunks // 2

        def pair_body(i, carry):
            cb = i * 2
            dma_in(cb, data0, sem0).wait()
            dma_in(cb + 1, data1, sem1).start()
            process(cb, data0)
            dma_in(cb + 1, data1, sem1).wait()

            @pl.when(i + 1 < npairs)
            def _():
                dma_in(cb + 2, data0, sem0).start()

            process(cb + 1, data1)
            return carry

        lax.fori_loop(0, npairs, pair_body, 0)

    return hist_kernel


def _make_mlp_fn(nrows, hid, block_rows):
    assert nrows % block_rows == 0
    grid = nrows // block_rows

    def mlp_kernel(freq_ref, tid_ref, ttab_ref, w1a_ref, w1b_ref,
                   b1_ref, w2_ref, b2_ref, y_ref):
        tt = ttab_ref[...]
        nrm = jnp.sqrt(jnp.sum(tt * tt, axis=1, keepdims=True))
        scale = jnp.where(nrm > 1.0, 1.0 / jnp.maximum(nrm, 1e-7), 1.0)
        tn = tt * scale
        m = jnp.dot(tn, w1a_ref[...], preferred_element_type=jnp.float32)

        tid = tid_ref[...]
        onehot = (tid == lax.broadcasted_iota(jnp.int32, (1, NFREQ), 1)
                  ).astype(jnp.float32)
        h = (jnp.dot(onehot, m, preferred_element_type=jnp.float32)
             + jnp.dot(freq_ref[...], w1b_ref[...],
                       preferred_element_type=jnp.float32)
             + b1_ref[...])
        h = jnp.maximum(h, 0.0)
        y_ref[...] = jnp.sum(h * w2_ref[...], axis=1, keepdims=True) + b2_ref[0, 0]

    return pl.pallas_call(
        mlp_kernel,
        grid=(grid,),
        in_specs=[
            pl.BlockSpec((block_rows, NFREQ), lambda i: (i, 0)),
            pl.BlockSpec((block_rows, 1), lambda i: (i, 0)),
            pl.BlockSpec((NFREQ, NFREQ), lambda i: (0, 0)),
            pl.BlockSpec((NFREQ, hid), lambda i: (0, 0)),
            pl.BlockSpec((NFREQ, hid), lambda i: (0, 0)),
            pl.BlockSpec((1, hid), lambda i: (0, 0)),
            pl.BlockSpec((1, hid), lambda i: (0, 0)),
            pl.BlockSpec((1, 1), lambda i: (0, 0)),
        ],
        out_specs=pl.BlockSpec((block_rows, 1), lambda i: (i, 0)),
        out_shape=jax.ShapeDtypeStruct((nrows, 1), jnp.float32),
    )


def kernel(rna_data, tissue_id, tissue_table, W1, b1, W2, b2):
    nrows, rowlen = rna_data.shape
    hid = W1.shape[1]

    hist_fn = _make_hist_fn(nrows, rowlen)
    freq = hist_fn(rna_data)

    mlp_fn = _make_mlp_fn(nrows, hid, block_rows=2048)
    y = mlp_fn(
        freq,
        tissue_id.reshape(nrows, 1),
        tissue_table,
        W1[:NFREQ],
        W1[NFREQ:],
        b1.reshape(1, hid),
        W2.reshape(1, hid),
        b2.reshape(1, 1),
    )
    return y

# --- scband reference (transcript-rebuilt; emitter-appended) ---
"""Pipeline reference for scband-model-baseline-49357764165987 (READ-ONLY COPY).

The authoritative reference and input builder live on the scoring server;
editing this copy changes nothing except your own understanding.
"""

import jax, jax.numpy as jnp
import numpy as np

B = 16384
L = 2048
NUM_CODONS = 64
NUM_TISSUES = 64
DIM_T = 64
HID = 1024
MAX_NORM = 1.0


def setup_inputs(seed: int = 0) -> dict:
    key = jax.random.key(seed)
    k1, k2, k3, k4, k5, k6, k7 = jax.random.split(key, 7)
    rna_data = jax.random.randint(k1, (B, L), 0, NUM_CODONS + 1, dtype=jnp.int32)
    tissue_id = jax.random.randint(k2, (B,), 0, NUM_TISSUES, dtype=jnp.int32)
    tissue_table = jax.random.normal(k3, (NUM_TISSUES, DIM_T), dtype=jnp.float32)
    W1 = jax.random.normal(k4, (DIM_T + NUM_CODONS, HID), dtype=jnp.float32) * 0.02
    b1 = jax.random.normal(k5, (HID,), dtype=jnp.float32) * 0.02
    W2 = jax.random.normal(k6, (HID, 1), dtype=jnp.float32) * 0.02
    b2 = jax.random.normal(k7, (1,), dtype=jnp.float32) * 0.02
    return {"rna_data": rna_data, "tissue_id": tissue_id, "tissue_table": tissue_table,
            "W1": W1, "b1": b1, "W2": W2, "b2": b2}


def reference(rna_data, tissue_id, tissue_table, W1, b1, W2, b2):
    # per-row histogram (bincount) over codon ids, drop bin 0, normalize to frequencies
    def row_counts(r):
        return jnp.zeros(NUM_CODONS + 1, dtype=jnp.float32).at[r].add(1.0)
    counts = jax.vmap(row_counts)(rna_data)
    counts = counts[:, 1:NUM_CODONS + 1]
    freq = counts / jnp.sum(counts, axis=1, keepdims=True)
    # embedding lookup with torch-style max_norm renorm
    emb = jnp.take(tissue_table, tissue_id, axis=0)
    norm = jnp.linalg.norm(emb, axis=-1, keepdims=True)
    scale = jnp.where(norm > MAX_NORM, MAX_NORM / jnp.maximum(norm, 1e-7), 1.0)
    emb = emb * scale
    x = jnp.concatenate([emb, freq], axis=1)
    h = jnp.maximum(x @ W1 + b1, 0.0)  # ReLU; dropout is identity in eval
    y = h @ W2 + b2
    return y

if __name__ == "__main__":
    import jax
    _d = setup_inputs()
    print(jax.jit(kernel)(*tuple(_d.values())))

</pallas_src>

<mosaic_0001>
#map = affine_map<(d0, d1) -> (0, 0)>
module attributes {stable_mosaic.version = 14 : i64} {
  func.func @hist_kernel(%arg0: i32, %arg1: i32, %arg2: memref<16384x2048xi32, #tpu.memory_space<hbm>>, %arg3: memref<16384x64xf32, #tpu.memory_space<hbm>>, %arg4: memref<16x2048xi32, #tpu.memory_space<vmem>>, %arg5: memref<16x2048xi32, #tpu.memory_space<vmem>>, %arg6: memref<1040xf32, #tpu.memory_space<vmem>>, %arg7: memref<16x64xf32, #tpu.memory_space<vmem>>, %arg8: memref<!tpu.dma_semaphore, #tpu.memory_space<semaphore_mem>>, %arg9: memref<!tpu.dma_semaphore, #tpu.memory_space<semaphore_mem>>) attributes {dimension_semantics = [#tpu.dimension_semantics<core_parallel>, #tpu.dimension_semantics<subcore_parallel>], iteration_bounds = array<i64: 2, 16>, scalar_prefetch = 0 : i64, scratch_operands = 6 : i64, tpu.core_type = #tpu.core_type<sc_vector_subcore>, window_params = [{transform_indices = #map}, {transform_indices = #map}]} {
    %mul3A = arith.constant 2 : i32
    %mul3A_0 = arith.muli %arg1, %mul3A : i32
    %add3A = arith.addi %mul3A_0, %arg0 : i32
    %mul3A_1 = arith.constant 512 : i32
    %mul3A_2 = arith.muli %add3A, %mul3A_1 : i32
    %iota3A = tpu.iota {dimensions = array<i32: 0>} : vector<16xi32>
    %broadcast_in_dim3A = arith.constant 1.000000e+00 : f32
    %broadcast_in_dim3A_3 = vector.broadcast %broadcast_in_dim3A : f32 to vector<16xf32>
    %broadcast_in_dim3A_4 = arith.constant 0.000000e+00 : f32
    %broadcast_in_dim3A_5 = vector.broadcast %broadcast_in_dim3A_4 : f32 to vector<16xf32>
    %add3A_6 = arith.constant 0 : i32
    %add3A_7 = arith.addi %mul3A_2, %add3A_6 : i32
    %dma_start3A = arith.constant 0 : i32
    %dma_start3A_8 = tpu.memref_slice %arg2[%add3A_7, %dma_start3A] : memref<16384x2048xi32, #tpu.memory_space<hbm>> -> memref<16x2048xi32, #tpu.memory_space<hbm>>
    %dma_start3A_9 = arith.constant 0 : i32
    %dma_start3A_10 = tpu.memref_slice %arg2[%add3A_7, %dma_start3A_9] : memref<16384x2048xi32, #tpu.memory_space<hbm>> -> memref<16x2048xi32, #tpu.memory_space<hbm>>
    tpu.enqueue_dma source(%dma_start3A_10 : memref<16x2048xi32, #tpu.memory_space<hbm>>) target(%arg4 : memref<16x2048xi32, #tpu.memory_space<vmem>>) target_semaphore(%arg8 : memref<!tpu.dma_semaphore, #tpu.memory_space<semaphore_mem>>)
    %scan3A = arith.constant 0 : i32
    %scan3A_11 = arith.constant 0 : i32
    %scan3A_12 = arith.constant 16 : i32
    %scan3A_13 = arith.addi %scan3A_11, %scan3A_12 : i32
    %scan3A_14 = arith.constant 1 : i32
    scf.for %scan3A_16 = %scan3A_11 to %scan3A_13 step %scan3A_14  : i32 {
      %mul3A_17 = arith.constant 2 : i32
      %mul3A_18 = arith.muli %scan3A_16, %mul3A_17 : i32
      %mul3A_19 = arith.constant 16 : i32
      %mul3A_20 = arith.muli %mul3A_18, %mul3A_19 : i32
      %add3A_21 = arith.addi %mul3A_2, %mul3A_20 : i32
      %dma_wait3A = arith.constant 0 : i32
      %dma_wait3A_22 = tpu.memref_slice %arg2[%add3A_21, %dma_wait3A] : memref<16384x2048xi32, #tpu.memory_space<hbm>> -> memref<16x2048xi32, #tpu.memory_space<hbm>>
      %dma_wait3A_23 = arith.constant 0 : i32
      %dma_wait3A_24 = tpu.memref_slice %arg2[%add3A_21, %dma_wait3A_23] : memref<16384x2048xi32, #tpu.memory_space<hbm>> -> memref<16x2048xi32, #tpu.memory_space<hbm>>
      tpu.wait_dma2 semaphore(%arg8 : memref<!tpu.dma_semaphore, #tpu.memory_space<semaphore_mem>>) src(%dma_wait3A_24 : memref<16x2048xi32, #tpu.memory_space<hbm>>) dst(%arg4 : memref<16x2048xi32, #tpu.memory_space<vmem>>)
      %add3A_25 = arith.constant 1 : i32
      %add3A_26 = arith.addi %mul3A_18, %add3A_25 : i32
      %mul3A_27 = arith.constant 16 : i32
      %mul3A_28 = arith.muli %add3A_26, %mul3A_27 : i32
      %add3A_29 = arith.addi %mul3A_2, %mul3A_28 : i32
      %dma_start3A_30 = arith.constant 0 : i32
      %dma_start3A_31 = tpu.memref_slice %arg2[%add3A_29, %dma_start3A_30] : memref<16384x2048xi32, #tpu.memory_space<hbm>> -> memref<16x2048xi32, #tpu.memory_space<hbm>>
      %dma_start3A_32 = arith.constant 0 : i32
      %dma_start3A_33 = tpu.memref_slice %arg2[%add3A_29, %dma_start3A_32] : memref<16384x2048xi32, #tpu.memory_space<hbm>> -> memref<16x2048xi32, #tpu.memory_space<hbm>>
      tpu.enqueue_dma source(%dma_start3A_33 : memref<16x2048xi32, #tpu.memory_space<hbm>>) target(%arg5 : memref<16x2048xi32, #tpu.memory_space<vmem>>) target_semaphore(%arg9 : memref<!tpu.dma_semaphore, #tpu.memory_space<semaphore_mem>>)
      %swap3A = arith.constant 0 : index
      %swap3A_34 = tpu.vector_load %arg6[%swap3A] {strides = array<i32>} : memref<1040xf32, #tpu.memory_space<vmem>>, vector<16xf32>,
      tpu.vector_store %arg6[%swap3A], %broadcast_in_dim3A_5 {strides = array<i32>} : memref<1040xf32, #tpu.memory_space<vmem>>, vector<16xf32>,
      %swap3A_35 = arith.constant 16 : index
      %swap3A_36 = tpu.vector_load %arg6[%swap3A_35] {strides = array<i32>} : memref<1040xf32, #tpu.memory_space<vmem>>, vector<16xf32>,
      tpu.vector_store %arg6[%swap3A_35], %broadcast_in_dim3A_5 {strides = array<i32>} : memref<1040xf32, #tpu.memory_space<vmem>>, vector<16xf32>,
      %swap3A_37 = arith.constant 32 : index
      %swap3A_38 = tpu.vector_load %arg6[%swap3A_37] {strides = array<i32>} : memref<1040xf32, #tpu.memory_space<vmem>>, vector<16xf32>,
      tpu.vector_store %arg6[%swap3A_37], %broadcast_in_dim3A_5 {strides = array<i32>} : memref<1040xf32, #tpu.memory_space<vmem>>, vector<16xf32>,
      %swap3A_39 = arith.constant 48 : index
      %swap3A_40 = tpu.vector_load %arg6[%swap3A_39] {strides = array<i32>} : memref<1040xf32, #tpu.memory_space<vmem>>, vector<16xf32>,
      tpu.vector_store %arg6[%swap3A_39], %broadcast_in_dim3A_5 {strides = array<i32>} : memref<1040xf32, #tpu.memory_space<vmem>>, vector<16xf32>,
      %swap3A_41 = arith.constant 64 : index
      %swap3A_42 = tpu.vector_load %arg6[%swap3A_41] {strides = array<i32>} : memref<1040xf32, #tpu.memory_space<vmem>>, vector<16xf32>,
      tpu.vector_store %arg6[%swap3A_41], %broadcast_in_dim3A_5 {strides = array<i32>} : memref<1040xf32, #tpu.memory_space<vmem>>, vector<16xf32>,
      %swap3A_43 = arith.constant 80 : index
      %swap3A_44 = tpu.vector_load %arg6[%swap3A_43] {strides = array<i32>} : memref<1040xf32, #tpu.memory_space<vmem>>, vector<16xf32>,
      tpu.vector_store %arg6[%swap3A_43], %broadcast_in_dim3A_5 {strides = array<i32>} : memref<1040xf32, #tpu.memory_space<vmem>>, vector<16xf32>,
      %swap3A_45 = arith.constant 96 : index
      %swap3A_46 = tpu.vector_load %arg6[%swap3A_45] {strides = array<i32>} : memref<1040xf32, #tpu.memory_space<vmem>>, vector<16xf32>,
      tpu.vector_store %arg6[%swap3A_45], %broadcast_in_dim3A_5 {strides = array<i32>} : memref<1040xf32, #tpu.memory_space<vmem>>, vector<16xf32>,
      %swap3A_47 = arith.constant 112 : index
      %swap3A_48 = tpu.vector_load %arg6[%swap3A_47] {strides = array<i32>} : memref<1040xf32, #tpu.memory_space<vmem>>, vector<16xf32>,
      tpu.vector_store %arg6[%swap3A_47], %broadcast_in_dim3A_5 {strides = array<i32>} : memref<1040xf32, #tpu.memory_space<vmem>>, vector<16xf32>,
      %swap3A_49 = arith.constant 128 : index
      %swap3A_50 = tpu.vector_load %arg6[%swap3A_49] {strides = array<i32>} : memref<1040xf32, #tpu.memory_space<vmem>>, vector<16xf32>,
      tpu.vector_store %arg6[%swap3A_49], %broadcast_in_dim3A_5 {strides = array<i32>} : memref<1040xf32, #tpu.memory_space<vmem>>, vector<16xf32>,
      %swap3A_51 = arith.constant 144 : index
      %swap3A_52 = tpu.vector_load %arg6[%swap3A_51] {strides = array<i32>} : memref<1040xf32, #tpu.memory_space<vmem>>, vector<16xf32>,
      tpu.vector_store %arg6[%swap3A_51], %broadcast_in_dim3A_5 {strides = array<i32>} : memref<1040xf32, #tpu.memory_space<vmem>>, vector<16xf32>,
      %swap3A_53 = arith.constant 160 : index
      %swap3A_54 = tpu.vector_load %arg6[%swap3A_53] {strides = array<i32>} : memref<1040xf32, #tpu.memory_space<vmem>>, vector<16xf32>,
      tpu.vector_store %arg6[%swap3A_53], %broadcast_in_dim3A_5 {strides = array<i32>} : memref<1040xf32, #tpu.memory_space<vmem>>, vector<16xf32>,
      %swap3A_55 = arith.constant 176 : index
      %swap3A_56 = tpu.vector_load %arg6[%swap3A_55] {strides = array<i32>} : memref<1040xf32, #tpu.memory_space<vmem>>, vector<16xf32>,
      tpu.vector_store %arg6[%swap3A_55], %broadcast_in_dim3A_5 {strides = array<i32>} : memref<1040xf32, #tpu.memory_space<vmem>>, vector<16xf32>,
      %swap3A_57 = arith.constant 192 : index
      %swap3A_58 = tpu.vector_load %arg6[%swap3A_57] {strides = array<i32>} : memref<1040xf32, #tpu.memory_space<vmem>>, vector<16xf32>,
      tpu.vector_store %arg6[%swap3A_57], %broadcast_in_dim3A_5 {strides = array<i32>} : memref<1040xf32, #tpu.memory_space<vmem>>, vector<16xf32>,
      %swap3A_59 = arith.constant 208 : index
      %swap3A_60 = tpu.vector_load %arg6[%swap3A_59] {strides = array<i32>} : memref<1040xf32, #tpu.memory_space<vmem>>, vector<16xf32>,
      tpu.vector_store %arg6[%swap3A_59], %broadcast_in_dim3A_5 {strides = array<i32>} : memref<1040xf32, #tpu.memory_space<vmem>>, vector<16xf32>,
      %swap3A_61 = arith.constant 224 : index
      %swap3A_62 = tpu.vector_load %arg6[%swap3A_61] {strides = array<i32>} : memref<1040xf32, #tpu.memory_space<vmem>>, vector<16xf32>,
      tpu.vector_store %arg6[%swap3A_61], %broadcast_in_dim3A_5 {strides = array<i32>} : memref<1040xf32, #tpu.memory_space<vmem>>, vector<16xf32>,
      %swap3A_63 = arith.constant 240 : index
      %swap3A_64 = tpu.vector_load %arg6[%swap3A_63] {strides = array<i32>} : memref<1040xf32, #tpu.memory_space<vmem>>, vector<16xf32>,
      tpu.vector_store %arg6[%swap3A_63], %broadcast_in_dim3A_5 {strides = array<i32>} : memref<1040xf32, #tpu.memory_space<vmem>>, vector<16xf32>,
      %swap3A_65 = arith.constant 256 : index
      %swap3A_66 = tpu.vector_load %arg6[%swap3A_65] {strides = array<i32>} : memref<1040xf32, #tpu.memory_space<vmem>>, vector<16xf32>,
      tpu.vector_store %arg6[%swap3A_65], %broadcast_in_dim3A_5 {strides = array<i32>} : memref<1040xf32, #tpu.memory_space<vmem>>, vector<16xf32>,
      %swap3A_67 = arith.constant 272 : index
      %swap3A_68 = tpu.vector_load %arg6[%swap3A_67] {strides = array<i32>} : memref<1040xf32, #tpu.memory_space<vmem>>, vector<16xf32>,
      tpu.vector_store %arg6[%swap3A_67], %broadcast_in_dim3A_5 {strides = array<i32>} : memref<1040xf32, #tpu.memory_space<vmem>>, vector<16xf32>,
      %swap3A_69 = arith.constant 288 : index
      %swap3A_70 = tpu.vector_load %arg6[%swap3A_69] {strides = array<i32>} : memref<1040xf32, #tpu.memory_space<vmem>>, vector<16xf32>,
      tpu.vector_store %arg6[%swap3A_69], %broadcast_in_dim3A_5 {strides = array<i32>} : memref<1040xf32, #tpu.memory_space<vmem>>, vector<16xf32>,
      %swap3A_71 = arith.constant 304 : index
      %swap3A_72 = tpu.vector_load %arg6[%swap3A_71] {strides = array<i32>} : memref<1040xf32, #tpu.memory_space<vmem>>, vector<16xf32>,
      tpu.vector_store %arg6[%swap3A_71], %broadcast_in_dim3A_5 {strides = array<i32>} : memref<1040xf32, #tpu.memory_space<vmem>>, vector<16xf32>,
      %swap3A_73 = arith.constant 320 : index
      %swap3A_74 = tpu.vector_load %arg6[%swap3A_73] {strides = array<i32>} : memref<1040xf32, #tpu.memory_space<vmem>>, vector<16xf32>,
      tpu.vector_store %arg6[%swap3A_73], %broadcast_in_dim3A_5 {strides = array<i32>} : memref<1040xf32, #tpu.memory_space<vmem>>, vector<16xf32>,
      %swap3A_75 = arith.constant 336 : index
      %swap3A_76 = tpu.vector_load %arg6[%swap3A_75] {strides = array<i32>} : memref<1040xf32, #tpu.memory_space<vmem>>, vector<16xf32>,
      tpu.vector_store %arg6[%swap3A_75], %broadcast_in_dim3A_5 {strides = array<i32>} : memref<1040xf32, #tpu.memory_space<vmem>>, vector<16xf32>,
      %swap3A_77 = arith.constant 352 : index
      %swap3A_78 = tpu.vector_load %arg6[%swap3A_77] {strides = array<i32>} : memref<1040xf32, #tpu.memory_space<vmem>>, vector<16xf32>,
      tpu.vector_store %arg6[%swap3A_77], %broadcast_in_dim3A_5 {strides = array<i32>} : memref<1040xf32, #tpu.memory_space<vmem>>, vector<16xf32>,
      %swap3A_79 = arith.constant 368 : index
      %swap3A_80 = tpu.vector_load %arg6[%swap3A_79] {strides = array<i32>} : memref<1040xf32, #tpu.memory_space<vmem>>, vector<16xf32>,
      tpu.vector_store %arg6[%swap3A_79], %broadcast_in_dim3A_5 {strides = array<i32>} : memref<1040xf32, #tpu.memory_space<vmem>>, vector<16xf32>,
      %swap3A_81 = arith.constant 384 : index
      %swap3A_82 = tpu.vector_load %arg6[%swap3A_81] {strides = array<i32>} : memref<1040xf32, #tpu.memory_space<vmem>>, vector<16xf32>,
      tpu.vector_store %arg6[%swap3A_81], %broadcast_in_dim3A_5 {strides = array<i32>} : memref<1040xf32, #tpu.memory_space<vmem>>, vector<16xf32>,
      %swap3A_83 = arith.constant 400 : index
      %swap3A_84 = tpu.vector_load %arg6[%swap3A_83] {strides = array<i32>} : memref<1040xf32, #tpu.memory_space<vmem>>, vector<16xf32>,
      tpu.vector_store %arg6[%swap3A_83], %broadcast_in_dim3A_5 {strides = array<i32>} : memref<1040xf32, #tpu.memory_space<vmem>>, vector<16xf32>,
      %swap3A_85 = arith.constant 416 : index
      %swap3A_86 = tpu.vector_load %arg6[%swap3A_85] {strides = array<i32>} : memref<1040xf32, #tpu.memory_space<vmem>>, vector<16xf32>,
      tpu.vector_store %arg6[%swap3A_85], %broadcast_in_dim3A_5 {strides = array<i32>} : memref<1040xf32, #tpu.memory_space<vmem>>, vector<16xf32>,
      %swap3A_87 = arith.constant 432 : index
      %swap3A_88 = tpu.vector_load %arg6[%swap3A_87] {strides = array<i32>} : memref<1040xf32, #tpu.memory_space<vmem>>, vector<16xf32>,
      tpu.vector_store %arg6[%swap3A_87], %broadcast_in_dim3A_5 {strides = array<i32>} : memref<1040xf32, #tpu.memory_space<vmem>>, vector<16xf32>,
      %swap3A_89 = arith.constant 448 : index
      %swap3A_90 = tpu.vector_load %arg6[%swap3A_89] {strides = array<i32>} : memref<1040xf32, #tpu.memory_space<vmem>>, vector<16xf32>,
      tpu.vector_store %arg6[%swap3A_89], %broadcast_in_dim3A_5 {strides = array<i32>} : memref<1040xf32, #tpu.memory_space<vmem>>, vector<16xf32>,
      %swap3A_91 = arith.constant 464 : index
      %swap3A_92 = tpu.vector_load %arg6[%swap3A_91] {strides = array<i32>} : memref<1040xf32, #tpu.memory_space<vmem>>, vector<16xf32>,
      tpu.vector_store %arg6[%swap3A_91], %broadcast_in_dim3A_5 {strides = array<i32>} : memref<1040xf32, #tpu.memory_space<vmem>>, vector<16xf32>,
      %swap3A_93 = arith.constant 480 : index
      %swap3A_94 = tpu.vector_load %arg6[%swap3A_93] {strides = array<i32>} : memref<1040xf32, #tpu.memory_space<vmem>>, vector<16xf32>,
      tpu.vector_store %arg6[%swap3A_93], %broadcast_in_dim3A_5 {strides = array<i32>} : memref<1040xf32, #tpu.memory_space<vmem>>, vector<16xf32>,
      %swap3A_95 = arith.constant 496 : index
      %swap3A_96 = tpu.vector_load %arg6[%swap3A_95] {strides = array<i32>} : memref<1040xf32, #tpu.memory_space<vmem>>, vector<16xf32>,
      tpu.vector_store %arg6[%swap3A_95], %broadcast_in_dim3A_5 {strides = array<i32>} : memref<1040xf32, #tpu.memory_space<vmem>>, vector<16xf32>,
      %swap3A_97 = arith.constant 512 : index
      %swap3A_98 = tpu.vector_load %arg6[%swap3A_97] {strides = array<i32>} : memref<1040xf32, #tpu.memory_space<vmem>>, vector<16xf32>,
      tpu.vector_store %arg6[%swap3A_97], %broadcast_in_dim3A_5 {strides = array<i32>} : memref<1040xf32, #tpu.memory_space<vmem>>, vector<16xf32>,
      %swap3A_99 = arith.constant 528 : index
      %swap3A_100 = tpu.vector_load %arg6[%swap3A_99] {strides = array<i32>} : memref<1040xf32, #tpu.memory_space<vmem>>, vector<16xf32>,
      tpu.vector_store %arg6[%swap3A_99], %broadcast_in_dim3A_5 {strides = array<i32>} : memref<1040xf32, #tpu.memory_space<vmem>>, vector<16xf32>,
      %swap3A_101 = arith.constant 544 : index
      %swap3A_102 = tpu.vector_load %arg6[%swap3A_101] {strides = array<i32>} : memref<1040xf32, #tpu.memory_space<vmem>>, vector<16xf32>,
      tpu.vector_store %arg6[%swap3A_101], %broadcast_in_dim3A_5 {strides = array<i32>} : memref<1040xf32, #tpu.memory_space<vmem>>, vector<16xf32>,
      %swap3A_103 = arith.constant 560 : index
      %swap3A_104 = tpu.vector_load %arg6[%swap3A_103] {strides = array<i32>} : memref<1040xf32, #tpu.memory_space<vmem>>, vector<16xf32>,
      tpu.vector_store %arg6[%swap3A_103], %broadcast_in_dim3A_5 {strides = array<i32>} : memref<1040xf32, #tpu.memory_space<vmem>>, vector<16xf32>,
      %swap3A_105 = arith.constant 576 : index
      %swap3A_106 = tpu.vector_load %arg6[%swap3A_105] {strides = array<i32>} : memref<1040xf32, #tpu.memory_space<vmem>>, vector<16xf32>,
      tpu.vector_store %arg6[%swap3A_105], %broadcast_in_dim3A_5 {strides = array<i32>} : memref<1040xf32, #tpu.memory_space<vmem>>, vector<16xf32>,
      %swap3A_107 = arith.constant 592 : index
      %swap3A_108 = tpu.vector_load %arg6[%swap3A_107] {strides = array<i32>} : memref<1040xf32, #tpu.memory_space<vmem>>, vector<16xf32>,
      tpu.vector_store %arg6[%swap3A_107], %broadcast_in_dim3A_5 {strides = array<i32>} : memref<1040xf32, #tpu.memory_space<vmem>>, vector<16xf32>,
      %swap3A_109 = arith.constant 608 : index
      %swap3A_110 = tpu.vector_load %arg6[%swap3A_109] {strides = array<i32>} : memref<1040xf32, #tpu.memory_space<vmem>>, vector<16xf32>,
      tpu.vector_store %arg6[%swap3A_109], %broadcast_in_dim3A_5 {strides = array<i32>} : memref<1040xf32, #tpu.memory_space<vmem>>, vector<16xf32>,
      %swap3A_111 = arith.constant 624 : index
      %swap3A_112 = tpu.vector_load %arg6[%swap3A_111] {strides = array<i32>} : memref<1040xf32, #tpu.memory_space<vmem>>, vector<16xf32>,
      tpu.vector_store %arg6[%swap3A_111], %broadcast_in_dim3A_5 {strides = array<i32>} : memref<1040xf32, #tpu.memory_space<vmem>>, vector<16xf32>,
      %swap3A_113 = arith.constant 640 : index
      %swap3A_114 = tpu.vector_load %arg6[%swap3A_113] {strides = array<i32>} : memref<1040xf32, #tpu.memory_space<vmem>>, vector<16xf32>,
      tpu.vector_store %arg6[%swap3A_113], %broadcast_in_dim3A_5 {strides = array<i32>} : memref<1040xf32, #tpu.memory_space<vmem>>, vector<16xf32>,
      %swap3A_115 = arith.constant 656 : index
      %swap3A_116 = tpu.vector_load %arg6[%swap3A_115] {strides = array<i32>} : memref<1040xf32, #tpu.memory_space<vmem>>, vector<16xf32>,
      tpu.vector_store %arg6[%swap3A_115], %broadcast_in_dim3A_5 {strides = array<i32>} : memref<1040xf32, #tpu.memory_space<vmem>>, vector<16xf32>,
      %swap3A_117 = arith.constant 672 : index
      %swap3A_118 = tpu.vector_load %arg6[%swap3A_117] {strides = array<i32>} : memref<1040xf32, #tpu.memory_space<vmem>>, vector<16xf32>,
      tpu.vector_store %arg6[%swap3A_117], %broadcast_in_dim3A_5 {strides = array<i32>} : memref<1040xf32, #tpu.memory_space<vmem>>, vector<16xf32>,
      %swap3A_119 = arith.constant 688 : index
      %swap3A_120 = tpu.vector_load %arg6[%swap3A_119] {strides = array<i32>} : memref<1040xf32, #tpu.memory_space<vmem>>, vector<16xf32>,
      tpu.vector_store %arg6[%swap3A_119], %broadcast_in_dim3A_5 {strides = array<i32>} : memref<1040xf32, #tpu.memory_space<vmem>>, vector<16xf32>,
      %swap3A_121 = arith.constant 704 : index
      %swap3A_122 = tpu.vector_load %arg6[%swap3A_121] {strides = array<i32>} : memref<1040xf32, #tpu.memory_space<vmem>>, vector<16xf32>,
      tpu.vector_store %arg6[%swap3A_121], %broadcast_in_dim3A_5 {strides = array<i32>} : memref<1040xf32, #tpu.memory_space<vmem>>, vector<16xf32>,
      %swap3A_123 = arith.constant 720 : index
      %swap3A_124 = tpu.vector_load %arg6[%swap3A_123] {strides = array<i32>} : memref<1040xf32, #tpu.memory_space<vmem>>, vector<16xf32>,
      tpu.vector_store %arg6[%swap3A_123], %broadcast_in_dim3A_5 {strides = array<i32>} : memref<1040xf32, #tpu.memory_space<vmem>>, vector<16xf32>,
      %swap3A_125 = arith.constant 736 : index
      %swap3A_126 = tpu.vector_load %arg6[%swap3A_125] {strides = array<i32>} : memref<1040xf32, #tpu.memory_space<vmem>>, vector<16xf32>,
      tpu.vector_store %arg6[%swap3A_125], %broadcast_in_dim3A_5 {strides = array<i32>} : memref<1040xf32, #tpu.memory_space<vmem>>, vector<16xf32>,
      %swap3A_127 = arith.constant 752 : index
      %swap3A_128 = tpu.vector_load %arg6[%swap3A_127] {strides = array<i32>} : memref<1040xf32, #tpu.memory_space<vmem>>, vector<16xf32>,
      tpu.vector_store %arg6[%swap3A_127], %broadcast_in_dim3A_5 {strides = array<i32>} : memref<1040xf32, #tpu.memory_space<vmem>>, vector<16xf32>,
      %swap3A_129 = arith.constant 768 : index
      %swap3A_130 = tpu.vector_load %arg6[%swap3A_129] {strides = array<i32>} : memref<1040xf32, #tpu.memory_space<vmem>>, vector<16xf32>,
      tpu.vector_store %arg6[%swap3A_129], %broadcast_in_dim3A_5 {strides = array<i32>} : memref<1040xf32, #tpu.memory_space<vmem>>, vector<16xf32>,
      %swap3A_131 = arith.constant 784 : index
      %swap3A_132 = tpu.vector_load %arg6[%swap3A_131] {strides = array<i32>} : memref<1040xf32, #tpu.memory_space<vmem>>, vector<16xf32>,
      tpu.vector_store %arg6[%swap3A_131], %broadcast_in_dim3A_5 {strides = array<i32>} : memref<1040xf32, #tpu.memory_space<vmem>>, vector<16xf32>,
      %swap3A_133 = arith.constant 800 : index
      %swap3A_134 = tpu.vector_load %arg6[%swap3A_133] {strides = array<i32>} : memref<1040xf32, #tpu.memory_space<vmem>>, vector<16xf32>,
      tpu.vector_store %arg6[%swap3A_133], %broadcast_in_dim3A_5 {strides = array<i32>} : memref<1040xf32, #tpu.memory_space<vmem>>, vector<16xf32>,
      %swap3A_135 = arith.constant 816 : index
      %swap3A_136 = tpu.vector_load %arg6[%swap3A_135] {strides = array<i32>} : memref<1040xf32, #tpu.memory_space<vmem>>, vector<16xf32>,
      tpu.vector_store %arg6[%swap3A_135], %broadcast_in_dim3A_5 {strides = array<i32>} : memref<1040xf32, #tpu.memory_space<vmem>>, vector<16xf32>,
      %swap3A_137 = arith.constant 832 : index
      %swap3A_138 = tpu.vector_load %arg6[%swap3A_137] {strides = array<i32>} : memref<1040xf32, #tpu.memory_space<vmem>>, vector<16xf32>,
      tpu.vector_store %arg6[%swap3A_137], %broadcast_in_dim3A_5 {strides = array<i32>} : memref<1040xf32, #tpu.memory_space<vmem>>, vector<16xf32>,
      %swap3A_139 = arith.constant 848 : index
      %swap3A_140 = tpu.vector_load %arg6[%swap3A_139] {strides = array<i32>} : memref<1040xf32, #tpu.memory_space<vmem>>, vector<16xf32>,
      tpu.vector_store %arg6[%swap3A_139], %broadcast_in_dim3A_5 {strides = array<i32>} : memref<1040xf32, #tpu.memory_space<vmem>>, vector<16xf32>,
      %swap3A_141 = arith.constant 864 : index
      %swap3A_142 = tpu.vector_load %arg6[%swap3A_141] {strides = array<i32>} : memref<1040xf32, #tpu.memory_space<vmem>>, vector<16xf32>,
      tpu.vector_store %arg6[%swap3A_141], %broadcast_in_dim3A_5 {strides = array<i32>} : memref<1040xf32, #tpu.memory_space<vmem>>, vector<16xf32>,
      %swap3A_143 = arith.constant 880 : index
      %swap3A_144 = tpu.vector_load %arg6[%swap3A_143] {strides = array<i32>} : memref<1040xf32, #tpu.memory_space<vmem>>, vector<16xf32>,
      tpu.vector_store %arg6[%swap3A_143], %broadcast_in_dim3A_5 {strides = array<i32>} : memref<1040xf32, #tpu.memory_space<vmem>>, vector<16xf32>,
      %swap3A_145 = arith.constant 896 : index
      %swap3A_146 = tpu.vector_load %arg6[%swap3A_145] {strides = array<i32>} : memref<1040xf32, #tpu.memory_space<vmem>>, vector<16xf32>,
      tpu.vector_store %arg6[%swap3A_145], %broadcast_in_dim3A_5 {strides = array<i32>} : memref<1040xf32, #tpu.memory_space<vmem>>, vector<16xf32>,
      %swap3A_147 = arith.constant 912 : index
      %swap3A_148 = tpu.vector_load %arg6[%swap3A_147] {strides = array<i32>} : memref<1040xf32, #tpu.memory_space<vmem>>, vector<16xf32>,
      tpu.vector_store %arg6[%swap3A_147], %broadcast_in_dim3A_5 {strides = array<i32>} : memref<1040xf32, #tpu.memory_space<vmem>>, vector<16xf32>,
      %swap3A_149 = arith.constant 928 : index
      %swap3A_150 = tpu.vector_load %arg6[%swap3A_149] {strides = array<i32>} : memref<1040xf32, #tpu.memory_space<vmem>>, vector<16xf32>,
      tpu.vector_store %arg6[%swap3A_149], %broadcast_in_dim3A_5 {strides = array<i32>} : memref<1040xf32, #tpu.memory_space<vmem>>, vector<16xf32>,
      %swap3A_151 = arith.constant 944 : index
      %swap3A_152 = tpu.vector_load %arg6[%swap3A_151] {strides = array<i32>} : memref<1040xf32, #tpu.memory_space<vmem>>, vector<16xf32>,
      tpu.vector_store %arg6[%swap3A_151], %broadcast_in_dim3A_5 {strides = array<i32>} : memref<1040xf32, #tpu.memory_space<vmem>>, vector<16xf32>,
      %swap3A_153 = arith.constant 960 : index
      %swap3A_154 = tpu.vector_load %arg6[%swap3A_153] {strides = array<i32>} : memref<1040xf32, #tpu.memory_space<vmem>>, vector<16xf32>,
      tpu.vector_store %arg6[%swap3A_153], %broadcast_in_dim3A_5 {strides = array<i32>} : memref<1040xf32, #tpu.memory_space<vmem>>, vector<16xf32>,
      %swap3A_155 = arith.constant 976 : index
      %swap3A_156 = tpu.vector_load %arg6[%swap3A_155] {strides = array<i32>} : memref<1040xf32, #tpu.memory_space<vmem>>, vector<16xf32>,
      tpu.vector_store %arg6[%swap3A_155], %broadcast_in_dim3A_5 {strides = array<i32>} : memref<1040xf32, #tpu.memory_space<vmem>>, vector<16xf32>,
      %swap3A_157 = arith.constant 992 : index
      %swap3A_158 = tpu.vector_load %arg6[%swap3A_157] {strides = array<i32>} : memref<1040xf32, #tpu.memory_space<vmem>>, vector<16xf32>,
      tpu.vector_store %arg6[%swap3A_157], %broadcast_in_dim3A_5 {strides = array<i32>} : memref<1040xf32, #tpu.memory_space<vmem>>, vector<16xf32>,
      %swap3A_159 = arith.constant 1008 : index
      %swap3A_160 = tpu.vector_load %arg6[%swap3A_159] {strides = array<i32>} : memref<1040xf32, #tpu.memory_space<vmem>>, vector<16xf32>,
      tpu.vector_store %arg6[%swap3A_159], %broadcast_in_dim3A_5 {strides = array<i32>} : memref<1040xf32, #tpu.memory_space<vmem>>, vector<16xf32>,
      %swap3A_161 = arith.constant 1024 : index
      %swap3A_162 = tpu.vector_load %arg6[%swap3A_161] {strides = array<i32>} : memref<1040xf32, #tpu.memory_space<vmem>>, vector<16xf32>,
      tpu.vector_store %arg6[%swap3A_161], %broadcast_in_dim3A_5 {strides = array<i32>} : memref<1040xf32, #tpu.memory_space<vmem>>, vector<16xf32>,
      %parallel_loop3A = arith.constant 0 : i32
      %parallel_loop3A_163 = arith.constant 2048 : i32
      %parallel_loop3A_164 = arith.constant 1 : i32
      scf.for %parallel_loop3A_2203 = %parallel_loop3A to %parallel_loop3A_163 step %parallel_loop3A_164  : i32 {
        %parallel_loop3A_2204 = arith.constant -128 : i32
        %parallel_loop3A_2205 = arith.andi %parallel_loop3A_2203, %parallel_loop3A_2204 : i32
        %parallel_loop3A_2206 = vector.broadcast %parallel_loop3A_2203 : i32 to vector<16xi32>
        %parallel_loop3A_2207 = arith.addi %iota3A, %parallel_loop3A_2206 : vector<16xi32>
        %parallel_loop3A_2208 = arith.constant 127 : i32
        %parallel_loop3A_2209 = vector.broadcast %parallel_loop3A_2208 : i32 to vector<16xi32>
        %parallel_loop3A_2210 = arith.andi %parallel_loop3A_2207, %parallel_loop3A_2209 : vector<16xi32>
        %parallel_loop3A_2211 = vector.broadcast %parallel_loop3A_2205 : i32 to vector<16xi32>
        %parallel_loop3A_2212 = arith.addi %parallel_loop3A_2211, %parallel_loop3A_2210 : vector<16xi32>
        %parallel_loop3A_2213 = tpu.vector_load_idx %arg4[%iota3A, %parallel_loop3A_2212] : memref<16x2048xi32, #tpu.memory_space<vmem>>[vector<16xi32>, vector<16xi32>], vector<16xi32>,
        %parallel_loop3A_2214 = arith.constant 4 : i32
        %parallel_loop3A_2215 = vector.broadcast %parallel_loop3A_2214 : i32 to vector<16xi32>
        %parallel_loop3A_2216 = arith.shli %parallel_loop3A_2213, %parallel_loop3A_2215 : vector<16xi32>
        %parallel_loop3A_2217 = arith.ori %parallel_loop3A_2216, %iota3A : vector<16xi32>
        tpu.vector_store_idx %arg6[%parallel_loop3A_2217], %broadcast_in_dim3A_3 {add = true} : memref<1040xf32, #tpu.memory_space<vmem>>[vector<16xi32>], vector<16xf32>,
      } {sc.loop_unroll_factor = 16 : i64, sc.parallel_access}
      %shift_left3A = arith.constant 4 : i32
      %shift_left3A_165 = vector.broadcast %shift_left3A : i32 to vector<16xi32>
      %shift_left3A_166 = arith.shli %iota3A, %shift_left3A_165 : vector<16xi32>
      %add3A_167 = arith.constant 16 : i32
      %add3A_168 = vector.broadcast %add3A_167 : i32 to vector<16xi32>
      %add3A_169 = arith.addi %shift_left3A_166, %add3A_168 : vector<16xi32>
      %gather3A = tpu.vector_load_idx %arg6[%add3A_169] : memref<1040xf32, #tpu.memory_space<vmem>>[vector<16xi32>], vector<16xf32>,
      %shift_left3A_170 = arith.constant 4 : i32
      %shift_left3A_171 = vector.broadcast %shift_left3A_170 : i32 to vector<16xi32>
      %shift_left3A_172 = arith.shli %iota3A, %shift_left3A_171 : vector<16xi32>
      %add3A_173 = arith.constant 272 : i32
      %add3A_174 = vector.broadcast %add3A_173 : i32 to vector<16xi32>
      %add3A_175 = arith.addi %shift_left3A_172, %add3A_174 : vector<16xi32>
      %gather3A_176 = tpu.vector_load_idx %arg6[%add3A_175] : memref<1040xf32, #tpu.memory_space<vmem>>[vector<16xi32>], vector<16xf32>,
      %shift_left3A_177 = arith.constant 4 : i32
      %shift_left3A_178 = vector.broadcast %shift_left3A_177 : i32 to vector<16xi32>
      %shift_left3A_179 = arith.shli %iota3A, %shift_left3A_178 : vector<16xi32>
      %add3A_180 = arith.constant 528 : i32
      %add3A_181 = vector.broadcast %add3A_180 : i32 to vector<16xi32>
      %add3A_182 = arith.addi %shift_left3A_179, %add3A_181 : vector<16xi32>
      %gather3A_183 = tpu.vector_load_idx %arg6[%add3A_182] : memref<1040xf32, #tpu.memory_space<vmem>>[vector<16xi32>], vector<16xf32>,
      %shift_left3A_184 = arith.constant 4 : i32
      %shift_left3A_185 = vector.broadcast %shift_left3A_184 : i32 to vector<16xi32>
      %shift_left3A_186 = arith.shli %iota3A, %shift_left3A_185 : vector<16xi32>
      %add3A_187 = arith.constant 784 : i32
      %add3A_188 = vector.broadcast %add3A_187 : i32 to vector<16xi32>
      %add3A_189 = arith.addi %shift_left3A_186, %add3A_188 : vector<16xi32>
      %gather3A_190 = tpu.vector_load_idx %arg6[%add3A_189] : memref<1040xf32, #tpu.memory_space<vmem>>[vector<16xi32>], vector<16xf32>,
      %add3A_191 = arith.addf %gather3A, %gather3A_176 : vector<16xf32>
      %add3A_192 = arith.addf %add3A_191, %gather3A_183 : vector<16xf32>
      %add3A_193 = arith.addf %add3A_192, %gather3A_190 : vector<16xf32>
      %reduce_sum3A = arith.constant true
      %reduce_sum3A_194 = vector.broadcast %reduce_sum3A : i1 to vector<16xi1>
      %reduce_sum3A_195 = tpu.scan <sum>, %add3A_193 masked %reduce_sum3A_194 : vector<16xf32>, vector<16xi1> -> vector<16xf32>
      %reduce_sum3A_196 = vector.extract %reduce_sum3A_195[15] : f32 from vector<16xf32>
      %div3A = vector.broadcast %reduce_sum3A_196 : f32 to vector<16xf32>
      %div3A_197 = arith.divf %gather3A, %div3A : vector<16xf32>
      %swap3A_198 = arith.constant 0 : i32
      %swap3A_199 = arith.index_cast %swap3A_198 : i32 to index
      %swap3A_200 = arith.constant 0 : index
      %swap3A_201 = tpu.vector_load %arg7[%swap3A_199, %swap3A_200] {strides = array<i32>} : memref<16x64xf32, #tpu.memory_space<vmem>>, vector<16xf32>,
      tpu.vector_store %arg7[%swap3A_199, %swap3A_200], %div3A_197 {strides = array<i32>} : memref<16x64xf32, #tpu.memory_space<vmem>>, vector<16xf32>,
      %div3A_202 = vector.broadcast %reduce_sum3A_196 : f32 to vector<16xf32>
      %div3A_203 = arith.divf %gather3A_176, %div3A_202 : vector<16xf32>
      %swap3A_204 = arith.constant 0 : i32
      %swap3A_205 = arith.index_cast %swap3A_204 : i32 to index
      %swap3A_206 = arith.constant 16 : index
      %swap3A_207 = tpu.vector_load %arg7[%swap3A_205, %swap3A_206] {strides = array<i32>} : memref<16x64xf32, #tpu.memory_space<vmem>>, vector<16xf32>,
      tpu.vector_store %arg7[%swap3A_205, %swap3A_206], %div3A_203 {strides = array<i32>} : memref<16x64xf32, #tpu.memory_space<vmem>>, vector<16xf32>,
      %div3A_208 = vector.broadcast %reduce_sum3A_196 : f32 to vector<16xf32>
      %div3A_209 = arith.divf %gather3A_183, %div3A_208 : vector<16xf32>
      %swap3A_210 = arith.constant 0 : i32
      %swap3A_211 = arith.index_cast %swap3A_210 : i32 to index
      %swap3A_212 = arith.constant 32 : index
      %swap3A_213 = tpu.vector_load %arg7[%swap3A_211, %swap3A_212] {strides = array<i32>} : memref<16x64xf32, #tpu.memory_space<vmem>>, vector<16xf32>,
      tpu.vector_store %arg7[%swap3A_211, %swap3A_212], %div3A_209 {strides = array<i32>} : memref<16x64xf32, #tpu.memory_space<vmem>>, vector<16xf32>,
      %div3A_214 = vector.broadcast %reduce_sum3A_196 : f32 to vector<16xf32>
      %div3A_215 = arith.divf %gather3A_190, %div3A_214 : vector<16xf32>
      %swap3A_216 = arith.constant 0 : i32
      %swap3A_217 = arith.index_cast %swap3A_216 : i32 to index
      %swap3A_218 = arith.constant 48 : index
      %swap3A_219 = tpu.vector_load %arg7[%swap3A_217, %swap3A_218] {strides = array<i32>} : memref<16x64xf32, #tpu.memory_space<vmem>>, vector<16xf32>,
      tpu.vector_store %arg7[%swap3A_217, %swap3A_218], %div3A_215 {strides = array<i32>} : memref<16x64xf32, #tpu.memory_space<vmem>>, vector<16xf32>,
      %shift_left3A_220 = arith.constant 4 : i32
      %shift_left3A_221 = vector.broadcast %shift_left3A_220 : i32 to vector<16xi32>
      %shift_left3A_222 = arith.shli %iota3A, %shift_left3A_221 : vector<16xi32>
      %add3A_223 = arith.constant 17 : i32
      %add3A_224 = vector.broadcast %add3A_223 : i32 to vector<16xi32>
      %add3A_225 = arith.addi %shift_left3A_222, %add3A_224 : vector<16xi32>
      %gather3A_226 = tpu.vector_load_idx %arg6[%add3A_225] : memref<1040xf32, #tpu.memory_space<vmem>>[vector<16xi32>], vector<16xf32>,
      %shift_left3A_227 = arith.constant 4 : i32
      %shift_left3A_228 = vector.broadcast %shift_left3A_227 : i32 to vector<16xi32>
      %shift_left3A_229 = arith.shli %iota3A, %shift_left3A_228 : vector<16xi32>
      %add3A_230 = arith.constant 273 : i32
      %add3A_231 = vector.broadcast %add3A_230 : i32 to vector<16xi32>
      %add3A_232 = arith.addi %shift_left3A_229, %add3A_231 : vector<16xi32>
      %gather3A_233 = tpu.vector_load_idx %arg6[%add3A_232] : memref<1040xf32, #tpu.memory_space<vmem>>[vector<16xi32>], vector<16xf32>,
      %shift_left3A_234 = arith.constant 4 : i32
      %shift_left3A_235 = vector.broadcast %shift_left3A_234 : i32 to vector<16xi32>
      %shift_left3A_236 = arith.shli %iota3A, %shift_left3A_235 : vector<16xi32>
      %add3A_237 = arith.constant 529 : i32
      %add3A_238 = vector.broadcast %add3A_237 : i32 to vector<16xi32>
      %add3A_239 = arith.addi %shift_left3A_236, %add3A_238 : vector<16xi32>
      %gather3A_240 = tpu.vector_load_idx %arg6[%add3A_239] : memref<1040xf32, #tpu.memory_space<vmem>>[vector<16xi32>], vector<16xf32>,
      %shift_left3A_241 = arith.constant 4 : i32
      %shift_left3A_242 = vector.broadcast %shift_left3A_241 : i32 to vector<16xi32>
      %shift_left3A_243 = arith.shli %iota3A, %shift_left3A_242 : vector<16xi32>
      %add3A_244 = arith.constant 785 : i32
      %add3A_245 = vector.broadcast %add3A_244 : i32 to vector<16xi32>
      %add3A_246 = arith.addi %shift_left3A_243, %add3A_245 : vector<16xi32>
      %gather3A_247 = tpu.vector_load_idx %arg6[%add3A_246] : memref<1040xf32, #tpu.memory_space<vmem>>[vector<16xi32>], vector<16xf32>,
      %add3A_248 = arith.addf %gather3A_226, %gather3A_233 : vector<16xf32>
      %add3A_249 = arith.addf %add3A_248, %gather3A_240 : vector<16xf32>
      %add3A_250 = arith.addf %add3A_249, %gather3A_247 : vector<16xf32>
      %reduce_sum3A_251 = arith.constant true
      %reduce_sum3A_252 = vector.broadcast %reduce_sum3A_251 : i1 to vector<16xi1>
      %reduce_sum3A_253 = tpu.scan <sum>, %add3A_250 masked %reduce_sum3A_252 : vector<16xf32>, vector<16xi1> -> vector<16xf32>
      %reduce_sum3A_254 = vector.extract %reduce_sum3A_253[15] : f32 from vector<16xf32>
      %div3A_255 = vector.broadcast %reduce_sum3A_254 : f32 to vector<16xf32>
      %div3A_256 = arith.divf %gather3A_226, %div3A_255 : vector<16xf32>
      %swap3A_257 = arith.constant 1 : i32
      %swap3A_258 = arith.index_cast %swap3A_257 : i32 to index
      %swap3A_259 = arith.constant 0 : index
      %swap3A_260 = tpu.vector_load %arg7[%swap3A_258, %swap3A_259] {strides = array<i32>} : memref<16x64xf32, #tpu.memory_space<vmem>>, vector<16xf32>,
      tpu.vector_store %arg7[%swap3A_258, %swap3A_259], %div3A_256 {strides = array<i32>} : memref<16x64xf32, #tpu.memory_space<vmem>>, vector<16xf32>,
      %div3A_261 = vector.broadcast %reduce_sum3A_254 : f32 to vector<16xf32>
      %div3A_262 = arith.divf %gather3A_233, %div3A_261 : vector<16xf32>
      %swap3A_263 = arith.constant 1 : i32
      %swap3A_264 = arith.index_cast %swap3A_263 : i32 to index
      %swap3A_265 = arith.constant 16 : index
      %swap3A_266 = tpu.vector_load %arg7[%swap3A_264, %swap3A_265] {strides = array<i32>} : memref<16x64xf32, #tpu.memory_space<vmem>>, vector<16xf32>,
      tpu.vector_store %arg7[%swap3A_264, %swap3A_265], %div3A_262 {strides = array<i32>} : memref<16x64xf32, #tpu.memory_space<vmem>>, vector<16xf32>,
      %div3A_267 = vector.broadcast %reduce_sum3A_254 : f32 to vector<16xf32>
      %div3A_268 = arith.divf %gather3A_240, %div3A_267 : vector<16xf32>
      %swap3A_269 = arith.constant 1 : i32
      %swap3A_270 = arith.index_cast %swap3A_269 : i32 to index
      %swap3A_271 = arith.constant 32 : index
      %swap3A_272 = tpu.vector_load %arg7[%swap3A_270, %swap3A_271] {strides = array<i32>} : memref<16x64xf32, #tpu.memory_space<vmem>>, vector<16xf32>,
      tpu.vector_store %arg7[%swap3A_270, %swap3A_271], %div3A_268 {strides = array<i32>} : memref<16x64xf32, #tpu.memory_space<vmem>>, vector<16xf32>,
      %div3A_273 = vector.broadcast %reduce_sum3A_254 : f32 to vector<16xf32>
      %div3A_274 = arith.divf %gather3A_247, %div3A_273 : vector<16xf32>
      %swap3A_275 = arith.constant 1 : i32
      %swap3A_276 = arith.index_cast %swap3A_275 : i32 to index
      %swap3A_277 = arith.constant 48 : index
      %swap3A_278 = tpu.vector_load %arg7[%swap3A_276, %swap3A_277] {strides = array<i32>} : memref<16x64xf32, #tpu.memory_space<vmem>>, vector<16xf32>,
      tpu.vector_store %arg7[%swap3A_276, %swap3A_277], %div3A_274 {strides = array<i32>} : memref<16x64xf32, #tpu.memory_space<vmem>>, vector<16xf32>,
      %shift_left3A_279 = arith.constant 4 : i32
      %shift_left3A_280 = vector.broadcast %shift_left3A_279 : i32 to vector<16xi32>
      %shift_left3A_281 = arith.shli %iota3A, %shift_left3A_280 : vector<16xi32>
      %add3A_282 = arith.constant 18 : i32
      %add3A_283 = vector.broadcast %add3A_282 : i32 to vector<16xi32>
      %add3A_284 = arith.addi %shift_left3A_281, %add3A_283 : vector<16xi32>
      %gather3A_285 = tpu.vector_load_idx %arg6[%add3A_284] : memref<1040xf32, #tpu.memory_space<vmem>>[vector<16xi32>], vector<16xf32>,
      %shift_left3A_286 = arith.constant 4 : i32
      %shift_left3A_287 = vector.broadcast %shift_left3A_286 : i32 to vector<16xi32>
      %shift_left3A_288 = arith.shli %iota3A, %shift_left3A_287 : vector<16xi32>
      %add3A_289 = arith.constant 274 : i32
      %add3A_290 = vector.broadcast %add3A_289 : i32 to vector<16xi32>
      %add3A_291 = arith.addi %shift_left3A_288, %add3A_290 : vector<16xi32>
      %gather3A_292 = tpu.vector_load_idx %arg6[%add3A_291] : memref<1040xf32, #tpu.memory_space<vmem>>[vector<16xi32>], vector<16xf32>,
      %shift_left3A_293 = arith.constant 4 : i32
      %shift_left3A_294 = vector.broadcast %shift_left3A_293 : i32 to vector<16xi32>
      %shift_left3A_295 = arith.shli %iota3A, %shift_left3A_294 : vector<16xi32>
      %add3A_296 = arith.constant 530 : i32
      %add3A_297 = vector.broadcast %add3A_296 : i32 to vector<16xi32>
      %add3A_298 = arith.addi %shift_left3A_295, %add3A_297 : vector<16xi32>
      %gather3A_299 = tpu.vector_load_idx %arg6[%add3A_298] : memref<1040xf32, #tpu.memory_space<vmem>>[vector<16xi32>], vector<16xf32>,
      %shift_left3A_300 = arith.constant 4 : i32
      %shift_left3A_301 = vector.broadcast %shift_left3A_300 : i32 to vector<16xi32>
      %shift_left3A_302 = arith.shli %iota3A, %shift_left3A_301 : vector<16xi32>
      %add3A_303 = arith.constant 786 : i32
      %add3A_304 = vector.broadcast %add3A_303 : i32 to vector<16xi32>
      %add3A_305 = arith.addi %shift_left3A_302, %add3A_304 : vector<16xi32>
      %gather3A_306 = tpu.vector_load_idx %arg6[%add3A_305] : memref<1040xf32, #tpu.memory_space<vmem>>[vector<16xi32>], vector<16xf32>,
      %add3A_307 = arith.addf %gather3A_285, %gather3A_292 : vector<16xf32>
      %add3A_308 = arith.addf %add3A_307, %gather3A_299 : vector<16xf32>
      %add3A_309 = arith.addf %add3A_308, %gather3A_306 : vector<16xf32>
      %reduce_sum3A_310 = arith.constant true
      %reduce_sum3A_311 = vector.broadcast %reduce_sum3A_310 : i1 to vector<16xi1>
      %reduce_sum3A_312 = tpu.scan <sum>, %add3A_309 masked %reduce_sum3A_311 : vector<16xf32>, vector<16xi1> -> vector<16xf32>
      %reduce_sum3A_313 = vector.extract %reduce_sum3A_312[15] : f32 from vector<16xf32>
      %div3A_314 = vector.broadcast %reduce_sum3A_313 : f32 to vector<16xf32>
      %div3A_315 = arith.divf %gather3A_285, %div3A_314 : vector<16xf32>
      %swap3A_316 = arith.constant 2 : i32
      %swap3A_317 = arith.index_cast %swap3A_316 : i32 to index
      %swap3A_318 = arith.constant 0 : index
      %swap3A_319 = tpu.vector_load %arg7[%swap3A_317, %swap3A_318] {strides = array<i32>} : memref<16x64xf32, #tpu.memory_space<vmem>>, vector<16xf32>,
      tpu.vector_store %arg7[%swap3A_317, %swap3A_318], %div3A_315 {strides = array<i32>} : memref<16x64xf32, #tpu.memory_space<vmem>>, vector<16xf32>,
      %div3A_320 = vector.broadcast %reduce_sum3A_313 : f32 to vector<16xf32>
      %div3A_321 = arith.divf %gather3A_292, %div3A_320 : vector<16xf32>
      %swap3A_322 = arith.constant 2 : i32
      %swap3A_323 = arith.index_cast %swap3A_322 : i32 to index
      %swap3A_324 = arith.constant 16 : index
      %swap3A_325 = tpu.vector_load %arg7[%swap3A_323, %swap3A_324] {strides = array<i32>} : memref<16x64xf32, #tpu.memory_space<vmem>>, vector<16xf32>,
      tpu.vector_store %arg7[%swap3A_323, %swap3A_324], %div3A_321 {strides = array<i32>} : memref<16x64xf32, #tpu.memory_space<vmem>>, vector<16xf32>,
      %div3A_326 = vector.broadcast %reduce_sum3A_313 : f32 to vector<16xf32>
      %div3A_327 = arith.divf %gather3A_299, %div3A_326 : vector<16xf32>
      %swap3A_328 = arith.constant 2 : i32
      %swap3A_329 = arith.index_cast %swap3A_328 : i32 to index
      %swap3A_330 = arith.constant 32 : index
      %swap3A_331 = tpu.vector_load %arg7[%swap3A_329, %swap3A_330] {strides = array<i32>} : memref<16x64xf32, #tpu.memory_space<vmem>>, vector<16xf32>,
      tpu.vector_store %arg7[%swap3A_329, %swap3A_330], %div3A_327 {strides = array<i32>} : memref<16x64xf32, #tpu.memory_space<vmem>>, vector<16xf32>,
      %div3A_332 = vector.broadcast %reduce_sum3A_313 : f32 to vector<16xf32>
      %div3A_333 = arith.divf %gather3A_306, %div3A_332 : vector<16xf32>
      %swap3A_334 = arith.constant 2 : i32
      %swap3A_335 = arith.index_cast %swap3A_334 : i32 to index
      %swap3A_336 = arith.constant 48 : index
      %swap3A_337 = tpu.vector_load %arg7[%swap3A_335, %swap3A_336] {strides = array<i32>} : memref<16x64xf32, #tpu.memory_space<vmem>>, vector<16xf32>,
      tpu.vector_store %arg7[%swap3A_335, %swap3A_336], %div3A_333 {strides = array<i32>} : memref<16x64xf32, #tpu.memory_space<vmem>>, vector<16xf32>,
      %shift_left3A_338 = arith.constant 4 : i32
      %shift_left3A_339 = vector.broadcast %shift_left3A_338 : i32 to vector<16xi32>
      %shift_left3A_340 = arith.shli %iota3A, %shift_left3A_339 : vector<16xi32>
      %add3A_341 = arith.constant 19 : i32
      %add3A_342 = vector.broadcast %add3A_341 : i32 to vector<16xi32>
      %add3A_343 = arith.addi %shift_left3A_340, %add3A_342 : vector<16xi32>
      %gather3A_344 = tpu.vector_load_idx %arg6[%add3A_343] : memref<1040xf32, #tpu.memory_space<vmem>>[vector<16xi32>], vector<16xf32>,
      %shift_left3A_345 = arith.constant 4 : i32
      %shift_left3A_346 = vector.broadcast %shift_left3A_345 : i32 to vector<16xi32>
      %shift_left3A_347 = arith.shli %iota3A, %shift_left3A_346 : vector<16xi32>
      %add3A_348 = arith.constant 275 : i32
      %add3A_349 = vector.broadcast %add3A_348 : i32 to vector<16xi32>
      %add3A_350 = arith.addi %shift_left3A_347, %add3A_349 : vector<16xi32>
      %gather3A_351 = tpu.vector_load_idx %arg6[%add3A_350] : memref<1040xf32, #tpu.memory_space<vmem>>[vector<16xi32>], vector<16xf32>,
      %shift_left3A_352 = arith.constant 4 : i32
      %shift_left3A_353 = vector.broadcast %shift_left3A_352 : i32 to vector<16xi32>
      %shift_left3A_354 = arith.shli %iota3A, %shift_left3A_353 : vector<16xi32>
      %add3A_355 = arith.constant 531 : i32
      %add3A_356 = vector.broadcast %add3A_355 : i32 to vector<16xi32>
      %add3A_357 = arith.addi %shift_left3A_354, %add3A_356 : vector<16xi32>
      %gather3A_358 = tpu.vector_load_idx %arg6[%add3A_357] : memref<1040xf32, #tpu.memory_space<vmem>>[vector<16xi32>], vector<16xf32>,
      %shift_left3A_359 = arith.constant 4 : i32
      %shift_left3A_360 = vector.broadcast %shift_left3A_359 : i32 to vector<16xi32>
      %shift_left3A_361 = arith.shli %iota3A, %shift_left3A_360 : vector<16xi32>
      %add3A_362 = arith.constant 787 : i32
      %add3A_363 = vector.broadcast %add3A_362 : i32 to vector<16xi32>
      %add3A_364 = arith.addi %shift_left3A_361, %add3A_363 : vector<16xi32>
      %gather3A_365 = tpu.vector_load_idx %arg6[%add3A_364] : memref<1040xf32, #tpu.memory_space<vmem>>[vector<16xi32>], vector<16xf32>,
      %add3A_366 = arith.addf %gather3A_344, %gather3A_351 : vector<16xf32>
      %add3A_367 = arith.addf %add3A_366, %gather3A_358 : vector<16xf32>
      %add3A_368 = arith.addf %add3A_367, %gather3A_365 : vector<16xf32>
      %reduce_sum3A_369 = arith.constant true
      %reduce_sum3A_370 = vector.broadcast %reduce_sum3A_369 : i1 to vector<16xi1>
      %reduce_sum3A_371 = tpu.scan <sum>, %add3A_368 masked %reduce_sum3A_370 : vector<16xf32>, vector<16xi1> -> vector<16xf32>
      %reduce_sum3A_372 = vector.extract %reduce_sum3A_371[15] : f32 from vector<16xf32>
      %div3A_373 = vector.broadcast %reduce_sum3A_372 : f32 to vector<16xf32>
      %div3A_374 = arith.divf %gather3A_344, %div3A_373 : vector<16xf32>
      %swap3A_375 = arith.constant 3 : i32
      %swap3A_376 = arith.index_cast %swap3A_375 : i32 to index
      %swap3A_377 = arith.constant 0 : index
      %swap3A_378 = tpu.vector_load %arg7[%swap3A_376, %swap3A_377] {strides = array<i32>} : memref<16x64xf32, #tpu.memory_space<vmem>>, vector<16xf32>,
      tpu.vector_store %arg7[%swap3A_376, %swap3A_377], %div3A_374 {strides = array<i32>} : memref<16x64xf32, #tpu.memory_space<vmem>>, vector<16xf32>,
      %div3A_379 = vector.broadcast %reduce_sum3A_372 : f32 to vector<16xf32>
      %div3A_380 = arith.divf %gather3A_351, %div3A_379 : vector<16xf32>
      %swap3A_381 = arith.constant 3 : i32
      %swap3A_382 = arith.index_cast %swap3A_381 : i32 to index
      %swap3A_383 = arith.constant 16 : index
      %swap3A_384 = tpu.vector_load %arg7[%swap3A_382, %swap3A_383] {strides = array<i32>} : memref<16x64xf32, #tpu.memory_space<vmem>>, vector<16xf32>,
      tpu.vector_store %arg7[%swap3A_382, %swap3A_383], %div3A_380 {strides = array<i32>} : memref<16x64xf32, #tpu.memory_space<vmem>>, vector<16xf32>,
      %div3A_385 = vector.broadcast %reduce_sum3A_372 : f32 to vector<16xf32>
      %div3A_386 = arith.divf %gather3A_358, %div3A_385 : vector<16xf32>
      %swap3A_387 = arith.constant 3 : i32
      %swap3A_388 = arith.index_cast %swap3A_387 : i32 to index
      %swap3A_389 = arith.constant 32 : index
      %swap3A_390 = tpu.vector_load %arg7[%swap3A_388, %swap3A_389] {strides = array<i32>} : memref<16x64xf32, #tpu.memory_space<vmem>>, vector<16xf32>,
      tpu.vector_store %arg7[%swap3A_388, %swap3A_389], %div3A_386 {strides = array<i32>} : memref<16x64xf32, #tpu.memory_space<vmem>>, vector<16xf32>,
      %div3A_391 = vector.broadcast %reduce_sum3A_372 : f32 to vector<16xf32>
      %div3A_392 = arith.divf %gather3A_365, %div3A_391 : vector<16xf32>
      %swap3A_393 = arith.constant 3 : i32
      %swap3A_394 = arith.index_cast %swap3A_393 : i32 to index
      %swap3A_395 = arith.constant 48 : index
      %swap3A_396 = tpu.vector_load %arg7[%swap3A_394, %swap3A_395] {strides = array<i32>} : memref<16x64xf32, #tpu.memory_space<vmem>>, vector<16xf32>,
      tpu.vector_store %arg7[%swap3A_394, %swap3A_395], %div3A_392 {strides = array<i32>} : memref<16x64xf32, #tpu.memory_space<vmem>>, vector<16xf32>,
      %shift_left3A_397 = arith.constant 4 : i32
      %shift_left3A_398 = vector.broadcast %shift_left3A_397 : i32 to vector<16xi32>
      %shift_left3A_399 = arith.shli %iota3A, %shift_left3A_398 : vector<16xi32>
      %add3A_400 = arith.constant 20 : i32
      %add3A_401 = vector.broadcast %add3A_400 : i32 to vector<16xi32>
      %add3A_402 = arith.addi %shift_left3A_399, %add3A_401 : vector<16xi32>
      %gather3A_403 = tpu.vector_load_idx %arg6[%add3A_402] : memref<1040xf32, #tpu.memory_space<vmem>>[vector<16xi32>], vector<16xf32>,
      %shift_left3A_404 = arith.constant 4 : i32
      %shift_left3A_405 = vector.broadcast %shift_left3A_404 : i32 to vector<16xi32>
      %shift_left3A_406 = arith.shli %iota3A, %shift_left3A_405 : vector<16xi32>
      %add3A_407 = arith.constant 276 : i32
      %add3A_408 = vector.broadcast %add3A_407 : i32 to vector<16xi32>
      %add3A_409 = arith.addi %shift_left3A_406, %add3A_408 : vector<16xi32>
      %gather3A_410 = tpu.vector_load_idx %arg6[%add3A_409] : memref<1040xf32, #tpu.memory_space<vmem>>[vector<16xi32>], vector<16xf32>,
      %shift_left3A_411 = arith.constant 4 : i32
      %shift_left3A_412 = vector.broadcast %shift_left3A_411 : i32 to vector<16xi32>
      %shift_left3A_413 = arith.shli %iota3A, %shift_left3A_412 : vector<16xi32>
      %add3A_414 = arith.constant 532 : i32
      %add3A_415 = vector.broadcast %add3A_414 : i32 to vector<16xi32>
      %add3A_416 = arith.addi %shift_left3A_413, %add3A_415 : vector<16xi32>
      %gather3A_417 = tpu.vector_load_idx %arg6[%add3A_416] : memref<1040xf32, #tpu.memory_space<vmem>>[vector<16xi32>], vector<16xf32>,
      %shift_left3A_418 = arith.constant 4 : i32
      %shift_left3A_419 = vector.broadcast %shift_left3A_418 : i32 to vector<16xi32>
      %shift_left3A_420 = arith.shli %iota3A, %shift_left3A_419 : vector<16xi32>
      %add3A_421 = arith.constant 788 : i32
      %add3A_422 = vector.broadcast %add3A_421 : i32 to vector<16xi32>
      %add3A_423 = arith.addi %shift_left3A_420, %add3A_422 : vector<16xi32>
      %gather3A_424 = tpu.vector_load_idx %arg6[%add3A_423] : memref<1040xf32, #tpu.memory_space<vmem>>[vector<16xi32>], vector<16xf32>,
      %add3A_425 = arith.addf %gather3A_403, %gather3A_410 : vector<16xf32>
      %add3A_426 = arith.addf %add3A_425, %gather3A_417 : vector<16xf32>
      %add3A_427 = arith.addf %add3A_426, %gather3A_424 : vector<16xf32>
      %reduce_sum3A_428 = arith.constant true
      %reduce_sum3A_429 = vector.broadcast %reduce_sum3A_428 : i1 to vector<16xi1>
      %reduce_sum3A_430 = tpu.scan <sum>, %add3A_427 masked %reduce_sum3A_429 : vector<16xf32>, vector<16xi1> -> vector<16xf32>
      %reduce_sum3A_431 = vector.extract %reduce_sum3A_430[15] : f32 from vector<16xf32>
      %div3A_432 = vector.broadcast %reduce_sum3A_431 : f32 to vector<16xf32>
      %div3A_433 = arith.divf %gather3A_403, %div3A_432 : vector<16xf32>
      %swap3A_434 = arith.constant 4 : i32
      %swap3A_435 = arith.index_cast %swap3A_434 : i32 to index
      %swap3A_436 = arith.constant 0 : index
      %swap3A_437 = tpu.vector_load %arg7[%swap3A_435, %swap3A_436] {strides = array<i32>} : memref<16x64xf32, #tpu.memory_space<vmem>>, vector<16xf32>,
      tpu.vector_store %arg7[%swap3A_435, %swap3A_436], %div3A_433 {strides = array<i32>} : memref<16x64xf32, #tpu.memory_space<vmem>>, vector<16xf32>,
      %div3A_438 = vector.broadcast %reduce_sum3A_431 : f32 to vector<16xf32>
      %div3A_439 = arith.divf %gather3A_410, %div3A_438 : vector<16xf32>
      %swap3A_440 = arith.constant 4 : i32
      %swap3A_441 = arith.index_cast %swap3A_440 : i32 to index
      %swap3A_442 = arith.constant 16 : index
      %swap3A_443 = tpu.vector_load %arg7[%swap3A_441, %swap3A_442] {strides = array<i32>} : memref<16x64xf32, #tpu.memory_space<vmem>>, vector<16xf32>,
      tpu.vector_store %arg7[%swap3A_441, %swap3A_442], %div3A_439 {strides = array<i32>} : memref<16x64xf32, #tpu.memory_space<vmem>>, vector<16xf32>,
      %div3A_444 = vector.broadcast %reduce_sum3A_431 : f32 to vector<16xf32>
      %div3A_445 = arith.divf %gather3A_417, %div3A_444 : vector<16xf32>
      %swap3A_446 = arith.constant 4 : i32
      %swap3A_447 = arith.index_cast %swap3A_446 : i32 to index
      %swap3A_448 = arith.constant 32 : index
      %swap3A_449 = tpu.vector_load %arg7[%swap3A_447, %swap3A_448] {strides = array<i32>} : memref<16x64xf32, #tpu.memory_space<vmem>>, vector<16xf32>,
      tpu.vector_store %arg7[%swap3A_447, %swap3A_448], %div3A_445 {strides = array<i32>} : memref<16x64xf32, #tpu.memory_space<vmem>>, vector<16xf32>,
      %div3A_450 = vector.broadcast %reduce_sum3A_431 : f32 to vector<16xf32>
      %div3A_451 = arith.divf %gather3A_424, %div3A_450 : vector<16xf32>
      %swap3A_452 = arith.constant 4 : i32
      %swap3A_453 = arith.index_cast %swap3A_452 : i32 to index
      %swap3A_454 = arith.constant 48 : index
      %swap3A_455 = tpu.vector_load %arg7[%swap3A_453, %swap3A_454] {strides = array<i32>} : memref<16x64xf32, #tpu.memory_space<vmem>>, vector<16xf32>,
      tpu.vector_store %arg7[%swap3A_453, %swap3A_454], %div3A_451 {strides = array<i32>} : memref<16x64xf32, #tpu.memory_space<vmem>>, vector<16xf32>,
      %shift_left3A_456 = arith.constant 4 : i32
      %shift_left3A_457 = vector.broadcast %shift_left3A_456 : i32 to vector<16xi32>
      %shift_left3A_458 = arith.shli %iota3A, %shift_left3A_457 : vector<16xi32>
      %add3A_459 = arith.constant 21 : i32
      %add3A_460 = vector.broadcast %add3A_459 : i32 to vector<16xi32>
      %add3A_461 = arith.addi %shift_left3A_458, %add3A_460 : vector<16xi32>
      %gather3A_462 = tpu.vector_load_idx %arg6[%add3A_461] : memref<1040xf32, #tpu.memory_space<vmem>>[vector<16xi32>], vector<16xf32>,
      %shift_left3A_463 = arith.constant 4 : i32
      %shift_left3A_464 = vector.broadcast %shift_left3A_463 : i32 to vector<16xi32>
      %shift_left3A_465 = arith.shli %iota3A, %shift_left3A_464 : vector<16xi32>
      %add3A_466 = arith.constant 277 : i32
      %add3A_467 = vector.broadcast %add3A_466 : i32 to vector<16xi32>
      %add3A_468 = arith.addi %shift_left3A_465, %add3A_467 : vector<16xi32>
      %gather3A_469 = tpu.vector_load_idx %arg6[%add3A_468] : memref<1040xf32, #tpu.memory_space<vmem>>[vector<16xi32>], vector<16xf32>,
      %shift_left3A_470 = arith.constant 4 : i32
      %shift_left3A_471 = vector.broadcast %shift_left3A_470 : i32 to vector<16xi32>
      %shift_left3A_472 = arith.shli %iota3A, %shift_left3A_471 : vector<16xi32>
      %add3A_473 = arith.constant 533 : i32
      %add3A_474 = vector.broadcast %add3A_473 : i32 to vector<16xi32>
      %add3A_475 = arith.addi %shift_left3A_472, %add3A_474 : vector<16xi32>
      %gather3A_476 = tpu.vector_load_idx %arg6[%add3A_475] : memref<1040xf32, #tpu.memory_space<vmem>>[vector<16xi32>], vector<16xf32>,
      %shift_left3A_477 = arith.constant 4 : i32
      %shift_left3A_478 = vector.broadcast %shift_left3A_477 : i32 to vector<16xi32>
      %shift_left3A_479 = arith.shli %iota3A, %shift_left3A_478 : vector<16xi32>
      %add3A_480 = arith.constant 789 : i32
      %add3A_481 = vector.broadcast %add3A_480 : i32 to vector<16xi32>
      %add3A_482 = arith.addi %shift_left3A_479, %add3A_481 : vector<16xi32>
      %gather3A_483 = tpu.vector_load_idx %arg6[%add3A_482] : memref<1040xf32, #tpu.memory_space<vmem>>[vector<16xi32>], vector<16xf32>,
      %add3A_484 = arith.addf %gather3A_462, %gather3A_469 : vector<16xf32>
      %add3A_485 = arith.addf %add3A_484, %gather3A_476 : vector<16xf32>
      %add3A_486 = arith.addf %add3A_485, %gather3A_483 : vector<16xf32>
      %reduce_sum3A_487 = arith.constant true
      %reduce_sum3A_488 = vector.broadcast %reduce_sum3A_487 : i1 to vector<16xi1>
      %reduce_sum3A_489 = tpu.scan <sum>, %add3A_486 masked %reduce_sum3A_488 : vector<16xf32>, vector<16xi1> -> vector<16xf32>
      %reduce_sum3A_490 = vector.extract %reduce_sum3A_489[15] : f32 from vector<16xf32>
      %div3A_491 = vector.broadcast %reduce_sum3A_490 : f32 to vector<16xf32>
      %div3A_492 = arith.divf %gather3A_462, %div3A_491 : vector<16xf32>
      %swap3A_493 = arith.constant 5 : i32
      %swap3A_494 = arith.index_cast %swap3A_493 : i32 to index
      %swap3A_495 = arith.constant 0 : index
      %swap3A_496 = tpu.vector_load %arg7[%swap3A_494, %swap3A_495] {strides = array<i32>} : memref<16x64xf32, #tpu.memory_space<vmem>>, vector<16xf32>,
      tpu.vector_store %arg7[%swap3A_494, %swap3A_495], %div3A_492 {strides = array<i32>} : memref<16x64xf32, #tpu.memory_space<vmem>>, vector<16xf32>,
      %div3A_497 = vector.broadcast %reduce_sum3A_490 : f32 to vector<16xf32>
      %div3A_498 = arith.divf %gather3A_469, %div3A_497 : vector<16xf32>
      %swap3A_499 = arith.constant 5 : i32
      %swap3A_500 = arith.index_cast %swap3A_499 : i32 to index
      %swap3A_501 = arith.constant 16 : index
      %swap3A_502 = tpu.vector_load %arg7[%swap3A_500, %swap3A_501] {strides = array<i32>} : memref<16x64xf32, #tpu.memory_space<vmem>>, vector<16xf32>,
      tpu.vector_store %arg7[%swap3A_500, %swap3A_501], %div3A_498 {strides = array<i32>} : memref<16x64xf32, #tpu.memory_space<vmem>>, vector<16xf32>,
      %div3A_503 = vector.broadcast %reduce_sum3A_490 : f32 to vector<16xf32>
      %div3A_504 = arith.divf %gather3A_476, %div3A_503 : vector<16xf32>
      %swap3A_505 = arith.constant 5 : i32
      %swap3A_506 = arith.index_cast %swap3A_505 : i32 to index
      %swap3A_507 = arith.constant 32 : index
      %swap3A_508 = tpu.vector_load %arg7[%swap3A_506, %swap3A_507] {strides = array<i32>} : memref<16x64xf32, #tpu.memory_space<vmem>>, vector<16xf32>,
      tpu.vector_store %arg7[%swap3A_506, %swap3A_507], %div3A_504 {strides = array<i32>} : memref<16x64xf32, #tpu.memory_space<vmem>>, vector<16xf32>,
      %div3A_509 = vector.broadcast %reduce_sum3A_490 : f32 to vector<16xf32>
      %div3A_510 = arith.divf %gather3A_483, %div3A_509 : vector<16xf32>
      %swap3A_511 = arith.constant 5 : i32
      %swap3A_512 = arith.index_cast %swap3A_511 : i32 to index
      %swap3A_513 = arith.constant 48 : index
      %swap3A_514 = tpu.vector_load %arg7[%swap3A_512, %swap3A_513] {strides = array<i32>} : memref<16x64xf32, #tpu.memory_space<vmem>>, vector<16xf32>,
      tpu.vector_store %arg7[%swap3A_512, %swap3A_513], %div3A_510 {strides = array<i32>} : memref<16x64xf32, #tpu.memory_space<vmem>>, vector<16xf32>,
      %shift_left3A_515 = arith.constant 4 : i32
      %shift_left3A_516 = vector.broadcast %shift_left3A_515 : i32 to vector<16xi32>
      %shift_left3A_517 = arith.shli %iota3A, %shift_left3A_516 : vector<16xi32>
      %add3A_518 = arith.constant 22 : i32
      %add3A_519 = vector.broadcast %add3A_518 : i32 to vector<16xi32>
      %add3A_520 = arith.addi %shift_left3A_517, %add3A_519 : vector<16xi32>
      %gather3A_521 = tpu.vector_load_idx %arg6[%add3A_520] : memref<1040xf32, #tpu.memory_space<vmem>>[vector<16xi32>], vector<16xf32>,
      %shift_left3A_522 = arith.constant 4 : i32
      %shift_left3A_523 = vector.broadcast %shift_left3A_522 : i32 to vector<16xi32>
      %shift_left3A_524 = arith.shli %iota3A, %shift_left3A_523 : vector<16xi32>
      %add3A_525 = arith.constant 278 : i32
      %add3A_526 = vector.broadcast %add3A_525 : i32 to vector<16xi32>
      %add3A_527 = arith.addi %shift_left3A_524, %add3A_526 : vector<16xi32>
      %gather3A_528 = tpu.vector_load_idx %arg6[%add3A_527] : memref<1040xf32, #tpu.memory_space<vmem>>[vector<16xi32>], vector<16xf32>,
      %shift_left3A_529 = arith.constant 4 : i32
      %shift_left3A_530 = vector.broadcast %shift_left3A_529 : i32 to vector<16xi32>
      %shift_left3A_531 = arith.shli %iota3A, %shift_left3A_530 : vector<16xi32>
      %add3A_532 = arith.constant 534 : i32
      %add3A_533 = vector.broadcast %add3A_532 : i32 to vector<16xi32>
      %add3A_534 = arith.addi %shift_left3A_531, %add3A_533 : vector<16xi32>
      %gather3A_535 = tpu.vector_load_idx %arg6[%add3A_534] : memref<1040xf32, #tpu.memory_space<vmem>>[vector<16xi32>], vector<16xf32>,
      %shift_left3A_536 = arith.constant 4 : i32
      %shift_left3A_537 = vector.broadcast %shift_left3A_536 : i32 to vector<16xi32>
      %shift_left3A_538 = arith.shli %iota3A, %shift_left3A_537 : vector<16xi32>
      %add3A_539 = arith.constant 790 : i32
      %add3A_540 = vector.broadcast %add3A_539 : i32 to vector<16xi32>
      %add3A_541 = arith.addi %shift_left3A_538, %add3A_540 : vector<16xi32>
      %gather3A_542 = tpu.vector_load_idx %arg6[%add3A_541] : memref<1040xf32, #tpu.memory_space<vmem>>[vector<16xi32>], vector<16xf32>,
      %add3A_543 = arith.addf %gather3A_521, %gather3A_528 : vector<16xf32>
      %add3A_544 = arith.addf %add3A_543, %gather3A_535 : vector<16xf32>
      %add3A_545 = arith.addf %add3A_544, %gather3A_542 : vector<16xf32>
      %reduce_sum3A_546 = arith.constant true
      %reduce_sum3A_547 = vector.broadcast %reduce_sum3A_546 : i1 to vector<16xi1>
      %reduce_sum3A_548 = tpu.scan <sum>, %add3A_545 masked %reduce_sum3A_547 : vector<16xf32>, vector<16xi1> -> vector<16xf32>
      %reduce_sum3A_549 = vector.extract %reduce_sum3A_548[15] : f32 from vector<16xf32>
      %div3A_550 = vector.broadcast %reduce_sum3A_549 : f32 to vector<16xf32>
      %div3A_551 = arith.divf %gather3A_521, %div3A_550 : vector<16xf32>
      %swap3A_552 = arith.constant 6 : i32
      %swap3A_553 = arith.index_cast %swap3A_552 : i32 to index
      %swap3A_554 = arith.constant 0 : index
      %swap3A_555 = tpu.vector_load %arg7[%swap3A_553, %swap3A_554] {strides = array<i32>} : memref<16x64xf32, #tpu.memory_space<vmem>>, vector<16xf32>,
      tpu.vector_store %arg7[%swap3A_553, %swap3A_554], %div3A_551 {strides = array<i32>} : memref<16x64xf32, #tpu.memory_space<vmem>>, vector<16xf32>,
      %div3A_556 = vector.broadcast %reduce_sum3A_549 : f32 to vector<16xf32>
      %div3A_557 = arith.divf %gather3A_528, %div3A_556 : vector<16xf32>
      %swap3A_558 = arith.constant 6 : i32
      %swap3A_559 = arith.index_cast %swap3A_558 : i32 to index
      %swap3A_560 = arith.constant 16 : index
      %swap3A_561 = tpu.vector_load %arg7[%swap3A_559, %swap3A_560] {strides = array<i32>} : memref<16x64xf32, #tpu.memory_space<vmem>>, vector<16xf32>,
      tpu.vector_store %arg7[%swap3A_559, %swap3A_560], %div3A_557 {strides = array<i32>} : memref<16x64xf32, #tpu.memory_space<vmem>>, vector<16xf32>,
      %div3A_562 = vector.broadcast %reduce_sum3A_549 : f32 to vector<16xf32>
      %div3A_563 = arith.divf %gather3A_535, %div3A_562 : vector<16xf32>
      %swap3A_564 = arith.constant 6 : i32
      %swap3A_565 = arith.index_cast %swap3A_564 : i32 to index
      %swap3A_566 = arith.constant 32 : index
      %swap3A_567 = tpu.vector_load %arg7[%swap3A_565, %swap3A_566] {strides = array<i32>} : memref<16x64xf32, #tpu.memory_space<vmem>>, vector<16xf32>,
      tpu.vector_store %arg7[%swap3A_565, %swap3A_566], %div3A_563 {strides = array<i32>} : memref<16x64xf32, #tpu.memory_space<vmem>>, vector<16xf32>,
      %div3A_568 = vector.broadcast %reduce_sum3A_549 : f32 to vector<16xf32>
      %div3A_569 = arith.divf %gather3A_542, %div3A_568 : vector<16xf32>
      %swap3A_570 = arith.constant 6 : i32
      %swap3A_571 = arith.index_cast %swap3A_570 : i32 to index
      %swap3A_572 = arith.constant 48 : index
      %swap3A_573 = tpu.vector_load %arg7[%swap3A_571, %swap3A_572] {strides = array<i32>} : memref<16x64xf32, #tpu.memory_space<vmem>>, vector<16xf32>,
      tpu.vector_store %arg7[%swap3A_571, %swap3A_572], %div3A_569 {strides = array<i32>} : memref<16x64xf32, #tpu.memory_space<vmem>>, vector<16xf32>,
      %shift_left3A_574 = arith.constant 4 : i32
      %shift_left3A_575 = vector.broadcast %shift_left3A_574 : i32 to vector<16xi32>
      %shift_left3A_576 = arith.shli %iota3A, %shift_left3A_575 : vector<16xi32>
      %add3A_577 = arith.constant 23 : i32
      %add3A_578 = vector.broadcast %add3A_577 : i32 to vector<16xi32>
      %add3A_579 = arith.addi %shift_left3A_576, %add3A_578 : vector<16xi32>
      %gather3A_580 = tpu.vector_load_idx %arg6[%add3A_579] : memref<1040xf32, #tpu.memory_space<vmem>>[vector<16xi32>], vector<16xf32>,
      %shift_left3A_581 = arith.constant 4 : i32
      %shift_left3A_582 = vector.broadcast %shift_left3A_581 : i32 to vector<16xi32>
      %shift_left3A_583 = arith.shli %iota3A, %shift_left3A_582 : vector<16xi32>
      %add3A_584 = arith.constant 279 : i32
      %add3A_585 = vector.broadcast %add3A_584 : i32 to vector<16xi32>
      %add3A_586 = arith.addi %shift_left3A_583, %add3A_585 : vector<16xi32>
      %gather3A_587 = tpu.vector_load_idx %arg6[%add3A_586] : memref<1040xf32, #tpu.memory_space<vmem>>[vector<16xi32>], vector<16xf32>,
      %shift_left3A_588 = arith.constant 4 : i32
      %shift_left3A_589 = vector.broadcast %shift_left3A_588 : i32 to vector<16xi32>
      %shift_left3A_590 = arith.shli %iota3A, %shift_left3A_589 : vector<16xi32>
      %add3A_591 = arith.constant 535 : i32
      %add3A_592 = vector.broadcast %add3A_591 : i32 to vector<16xi32>
      %add3A_593 = arith.addi %shift_left3A_590, %add3A_592 : vector<16xi32>
      %gather3A_594 = tpu.vector_load_idx %arg6[%add3A_593] : memref<1040xf32, #tpu.memory_space<vmem>>[vector<16xi32>], vector<16xf32>,
      %shift_left3A_595 = arith.constant 4 : i32
      %shift_left3A_596 = vector.broadcast %shift_left3A_595 : i32 to vector<16xi32>
      %shift_left3A_597 = arith.shli %iota3A, %shift_left3A_596 : vector<16xi32>
      %add3A_598 = arith.constant 791 : i32
      %add3A_599 = vector.broadcast %add3A_598 : i32 to vector<16xi32>
      %add3A_600 = arith.addi %shift_left3A_597, %add3A_599 : vector<16xi32>
      %gather3A_601 = tpu.vector_load_idx %arg6[%add3A_600] : memref<1040xf32, #tpu.memory_space<vmem>>[vector<16xi32>], vector<16xf32>,
      %add3A_602 = arith.addf %gather3A_580, %gather3A_587 : vector<16xf32>
      %add3A_603 = arith.addf %add3A_602, %gather3A_594 : vector<16xf32>
      %add3A_604 = arith.addf %add3A_603, %gather3A_601 : vector<16xf32>
      %reduce_sum3A_605 = arith.constant true
      %reduce_sum3A_606 = vector.broadcast %reduce_sum3A_605 : i1 to vector<16xi1>
      %reduce_sum3A_607 = tpu.scan <sum>, %add3A_604 masked %reduce_sum3A_606 : vector<16xf32>, vector<16xi1> -> vector<16xf32>
      %reduce_sum3A_608 = vector.extract %reduce_sum3A_607[15] : f32 from vector<16xf32>
      %div3A_609 = vector.broadcast %reduce_sum3A_608 : f32 to vector<16xf32>
      %div3A_610 = arith.divf %gather3A_580, %div3A_609 : vector<16xf32>
      %swap3A_611 = arith.constant 7 : i32
      %swap3A_612 = arith.index_cast %swap3A_611 : i32 to index
      %swap3A_613 = arith.constant 0 : index
      %swap3A_614 = tpu.vector_load %arg7[%swap3A_612, %swap3A_613] {strides = array<i32>} : memref<16x64xf32, #tpu.memory_space<vmem>>, vector<16xf32>,
      tpu.vector_store %arg7[%swap3A_612, %swap3A_613], %div3A_610 {strides = array<i32>} : memref<16x64xf32, #tpu.memory_space<vmem>>, vector<16xf32>,
      %div3A_615 = vector.broadcast %reduce_sum3A_608 : f32 to vector<16xf32>
      %div3A_616 = arith.divf %gather3A_587, %div3A_615 : vector<16xf32>
      %swap3A_617 = arith.constant 7 : i32
      %swap3A_618 = arith.index_cast %swap3A_617 : i32 to index
      %swap3A_619 = arith.constant 16 : index
      %swap3A_620 = tpu.vector_load %arg7[%swap3A_618, %swap3A_619] {strides = array<i32>} : memref<16x64xf32, #tpu.memory_space<vmem>>, vector<16xf32>,
      tpu.vector_store %arg7[%swap3A_618, %swap3A_619], %div3A_616 {strides = array<i32>} : memref<16x64xf32, #tpu.memory_space<vmem>>, vector<16xf32>,
      %div3A_621 = vector.broadcast %reduce_sum3A_608 : f32 to vector<16xf32>
      %div3A_622 = arith.divf %gather3A_594, %div3A_621 : vector<16xf32>
      %swap3A_623 = arith.constant 7 : i32
      %swap3A_624 = arith.index_cast %swap3A_623 : i32 to index
      %swap3A_625 = arith.constant 32 : index
      %swap3A_626 = tpu.vector_load %arg7[%swap3A_624, %swap3A_625] {strides = array<i32>} : memref<16x64xf32, #tpu.memory_space<vmem>>, vector<16xf32>,
      tpu.vector_store %arg7[%swap3A_624, %swap3A_625], %div3A_622 {strides = array<i32>} : memref<16x64xf32, #tpu.memory_space<vmem>>, vector<16xf32>,
      %div3A_627 = vector.broadcast %reduce_sum3A_608 : f32 to vector<16xf32>
      %div3A_628 = arith.divf %gather3A_601, %div3A_627 : vector<16xf32>
      %swap3A_629 = arith.constant 7 : i32
      %swap3A_630 = arith.index_cast %swap3A_629 : i32 to index
      %swap3A_631 = arith.constant 48 : index
      %swap3A_632 = tpu.vector_load %arg7[%swap3A_630, %swap3A_631] {strides = array<i32>} : memref<16x64xf32, #tpu.memory_space<vmem>>, vector<16xf32>,
      tpu.vector_store %arg7[%swap3A_630, %swap3A_631], %div3A_628 {strides = array<i32>} : memref<16x64xf32, #tpu.memory_space<vmem>>, vector<16xf32>,
      %shift_left3A_633 = arith.constant 4 : i32
      %shift_left3A_634 = vector.broadcast %shift_left3A_633 : i32 to vector<16xi32>
      %shift_left3A_635 = arith.shli %iota3A, %shift_left3A_634 : vector<16xi32>
      %add3A_636 = arith.constant 24 : i32
      %add3A_637 = vector.broadcast %add3A_636 : i32 to vector<16xi32>
      %add3A_638 = arith.addi %shift_left3A_635, %add3A_637 : vector<16xi32>
      %gather3A_639 = tpu.vector_load_idx %arg6[%add3A_638] : memref<1040xf32, #tpu.memory_space<vmem>>[vector<16xi32>], vector<16xf32>,
      %shift_left3A_640 = arith.constant 4 : i32
      %shift_left3A_641 = vector.broadcast %shift_left3A_640 : i32 to vector<16xi32>
      %shift_left3A_642 = arith.shli %iota3A, %shift_left3A_641 : vector<16xi32>
      %add3A_643 = arith.constant 280 : i32
      %add3A_644 = vector.broadcast %add3A_643 : i32 to vector<16xi32>
      %add3A_645 = arith.addi %shift_left3A_642, %add3A_644 : vector<16xi32>
      %gather3A_646 = tpu.vector_load_idx %arg6[%add3A_645] : memref<1040xf32, #tpu.memory_space<vmem>>[vector<16xi32>], vector<16xf32>,
      %shift_left3A_647 = arith.constant 4 : i32
      %shift_left3A_648 = vector.broadcast %shift_left3A_647 : i32 to vector<16xi32>
      %shift_left3A_649 = arith.shli %iota3A, %shift_left3A_648 : vector<16xi32>
      %add3A_650 = arith.constant 536 : i32
      %add3A_651 = vector.broadcast %add3A_650 : i32 to vector<16xi32>
      %add3A_652 = arith.addi %shift_left3A_649, %add3A_651 : vector<16xi32>
      %gather3A_653 = tpu.vector_load_idx %arg6[%add3A_652] : memref<1040xf32, #tpu.memory_space<vmem>>[vector<16xi32>], vector<16xf32>,
      %shift_left3A_654 = arith.constant 4 : i32
      %shift_left3A_655 = vector.broadcast %shift_left3A_654 : i32 to vector<16xi32>
      %shift_left3A_656 = arith.shli %iota3A, %shift_left3A_655 : vector<16xi32>
      %add3A_657 = arith.constant 792 : i32
      %add3A_658 = vector.broadcast %add3A_657 : i32 to vector<16xi32>
      %add3A_659 = arith.addi %shift_left3A_656, %add3A_658 : vector<16xi32>
      %gather3A_660 = tpu.vector_load_idx %arg6[%add3A_659] : memref<1040xf32, #tpu.memory_space<vmem>>[vector<16xi32>], vector<16xf32>,
      %add3A_661 = arith.addf %gather3A_639, %gather3A_646 : vector<16xf32>
      %add3A_662 = arith.addf %add3A_661, %gather3A_653 : vector<16xf32>
      %add3A_663 = arith.addf %add3A_662, %gather3A_660 : vector<16xf32>
      %reduce_sum3A_664 = arith.constant true
      %reduce_sum3A_665 = vector.broadcast %reduce_sum3A_664 : i1 to vector<16xi1>
      %reduce_sum3A_666 = tpu.scan <sum>, %add3A_663 masked %reduce_sum3A_665 : vector<16xf32>, vector<16xi1> -> vector<16xf32>
      %reduce_sum3A_667 = vector.extract %reduce_sum3A_666[15] : f32 from vector<16xf32>
      %div3A_668 = vector.broadcast %reduce_sum3A_667 : f32 to vector<16xf32>
      %div3A_669 = arith.divf %gather3A_639, %div3A_668 : vector<16xf32>
      %swap3A_670 = arith.constant 8 : i32
      %swap3A_671 = arith.index_cast %swap3A_670 : i32 to index
      %swap3A_672 = arith.constant 0 : index
      %swap3A_673 = tpu.vector_load %arg7[%swap3A_671, %swap3A_672] {strides = array<i32>} : memref<16x64xf32, #tpu.memory_space<vmem>>, vector<16xf32>,
      tpu.vector_store %arg7[%swap3A_671, %swap3A_672], %div3A_669 {strides = array<i32>} : memref<16x64xf32, #tpu.memory_space<vmem>>, vector<16xf32>,
      %div3A_674 = vector.broadcast %reduce_sum3A_667 : f32 to vector<16xf32>
      %div3A_675 = arith.divf %gather3A_646, %div3A_674 : vector<16xf32>
      %swap3A_676 = arith.constant 8 : i32
      %swap3A_677 = arith.index_cast %swap3A_676 : i32 to index
      %swap3A_678 = arith.constant 16 : index
      %swap3A_679 = tpu.vector_load %arg7[%swap3A_677, %swap3A_678] {strides = array<i32>} : memref<16x64xf32, #tpu.memory_space<vmem>>, vector<16xf32>,
      tpu.vector_store %arg7[%swap3A_677, %swap3A_678], %div3A_675 {strides = array<i32>} : memref<16x64xf32, #tpu.memory_space<vmem>>, vector<16xf32>,
      %div3A_680 = vector.broadcast %reduce_sum3A_667 : f32 to vector<16xf32>
      %div3A_681 = arith.divf %gather3A_653, %div3A_680 : vector<16xf32>
      %swap3A_682 = arith.constant 8 : i32
      %swap3A_683 = arith.index_cast %swap3A_682 : i32 to index
      %swap3A_684 = arith.constant 32 : index
      %swap3A_685 = tpu.vector_load %arg7[%swap3A_683, %swap3A_684] {strides = array<i32>} : memref<16x64xf32, #tpu.memory_space<vmem>>, vector<16xf32>,
      tpu.vector_store %arg7[%swap3A_683, %swap3A_684], %div3A_681 {strides = array<i32>} : memref<16x64xf32, #tpu.memory_space<vmem>>, vector<16xf32>,
      %div3A_686 = vector.broadcast %reduce_sum3A_667 : f32 to vector<16xf32>
      %div3A_687 = arith.divf %gather3A_660, %div3A_686 : vector<16xf32>
      %swap3A_688 = arith.constant 8 : i32
      %swap3A_689 = arith.index_cast %swap3A_688 : i32 to index
      %swap3A_690 = arith.constant 48 : index
      %swap3A_691 = tpu.vector_load %arg7[%swap3A_689, %swap3A_690] {strides = array<i32>} : memref<16x64xf32, #tpu.memory_space<vmem>>, vector<16xf32>,
      tpu.vector_store %arg7[%swap3A_689, %swap3A_690], %div3A_687 {strides = array<i32>} : memref<16x64xf32, #tpu.memory_space<vmem>>, vector<16xf32>,
      %shift_left3A_692 = arith.constant 4 : i32
      %shift_left3A_693 = vector.broadcast %shift_left3A_692 : i32 to vector<16xi32>
      %shift_left3A_694 = arith.shli %iota3A, %shift_left3A_693 : vector<16xi32>
      %add3A_695 = arith.constant 25 : i32
      %add3A_696 = vector.broadcast %add3A_695 : i32 to vector<16xi32>
      %add3A_697 = arith.addi %shift_left3A_694, %add3A_696 : vector<16xi32>
      %gather3A_698 = tpu.vector_load_idx %arg6[%add3A_697] : memref<1040xf32, #tpu.memory_space<vmem>>[vector<16xi32>], vector<16xf32>,
      %shift_left3A_699 = arith.constant 4 : i32
      %shift_left3A_700 = vector.broadcast %shift_left3A_699 : i32 to vector<16xi32>
      %shift_left3A_701 = arith.shli %iota3A, %shift_left3A_700 : vector<16xi32>
      %add3A_702 = arith.constant 281 : i32
      %add3A_703 = vector.broadcast %add3A_702 : i32 to vector<16xi32>
      %add3A_704 = arith.addi %shift_left3A_701, %add3A_703 : vector<16xi32>
      %gather3A_705 = tpu.vector_load_idx %arg6[%add3A_704] : memref<1040xf32, #tpu.memory_space<vmem>>[vector<16xi32>], vector<16xf32>,
      %shift_left3A_706 = arith.constant 4 : i32
      %shift_left3A_707 = vector.broadcast %shift_left3A_706 : i32 to vector<16xi32>
      %shift_left3A_708 = arith.shli %iota3A, %shift_left3A_707 : vector<16xi32>
      %add3A_709 = arith.constant 537 : i32
      %add3A_710 = vector.broadcast %add3A_709 : i32 to vector<16xi32>
      %add3A_711 = arith.addi %shift_left3A_708, %add3A_710 : vector<16xi32>
      %gather3A_712 = tpu.vector_load_idx %arg6[%add3A_711] : memref<1040xf32, #tpu.memory_space<vmem>>[vector<16xi32>], vector<16xf32>,
      %shift_left3A_713 = arith.constant 4 : i32
      %shift_left3A_714 = vector.broadcast %shift_left3A_713 : i32 to vector<16xi32>
      %shift_left3A_715 = arith.shli %iota3A, %shift_left3A_714 : vector<16xi32>
      %add3A_716 = arith.constant 793 : i32
      %add3A_717 = vector.broadcast %add3A_716 : i32 to vector<16xi32>
      %add3A_718 = arith.addi %shift_left3A_715, %add3A_717 : vector<16xi32>
      %gather3A_719 = tpu.vector_load_idx %arg6[%add3A_718] : memref<1040xf32, #tpu.memory_space<vmem>>[vector<16xi32>], vector<16xf32>,
      %add3A_720 = arith.addf %gather3A_698, %gather3A_705 : vector<16xf32>
      %add3A_721 = arith.addf %add3A_720, %gather3A_712 : vector<16xf32>
      %add3A_722 = arith.addf %add3A_721, %gather3A_719 : vector<16xf32>
      %reduce_sum3A_723 = arith.constant true
      %reduce_sum3A_724 = vector.broadcast %reduce_sum3A_723 : i1 to vector<16xi1>
      %reduce_sum3A_725 = tpu.scan <sum>, %add3A_722 masked %reduce_sum3A_724 : vector<16xf32>, vector<16xi1> -> vector<16xf32>
      %reduce_sum3A_726 = vector.extract %reduce_sum3A_725[15] : f32 from vector<16xf32>
      %div3A_727 = vector.broadcast %reduce_sum3A_726 : f32 to vector<16xf32>
      %div3A_728 = arith.divf %gather3A_698, %div3A_727 : vector<16xf32>
      %swap3A_729 = arith.constant 9 : i32
      %swap3A_730 = arith.index_cast %swap3A_729 : i32 to index
      %swap3A_731 = arith.constant 0 : index
      %swap3A_732 = tpu.vector_load %arg7[%swap3A_730, %swap3A_731] {strides = array<i32>} : memref<16x64xf32, #tpu.memory_space<vmem>>, vector<16xf32>,
      tpu.vector_store %arg7[%swap3A_730, %swap3A_731], %div3A_728 {strides = array<i32>} : memref<16x64xf32, #tpu.memory_space<vmem>>, vector<16xf32>,
      %div3A_733 = vector.broadcast %reduce_sum3A_726 : f32 to vector<16xf32>
      %div3A_734 = arith.divf %gather3A_705, %div3A_733 : vector<16xf32>
      %swap3A_735 = arith.constant 9 : i32
      %swap3A_736 = arith.index_cast %swap3A_735 : i32 to index
      %swap3A_737 = arith.constant 16 : index
      %swap3A_738 = tpu.vector_load %arg7[%swap3A_736, %swap3A_737] {strides = array<i32>} : memref<16x64xf32, #tpu.memory_space<vmem>>, vector<16xf32>,
      tpu.vector_store %arg7[%swap3A_736, %swap3A_737], %div3A_734 {strides = array<i32>} : memref<16x64xf32, #tpu.memory_space<vmem>>, vector<16xf32>,
      %div3A_739 = vector.broadcast %reduce_sum3A_726 : f32 to vector<16xf32>
      %div3A_740 = arith.divf %gather3A_712, %div3A_739 : vector<16xf32>
      %swap3A_741 = arith.constant 9 : i32
      %swap3A_742 = arith.index_cast %swap3A_741 : i32 to index
      %swap3A_743 = arith.constant 32 : index
      %swap3A_744 = tpu.vector_load %arg7[%swap3A_742, %swap3A_743] {strides = array<i32>} : memref<16x64xf32, #tpu.memory_space<vmem>>, vector<16xf32>,
      tpu.vector_store %arg7[%swap3A_742, %swap3A_743], %div3A_740 {strides = array<i32>} : memref<16x64xf32, #tpu.memory_space<vmem>>, vector<16xf32>,
      %div3A_745 = vector.broadcast %reduce_sum3A_726 : f32 to vector<16xf32>
      %div3A_746 = arith.divf %gather3A_719, %div3A_745 : vector<16xf32>
      %swap3A_747 = arith.constant 9 : i32
      %swap3A_748 = arith.index_cast %swap3A_747 : i32 to index
      %swap3A_749 = arith.constant 48 : index
      %swap3A_750 = tpu.vector_load %arg7[%swap3A_748, %swap3A_749] {strides = array<i32>} : memref<16x64xf32, #tpu.memory_space<vmem>>, vector<16xf32>,
      tpu.vector_store %arg7[%swap3A_748, %swap3A_749], %div3A_746 {strides = array<i32>} : memref<16x64xf32, #tpu.memory_space<vmem>>, vector<16xf32>,
      %shift_left3A_751 = arith.constant 4 : i32
      %shift_left3A_752 = vector.broadcast %shift_left3A_751 : i32 to vector<16xi32>
      %shift_left3A_753 = arith.shli %iota3A, %shift_left3A_752 : vector<16xi32>
      %add3A_754 = arith.constant 26 : i32
      %add3A_755 = vector.broadcast %add3A_754 : i32 to vector<16xi32>
      %add3A_756 = arith.addi %shift_left3A_753, %add3A_755 : vector<16xi32>
      %gather3A_757 = tpu.vector_load_idx %arg6[%add3A_756] : memref<1040xf32, #tpu.memory_space<vmem>>[vector<16xi32>], vector<16xf32>,
      %shift_left3A_758 = arith.constant 4 : i32
      %shift_left3A_759 = vector.broadcast %shift_left3A_758 : i32 to vector<16xi32>
      %shift_left3A_760 = arith.shli %iota3A, %shift_left3A_759 : vector<16xi32>
      %add3A_761 = arith.constant 282 : i32
      %add3A_762 = vector.broadcast %add3A_761 : i32 to vector<16xi32>
      %add3A_763 = arith.addi %shift_left3A_760, %add3A_762 : vector<16xi32>
      %gather3A_764 = tpu.vector_load_idx %arg6[%add3A_763] : memref<1040xf32, #tpu.memory_space<vmem>>[vector<16xi32>], vector<16xf32>,
      %shift_left3A_765 = arith.constant 4 : i32
      %shift_left3A_766 = vector.broadcast %shift_left3A_765 : i32 to vector<16xi32>
      %shift_left3A_767 = arith.shli %iota3A, %shift_left3A_766 : vector<16xi32>
      %add3A_768 = arith.constant 538 : i32
      %add3A_769 = vector.broadcast %add3A_768 : i32 to vector<16xi32>
      %add3A_770 = arith.addi %shift_left3A_767, %add3A_769 : vector<16xi32>
      %gather3A_771 = tpu.vector_load_idx %arg6[%add3A_770] : memref<1040xf32, #tpu.memory_space<vmem>>[vector<16xi32>], vector<16xf32>,
      %shift_left3A_772 = arith.constant 4 : i32
      %shift_left3A_773 = vector.broadcast %shift_left3A_772 : i32 to vector<16xi32>
      %shift_left3A_774 = arith.shli %iota3A, %shift_left3A_773 : vector<16xi32>
      %add3A_775 = arith.constant 794 : i32
      %add3A_776 = vector.broadcast %add3A_775 : i32 to vector<16xi32>
      %add3A_777 = arith.addi %shift_left3A_774, %add3A_776 : vector<16xi32>
      %gather3A_778 = tpu.vector_load_idx %arg6[%add3A_777] : memref<1040xf32, #tpu.memory_space<vmem>>[vector<16xi32>], vector<16xf32>,
      %add3A_779 = arith.addf %gather3A_757, %gather3A_764 : vector<16xf32>
      %add3A_780 = arith.addf %add3A_779, %gather3A_771 : vector<16xf32>
      %add3A_781 = arith.addf %add3A_780, %gather3A_778 : vector<16xf32>
      %reduce_sum3A_782 = arith.constant true
      %reduce_sum3A_783 = vector.broadcast %reduce_sum3A_782 : i1 to vector<16xi1>
      %reduce_sum3A_784 = tpu.scan <sum>, %add3A_781 masked %reduce_sum3A_783 : vector<16xf32>, vector<16xi1> -> vector<16xf32>
      %reduce_sum3A_785 = vector.extract %reduce_sum3A_784[15] : f32 from vector<16xf32>
      %div3A_786 = vector.broadcast %reduce_sum3A_785 : f32 to vector<16xf32>
      %div3A_787 = arith.divf %gather3A_757, %div3A_786 : vector<16xf32>
      %swap3A_788 = arith.constant 10 : i32
      %swap3A_789 = arith.index_cast %swap3A_788 : i32 to index
      %swap3A_790 = arith.constant 0 : index
      %swap3A_791 = tpu.vector_load %arg7[%swap3A_789, %swap3A_790] {strides = array<i32>} : memref<16x64xf32, #tpu.memory_space<vmem>>, vector<16xf32>,
      tpu.vector_store %arg7[%swap3A_789, %swap3A_790], %div3A_787 {strides = array<i32>} : memref<16x64xf32, #tpu.memory_space<vmem>>, vector<16xf32>,
      %div3A_792 = vector.broadcast %reduce_sum3A_785 : f32 to vector<16xf32>
      %div3A_793 = arith.divf %gather3A_764, %div3A_792 : vector<16xf32>
      %swap3A_794 = arith.constant 10 : i32
      %swap3A_795 = arith.index_cast %swap3A_794 : i32 to index
      %swap3A_796 = arith.constant 16 : index
      %swap3A_797 = tpu.vector_load %arg7[%swap3A_795, %swap3A_796] {strides = array<i32>} : memref<16x64xf32, #tpu.memory_space<vmem>>, vector<16xf32>,
      tpu.vector_store %arg7[%swap3A_795, %swap3A_796], %div3A_793 {strides = array<i32>} : memref<16x64xf32, #tpu.memory_space<vmem>>, vector<16xf32>,
      %div3A_798 = vector.broadcast %reduce_sum3A_785 : f32 to vector<16xf32>
      %div3A_799 = arith.divf %gather3A_771, %div3A_798 : vector<16xf32>
      %swap3A_800 = arith.constant 10 : i32
      %swap3A_801 = arith.index_cast %swap3A_800 : i32 to index
      %swap3A_802 = arith.constant 32 : index
      %swap3A_803 = tpu.vector_load %arg7[%swap3A_801, %swap3A_802] {strides = array<i32>} : memref<16x64xf32, #tpu.memory_space<vmem>>, vector<16xf32>,
      tpu.vector_store %arg7[%swap3A_801, %swap3A_802], %div3A_799 {strides = array<i32>} : memref<16x64xf32, #tpu.memory_space<vmem>>, vector<16xf32>,
      %div3A_804 = vector.broadcast %reduce_sum3A_785 : f32 to vector<16xf32>
      %div3A_805 = arith.divf %gather3A_778, %div3A_804 : vector<16xf32>
      %swap3A_806 = arith.constant 10 : i32
      %swap3A_807 = arith.index_cast %swap3A_806 : i32 to index
      %swap3A_808 = arith.constant 48 : index
      %swap3A_809 = tpu.vector_load %arg7[%swap3A_807, %swap3A_808] {strides = array<i32>} : memref<16x64xf32, #tpu.memory_space<vmem>>, vector<16xf32>,
      tpu.vector_store %arg7[%swap3A_807, %swap3A_808], %div3A_805 {strides = array<i32>} : memref<16x64xf32, #tpu.memory_space<vmem>>, vector<16xf32>,
      %shift_left3A_810 = arith.constant 4 : i32
      %shift_left3A_811 = vector.broadcast %shift_left3A_810 : i32 to vector<16xi32>
      %shift_left3A_812 = arith.shli %iota3A, %shift_left3A_811 : vector<16xi32>
      %add3A_813 = arith.constant 27 : i32
      %add3A_814 = vector.broadcast %add3A_813 : i32 to vector<16xi32>
      %add3A_815 = arith.addi %shift_left3A_812, %add3A_814 : vector<16xi32>
      %gather3A_816 = tpu.vector_load_idx %arg6[%add3A_815] : memref<1040xf32, #tpu.memory_space<vmem>>[vector<16xi32>], vector<16xf32>,
      %shift_left3A_817 = arith.constant 4 : i32
      %shift_left3A_818 = vector.broadcast %shift_left3A_817 : i32 to vector<16xi32>
      %shift_left3A_819 = arith.shli %iota3A, %shift_left3A_818 : vector<16xi32>
      %add3A_820 = arith.constant 283 : i32
      %add3A_821 = vector.broadcast %add3A_820 : i32 to vector<16xi32>
      %add3A_822 = arith.addi %shift_left3A_819, %add3A_821 : vector<16xi32>
      %gather3A_823 = tpu.vector_load_idx %arg6[%add3A_822] : memref<1040xf32, #tpu.memory_space<vmem>>[vector<16xi32>], vector<16xf32>,
      %shift_left3A_824 = arith.constant 4 : i32
      %shift_left3A_825 = vector.broadcast %shift_left3A_824 : i32 to vector<16xi32>
      %shift_left3A_826 = arith.shli %iota3A, %shift_left3A_825 : vector<16xi32>
      %add3A_827 = arith.constant 539 : i32
      %add3A_828 = vector.broadcast %add3A_827 : i32 to vector<16xi32>
      %add3A_829 = arith.addi %shift_left3A_826, %add3A_828 : vector<16xi32>
      %gather3A_830 = tpu.vector_load_idx %arg6[%add3A_829] : memref<1040xf32, #tpu.memory_space<vmem>>[vector<16xi32>], vector<16xf32>,
      %shift_left3A_831 = arith.constant 4 : i32
      %shift_left3A_832 = vector.broadcast %shift_left3A_831 : i32 to vector<16xi32>
      %shift_left3A_833 = arith.shli %iota3A, %shift_left3A_832 : vector<16xi32>
      %add3A_834 = arith.constant 795 : i32
      %add3A_835 = vector.broadcast %add3A_834 : i32 to vector<16xi32>
      %add3A_836 = arith.addi %shift_left3A_833, %add3A_835 : vector<16xi32>
      %gather3A_837 = tpu.vector_load_idx %arg6[%add3A_836] : memref<1040xf32, #tpu.memory_space<vmem>>[vector<16xi32>], vector<16xf32>,
      %add3A_838 = arith.addf %gather3A_816, %gather3A_823 : vector<16xf32>
      %add3A_839 = arith.addf %add3A_838, %gather3A_830 : vector<16xf32>
      %add3A_840 = arith.addf %add3A_839, %gather3A_837 : vector<16xf32>
      %reduce_sum3A_841 = arith.constant true
      %reduce_sum3A_842 = vector.broadcast %reduce_sum3A_841 : i1 to vector<16xi1>
      %reduce_sum3A_843 = tpu.scan <sum>, %add3A_840 masked %reduce_sum3A_842 : vector<16xf32>, vector<16xi1> -> vector<16xf32>
      %reduce_sum3A_844 = vector.extract %reduce_sum3A_843[15] : f32 from vector<16xf32>
      %div3A_845 = vector.broadcast %reduce_sum3A_844 : f32 to vector<16xf32>
      %div3A_846 = arith.divf %gather3A_816, %div3A_845 : vector<16xf32>
      %swap3A_847 = arith.constant 11 : i32
      %swap3A_848 = arith.index_cast %swap3A_847 : i32 to index
      %swap3A_849 = arith.constant 0 : index
      %swap3A_850 = tpu.vector_load %arg7[%swap3A_848, %swap3A_849] {strides = array<i32>} : memref<16x64xf32, #tpu.memory_space<vmem>>, vector<16xf32>,
      tpu.vector_store %arg7[%swap3A_848, %swap3A_849], %div3A_846 {strides = array<i32>} : memref<16x64xf32, #tpu.memory_space<vmem>>, vector<16xf32>,
      %div3A_851 = vector.broadcast %reduce_sum3A_844 : f32 to vector<16xf32>
      %div3A_852 = arith.divf %gather3A_823, %div3A_851 : vector<16xf32>
      %swap3A_853 = arith.constant 11 : i32
      %swap3A_854 = arith.index_cast %swap3A_853 : i32 to index
      %swap3A_855 = arith.constant 16 : index
      %swap3A_856 = tpu.vector_load %arg7[%swap3A_854, %swap3A_855] {strides = array<i32>} : memref<16x64xf32, #tpu.memory_space<vmem>>, vector<16xf32>,
      tpu.vector_store %arg7[%swap3A_854, %swap3A_855], %div3A_852 {strides = array<i32>} : memref<16x64xf32, #tpu.memory_space<vmem>>, vector<16xf32>,
      %div3A_857 = vector.broadcast %reduce_sum3A_844 : f32 to vector<16xf32>
      %div3A_858 = arith.divf %gather3A_830, %div3A_857 : vector<16xf32>
      %swap3A_859 = arith.constant 11 : i32
      %swap3A_860 = arith.index_cast %swap3A_859 : i32 to index
      %swap3A_861 = arith.constant 32 : index
      %swap3A_862 = tpu.vector_load %arg7[%swap3A_860, %swap3A_861] {strides = array<i32>} : memref<16x64xf32, #tpu.memory_space<vmem>>, vector<16xf32>,
      tpu.vector_store %arg7[%swap3A_860, %swap3A_861], %div3A_858 {strides = array<i32>} : memref<16x64xf32, #tpu.memory_space<vmem>>, vector<16xf32>,
      %div3A_863 = vector.broadcast %reduce_sum3A_844 : f32 to vector<16xf32>
      %div3A_864 = arith.divf %gather3A_837, %div3A_863 : vector<16xf32>
      %swap3A_865 = arith.constant 11 : i32
      %swap3A_866 = arith.index_cast %swap3A_865 : i32 to index
      %swap3A_867 = arith.constant 48 : index
      %swap3A_868 = tpu.vector_load %arg7[%swap3A_866, %swap3A_867] {strides = array<i32>} : memref<16x64xf32, #tpu.memory_space<vmem>>, vector<16xf32>,
      tpu.vector_store %arg7[%swap3A_866, %swap3A_867], %div3A_864 {strides = array<i32>} : memref<16x64xf32, #tpu.memory_space<vmem>>, vector<16xf32>,
      %shift_left3A_869 = arith.constant 4 : i32
      %shift_left3A_870 = vector.broadcast %shift_left3A_869 : i32 to vector<16xi32>
      %shift_left3A_871 = arith.shli %iota3A, %shift_left3A_870 : vector<16xi32>
      %add3A_872 = arith.constant 28 : i32
      %add3A_873 = vector.broadcast %add3A_872 : i32 to vector<16xi32>
      %add3A_874 = arith.addi %shift_left3A_871, %add3A_873 : vector<16xi32>
      %gather3A_875 = tpu.vector_load_idx %arg6[%add3A_874] : memref<1040xf32, #tpu.memory_space<vmem>>[vector<16xi32>], vector<16xf32>,
      %shift_left3A_876 = arith.constant 4 : i32
      %shift_left3A_877 = vector.broadcast %shift_left3A_876 : i32 to vector<16xi32>
      %shift_left3A_878 = arith.shli %iota3A, %shift_left3A_877 : vector<16xi32>
      %add3A_879 = arith.constant 284 : i32
      %add3A_880 = vector.broadcast %add3A_879 : i32 to vector<16xi32>
      %add3A_881 = arith.addi %shift_left3A_878, %add3A_880 : vector<16xi32>
      %gather3A_882 = tpu.vector_load_idx %arg6[%add3A_881] : memref<1040xf32, #tpu.memory_space<vmem>>[vector<16xi32>], vector<16xf32>,
      %shift_left3A_883 = arith.constant 4 : i32
      %shift_left3A_884 = vector.broadcast %shift_left3A_883 : i32 to vector<16xi32>
      %shift_left3A_885 = arith.shli %iota3A, %shift_left3A_884 : vector<16xi32>
      %add3A_886 = arith.constant 540 : i32
      %add3A_887 = vector.broadcast %add3A_886 : i32 to vector<16xi32>
      %add3A_888 = arith.addi %shift_left3A_885, %add3A_887 : vector<16xi32>
      %gather3A_889 = tpu.vector_load_idx %arg6[%add3A_888] : memref<1040xf32, #tpu.memory_space<vmem>>[vector<16xi32>], vector<16xf32>,
      %shift_left3A_890 = arith.constant 4 : i32
      %shift_left3A_891 = vector.broadcast %shift_left3A_890 : i32 to vector<16xi32>
      %shift_left3A_892 = arith.shli %iota3A, %shift_left3A_891 : vector<16xi32>
      %add3A_893 = arith.constant 796 : i32
      %add3A_894 = vector.broadcast %add3A_893 : i32 to vector<16xi32>
      %add3A_895 = arith.addi %shift_left3A_892, %add3A_894 : vector<16xi32>
      %gather3A_896 = tpu.vector_load_idx %arg6[%add3A_895] : memref<1040xf32, #tpu.memory_space<vmem>>[vector<16xi32>], vector<16xf32>,
      %add3A_897 = arith.addf %gather3A_875, %gather3A_882 : vector<16xf32>
      %add3A_898 = arith.addf %add3A_897, %gather3A_889 : vector<16xf32>
      %add3A_899 = arith.addf %add3A_898, %gather3A_896 : vector<16xf32>
      %reduce_sum3A_900 = arith.constant true
      %reduce_sum3A_901 = vector.broadcast %reduce_sum3A_900 : i1 to vector<16xi1>
      %reduce_sum3A_902 = tpu.scan <sum>, %add3A_899 masked %reduce_sum3A_901 : vector<16xf32>, vector<16xi1> -> vector<16xf32>
      %reduce_sum3A_903 = vector.extract %reduce_sum3A_902[15] : f32 from vector<16xf32>
      %div3A_904 = vector.broadcast %reduce_sum3A_903 : f32 to vector<16xf32>
      %div3A_905 = arith.divf %gather3A_875, %div3A_904 : vector<16xf32>
      %swap3A_906 = arith.constant 12 : i32
      %swap3A_907 = arith.index_cast %swap3A_906 : i32 to index
      %swap3A_908 = arith.constant 0 : index
      %swap3A_909 = tpu.vector_load %arg7[%swap3A_907, %swap3A_908] {strides = array<i32>} : memref<16x64xf32, #tpu.memory_space<vmem>>, vector<16xf32>,
      tpu.vector_store %arg7[%swap3A_907, %swap3A_908], %div3A_905 {strides = array<i32>} : memref<16x64xf32, #tpu.memory_space<vmem>>, vector<16xf32>,
      %div3A_910 = vector.broadcast %reduce_sum3A_903 : f32 to vector<16xf32>
      %div3A_911 = arith.divf %gather3A_882, %div3A_910 : vector<16xf32>
      %swap3A_912 = arith.constant 12 : i32
      %swap3A_913 = arith.index_cast %swap3A_912 : i32 to index
      %swap3A_914 = arith.constant 16 : index
      %swap3A_915 = tpu.vector_load %arg7[%swap3A_913, %swap3A_914] {strides = array<i32>} : memref<16x64xf32, #tpu.memory_space<vmem>>, vector<16xf32>,
      tpu.vector_store %arg7[%swap3A_913, %swap3A_914], %div3A_911 {strides = array<i32>} : memref<16x64xf32, #tpu.memory_space<vmem>>, vector<16xf32>,
      %div3A_916 = vector.broadcast %reduce_sum3A_903 : f32 to vector<16xf32>
      %div3A_917 = arith.divf %gather3A_889, %div3A_916 : vector<16xf32>
      %swap3A_918 = arith.constant 12 : i32
      %swap3A_919 = arith.index_cast %swap3A_918 : i32 to index
      %swap3A_920 = arith.constant 32 : index
      %swap3A_921 = tpu.vector_load %arg7[%swap3A_919, %swap3A_920] {strides = array<i32>} : memref<16x64xf32, #tpu.memory_space<vmem>>, vector<16xf32>,
      tpu.vector_store %arg7[%swap3A_919, %swap3A_920], %div3A_917 {strides = array<i32>} : memref<16x64xf32, #tpu.memory_space<vmem>>, vector<16xf32>,
      %div3A_922 = vector.broadcast %reduce_sum3A_903 : f32 to vector<16xf32>
      %div3A_923 = arith.divf %gather3A_896, %div3A_922 : vector<16xf32>
      %swap3A_924 = arith.constant 12 : i32
      %swap3A_925 = arith.index_cast %swap3A_924 : i32 to index
      %swap3A_926 = arith.constant 48 : index
      %swap3A_927 = tpu.vector_load %arg7[%swap3A_925, %swap3A_926] {strides = array<i32>} : memref<16x64xf32, #tpu.memory_space<vmem>>, vector<16xf32>,
      tpu.vector_store %arg7[%swap3A_925, %swap3A_926], %div3A_923 {strides = array<i32>} : memref<16x64xf32, #tpu.memory_space<vmem>>, vector<16xf32>,
      %shift_left3A_928 = arith.constant 4 : i32
      %shift_left3A_929 = vector.broadcast %shift_left3A_928 : i32 to vector<16xi32>
      %shift_left3A_930 = arith.shli %iota3A, %shift_left3A_929 : vector<16xi32>
      %add3A_931 = arith.constant 29 : i32
      %add3A_932 = vector.broadcast %add3A_931 : i32 to vector<16xi32>
      %add3A_933 = arith.addi %shift_left3A_930, %add3A_932 : vector<16xi32>
      %gather3A_934 = tpu.vector_load_idx %arg6[%add3A_933] : memref<1040xf32, #tpu.memory_space<vmem>>[vector<16xi32>], vector<16xf32>,
      %shift_left3A_935 = arith.constant 4 : i32
      %shift_left3A_936 = vector.broadcast %shift_left3A_935 : i32 to vector<16xi32>
      %shift_left3A_937 = arith.shli %iota3A, %shift_left3A_936 : vector<16xi32>
      %add3A_938 = arith.constant 285 : i32
      %add3A_939 = vector.broadcast %add3A_938 : i32 to vector<16xi32>
      %add3A_940 = arith.addi %shift_left3A_937, %add3A_939 : vector<16xi32>
      %gather3A_941 = tpu.vector_load_idx %arg6[%add3A_940] : memref<1040xf32, #tpu.memory_space<vmem>>[vector<16xi32>], vector<16xf32>,
      %shift_left3A_942 = arith.constant 4 : i32
      %shift_left3A_943 = vector.broadcast %shift_left3A_942 : i32 to vector<16xi32>
      %shift_left3A_944 = arith.shli %iota3A, %shift_left3A_943 : vector<16xi32>
      %add3A_945 = arith.constant 541 : i32
      %add3A_946 = vector.broadcast %add3A_945 : i32 to vector<16xi32>
      %add3A_947 = arith.addi %shift_left3A_944, %add3A_946 : vector<16xi32>
      %gather3A_948 = tpu.vector_load_idx %arg6[%add3A_947] : memref<1040xf32, #tpu.memory_space<vmem>>[vector<16xi32>], vector<16xf32>,
      %shift_left3A_949 = arith.constant 4 : i32
      %shift_left3A_950 = vector.broadcast %shift_left3A_949 : i32 to vector<16xi32>
      %shift_left3A_951 = arith.shli %iota3A, %shift_left3A_950 : vector<16xi32>
      %add3A_952 = arith.constant 797 : i32
      %add3A_953 = vector.broadcast %add3A_952 : i32 to vector<16xi32>
      %add3A_954 = arith.addi %shift_left3A_951, %add3A_953 : vector<16xi32>
      %gather3A_955 = tpu.vector_load_idx %arg6[%add3A_954] : memref<1040xf32, #tpu.memory_space<vmem>>[vector<16xi32>], vector<16xf32>,
      %add3A_956 = arith.addf %gather3A_934, %gather3A_941 : vector<16xf32>
      %add3A_957 = arith.addf %add3A_956, %gather3A_948 : vector<16xf32>
      %add3A_958 = arith.addf %add3A_957, %gather3A_955 : vector<16xf32>
      %reduce_sum3A_959 = arith.constant true
      %reduce_sum3A_960 = vector.broadcast %reduce_sum3A_959 : i1 to vector<16xi1>
      %reduce_sum3A_961 = tpu.scan <sum>, %add3A_958 masked %reduce_sum3A_960 : vector<16xf32>, vector<16xi1> -> vector<16xf32>
      %reduce_sum3A_962 = vector.extract %reduce_sum3A_961[15] : f32 from vector<16xf32>
      %div3A_963 = vector.broadcast %reduce_sum3A_962 : f32 to vector<16xf32>
      %div3A_964 = arith.divf %gather3A_934, %div3A_963 : vector<16xf32>
      %swap3A_965 = arith.constant 13 : i32
      %swap3A_966 = arith.index_cast %swap3A_965 : i32 to index
      %swap3A_967 = arith.constant 0 : index
      %swap3A_968 = tpu.vector_load %arg7[%swap3A_966, %swap3A_967] {strides = array<i32>} : memref<16x64xf32, #tpu.memory_space<vmem>>, vector<16xf32>,
      tpu.vector_store %arg7[%swap3A_966, %swap3A_967], %div3A_964 {strides = array<i32>} : memref<16x64xf32, #tpu.memory_space<vmem>>, vector<16xf32>,
      %div3A_969 = vector.broadcast %reduce_sum3A_962 : f32 to vector<16xf32>
      %div3A_970 = arith.divf %gather3A_941, %div3A_969 : vector<16xf32>
      %swap3A_971 = arith.constant 13 : i32
      %swap3A_972 = arith.index_cast %swap3A_971 : i32 to index
      %swap3A_973 = arith.constant 16 : index
      %swap3A_974 = tpu.vector_load %arg7[%swap3A_972, %swap3A_973] {strides = array<i32>} : memref<16x64xf32, #tpu.memory_space<vmem>>, vector<16xf32>,
      tpu.vector_store %arg7[%swap3A_972, %swap3A_973], %div3A_970 {strides = array<i32>} : memref<16x64xf32, #tpu.memory_space<vmem>>, vector<16xf32>,
      %div3A_975 = vector.broadcast %reduce_sum3A_962 : f32 to vector<16xf32>
      %div3A_976 = arith.divf %gather3A_948, %div3A_975 : vector<16xf32>
      %swap3A_977 = arith.constant 13 : i32
      %swap3A_978 = arith.index_cast %swap3A_977 : i32 to index
      %swap3A_979 = arith.constant 32 : index
      %swap3A_980 = tpu.vector_load %arg7[%swap3A_978, %swap3A_979] {strides = array<i32>} : memref<16x64xf32, #tpu.memory_space<vmem>>, vector<16xf32>,
      tpu.vector_store %arg7[%swap3A_978, %swap3A_979], %div3A_976 {strides = array<i32>} : memref<16x64xf32, #tpu.memory_space<vmem>>, vector<16xf32>,
      %div3A_981 = vector.broadcast %reduce_sum3A_962 : f32 to vector<16xf32>
      %div3A_982 = arith.divf %gather3A_955, %div3A_981 : vector<16xf32>
      %swap3A_983 = arith.constant 13 : i32
      %swap3A_984 = arith.index_cast %swap3A_983 : i32 to index
      %swap3A_985 = arith.constant 48 : index
      %swap3A_986 = tpu.vector_load %arg7[%swap3A_984, %swap3A_985] {strides = array<i32>} : memref<16x64xf32, #tpu.memory_space<vmem>>, vector<16xf32>,
      tpu.vector_store %arg7[%swap3A_984, %swap3A_985], %div3A_982 {strides = array<i32>} : memref<16x64xf32, #tpu.memory_space<vmem>>, vector<16xf32>,
      %shift_left3A_987 = arith.constant 4 : i32
      %shift_left3A_988 = vector.broadcast %shift_left3A_987 : i32 to vector<16xi32>
      %shift_left3A_989 = arith.shli %iota3A, %shift_left3A_988 : vector<16xi32>
      %add3A_990 = arith.constant 30 : i32
      %add3A_991 = vector.broadcast %add3A_990 : i32 to vector<16xi32>
      %add3A_992 = arith.addi %shift_left3A_989, %add3A_991 : vector<16xi32>
      %gather3A_993 = tpu.vector_load_idx %arg6[%add3A_992] : memref<1040xf32, #tpu.memory_space<vmem>>[vector<16xi32>], vector<16xf32>,
      %shift_left3A_994 = arith.constant 4 : i32
      %shift_left3A_995 = vector.broadcast %shift_left3A_994 : i32 to vector<16xi32>
      %shift_left3A_996 = arith.shli %iota3A, %shift_left3A_995 : vector<16xi32>
      %add3A_997 = arith.constant 286 : i32
      %add3A_998 = vector.broadcast %add3A_997 : i32 to vector<16xi32>
      %add3A_999 = arith.addi %shift_left3A_996, %add3A_998 : vector<16xi32>
      %gather3A_1000 = tpu.vector_load_idx %arg6[%add3A_999] : memref<1040xf32, #tpu.memory_space<vmem>>[vector<16xi32>], vector<16xf32>,
      %shift_left3A_1001 = arith.constant 4 : i32
      %shift_left3A_1002 = vector.broadcast %shift_left3A_1001 : i32 to vector<16xi32>
      %shift_left3A_1003 = arith.shli %iota3A, %shift_left3A_1002 : vector<16xi32>
      %add3A_1004 = arith.constant 542 : i32
      %add3A_1005 = vector.broadcast %add3A_1004 : i32 to vector<16xi32>
      %add3A_1006 = arith.addi %shift_left3A_1003, %add3A_1005 : vector<16xi32>
      %gather3A_1007 = tpu.vector_load_idx %arg6[%add3A_1006] : memref<1040xf32, #tpu.memory_space<vmem>>[vector<16xi32>], vector<16xf32>,
      %shift_left3A_1008 = arith.constant 4 : i32
      %shift_left3A_1009 = vector.broadcast %shift_left3A_1008 : i32 to vector<16xi32>
      %shift_left3A_1010 = arith.shli %iota3A, %shift_left3A_1009 : vector<16xi32>
      %add3A_1011 = arith.constant 798 : i32
      %add3A_1012 = vector.broadcast %add3A_1011 : i32 to vector<16xi32>
      %add3A_1013 = arith.addi %shift_left3A_1010, %add3A_1012 : vector<16xi32>
      %gather3A_1014 = tpu.vector_load_idx %arg6[%add3A_1013] : memref<1040xf32, #tpu.memory_space<vmem>>[vector<16xi32>], vector<16xf32>,
      %add3A_1015 = arith.addf %gather3A_993, %gather3A_1000 : vector<16xf32>
      %add3A_1016 = arith.addf %add3A_1015, %gather3A_1007 : vector<16xf32>
      %add3A_1017 = arith.addf %add3A_1016, %gather3A_1014 : vector<16xf32>
      %reduce_sum3A_1018 = arith.constant true
      %reduce_sum3A_1019 = vector.broadcast %reduce_sum3A_1018 : i1 to vector<16xi1>
      %reduce_sum3A_1020 = tpu.scan <sum>, %add3A_1017 masked %reduce_sum3A_1019 : vector<16xf32>, vector<16xi1> -> vector<16xf32>
      %reduce_sum3A_1021 = vector.extract %reduce_sum3A_1020[15] : f32 from vector<16xf32>
      %div3A_1022 = vector.broadcast %reduce_sum3A_1021 : f32 to vector<16xf32>
      %div3A_1023 = arith.divf %gather3A_993, %div3A_1022 : vector<16xf32>
      %swap3A_1024 = arith.constant 14 : i32
      %swap3A_1025 = arith.index_cast %swap3A_1024 : i32 to index
      %swap3A_1026 = arith.constant 0 : index
      %swap3A_1027 = tpu.vector_load %arg7[%swap3A_1025, %swap3A_1026] {strides = array<i32>} : memref<16x64xf32, #tpu.memory_space<vmem>>, vector<16xf32>,
      tpu.vector_store %arg7[%swap3A_1025, %swap3A_1026], %div3A_1023 {strides = array<i32>} : memref<16x64xf32, #tpu.memory_space<vmem>>, vector<16xf32>,
      %div3A_1028 = vector.broadcast %reduce_sum3A_1021 : f32 to vector<16xf32>
      %div3A_1029 = arith.divf %gather3A_1000, %div3A_1028 : vector<16xf32>
      %swap3A_1030 = arith.constant 14 : i32
      %swap3A_1031 = arith.index_cast %swap3A_1030 : i32 to index
      %swap3A_1032 = arith.constant 16 : index
      %swap3A_1033 = tpu.vector_load %arg7[%swap3A_1031, %swap3A_1032] {strides = array<i32>} : memref<16x64xf32, #tpu.memory_space<vmem>>, vector<16xf32>,
      tpu.vector_store %arg7[%swap3A_1031, %swap3A_1032], %div3A_1029 {strides = array<i32>} : memref<16x64xf32, #tpu.memory_space<vmem>>, vector<16xf32>,
      %div3A_1034 = vector.broadcast %reduce_sum3A_1021 : f32 to vector<16xf32>
      %div3A_1035 = arith.divf %gather3A_1007, %div3A_1034 : vector<16xf32>
      %swap3A_1036 = arith.constant 14 : i32
      %swap3A_1037 = arith.index_cast %swap3A_1036 : i32 to index
      %swap3A_1038 = arith.constant 32 : index
      %swap3A_1039 = tpu.vector_load %arg7[%swap3A_1037, %swap3A_1038] {strides = array<i32>} : memref<16x64xf32, #tpu.memory_space<vmem>>, vector<16xf32>,
      tpu.vector_store %arg7[%swap3A_1037, %swap3A_1038], %div3A_1035 {strides = array<i32>} : memref<16x64xf32, #tpu.memory_space<vmem>>, vector<16xf32>,
      %div3A_1040 = vector.broadcast %reduce_sum3A_1021 : f32 to vector<16xf32>
      %div3A_1041 = arith.divf %gather3A_1014, %div3A_1040 : vector<16xf32>
      %swap3A_1042 = arith.constant 14 : i32
      %swap3A_1043 = arith.index_cast %swap3A_1042 : i32 to index
      %swap3A_1044 = arith.constant 48 : index
      %swap3A_1045 = tpu.vector_load %arg7[%swap3A_1043, %swap3A_1044] {strides = array<i32>} : memref<16x64xf32, #tpu.memory_space<vmem>>, vector<16xf32>,
      tpu.vector_store %arg7[%swap3A_1043, %swap3A_1044], %div3A_1041 {strides = array<i32>} : memref<16x64xf32, #tpu.memory_space<vmem>>, vector<16xf32>,
      %shift_left3A_1046 = arith.constant 4 : i32
      %shift_left3A_1047 = vector.broadcast %shift_left3A_1046 : i32 to vector<16xi32>
      %shift_left3A_1048 = arith.shli %iota3A, %shift_left3A_1047 : vector<16xi32>
      %add3A_1049 = arith.constant 31 : i32
      %add3A_1050 = vector.broadcast %add3A_1049 : i32 to vector<16xi32>
      %add3A_1051 = arith.addi %shift_left3A_1048, %add3A_1050 : vector<16xi32>
      %gather3A_1052 = tpu.vector_load_idx %arg6[%add3A_1051] : memref<1040xf32, #tpu.memory_space<vmem>>[vector<16xi32>], vector<16xf32>,
      %shift_left3A_1053 = arith.constant 4 : i32
      %shift_left3A_1054 = vector.broadcast %shift_left3A_1053 : i32 to vector<16xi32>
      %shift_left3A_1055 = arith.shli %iota3A, %shift_left3A_1054 : vector<16xi32>
      %add3A_1056 = arith.constant 287 : i32
      %add3A_1057 = vector.broadcast %add3A_1056 : i32 to vector<16xi32>
      %add3A_1058 = arith.addi %shift_left3A_1055, %add3A_1057 : vector<16xi32>
      %gather3A_1059 = tpu.vector_load_idx %arg6[%add3A_1058] : memref<1040xf32, #tpu.memory_space<vmem>>[vector<16xi32>], vector<16xf32>,
      %shift_left3A_1060 = arith.constant 4 : i32
      %shift_left3A_1061 = vector.broadcast %shift_left3A_1060 : i32 to vector<16xi32>
      %shift_left3A_1062 = arith.shli %iota3A, %shift_left3A_1061 : vector<16xi32>
      %add3A_1063 = arith.constant 543 : i32
      %add3A_1064 = vector.broadcast %add3A_1063 : i32 to vector<16xi32>
      %add3A_1065 = arith.addi %shift_left3A_1062, %add3A_1064 : vector<16xi32>
      %gather3A_1066 = tpu.vector_load_idx %arg6[%add3A_1065] : memref<1040xf32, #tpu.memory_space<vmem>>[vector<16xi32>], vector<16xf32>,
      %shift_left3A_1067 = arith.constant 4 : i32
      %shift_left3A_1068 = vector.broadcast %shift_left3A_1067 : i32 to vector<16xi32>
      %shift_left3A_1069 = arith.shli %iota3A, %shift_left3A_1068 : vector<16xi32>
      %add3A_1070 = arith.constant 799 : i32
      %add3A_1071 = vector.broadcast %add3A_1070 : i32 to vector<16xi32>
      %add3A_1072 = arith.addi %shift_left3A_1069, %add3A_1071 : vector<16xi32>
      %gather3A_1073 = tpu.vector_load_idx %arg6[%add3A_1072] : memref<1040xf32, #tpu.memory_space<vmem>>[vector<16xi32>], vector<16xf32>,
      %add3A_1074 = arith.addf %gather3A_1052, %gather3A_1059 : vector<16xf32>
      %add3A_1075 = arith.addf %add3A_1074, %gather3A_1066 : vector<16xf32>
      %add3A_1076 = arith.addf %add3A_1075, %gather3A_1073 : vector<16xf32>
      %reduce_sum3A_1077 = arith.constant true
      %reduce_sum3A_1078 = vector.broadcast %reduce_sum3A_1077 : i1 to vector<16xi1>
      %reduce_sum3A_1079 = tpu.scan <sum>, %add3A_1076 masked %reduce_sum3A_1078 : vector<16xf32>, vector<16xi1> -> vector<16xf32>
      %reduce_sum3A_1080 = vector.extract %reduce_sum3A_1079[15] : f32 from vector<16xf32>
      %div3A_1081 = vector.broadcast %reduce_sum3A_1080 : f32 to vector<16xf32>
      %div3A_1082 = arith.divf %gather3A_1052, %div3A_1081 : vector<16xf32>
      %swap3A_1083 = arith.constant 15 : i32
      %swap3A_1084 = arith.index_cast %swap3A_1083 : i32 to index
      %swap3A_1085 = arith.constant 0 : index
      %swap3A_1086 = tpu.vector_load %arg7[%swap3A_1084, %swap3A_1085] {strides = array<i32>} : memref<16x64xf32, #tpu.memory_space<vmem>>, vector<16xf32>,
      tpu.vector_store %arg7[%swap3A_1084, %swap3A_1085], %div3A_1082 {strides = array<i32>} : memref<16x64xf32, #tpu.memory_space<vmem>>, vector<16xf32>,
      %div3A_1087 = vector.broadcast %reduce_sum3A_1080 : f32 to vector<16xf32>
      %div3A_1088 = arith.divf %gather3A_1059, %div3A_1087 : vector<16xf32>
      %swap3A_1089 = arith.constant 15 : i32
      %swap3A_1090 = arith.index_cast %swap3A_1089 : i32 to index
      %swap3A_1091 = arith.constant 16 : index
      %swap3A_1092 = tpu.vector_load %arg7[%swap3A_1090, %swap3A_1091] {strides = array<i32>} : memref<16x64xf32, #tpu.memory_space<vmem>>, vector<16xf32>,
      tpu.vector_store %arg7[%swap3A_1090, %swap3A_1091], %div3A_1088 {strides = array<i32>} : memref<16x64xf32, #tpu.memory_space<vmem>>, vector<16xf32>,
      %div3A_1093 = vector.broadcast %reduce_sum3A_1080 : f32 to vector<16xf32>
      %div3A_1094 = arith.divf %gather3A_1066, %div3A_1093 : vector<16xf32>
      %swap3A_1095 = arith.constant 15 : i32
      %swap3A_1096 = arith.index_cast %swap3A_1095 : i32 to index
      %swap3A_1097 = arith.constant 32 : index
      %swap3A_1098 = tpu.vector_load %arg7[%swap3A_1096, %swap3A_1097] {strides = array<i32>} : memref<16x64xf32, #tpu.memory_space<vmem>>, vector<16xf32>,
      tpu.vector_store %arg7[%swap3A_1096, %swap3A_1097], %div3A_1094 {strides = array<i32>} : memref<16x64xf32, #tpu.memory_space<vmem>>, vector<16xf32>,
      %div3A_1099 = vector.broadcast %reduce_sum3A_1080 : f32 to vector<16xf32>
      %div3A_1100 = arith.divf %gather3A_1073, %div3A_1099 : vector<16xf32>
      %swap3A_1101 = arith.constant 15 : i32
      %swap3A_1102 = arith.index_cast %swap3A_1101 : i32 to index
      %swap3A_1103 = arith.constant 48 : index
      %swap3A_1104 = tpu.vector_load %arg7[%swap3A_1102, %swap3A_1103] {strides = array<i32>} : memref<16x64xf32, #tpu.memory_space<vmem>>, vector<16xf32>,
      tpu.vector_store %arg7[%swap3A_1102, %swap3A_1103], %div3A_1100 {strides = array<i32>} : memref<16x64xf32, #tpu.memory_space<vmem>>, vector<16xf32>,
      %mul3A_1105 = arith.constant 16 : i32
      %mul3A_1106 = arith.muli %mul3A_18, %mul3A_1105 : i32
      %add3A_1107 = arith.addi %mul3A_2, %mul3A_1106 : i32
      "tpu.region"() ({
        %run_scoped3A = tpu.sem_alloc : memref<!tpu.dma_semaphore, #tpu.memory_space<semaphore_mem>>
        %dma_start3A_2203 = arith.constant 0 : i32
        %dma_start3A_2204 = tpu.memref_slice %arg3[%add3A_1107, %dma_start3A_2203] : memref<16384x64xf32, #tpu.memory_space<hbm>> -> memref<16x64xf32, #tpu.memory_space<hbm>>
        %dma_start3A_2205 = arith.constant 0 : i32
        %dma_start3A_2206 = tpu.memref_slice %arg3[%add3A_1107, %dma_start3A_2205] : memref<16384x64xf32, #tpu.memory_space<hbm>> -> memref<16x64xf32, #tpu.memory_space<hbm>>
        tpu.enqueue_dma source(%arg7 : memref<16x64xf32, #tpu.memory_space<vmem>>) target(%dma_start3A_2206 : memref<16x64xf32, #tpu.memory_space<hbm>>) target_semaphore(%run_scoped3A : memref<!tpu.dma_semaphore, #tpu.memory_space<semaphore_mem>>)
        %dma_wait3A_2207 = arith.constant 0 : i32
        %dma_wait3A_2208 = tpu.memref_slice %arg3[%add3A_1107, %dma_wait3A_2207] : memref<16384x64xf32, #tpu.memory_space<hbm>> -> memref<16x64xf32, #tpu.memory_space<hbm>>
        %dma_wait3A_2209 = arith.constant 0 : i32
        %dma_wait3A_2210 = tpu.memref_slice %arg3[%add3A_1107, %dma_wait3A_2209] : memref<16384x64xf32, #tpu.memory_space<hbm>> -> memref<16x64xf32, #tpu.memory_space<hbm>>
        tpu.wait_dma2 semaphore(%run_scoped3A : memref<!tpu.dma_semaphore, #tpu.memory_space<semaphore_mem>>) src(%arg7 : memref<16x64xf32, #tpu.memory_space<vmem>>) dst(%dma_wait3A_2210 : memref<16x64xf32, #tpu.memory_space<hbm>>)
        tpu.yield
      }) : () -> ()
      %add3A_1108 = arith.constant 1 : i32
      %add3A_1109 = arith.addi %mul3A_18, %add3A_1108 : i32
      %mul3A_1110 = arith.constant 16 : i32
      %mul3A_1111 = arith.muli %add3A_1109, %mul3A_1110 : i32
      %add3A_1112 = arith.addi %mul3A_2, %mul3A_1111 : i32
      %dma_wait3A_1113 = arith.constant 0 : i32
      %dma_wait3A_1114 = tpu.memref_slice %arg2[%add3A_1112, %dma_wait3A_1113] : memref<16384x2048xi32, #tpu.memory_space<hbm>> -> memref<16x2048xi32, #tpu.memory_space<hbm>>
      %dma_wait3A_1115 = arith.constant 0 : i32
      %dma_wait3A_1116 = tpu.memref_slice %arg2[%add3A_1112, %dma_wait3A_1115] : memref<16384x2048xi32, #tpu.memory_space<hbm>> -> memref<16x2048xi32, #tpu.memory_space<hbm>>
      tpu.wait_dma2 semaphore(%arg9 : memref<!tpu.dma_semaphore, #tpu.memory_space<semaphore_mem>>) src(%dma_wait3A_1116 : memref<16x2048xi32, #tpu.memory_space<hbm>>) dst(%arg5 : memref<16x2048xi32, #tpu.memory_space<vmem>>)
      %add3A_1117 = arith.constant 1 : i32
      %add3A_1118 = arith.addi %scan3A_16, %add3A_1117 : i32
      %lt3A = arith.constant 16 : i32
      %lt3A_1119 = arith.cmpi slt, %add3A_1118, %lt3A : i32
      %convert_element_type3A = arith.extui %lt3A_1119 : i1 to i32
      %cond3A = arith.constant 0 : i32
      %cond3A_1120 = arith.cmpi ne, %convert_element_type3A, %cond3A : i32
      scf.if %cond3A_1120 {
        %add3A_2203 = arith.constant 2 : i32
        %add3A_2204 = arith.addi %mul3A_18, %add3A_2203 : i32
        %mul3A_2205 = arith.constant 16 : i32
        %mul3A_2206 = arith.muli %add3A_2204, %mul3A_2205 : i32
        %add3A_2207 = arith.addi %mul3A_2, %mul3A_2206 : i32
        %dma_start3A_2208 = arith.constant 0 : i32
        %dma_start3A_2209 = tpu.memref_slice %arg2[%add3A_2207, %dma_start3A_2208] : memref<16384x2048xi32, #tpu.memory_space<hbm>> -> memref<16x2048xi32, #tpu.memory_space<hbm>>
        %dma_start3A_2210 = arith.constant 0 : i32
        %dma_start3A_2211 = tpu.memref_slice %arg2[%add3A_2207, %dma_start3A_2210] : memref<16384x2048xi32, #tpu.memory_space<hbm>> -> memref<16x2048xi32, #tpu.memory_space<hbm>>
        tpu.enqueue_dma source(%dma_start3A_2211 : memref<16x2048xi32, #tpu.memory_space<hbm>>) target(%arg4 : memref<16x2048xi32, #tpu.memory_space<vmem>>) target_semaphore(%arg8 : memref<!tpu.dma_semaphore, #tpu.memory_space<semaphore_mem>>)
      } else {
      }
      %add3A_1121 = arith.constant 1 : i32
      %add3A_1122 = arith.addi %mul3A_18, %add3A_1121 : i32
      %swap3A_1123 = arith.constant 0 : index
      %swap3A_1124 = tpu.vector_load %arg6[%swap3A_1123] {strides = array<i32>} : memref<1040xf32, #tpu.memory_space<vmem>>, vector<16xf32>,
      tpu.vector_store %arg6[%swap3A_1123], %broadcast_in_dim3A_5 {strides = array<i32>} : memref<1040xf32, #tpu.memory_space<vmem>>, vector<16xf32>,
      %swap3A_1125 = arith.constant 16 : index
      %swap3A_1126 = tpu.vector_load %arg6[%swap3A_1125] {strides = array<i32>} : memref<1040xf32, #tpu.memory_space<vmem>>, vector<16xf32>,
      tpu.vector_store %arg6[%swap3A_1125], %broadcast_in_dim3A_5 {strides = array<i32>} : memref<1040xf32, #tpu.memory_space<vmem>>, vector<16xf32>,
      %swap3A_1127 = arith.constant 32 : index
      %swap3A_1128 = tpu.vector_load %arg6[%swap3A_1127] {strides = array<i32>} : memref<1040xf32, #tpu.memory_space<vmem>>, vector<16xf32>,
      tpu.vector_store %arg6[%swap3A_1127], %broadcast_in_dim3A_5 {strides = array<i32>} : memref<1040xf32, #tpu.memory_space<vmem>>, vector<16xf32>,
      %swap3A_1129 = arith.constant 48 : index
      %swap3A_1130 = tpu.vector_load %arg6[%swap3A_1129] {strides = array<i32>} : memref<1040xf32, #tpu.memory_space<vmem>>, vector<16xf32>,
      tpu.vector_store %arg6[%swap3A_1129], %broadcast_in_dim3A_5 {strides = array<i32>} : memref<1040xf32, #tpu.memory_space<vmem>>, vector<16xf32>,
      %swap3A_1131 = arith.constant 64 : index
      %swap3A_1132 = tpu.vector_load %arg6[%swap3A_1131] {strides = array<i32>} : memref<1040xf32, #tpu.memory_space<vmem>>, vector<16xf32>,
      tpu.vector_store %arg6[%swap3A_1131], %broadcast_in_dim3A_5 {strides = array<i32>} : memref<1040xf32, #tpu.memory_space<vmem>>, vector<16xf32>,
      %swap3A_1133 = arith.constant 80 : index
      %swap3A_1134 = tpu.vector_load %arg6[%swap3A_1133] {strides = array<i32>} : memref<1040xf32, #tpu.memory_space<vmem>>, vector<16xf32>,
      tpu.vector_store %arg6[%swap3A_1133], %broadcast_in_dim3A_5 {strides = array<i32>} : memref<1040xf32, #tpu.memory_space<vmem>>, vector<16xf32>,
      %swap3A_1135 = arith.constant 96 : index
      %swap3A_1136 = tpu.vector_load %arg6[%swap3A_1135] {strides = array<i32>} : memref<1040xf32, #tpu.memory_space<vmem>>, vector<16xf32>,
      tpu.vector_store %arg6[%swap3A_1135], %broadcast_in_dim3A_5 {strides = array<i32>} : memref<1040xf32, #tpu.memory_space<vmem>>, vector<16xf32>,
      %swap3A_1137 = arith.constant 112 : index
      %swap3A_1138 = tpu.vector_load %arg6[%swap3A_1137] {strides = array<i32>} : memref<1040xf32, #tpu.memory_space<vmem>>, vector<16xf32>,
      tpu.vector_store %arg6[%swap3A_1137], %broadcast_in_dim3A_5 {strides = array<i32>} : memref<1040xf32, #tpu.memory_space<vmem>>, vector<16xf32>,
      %swap3A_1139 = arith.constant 128 : index
      %swap3A_1140 = tpu.vector_load %arg6[%swap3A_1139] {strides = array<i32>} : memref<1040xf32, #tpu.memory_space<vmem>>, vector<16xf32>,
      tpu.vector_store %arg6[%swap3A_1139], %broadcast_in_dim3A_5 {strides = array<i32>} : memref<1040xf32, #tpu.memory_space<vmem>>, vector<16xf32>,
      %swap3A_1141 = arith.constant 144 : index
      %swap3A_1142 = tpu.vector_load %arg6[%swap3A_1141] {strides = array<i32>} : memref<1040xf32, #tpu.memory_space<vmem>>, vector<16xf32>,
      tpu.vector_store %arg6[%swap3A_1141], %broadcast_in_dim3A_5 {strides = array<i32>} : memref<1040xf32, #tpu.memory_space<vmem>>, vector<16xf32>,
      %swap3A_1143 = arith.constant 160 : index
      %swap3A_1144 = tpu.vector_load %arg6[%swap3A_1143] {strides = array<i32>} : memref<1040xf32, #tpu.memory_space<vmem>>, vector<16xf32>,
      tpu.vector_store %arg6[%swap3A_1143], %broadcast_in_dim3A_5 {strides = array<i32>} : memref<1040xf32, #tpu.memory_space<vmem>>, vector<16xf32>,
      %swap3A_1145 = arith.constant 176 : index
      %swap3A_1146 = tpu.vector_load %arg6[%swap3A_1145] {strides = array<i32>} : memref<1040xf32, #tpu.memory_space<vmem>>, vector<16xf32>,
      tpu.vector_store %arg6[%swap3A_1145], %broadcast_in_dim3A_5 {strides = array<i32>} : memref<1040xf32, #tpu.memory_space<vmem>>, vector<16xf32>,
      %swap3A_1147 = arith.constant 192 : index
      %swap3A_1148 = tpu.vector_load %arg6[%swap3A_1147] {strides = array<i32>} : memref<1040xf32, #tpu.memory_space<vmem>>, vector<16xf32>,
      tpu.vector_store %arg6[%swap3A_1147], %broadcast_in_dim3A_5 {strides = array<i32>} : memref<1040xf32, #tpu.memory_space<vmem>>, vector<16xf32>,
      %swap3A_1149 = arith.constant 208 : index
      %swap3A_1150 = tpu.vector_load %arg6[%swap3A_1149] {strides = array<i32>} : memref<1040xf32, #tpu.memory_space<vmem>>, vector<16xf32>,
      tpu.vector_store %arg6[%swap3A_1149], %broadcast_in_dim3A_5 {strides = array<i32>} : memref<1040xf32, #tpu.memory_space<vmem>>, vector<16xf32>,
      %swap3A_1151 = arith.constant 224 : index
      %swap3A_1152 = tpu.vector_load %arg6[%swap3A_1151] {strides = array<i32>} : memref<1040xf32, #tpu.memory_space<vmem>>, vector<16xf32>,
      tpu.vector_store %arg6[%swap3A_1151], %broadcast_in_dim3A_5 {strides = array<i32>} : memref<1040xf32, #tpu.memory_space<vmem>>, vector<16xf32>,
      %swap3A_1153 = arith.constant 240 : index
      %swap3A_1154 = tpu.vector_load %arg6[%swap3A_1153] {strides = array<i32>} : memref<1040xf32, #tpu.memory_space<vmem>>, vector<16xf32>,
      tpu.vector_store %arg6[%swap3A_1153], %broadcast_in_dim3A_5 {strides = array<i32>} : memref<1040xf32, #tpu.memory_space<vmem>>, vector<16xf32>,
      %swap3A_1155 = arith.constant 256 : index
      %swap3A_1156 = tpu.vector_load %arg6[%swap3A_1155] {strides = array<i32>} : memref<1040xf32, #tpu.memory_space<vmem>>, vector<16xf32>,
      tpu.vector_store %arg6[%swap3A_1155], %broadcast_in_dim3A_5 {strides = array<i32>} : memref<1040xf32, #tpu.memory_space<vmem>>, vector<16xf32>,
      %swap3A_1157 = arith.constant 272 : index
      %swap3A_1158 = tpu.vector_load %arg6[%swap3A_1157] {strides = array<i32>} : memref<1040xf32, #tpu.memory_space<vmem>>, vector<16xf32>,
      tpu.vector_store %arg6[%swap3A_1157], %broadcast_in_dim3A_5 {strides = array<i32>} : memref<1040xf32, #tpu.memory_space<vmem>>, vector<16xf32>,
      %swap3A_1159 = arith.constant 288 : index
      %swap3A_1160 = tpu.vector_load %arg6[%swap3A_1159] {strides = array<i32>} : memref<1040xf32, #tpu.memory_space<vmem>>, vector<16xf32>,
      tpu.vector_store %arg6[%swap3A_1159], %broadcast_in_dim3A_5 {strides = array<i32>} : memref<1040xf32, #tpu.memory_space<vmem>>, vector<16xf32>,
      %swap3A_1161 = arith.constant 304 : index
      %swap3A_1162 = tpu.vector_load %arg6[%swap3A_1161] {strides = array<i32>} : memref<1040xf32, #tpu.memory_space<vmem>>, vector<16xf32>,
      tpu.vector_store %arg6[%swap3A_1161], %broadcast_in_dim3A_5 {strides = array<i32>} : memref<1040xf32, #tpu.memory_space<vmem>>, vector<16xf32>,
      %swap3A_1163 = arith.constant 320 : index
      %swap3A_1164 = tpu.vector_load %arg6[%swap3A_1163] {strides = array<i32>} : memref<1040xf32, #tpu.memory_space<vmem>>, vector<16xf32>,
      tpu.vector_store %arg6[%swap3A_1163], %broadcast_in_dim3A_5 {strides = array<i32>} : memref<1040xf32, #tpu.memory_space<vmem>>, vector<16xf32>,
      %swap3A_1165 = arith.constant 336 : index
      %swap3A_1166 = tpu.vector_load %arg6[%swap3A_1165] {strides = array<i32>} : memref<1040xf32, #tpu.memory_space<vmem>>, vector<16xf32>,
      tpu.vector_store %arg6[%swap3A_1165], %broadcast_in_dim3A_5 {strides = array<i32>} : memref<1040xf32, #tpu.memory_space<vmem>>, vector<16xf32>,
      %swap3A_1167 = arith.constant 352 : index
      %swap3A_1168 = tpu.vector_load %arg6[%swap3A_1167] {strides = array<i32>} : memref<1040xf32, #tpu.memory_space<vmem>>, vector<16xf32>,
      tpu.vector_store %arg6[%swap3A_1167], %broadcast_in_dim3A_5 {strides = array<i32>} : memref<1040xf32, #tpu.memory_space<vmem>>, vector<16xf32>,
      %swap3A_1169 = arith.constant 368 : index
      %swap3A_1170 = tpu.vector_load %arg6[%swap3A_1169] {strides = array<i32>} : memref<1040xf32, #tpu.memory_space<vmem>>, vector<16xf32>,
      tpu.vector_store %arg6[%swap3A_1169], %broadcast_in_dim3A_5 {strides = array<i32>} : memref<1040xf32, #tpu.memory_space<vmem>>, vector<16xf32>,
      %swap3A_1171 = arith.constant 384 : index
      %swap3A_1172 = tpu.vector_load %arg6[%swap3A_1171] {strides = array<i32>} : memref<1040xf32, #tpu.memory_space<vmem>>, vector<16xf32>,
      tpu.vector_store %arg6[%swap3A_1171], %broadcast_in_dim3A_5 {strides = array<i32>} : memref<1040xf32, #tpu.memory_space<vmem>>, vector<16xf32>,
      %swap3A_1173 = arith.constant 400 : index
      %swap3A_1174 = tpu.vector_load %arg6[%swap3A_1173] {strides = array<i32>} : memref<1040xf32, #tpu.memory_space<vmem>>, vector<16xf32>,
      tpu.vector_store %arg6[%swap3A_1173], %broadcast_in_dim3A_5 {strides = array<i32>} : memref<1040xf32, #tpu.memory_space<vmem>>, vector<16xf32>,
      %swap3A_1175 = arith.constant 416 : index
      %swap3A_1176 = tpu.vector_load %arg6[%swap3A_1175] {strides = array<i32>} : memref<1040xf32, #tpu.memory_space<vmem>>, vector<16xf32>,
      tpu.vector_store %arg6[%swap3A_1175], %broadcast_in_dim3A_5 {strides = array<i32>} : memref<1040xf32, #tpu.memory_space<vmem>>, vector<16xf32>,
      %swap3A_1177 = arith.constant 432 : index
      %swap3A_1178 = tpu.vector_load %arg6[%swap3A_1177] {strides = array<i32>} : memref<1040xf32, #tpu.memory_space<vmem>>, vector<16xf32>,
      tpu.vector_store %arg6[%swap3A_1177], %broadcast_in_dim3A_5 {strides = array<i32>} : memref<1040xf32, #tpu.memory_space<vmem>>, vector<16xf32>,
      %swap3A_1179 = arith.constant 448 : index
      %swap3A_1180 = tpu.vector_load %arg6[%swap3A_1179] {strides = array<i32>} : memref<1040xf32, #tpu.memory_space<vmem>>, vector<16xf32>,
      tpu.vector_store %arg6[%swap3A_1179], %broadcast_in_dim3A_5 {strides = array<i32>} : memref<1040xf32, #tpu.memory_space<vmem>>, vector<16xf32>,
      %swap3A_1181 = arith.constant 464 : index
      %swap3A_1182 = tpu.vector_load %arg6[%swap3A_1181] {strides = array<i32>} : memref<1040xf32, #tpu.memory_space<vmem>>, vector<16xf32>,
      tpu.vector_store %arg6[%swap3A_1181], %broadcast_in_dim3A_5 {strides = array<i32>} : memref<1040xf32, #tpu.memory_space<vmem>>, vector<16xf32>,
      %swap3A_1183 = arith.constant 480 : index
      %swap3A_1184 = tpu.vector_load %arg6[%swap3A_1183] {strides = array<i32>} : memref<1040xf32, #tpu.memory_space<vmem>>, vector<16xf32>,
      tpu.vector_store %arg6[%swap3A_1183], %broadcast_in_dim3A_5 {strides = array<i32>} : memref<1040xf32, #tpu.memory_space<vmem>>, vector<16xf32>,
      %swap3A_1185 = arith.constant 496 : index
      %swap3A_1186 = tpu.vector_load %arg6[%swap3A_1185] {strides = array<i32>} : memref<1040xf32, #tpu.memory_space<vmem>>, vector<16xf32>,
      tpu.vector_store %arg6[%swap3A_1185], %broadcast_in_dim3A_5 {strides = array<i32>} : memref<1040xf32, #tpu.memory_space<vmem>>, vector<16xf32>,
      %swap3A_1187 = arith.constant 512 : index
      %swap3A_1188 = tpu.vector_load %arg6[%swap3A_1187] {strides = array<i32>} : memref<1040xf32, #tpu.memory_space<vmem>>, vector<16xf32>,
      tpu.vector_store %arg6[%swap3A_1187], %broadcast_in_dim3A_5 {strides = array<i32>} : memref<1040xf32, #tpu.memory_space<vmem>>, vector<16xf32>,
      %swap3A_1189 = arith.constant 528 : index
      %swap3A_1190 = tpu.vector_load %arg6[%swap3A_1189] {strides = array<i32>} : memref<1040xf32, #tpu.memory_space<vmem>>, vector<16xf32>,
      tpu.vector_store %arg6[%swap3A_1189], %broadcast_in_dim3A_5 {strides = array<i32>} : memref<1040xf32, #tpu.memory_space<vmem>>, vector<16xf32>,
      %swap3A_1191 = arith.constant 544 : index
      %swap3A_1192 = tpu.vector_load %arg6[%swap3A_1191] {strides = array<i32>} : memref<1040xf32, #tpu.memory_space<vmem>>, vector<16xf32>,
      tpu.vector_store %arg6[%swap3A_1191], %broadcast_in_dim3A_5 {strides = array<i32>} : memref<1040xf32, #tpu.memory_space<vmem>>, vector<16xf32>,
      %swap3A_1193 = arith.constant 560 : index
      %swap3A_1194 = tpu.vector_load %arg6[%swap3A_1193] {strides = array<i32>} : memref<1040xf32, #tpu.memory_space<vmem>>, vector<16xf32>,
      tpu.vector_store %arg6[%swap3A_1193], %broadcast_in_dim3A_5 {strides = array<i32>} : memref<1040xf32, #tpu.memory_space<vmem>>, vector<16xf32>,
      %swap3A_1195 = arith.constant 576 : index
      %swap3A_1196 = tpu.vector_load %arg6[%swap3A_1195] {strides = array<i32>} : memref<1040xf32, #tpu.memory_space<vmem>>, vector<16xf32>,
      tpu.vector_store %arg6[%swap3A_1195], %broadcast_in_dim3A_5 {strides = array<i32>} : memref<1040xf32, #tpu.memory_space<vmem>>, vector<16xf32>,
      %swap3A_1197 = arith.constant 592 : index
      %swap3A_1198 = tpu.vector_load %arg6[%swap3A_1197] {strides = array<i32>} : memref<1040xf32, #tpu.memory_space<vmem>>, vector<16xf32>,
      tpu.vector_store %arg6[%swap3A_1197], %broadcast_in_dim3A_5 {strides = array<i32>} : memref<1040xf32, #tpu.memory_space<vmem>>, vector<16xf32>,
      %swap3A_1199 = arith.constant 608 : index
      %swap3A_1200 = tpu.vector_load %arg6[%swap3A_1199] {strides = array<i32>} : memref<1040xf32, #tpu.memory_space<vmem>>, vector<16xf32>,
      tpu.vector_store %arg6[%swap3A_1199], %broadcast_in_dim3A_5 {strides = array<i32>} : memref<1040xf32, #tpu.memory_space<vmem>>, vector<16xf32>,
      %swap3A_1201 = arith.constant 624 : index
      %swap3A_1202 = tpu.vector_load %arg6[%swap3A_1201] {strides = array<i32>} : memref<1040xf32, #tpu.memory_space<vmem>>, vector<16xf32>,
      tpu.vector_store %arg6[%swap3A_1201], %broadcast_in_dim3A_5 {strides = array<i32>} : memref<1040xf32, #tpu.memory_space<vmem>>, vector<16xf32>,
      %swap3A_1203 = arith.constant 640 : index
      %swap3A_1204 = tpu.vector_load %arg6[%swap3A_1203] {strides = array<i32>} : memref<1040xf32, #tpu.memory_space<vmem>>, vector<16xf32>,
      tpu.vector_store %arg6[%swap3A_1203], %broadcast_in_dim3A_5 {strides = array<i32>} : memref<1040xf32, #tpu.memory_space<vmem>>, vector<16xf32>,
      %swap3A_1205 = arith.constant 656 : index
      %swap3A_1206 = tpu.vector_load %arg6[%swap3A_1205] {strides = array<i32>} : memref<1040xf32, #tpu.memory_space<vmem>>, vector<16xf32>,
      tpu.vector_store %arg6[%swap3A_1205], %broadcast_in_dim3A_5 {strides = array<i32>} : memref<1040xf32, #tpu.memory_space<vmem>>, vector<16xf32>,
      %swap3A_1207 = arith.constant 672 : index
      %swap3A_1208 = tpu.vector_load %arg6[%swap3A_1207] {strides = array<i32>} : memref<1040xf32, #tpu.memory_space<vmem>>, vector<16xf32>,
      tpu.vector_store %arg6[%swap3A_1207], %broadcast_in_dim3A_5 {strides = array<i32>} : memref<1040xf32, #tpu.memory_space<vmem>>, vector<16xf32>,
      %swap3A_1209 = arith.constant 688 : index
      %swap3A_1210 = tpu.vector_load %arg6[%swap3A_1209] {strides = array<i32>} : memref<1040xf32, #tpu.memory_space<vmem>>, vector<16xf32>,
      tpu.vector_store %arg6[%swap3A_1209], %broadcast_in_dim3A_5 {strides = array<i32>} : memref<1040xf32, #tpu.memory_space<vmem>>, vector<16xf32>,
      %swap3A_1211 = arith.constant 704 : index
      %swap3A_1212 = tpu.vector_load %arg6[%swap3A_1211] {strides = array<i32>} : memref<1040xf32, #tpu.memory_space<vmem>>, vector<16xf32>,
      tpu.vector_store %arg6[%swap3A_1211], %broadcast_in_dim3A_5 {strides = array<i32>} : memref<1040xf32, #tpu.memory_space<vmem>>, vector<16xf32>,
      %swap3A_1213 = arith.constant 720 : index
      %swap3A_1214 = tpu.vector_load %arg6[%swap3A_1213] {strides = array<i32>} : memref<1040xf32, #tpu.memory_space<vmem>>, vector<16xf32>,
      tpu.vector_store %arg6[%swap3A_1213], %broadcast_in_dim3A_5 {strides = array<i32>} : memref<1040xf32, #tpu.memory_space<vmem>>, vector<16xf32>,
      %swap3A_1215 = arith.constant 736 : index
      %swap3A_1216 = tpu.vector_load %arg6[%swap3A_1215] {strides = array<i32>} : memref<1040xf32, #tpu.memory_space<vmem>>, vector<16xf32>,
      tpu.vector_store %arg6[%swap3A_1215], %broadcast_in_dim3A_5 {strides = array<i32>} : memref<1040xf32, #tpu.memory_space<vmem>>, vector<16xf32>,
      %swap3A_1217 = arith.constant 752 : index
      %swap3A_1218 = tpu.vector_load %arg6[%swap3A_1217] {strides = array<i32>} : memref<1040xf32, #tpu.memory_space<vmem>>, vector<16xf32>,
      tpu.vector_store %arg6[%swap3A_1217], %broadcast_in_dim3A_5 {strides = array<i32>} : memref<1040xf32, #tpu.memory_space<vmem>>, vector<16xf32>,
      %swap3A_1219 = arith.constant 768 : index
      %swap3A_1220 = tpu.vector_load %arg6[%swap3A_1219] {strides = array<i32>} : memref<1040xf32, #tpu.memory_space<vmem>>, vector<16xf32>,
      tpu.vector_store %arg6[%swap3A_1219], %broadcast_in_dim3A_5 {strides = array<i32>} : memref<1040xf32, #tpu.memory_space<vmem>>, vector<16xf32>,
      %swap3A_1221 = arith.constant 784 : index
      %swap3A_1222 = tpu.vector_load %arg6[%swap3A_1221] {strides = array<i32>} : memref<1040xf32, #tpu.memory_space<vmem>>, vector<16xf32>,
      tpu.vector_store %arg6[%swap3A_1221], %broadcast_in_dim3A_5 {strides = array<i32>} : memref<1040xf32, #tpu.memory_space<vmem>>, vector<16xf32>,
      %swap3A_1223 = arith.constant 800 : index
      %swap3A_1224 = tpu.vector_load %arg6[%swap3A_1223] {strides = array<i32>} : memref<1040xf32, #tpu.memory_space<vmem>>, vector<16xf32>,
      tpu.vector_store %arg6[%swap3A_1223], %broadcast_in_dim3A_5 {strides = array<i32>} : memref<1040xf32, #tpu.memory_space<vmem>>, vector<16xf32>,
      %swap3A_1225 = arith.constant 816 : index
      %swap3A_1226 = tpu.vector_load %arg6[%swap3A_1225] {strides = array<i32>} : memref<1040xf32, #tpu.memory_space<vmem>>, vector<16xf32>,
      tpu.vector_store %arg6[%swap3A_1225], %broadcast_in_dim3A_5 {strides = array<i32>} : memref<1040xf32, #tpu.memory_space<vmem>>, vector<16xf32>,
      %swap3A_1227 = arith.constant 832 : index
      %swap3A_1228 = tpu.vector_load %arg6[%swap3A_1227] {strides = array<i32>} : memref<1040xf32, #tpu.memory_space<vmem>>, vector<16xf32>,
      tpu.vector_store %arg6[%swap3A_1227], %broadcast_in_dim3A_5 {strides = array<i32>} : memref<1040xf32, #tpu.memory_space<vmem>>, vector<16xf32>,
      %swap3A_1229 = arith.constant 848 : index
      %swap3A_1230 = tpu.vector_load %arg6[%swap3A_1229] {strides = array<i32>} : memref<1040xf32, #tpu.memory_space<vmem>>, vector<16xf32>,
      tpu.vector_store %arg6[%swap3A_1229], %broadcast_in_dim3A_5 {strides = array<i32>} : memref<1040xf32, #tpu.memory_space<vmem>>, vector<16xf32>,
      %swap3A_1231 = arith.constant 864 : index
      %swap3A_1232 = tpu.vector_load %arg6[%swap3A_1231] {strides = array<i32>} : memref<1040xf32, #tpu.memory_space<vmem>>, vector<16xf32>,
      tpu.vector_store %arg6[%swap3A_1231], %broadcast_in_dim3A_5 {strides = array<i32>} : memref<1040xf32, #tpu.memory_space<vmem>>, vector<16xf32>,
      %swap3A_1233 = arith.constant 880 : index
      %swap3A_1234 = tpu.vector_load %arg6[%swap3A_1233] {strides = array<i32>} : memref<1040xf32, #tpu.memory_space<vmem>>, vector<16xf32>,
      tpu.vector_store %arg6[%swap3A_1233], %broadcast_in_dim3A_5 {strides = array<i32>} : memref<1040xf32, #tpu.memory_space<vmem>>, vector<16xf32>,
      %swap3A_1235 = arith.constant 896 : index
      %swap3A_1236 = tpu.vector_load %arg6[%swap3A_1235] {strides = array<i32>} : memref<1040xf32, #tpu.memory_space<vmem>>, vector<16xf32>,
      tpu.vector_store %arg6[%swap3A_1235], %broadcast_in_dim3A_5 {strides = array<i32>} : memref<1040xf32, #tpu.memory_space<vmem>>, vector<16xf32>,
      %swap3A_1237 = arith.constant 912 : index
      %swap3A_1238 = tpu.vector_load %arg6[%swap3A_1237] {strides = array<i32>} : memref<1040xf32, #tpu.memory_space<vmem>>, vector<16xf32>,
      tpu.vector_store %arg6[%swap3A_1237], %broadcast_in_dim3A_5 {strides = array<i32>} : memref<1040xf32, #tpu.memory_space<vmem>>, vector<16xf32>,
      %swap3A_1239 = arith.constant 928 : index
      %swap3A_1240 = tpu.vector_load %arg6[%swap3A_1239] {strides = array<i32>} : memref<1040xf32, #tpu.memory_space<vmem>>, vector<16xf32>,
      tpu.vector_store %arg6[%swap3A_1239], %broadcast_in_dim3A_5 {strides = array<i32>} : memref<1040xf32, #tpu.memory_space<vmem>>, vector<16xf32>,
      %swap3A_1241 = arith.constant 944 : index
      %swap3A_1242 = tpu.vector_load %arg6[%swap3A_1241] {strides = array<i32>} : memref<1040xf32, #tpu.memory_space<vmem>>, vector<16xf32>,
      tpu.vector_store %arg6[%swap3A_1241], %broadcast_in_dim3A_5 {strides = array<i32>} : memref<1040xf32, #tpu.memory_space<vmem>>, vector<16xf32>,
      %swap3A_1243 = arith.constant 960 : index
      %swap3A_1244 = tpu.vector_load %arg6[%swap3A_1243] {strides = array<i32>} : memref<1040xf32, #tpu.memory_space<vmem>>, vector<16xf32>,
      tpu.vector_store %arg6[%swap3A_1243], %broadcast_in_dim3A_5 {strides = array<i32>} : memref<1040xf32, #tpu.memory_space<vmem>>, vector<16xf32>,
      %swap3A_1245 = arith.constant 976 : index
      %swap3A_1246 = tpu.vector_load %arg6[%swap3A_1245] {strides = array<i32>} : memref<1040xf32, #tpu.memory_space<vmem>>, vector<16xf32>,
      tpu.vector_store %arg6[%swap3A_1245], %broadcast_in_dim3A_5 {strides = array<i32>} : memref<1040xf32, #tpu.memory_space<vmem>>, vector<16xf32>,
      %swap3A_1247 = arith.constant 992 : index
      %swap3A_1248 = tpu.vector_load %arg6[%swap3A_1247] {strides = array<i32>} : memref<1040xf32, #tpu.memory_space<vmem>>, vector<16xf32>,
      tpu.vector_store %arg6[%swap3A_1247], %broadcast_in_dim3A_5 {strides = array<i32>} : memref<1040xf32, #tpu.memory_space<vmem>>, vector<16xf32>,
      %swap3A_1249 = arith.constant 1008 : index
      %swap3A_1250 = tpu.vector_load %arg6[%swap3A_1249] {strides = array<i32>} : memref<1040xf32, #tpu.memory_space<vmem>>, vector<16xf32>,
      tpu.vector_store %arg6[%swap3A_1249], %broadcast_in_dim3A_5 {strides = array<i32>} : memref<1040xf32, #tpu.memory_space<vmem>>, vector<16xf32>,
      %swap3A_1251 = arith.constant 1024 : index
      %swap3A_1252 = tpu.vector_load %arg6[%swap3A_1251] {strides = array<i32>} : memref<1040xf32, #tpu.memory_space<vmem>>, vector<16xf32>,
      tpu.vector_store %arg6[%swap3A_1251], %broadcast_in_dim3A_5 {strides = array<i32>} : memref<1040xf32, #tpu.memory_space<vmem>>, vector<16xf32>,
      %parallel_loop3A_1253 = arith.constant 0 : i32
      %parallel_loop3A_1254 = arith.constant 2048 : i32
      %parallel_loop3A_1255 = arith.constant 1 : i32
      scf.for %parallel_loop3A_2203 = %parallel_loop3A_1253 to %parallel_loop3A_1254 step %parallel_loop3A_1255  : i32 {
        %parallel_loop3A_2204 = arith.constant -128 : i32
        %parallel_loop3A_2205 = arith.andi %parallel_loop3A_2203, %parallel_loop3A_2204 : i32
        %parallel_loop3A_2206 = vector.broadcast %parallel_loop3A_2203 : i32 to vector<16xi32>
        %parallel_loop3A_2207 = arith.addi %iota3A, %parallel_loop3A_2206 : vector<16xi32>
        %parallel_loop3A_2208 = arith.constant 127 : i32
        %parallel_loop3A_2209 = vector.broadcast %parallel_loop3A_2208 : i32 to vector<16xi32>
        %parallel_loop3A_2210 = arith.andi %parallel_loop3A_2207, %parallel_loop3A_2209 : vector<16xi32>
        %parallel_loop3A_2211 = vector.broadcast %parallel_loop3A_2205 : i32 to vector<16xi32>
        %parallel_loop3A_2212 = arith.addi %parallel_loop3A_2211, %parallel_loop3A_2210 : vector<16xi32>
        %parallel_loop3A_2213 = tpu.vector_load_idx %arg5[%iota3A, %parallel_loop3A_2212] : memref<16x2048xi32, #tpu.memory_space<vmem>>[vector<16xi32>, vector<16xi32>], vector<16xi32>,
        %parallel_loop3A_2214 = arith.constant 4 : i32
        %parallel_loop3A_2215 = vector.broadcast %parallel_loop3A_2214 : i32 to vector<16xi32>
        %parallel_loop3A_2216 = arith.shli %parallel_loop3A_2213, %parallel_loop3A_2215 : vector<16xi32>
        %parallel_loop3A_2217 = arith.ori %parallel_loop3A_2216, %iota3A : vector<16xi32>
        tpu.vector_store_idx %arg6[%parallel_loop3A_2217], %broadcast_in_dim3A_3 {add = true} : memref<1040xf32, #tpu.memory_space<vmem>>[vector<16xi32>], vector<16xf32>,
      } {sc.loop_unroll_factor = 16 : i64, sc.parallel_access}
      %shift_left3A_1256 = arith.constant 4 : i32
      %shift_left3A_1257 = vector.broadcast %shift_left3A_1256 : i32 to vector<16xi32>
      %shift_left3A_1258 = arith.shli %iota3A, %shift_left3A_1257 : vector<16xi32>
      %add3A_1259 = arith.constant 16 : i32
      %add3A_1260 = vector.broadcast %add3A_1259 : i32 to vector<16xi32>
      %add3A_1261 = arith.addi %shift_left3A_1258, %add3A_1260 : vector<16xi32>
      %gather3A_1262 = tpu.vector_load_idx %arg6[%add3A_1261] : memref<1040xf32, #tpu.memory_space<vmem>>[vector<16xi32>], vector<16xf32>,
      %shift_left3A_1263 = arith.constant 4 : i32
      %shift_left3A_1264 = vector.broadcast %shift_left3A_1263 : i32 to vector<16xi32>
      %shift_left3A_1265 = arith.shli %iota3A, %shift_left3A_1264 : vector<16xi32>
      %add3A_1266 = arith.constant 272 : i32
      %add3A_1267 = vector.broadcast %add3A_1266 : i32 to vector<16xi32>
      %add3A_1268 = arith.addi %shift_left3A_1265, %add3A_1267 : vector<16xi32>
      %gather3A_1269 = tpu.vector_load_idx %arg6[%add3A_1268] : memref<1040xf32, #tpu.memory_space<vmem>>[vector<16xi32>], vector<16xf32>,
      %shift_left3A_1270 = arith.constant 4 : i32
      %shift_left3A_1271 = vector.broadcast %shift_left3A_1270 : i32 to vector<16xi32>
      %shift_left3A_1272 = arith.shli %iota3A, %shift_left3A_1271 : vector<16xi32>
      %add3A_1273 = arith.constant 528 : i32
      %add3A_1274 = vector.broadcast %add3A_1273 : i32 to vector<16xi32>
      %add3A_1275 = arith.addi %shift_left3A_1272, %add3A_1274 : vector<16xi32>
      %gather3A_1276 = tpu.vector_load_idx %arg6[%add3A_1275] : memref<1040xf32, #tpu.memory_space<vmem>>[vector<16xi32>], vector<16xf32>,
      %shift_left3A_1277 = arith.constant 4 : i32
      %shift_left3A_1278 = vector.broadcast %shift_left3A_1277 : i32 to vector<16xi32>
      %shift_left3A_1279 = arith.shli %iota3A, %shift_left3A_1278 : vector<16xi32>
      %add3A_1280 = arith.constant 784 : i32
      %add3A_1281 = vector.broadcast %add3A_1280 : i32 to vector<16xi32>
      %add3A_1282 = arith.addi %shift_left3A_1279, %add3A_1281 : vector<16xi32>
      %gather3A_1283 = tpu.vector_load_idx %arg6[%add3A_1282] : memref<1040xf32, #tpu.memory_space<vmem>>[vector<16xi32>], vector<16xf32>,
      %add3A_1284 = arith.addf %gather3A_1262, %gather3A_1269 : vector<16xf32>
      %add3A_1285 = arith.addf %add3A_1284, %gather3A_1276 : vector<16xf32>
      %add3A_1286 = arith.addf %add3A_1285, %gather3A_1283 : vector<16xf32>
      %reduce_sum3A_1287 = arith.constant true
      %reduce_sum3A_1288 = vector.broadcast %reduce_sum3A_1287 : i1 to vector<16xi1>
      %reduce_sum3A_1289 = tpu.scan <sum>, %add3A_1286 masked %reduce_sum3A_1288 : vector<16xf32>, vector<16xi1> -> vector<16xf32>
      %reduce_sum3A_1290 = vector.extract %reduce_sum3A_1289[15] : f32 from vector<16xf32>
      %div3A_1291 = vector.broadcast %reduce_sum3A_1290 : f32 to vector<16xf32>
      %div3A_1292 = arith.divf %gather3A_1262, %div3A_1291 : vector<16xf32>
      %swap3A_1293 = arith.constant 0 : i32
      %swap3A_1294 = arith.index_cast %swap3A_1293 : i32 to index
      %swap3A_1295 = arith.constant 0 : index
      %swap3A_1296 = tpu.vector_load %arg7[%swap3A_1294, %swap3A_1295] {strides = array<i32>} : memref<16x64xf32, #tpu.memory_space<vmem>>, vector<16xf32>,
      tpu.vector_store %arg7[%swap3A_1294, %swap3A_1295], %div3A_1292 {strides = array<i32>} : memref<16x64xf32, #tpu.memory_space<vmem>>, vector<16xf32>,
      %div3A_1297 = vector.broadcast %reduce_sum3A_1290 : f32 to vector<16xf32>
      %div3A_1298 = arith.divf %gather3A_1269, %div3A_1297 : vector<16xf32>
      %swap3A_1299 = arith.constant 0 : i32
      %swap3A_1300 = arith.index_cast %swap3A_1299 : i32 to index
      %swap3A_1301 = arith.constant 16 : index
      %swap3A_1302 = tpu.vector_load %arg7[%swap3A_1300, %swap3A_1301] {strides = array<i32>} : memref<16x64xf32, #tpu.memory_space<vmem>>, vector<16xf32>,
      tpu.vector_store %arg7[%swap3A_1300, %swap3A_1301], %div3A_1298 {strides = array<i32>} : memref<16x64xf32, #tpu.memory_space<vmem>>, vector<16xf32>,
      %div3A_1303 = vector.broadcast %reduce_sum3A_1290 : f32 to vector<16xf32>
      %div3A_1304 = arith.divf %gather3A_1276, %div3A_1303 : vector<16xf32>
      %swap3A_1305 = arith.constant 0 : i32
      %swap3A_1306 = arith.index_cast %swap3A_1305 : i32 to index
      %swap3A_1307 = arith.constant 32 : index
      %swap3A_1308 = tpu.vector_load %arg7[%swap3A_1306, %swap3A_1307] {strides = array<i32>} : memref<16x64xf32, #tpu.memory_space<vmem>>, vector<16xf32>,
      tpu.vector_store %arg7[%swap3A_1306, %swap3A_1307], %div3A_1304 {strides = array<i32>} : memref<16x64xf32, #tpu.memory_space<vmem>>, vector<16xf32>,
      %div3A_1309 = vector.broadcast %reduce_sum3A_1290 : f32 to vector<16xf32>
      %div3A_1310 = arith.divf %gather3A_1283, %div3A_1309 : vector<16xf32>
      %swap3A_1311 = arith.constant 0 : i32
      %swap3A_1312 = arith.index_cast %swap3A_1311 : i32 to index
      %swap3A_1313 = arith.constant 48 : index
      %swap3A_1314 = tpu.vector_load %arg7[%swap3A_1312, %swap3A_1313] {strides = array<i32>} : memref<16x64xf32, #tpu.memory_space<vmem>>, vector<16xf32>,
      tpu.vector_store %arg7[%swap3A_1312, %swap3A_1313], %div3A_1310 {strides = array<i32>} : memref<16x64xf32, #tpu.memory_space<vmem>>, vector<16xf32>,
      %shift_left3A_1315 = arith.constant 4 : i32
      %shift_left3A_1316 = vector.broadcast %shift_left3A_1315 : i32 to vector<16xi32>
      %shift_left3A_1317 = arith.shli %iota3A, %shift_left3A_1316 : vector<16xi32>
      %add3A_1318 = arith.constant 17 : i32
      %add3A_1319 = vector.broadcast %add3A_1318 : i32 to vector<16xi32>
      %add3A_1320 = arith.addi %shift_left3A_1317, %add3A_1319 : vector<16xi32>
      %gather3A_1321 = tpu.vector_load_idx %arg6[%add3A_1320] : memref<1040xf32, #tpu.memory_space<vmem>>[vector<16xi32>], vector<16xf32>,
      %shift_left3A_1322 = arith.constant 4 : i32
      %shift_left3A_1323 = vector.broadcast %shift_left3A_1322 : i32 to vector<16xi32>
      %shift_left3A_1324 = arith.shli %iota3A, %shift_left3A_1323 : vector<16xi32>
      %add3A_1325 = arith.constant 273 : i32
      %add3A_1326 = vector.broadcast %add3A_1325 : i32 to vector<16xi32>
      %add3A_1327 = arith.addi %shift_left3A_1324, %add3A_1326 : vector<16xi32>
      %gather3A_1328 = tpu.vector_load_idx %arg6[%add3A_1327] : memref<1040xf32, #tpu.memory_space<vmem>>[vector<16xi32>], vector<16xf32>,
      %shift_left3A_1329 = arith.constant 4 : i32
      %shift_left3A_1330 = vector.broadcast %shift_left3A_1329 : i32 to vector<16xi32>
      %shift_left3A_1331 = arith.shli %iota3A, %shift_left3A_1330 : vector<16xi32>
      %add3A_1332 = arith.constant 529 : i32
      %add3A_1333 = vector.broadcast %add3A_1332 : i32 to vector<16xi32>
      %add3A_1334 = arith.addi %shift_left3A_1331, %add3A_1333 : vector<16xi32>
      %gather3A_1335 = tpu.vector_load_idx %arg6[%add3A_1334] : memref<1040xf32, #tpu.memory_space<vmem>>[vector<16xi32>], vector<16xf32>,
      %shift_left3A_1336 = arith.constant 4 : i32
      %shift_left3A_1337 = vector.broadcast %shift_left3A_1336 : i32 to vector<16xi32>
      %shift_left3A_1338 = arith.shli %iota3A, %shift_left3A_1337 : vector<16xi32>
      %add3A_1339 = arith.constant 785 : i32
      %add3A_1340 = vector.broadcast %add3A_1339 : i32 to vector<16xi32>
      %add3A_1341 = arith.addi %shift_left3A_1338, %add3A_1340 : vector<16xi32>
      %gather3A_1342 = tpu.vector_load_idx %arg6[%add3A_1341] : memref<1040xf32, #tpu.memory_space<vmem>>[vector<16xi32>], vector<16xf32>,
      %add3A_1343 = arith.addf %gather3A_1321, %gather3A_1328 : vector<16xf32>
      %add3A_1344 = arith.addf %add3A_1343, %gather3A_1335 : vector<16xf32>
      %add3A_1345 = arith.addf %add3A_1344, %gather3A_1342 : vector<16xf32>
      %reduce_sum3A_1346 = arith.constant true
      %reduce_sum3A_1347 = vector.broadcast %reduce_sum3A_1346 : i1 to vector<16xi1>
      %reduce_sum3A_1348 = tpu.scan <sum>, %add3A_1345 masked %reduce_sum3A_1347 : vector<16xf32>, vector<16xi1> -> vector<16xf32>
      %reduce_sum3A_1349 = vector.extract %reduce_sum3A_1348[15] : f32 from vector<16xf32>
      %div3A_1350 = vector.broadcast %reduce_sum3A_1349 : f32 to vector<16xf32>
      %div3A_1351 = arith.divf %gather3A_1321, %div3A_1350 : vector<16xf32>
      %swap3A_1352 = arith.constant 1 : i32
      %swap3A_1353 = arith.index_cast %swap3A_1352 : i32 to index
      %swap3A_1354 = arith.constant 0 : index
      %swap3A_1355 = tpu.vector_load %arg7[%swap3A_1353, %swap3A_1354] {strides = array<i32>} : memref<16x64xf32, #tpu.memory_space<vmem>>, vector<16xf32>,
      tpu.vector_store %arg7[%swap3A_1353, %swap3A_1354], %div3A_1351 {strides = array<i32>} : memref<16x64xf32, #tpu.memory_space<vmem>>, vector<16xf32>,
      %div3A_1356 = vector.broadcast %reduce_sum3A_1349 : f32 to vector<16xf32>
      %div3A_1357 = arith.divf %gather3A_1328, %div3A_1356 : vector<16xf32>
      %swap3A_1358 = arith.constant 1 : i32
      %swap3A_1359 = arith.index_cast %swap3A_1358 : i32 to index
      %swap3A_1360 = arith.constant 16 : index
      %swap3A_1361 = tpu.vector_load %arg7[%swap3A_1359, %swap3A_1360] {strides = array<i32>} : memref<16x64xf32, #tpu.memory_space<vmem>>, vector<16xf32>,
      tpu.vector_store %arg7[%swap3A_1359, %swap3A_1360], %div3A_1357 {strides = array<i32>} : memref<16x64xf32, #tpu.memory_space<vmem>>, vector<16xf32>,
      %div3A_1362 = vector.broadcast %reduce_sum3A_1349 : f32 to vector<16xf32>
      %div3A_1363 = arith.divf %gather3A_1335, %div3A_1362 : vector<16xf32>
      %swap3A_1364 = arith.constant 1 : i32
      %swap3A_1365 = arith.index_cast %swap3A_1364 : i32 to index
      %swap3A_1366 = arith.constant 32 : index
      %swap3A_1367 = tpu.vector_load %arg7[%swap3A_1365, %swap3A_1366] {strides = array<i32>} : memref<16x64xf32, #tpu.memory_space<vmem>>, vector<16xf32>,
      tpu.vector_store %arg7[%swap3A_1365, %swap3A_1366], %div3A_1363 {strides = array<i32>} : memref<16x64xf32, #tpu.memory_space<vmem>>, vector<16xf32>,
      %div3A_1368 = vector.broadcast %reduce_sum3A_1349 : f32 to vector<16xf32>
      %div3A_1369 = arith.divf %gather3A_1342, %div3A_1368 : vector<16xf32>
      %swap3A_1370 = arith.constant 1 : i32
      %swap3A_1371 = arith.index_cast %swap3A_1370 : i32 to index
      %swap3A_1372 = arith.constant 48 : index
      %swap3A_1373 = tpu.vector_load %arg7[%swap3A_1371, %swap3A_1372] {strides = array<i32>} : memref<16x64xf32, #tpu.memory_space<vmem>>, vector<16xf32>,
      tpu.vector_store %arg7[%swap3A_1371, %swap3A_1372], %div3A_1369 {strides = array<i32>} : memref<16x64xf32, #tpu.memory_space<vmem>>, vector<16xf32>,
      %shift_left3A_1374 = arith.constant 4 : i32
      %shift_left3A_1375 = vector.broadcast %shift_left3A_1374 : i32 to vector<16xi32>
      %shift_left3A_1376 = arith.shli %iota3A, %shift_left3A_1375 : vector<16xi32>
      %add3A_1377 = arith.constant 18 : i32
      %add3A_1378 = vector.broadcast %add3A_1377 : i32 to vector<16xi32>
      %add3A_1379 = arith.addi %shift_left3A_1376, %add3A_1378 : vector<16xi32>
      %gather3A_1380 = tpu.vector_load_idx %arg6[%add3A_1379] : memref<1040xf32, #tpu.memory_space<vmem>>[vector<16xi32>], vector<16xf32>,
      %shift_left3A_1381 = arith.constant 4 : i32
      %shift_left3A_1382 = vector.broadcast %shift_left3A_1381 : i32 to vector<16xi32>
      %shift_left3A_1383 = arith.shli %iota3A, %shift_left3A_1382 : vector<16xi32>
      %add3A_1384 = arith.constant 274 : i32
      %add3A_1385 = vector.broadcast %add3A_1384 : i32 to vector<16xi32>
      %add3A_1386 = arith.addi %shift_left3A_1383, %add3A_1385 : vector<16xi32>
      %gather3A_1387 = tpu.vector_load_idx %arg6[%add3A_1386] : memref<1040xf32, #tpu.memory_space<vmem>>[vector<16xi32>], vector<16xf32>,
      %shift_left3A_1388 = arith.constant 4 : i32
      %shift_left3A_1389 = vector.broadcast %shift_left3A_1388 : i32 to vector<16xi32>
      %shift_left3A_1390 = arith.shli %iota3A, %shift_left3A_1389 : vector<16xi32>
      %add3A_1391 = arith.constant 530 : i32
      %add3A_1392 = vector.broadcast %add3A_1391 : i32 to vector<16xi32>
      %add3A_1393 = arith.addi %shift_left3A_1390, %add3A_1392 : vector<16xi32>
      %gather3A_1394 = tpu.vector_load_idx %arg6[%add3A_1393] : memref<1040xf32, #tpu.memory_space<vmem>>[vector<16xi32>], vector<16xf32>,
      %shift_left3A_1395 = arith.constant 4 : i32
      %shift_left3A_1396 = vector.broadcast %shift_left3A_1395 : i32 to vector<16xi32>
      %shift_left3A_1397 = arith.shli %iota3A, %shift_left3A_1396 : vector<16xi32>
      %add3A_1398 = arith.constant 786 : i32
      %add3A_1399 = vector.broadcast %add3A_1398 : i32 to vector<16xi32>
      %add3A_1400 = arith.addi %shift_left3A_1397, %add3A_1399 : vector<16xi32>
      %gather3A_1401 = tpu.vector_load_idx %arg6[%add3A_1400] : memref<1040xf32, #tpu.memory_space<vmem>>[vector<16xi32>], vector<16xf32>,
      %add3A_1402 = arith.addf %gather3A_1380, %gather3A_1387 : vector<16xf32>
      %add3A_1403 = arith.addf %add3A_1402, %gather3A_1394 : vector<16xf32>
      %add3A_1404 = arith.addf %add3A_1403, %gather3A_1401 : vector<16xf32>
      %reduce_sum3A_1405 = arith.constant true
      %reduce_sum3A_1406 = vector.broadcast %reduce_sum3A_1405 : i1 to vector<16xi1>
      %reduce_sum3A_1407 = tpu.scan <sum>, %add3A_1404 masked %reduce_sum3A_1406 : vector<16xf32>, vector<16xi1> -> vector<16xf32>
      %reduce_sum3A_1408 = vector.extract %reduce_sum3A_1407[15] : f32 from vector<16xf32>
      %div3A_1409 = vector.broadcast %reduce_sum3A_1408 : f32 to vector<16xf32>
      %div3A_1410 = arith.divf %gather3A_1380, %div3A_1409 : vector<16xf32>
      %swap3A_1411 = arith.constant 2 : i32
      %swap3A_1412 = arith.index_cast %swap3A_1411 : i32 to index
      %swap3A_1413 = arith.constant 0 : index
      %swap3A_1414 = tpu.vector_load %arg7[%swap3A_1412, %swap3A_1413] {strides = array<i32>} : memref<16x64xf32, #tpu.memory_space<vmem>>, vector<16xf32>,
      tpu.vector_store %arg7[%swap3A_1412, %swap3A_1413], %div3A_1410 {strides = array<i32>} : memref<16x64xf32, #tpu.memory_space<vmem>>, vector<16xf32>,
      %div3A_1415 = vector.broadcast %reduce_sum3A_1408 : f32 to vector<16xf32>
      %div3A_1416 = arith.divf %gather3A_1387, %div3A_1415 : vector<16xf32>
      %swap3A_1417 = arith.constant 2 : i32
      %swap3A_1418 = arith.index_cast %swap3A_1417 : i32 to index
      %swap3A_1419 = arith.constant 16 : index
      %swap3A_1420 = tpu.vector_load %arg7[%swap3A_1418, %swap3A_1419] {strides = array<i32>} : memref<16x64xf32, #tpu.memory_space<vmem>>, vector<16xf32>,
      tpu.vector_store %arg7[%swap3A_1418, %swap3A_1419], %div3A_1416 {strides = array<i32>} : memref<16x64xf32, #tpu.memory_space<vmem>>, vector<16xf32>,
      %div3A_1421 = vector.broadcast %reduce_sum3A_1408 : f32 to vector<16xf32>
      %div3A_1422 = arith.divf %gather3A_1394, %div3A_1421 : vector<16xf32>
      %swap3A_1423 = arith.constant 2 : i32
      %swap3A_1424 = arith.index_cast %swap3A_1423 : i32 to index
      %swap3A_1425 = arith.constant 32 : index
      %swap3A_1426 = tpu.vector_load %arg7[%swap3A_1424, %swap3A_1425] {strides = array<i32>} : memref<16x64xf32, #tpu.memory_space<vmem>>, vector<16xf32>,
      tpu.vector_store %arg7[%swap3A_1424, %swap3A_1425], %div3A_1422 {strides = array<i32>} : memref<16x64xf32, #tpu.memory_space<vmem>>, vector<16xf32>,
      %div3A_1427 = vector.broadcast %reduce_sum3A_1408 : f32 to vector<16xf32>
      %div3A_1428 = arith.divf %gather3A_1401, %div3A_1427 : vector<16xf32>
      %swap3A_1429 = arith.constant 2 : i32
      %swap3A_1430 = arith.index_cast %swap3A_1429 : i32 to index
      %swap3A_1431 = arith.constant 48 : index
      %swap3A_1432 = tpu.vector_load %arg7[%swap3A_1430, %swap3A_1431] {strides = array<i32>} : memref<16x64xf32, #tpu.memory_space<vmem>>, vector<16xf32>,
      tpu.vector_store %arg7[%swap3A_1430, %swap3A_1431], %div3A_1428 {strides = array<i32>} : memref<16x64xf32, #tpu.memory_space<vmem>>, vector<16xf32>,
      %shift_left3A_1433 = arith.constant 4 : i32
      %shift_left3A_1434 = vector.broadcast %shift_left3A_1433 : i32 to vector<16xi32>
      %shift_left3A_1435 = arith.shli %iota3A, %shift_left3A_1434 : vector<16xi32>
      %add3A_1436 = arith.constant 19 : i32
      %add3A_1437 = vector.broadcast %add3A_1436 : i32 to vector<16xi32>
      %add3A_1438 = arith.addi %shift_left3A_1435, %add3A_1437 : vector<16xi32>
      %gather3A_1439 = tpu.vector_load_idx %arg6[%add3A_1438] : memref<1040xf32, #tpu.memory_space<vmem>>[vector<16xi32>], vector<16xf32>,
      %shift_left3A_1440 = arith.constant 4 : i32
      %shift_left3A_1441 = vector.broadcast %shift_left3A_1440 : i32 to vector<16xi32>
      %shift_left3A_1442 = arith.shli %iota3A, %shift_left3A_1441 : vector<16xi32>
      %add3A_1443 = arith.constant 275 : i32
      %add3A_1444 = vector.broadcast %add3A_1443 : i32 to vector<16xi32>
      %add3A_1445 = arith.addi %shift_left3A_1442, %add3A_1444 : vector<16xi32>
      %gather3A_1446 = tpu.vector_load_idx %arg6[%add3A_1445] : memref<1040xf32, #tpu.memory_space<vmem>>[vector<16xi32>], vector<16xf32>,
      %shift_left3A_1447 = arith.constant 4 : i32
      %shift_left3A_1448 = vector.broadcast %shift_left3A_1447 : i32 to vector<16xi32>
      %shift_left3A_1449 = arith.shli %iota3A, %shift_left3A_1448 : vector<16xi32>
      %add3A_1450 = arith.constant 531 : i32
      %add3A_1451 = vector.broadcast %add3A_1450 : i32 to vector<16xi32>
      %add3A_1452 = arith.addi %shift_left3A_1449, %add3A_1451 : vector<16xi32>
      %gather3A_1453 = tpu.vector_load_idx %arg6[%add3A_1452] : memref<1040xf32, #tpu.memory_space<vmem>>[vector<16xi32>], vector<16xf32>,
      %shift_left3A_1454 = arith.constant 4 : i32
      %shift_left3A_1455 = vector.broadcast %shift_left3A_1454 : i32 to vector<16xi32>
      %shift_left3A_1456 = arith.shli %iota3A, %shift_left3A_1455 : vector<16xi32>
      %add3A_1457 = arith.constant 787 : i32
      %add3A_1458 = vector.broadcast %add3A_1457 : i32 to vector<16xi32>
      %add3A_1459 = arith.addi %shift_left3A_1456, %add3A_1458 : vector<16xi32>
      %gather3A_1460 = tpu.vector_load_idx %arg6[%add3A_1459] : memref<1040xf32, #tpu.memory_space<vmem>>[vector<16xi32>], vector<16xf32>,
      %add3A_1461 = arith.addf %gather3A_1439, %gather3A_1446 : vector<16xf32>
      %add3A_1462 = arith.addf %add3A_1461, %gather3A_1453 : vector<16xf32>
      %add3A_1463 = arith.addf %add3A_1462, %gather3A_1460 : vector<16xf32>
      %reduce_sum3A_1464 = arith.constant true
      %reduce_sum3A_1465 = vector.broadcast %reduce_sum3A_1464 : i1 to vector<16xi1>
      %reduce_sum3A_1466 = tpu.scan <sum>, %add3A_1463 masked %reduce_sum3A_1465 : vector<16xf32>, vector<16xi1> -> vector<16xf32>
      %reduce_sum3A_1467 = vector.extract %reduce_sum3A_1466[15] : f32 from vector<16xf32>
      %div3A_1468 = vector.broadcast %reduce_sum3A_1467 : f32 to vector<16xf32>
      %div3A_1469 = arith.divf %gather3A_1439, %div3A_1468 : vector<16xf32>
      %swap3A_1470 = arith.constant 3 : i32
      %swap3A_1471 = arith.index_cast %swap3A_1470 : i32 to index
      %swap3A_1472 = arith.constant 0 : index
      %swap3A_1473 = tpu.vector_load %arg7[%swap3A_1471, %swap3A_1472] {strides = array<i32>} : memref<16x64xf32, #tpu.memory_space<vmem>>, vector<16xf32>,
      tpu.vector_store %arg7[%swap3A_1471, %swap3A_1472], %div3A_1469 {strides = array<i32>} : memref<16x64xf32, #tpu.memory_space<vmem>>, vector<16xf32>,
      %div3A_1474 = vector.broadcast %reduce_sum3A_1467 : f32 to vector<16xf32>
      %div3A_1475 = arith.divf %gather3A_1446, %div3A_1474 : vector<16xf32>
      %swap3A_1476 = arith.constant 3 : i32
      %swap3A_1477 = arith.index_cast %swap3A_1476 : i32 to index
      %swap3A_1478 = arith.constant 16 : index
      %swap3A_1479 = tpu.vector_load %arg7[%swap3A_1477, %swap3A_1478] {strides = array<i32>} : memref<16x64xf32, #tpu.memory_space<vmem>>, vector<16xf32>,
      tpu.vector_store %arg7[%swap3A_1477, %swap3A_1478], %div3A_1475 {strides = array<i32>} : memref<16x64xf32, #tpu.memory_space<vmem>>, vector<16xf32>,
      %div3A_1480 = vector.broadcast %reduce_sum3A_1467 : f32 to vector<16xf32>
      %div3A_1481 = arith.divf %gather3A_1453, %div3A_1480 : vector<16xf32>
      %swap3A_1482 = arith.constant 3 : i32
      %swap3A_1483 = arith.index_cast %swap3A_1482 : i32 to index
      %swap3A_1484 = arith.constant 32 : index
      %swap3A_1485 = tpu.vector_load %arg7[%swap3A_1483, %swap3A_1484] {strides = array<i32>} : memref<16x64xf32, #tpu.memory_space<vmem>>, vector<16xf32>,
      tpu.vector_store %arg7[%swap3A_1483, %swap3A_1484], %div3A_1481 {strides = array<i32>} : memref<16x64xf32, #tpu.memory_space<vmem>>, vector<16xf32>,
      %div3A_1486 = vector.broadcast %reduce_sum3A_1467 : f32 to vector<16xf32>
      %div3A_1487 = arith.divf %gather3A_1460, %div3A_1486 : vector<16xf32>
      %swap3A_1488 = arith.constant 3 : i32
      %swap3A_1489 = arith.index_cast %swap3A_1488 : i32 to index
      %swap3A_1490 = arith.constant 48 : index
      %swap3A_1491 = tpu.vector_load %arg7[%swap3A_1489, %swap3A_1490] {strides = array<i32>} : memref<16x64xf32, #tpu.memory_space<vmem>>, vector<16xf32>,
      tpu.vector_store %arg7[%swap3A_1489, %swap3A_1490], %div3A_1487 {strides = array<i32>} : memref<16x64xf32, #tpu.memory_space<vmem>>, vector<16xf32>,
      %shift_left3A_1492 = arith.constant 4 : i32
      %shift_left3A_1493 = vector.broadcast %shift_left3A_1492 : i32 to vector<16xi32>
      %shift_left3A_1494 = arith.shli %iota3A, %shift_left3A_1493 : vector<16xi32>
      %add3A_1495 = arith.constant 20 : i32
      %add3A_1496 = vector.broadcast %add3A_1495 : i32 to vector<16xi32>
      %add3A_1497 = arith.addi %shift_left3A_1494, %add3A_1496 : vector<16xi32>
      %gather3A_1498 = tpu.vector_load_idx %arg6[%add3A_1497] : memref<1040xf32, #tpu.memory_space<vmem>>[vector<16xi32>], vector<16xf32>,
      %shift_left3A_1499 = arith.constant 4 : i32
      %shift_left3A_1500 = vector.broadcast %shift_left3A_1499 : i32 to vector<16xi32>
      %shift_left3A_1501 = arith.shli %iota3A, %shift_left3A_1500 : vector<16xi32>
      %add3A_1502 = arith.constant 276 : i32
      %add3A_1503 = vector.broadcast %add3A_1502 : i32 to vector<16xi32>
      %add3A_1504 = arith.addi %shift_left3A_1501, %add3A_1503 : vector<16xi32>
      %gather3A_1505 = tpu.vector_load_idx %arg6[%add3A_1504] : memref<1040xf32, #tpu.memory_space<vmem>>[vector<16xi32>], vector<16xf32>,
      %shift_left3A_1506 = arith.constant 4 : i32
      %shift_left3A_1507 = vector.broadcast %shift_left3A_1506 : i32 to vector<16xi32>
      %shift_left3A_1508 = arith.shli %iota3A, %shift_left3A_1507 : vector<16xi32>
      %add3A_1509 = arith.constant 532 : i32
      %add3A_1510 = vector.broadcast %add3A_1509 : i32 to vector<16xi32>
      %add3A_1511 = arith.addi %shift_left3A_1508, %add3A_1510 : vector<16xi32>
      %gather3A_1512 = tpu.vector_load_idx %arg6[%add3A_1511] : memref<1040xf32, #tpu.memory_space<vmem>>[vector<16xi32>], vector<16xf32>,
      %shift_left3A_1513 = arith.constant 4 : i32
      %shift_left3A_1514 = vector.broadcast %shift_left3A_1513 : i32 to vector<16xi32>
      %shift_left3A_1515 = arith.shli %iota3A, %shift_left3A_1514 : vector<16xi32>
      %add3A_1516 = arith.constant 788 : i32
      %add3A_1517 = vector.broadcast %add3A_1516 : i32 to vector<16xi32>
      %add3A_1518 = arith.addi %shift_left3A_1515, %add3A_1517 : vector<16xi32>
      %gather3A_1519 = tpu.vector_load_idx %arg6[%add3A_1518] : memref<1040xf32, #tpu.memory_space<vmem>>[vector<16xi32>], vector<16xf32>,
      %add3A_1520 = arith.addf %gather3A_1498, %gather3A_1505 : vector<16xf32>
      %add3A_1521 = arith.addf %add3A_1520, %gather3A_1512 : vector<16xf32>
      %add3A_1522 = arith.addf %add3A_1521, %gather3A_1519 : vector<16xf32>
      %reduce_sum3A_1523 = arith.constant true
      %reduce_sum3A_1524 = vector.broadcast %reduce_sum3A_1523 : i1 to vector<16xi1>
      %reduce_sum3A_1525 = tpu.scan <sum>, %add3A_1522 masked %reduce_sum3A_1524 : vector<16xf32>, vector<16xi1> -> vector<16xf32>
      %reduce_sum3A_1526 = vector.extract %reduce_sum3A_1525[15] : f32 from vector<16xf32>
      %div3A_1527 = vector.broadcast %reduce_sum3A_1526 : f32 to vector<16xf32>
      %div3A_1528 = arith.divf %gather3A_1498, %div3A_1527 : vector<16xf32>
      %swap3A_1529 = arith.constant 4 : i32
      %swap3A_1530 = arith.index_cast %swap3A_1529 : i32 to index
      %swap3A_1531 = arith.constant 0 : index
      %swap3A_1532 = tpu.vector_load %arg7[%swap3A_1530, %swap3A_1531] {strides = array<i32>} : memref<16x64xf32, #tpu.memory_space<vmem>>, vector<16xf32>,
      tpu.vector_store %arg7[%swap3A_1530, %swap3A_1531], %div3A_1528 {strides = array<i32>} : memref<16x64xf32, #tpu.memory_space<vmem>>, vector<16xf32>,
      %div3A_1533 = vector.broadcast %reduce_sum3A_1526 : f32 to vector<16xf32>
      %div3A_1534 = arith.divf %gather3A_1505, %div3A_1533 : vector<16xf32>
      %swap3A_1535 = arith.constant 4 : i32
      %swap3A_1536 = arith.index_cast %swap3A_1535 : i32 to index
      %swap3A_1537 = arith.constant 16 : index
      %swap3A_1538 = tpu.vector_load %arg7[%swap3A_1536, %swap3A_1537] {strides = array<i32>} : memref<16x64xf32, #tpu.memory_space<vmem>>, vector<16xf32>,
      tpu.vector_store %arg7[%swap3A_1536, %swap3A_1537], %div3A_1534 {strides = array<i32>} : memref<16x64xf32, #tpu.memory_space<vmem>>, vector<16xf32>,
      %div3A_1539 = vector.broadcast %reduce_sum3A_1526 : f32 to vector<16xf32>
      %div3A_1540 = arith.divf %gather3A_1512, %div3A_1539 : vector<16xf32>
      %swap3A_1541 = arith.constant 4 : i32
      %swap3A_1542 = arith.index_cast %swap3A_1541 : i32 to index
      %swap3A_1543 = arith.constant 32 : index
      %swap3A_1544 = tpu.vector_load %arg7[%swap3A_1542, %swap3A_1543] {strides = array<i32>} : memref<16x64xf32, #tpu.memory_space<vmem>>, vector<16xf32>,
      tpu.vector_store %arg7[%swap3A_1542, %swap3A_1543], %div3A_1540 {strides = array<i32>} : memref<16x64xf32, #tpu.memory_space<vmem>>, vector<16xf32>,
      %div3A_1545 = vector.broadcast %reduce_sum3A_1526 : f32 to vector<16xf32>
      %div3A_1546 = arith.divf %gather3A_1519, %div3A_1545 : vector<16xf32>
      %swap3A_1547 = arith.constant 4 : i32
      %swap3A_1548 = arith.index_cast %swap3A_1547 : i32 to index
      %swap3A_1549 = arith.constant 48 : index
      %swap3A_1550 = tpu.vector_load %arg7[%swap3A_1548, %swap3A_1549] {strides = array<i32>} : memref<16x64xf32, #tpu.memory_space<vmem>>, vector<16xf32>,
      tpu.vector_store %arg7[%swap3A_1548, %swap3A_1549], %div3A_1546 {strides = array<i32>} : memref<16x64xf32, #tpu.memory_space<vmem>>, vector<16xf32>,
      %shift_left3A_1551 = arith.constant 4 : i32
      %shift_left3A_1552 = vector.broadcast %shift_left3A_1551 : i32 to vector<16xi32>
      %shift_left3A_1553 = arith.shli %iota3A, %shift_left3A_1552 : vector<16xi32>
      %add3A_1554 = arith.constant 21 : i32
      %add3A_1555 = vector.broadcast %add3A_1554 : i32 to vector<16xi32>
      %add3A_1556 = arith.addi %shift_left3A_1553, %add3A_1555 : vector<16xi32>
      %gather3A_1557 = tpu.vector_load_idx %arg6[%add3A_1556] : memref<1040xf32, #tpu.memory_space<vmem>>[vector<16xi32>], vector<16xf32>,
      %shift_left3A_1558 = arith.constant 4 : i32
      %shift_left3A_1559 = vector.broadcast %shift_left3A_1558 : i32 to vector<16xi32>
      %shift_left3A_1560 = arith.shli %iota3A, %shift_left3A_1559 : vector<16xi32>
      %add3A_1561 = arith.constant 277 : i32
      %add3A_1562 = vector.broadcast %add3A_1561 : i32 to vector<16xi32>
      %add3A_1563 = arith.addi %shift_left3A_1560, %add3A_1562 : vector<16xi32>
      %gather3A_1564 = tpu.vector_load_idx %arg6[%add3A_1563] : memref<1040xf32, #tpu.memory_space<vmem>>[vector<16xi32>], vector<16xf32>,
      %shift_left3A_1565 = arith.constant 4 : i32
      %shift_left3A_1566 = vector.broadcast %shift_left3A_1565 : i32 to vector<16xi32>
      %shift_left3A_1567 = arith.shli %iota3A, %shift_left3A_1566 : vector<16xi32>
      %add3A_1568 = arith.constant 533 : i32
      %add3A_1569 = vector.broadcast %add3A_1568 : i32 to vector<16xi32>
      %add3A_1570 = arith.addi %shift_left3A_1567, %add3A_1569 : vector<16xi32>
      %gather3A_1571 = tpu.vector_load_idx %arg6[%add3A_1570] : memref<1040xf32, #tpu.memory_space<vmem>>[vector<16xi32>], vector<16xf32>,
      %shift_left3A_1572 = arith.constant 4 : i32
      %shift_left3A_1573 = vector.broadcast %shift_left3A_1572 : i32 to vector<16xi32>
      %shift_left3A_1574 = arith.shli %iota3A, %shift_left3A_1573 : vector<16xi32>
      %add3A_1575 = arith.constant 789 : i32
      %add3A_1576 = vector.broadcast %add3A_1575 : i32 to vector<16xi32>
      %add3A_1577 = arith.addi %shift_left3A_1574, %add3A_1576 : vector<16xi32>
      %gather3A_1578 = tpu.vector_load_idx %arg6[%add3A_1577] : memref<1040xf32, #tpu.memory_space<vmem>>[vector<16xi32>], vector<16xf32>,
      %add3A_1579 = arith.addf %gather3A_1557, %gather3A_1564 : vector<16xf32>
      %add3A_1580 = arith.addf %add3A_1579, %gather3A_1571 : vector<16xf32>
      %add3A_1581 = arith.addf %add3A_1580, %gather3A_1578 : vector<16xf32>
      %reduce_sum3A_1582 = arith.constant true
      %reduce_sum3A_1583 = vector.broadcast %reduce_sum3A_1582 : i1 to vector<16xi1>
      %reduce_sum3A_1584 = tpu.scan <sum>, %add3A_1581 masked %reduce_sum3A_1583 : vector<16xf32>, vector<16xi1> -> vector<16xf32>
      %reduce_sum3A_1585 = vector.extract %reduce_sum3A_1584[15] : f32 from vector<16xf32>
      %div3A_1586 = vector.broadcast %reduce_sum3A_1585 : f32 to vector<16xf32>
      %div3A_1587 = arith.divf %gather3A_1557, %div3A_1586 : vector<16xf32>
      %swap3A_1588 = arith.constant 5 : i32
      %swap3A_1589 = arith.index_cast %swap3A_1588 : i32 to index
      %swap3A_1590 = arith.constant 0 : index
      %swap3A_1591 = tpu.vector_load %arg7[%swap3A_1589, %swap3A_1590] {strides = array<i32>} : memref<16x64xf32, #tpu.memory_space<vmem>>, vector<16xf32>,
      tpu.vector_store %arg7[%swap3A_1589, %swap3A_1590], %div3A_1587 {strides = array<i32>} : memref<16x64xf32, #tpu.memory_space<vmem>>, vector<16xf32>,
      %div3A_1592 = vector.broadcast %reduce_sum3A_1585 : f32 to vector<16xf32>
      %div3A_1593 = arith.divf %gather3A_1564, %div3A_1592 : vector<16xf32>
      %swap3A_1594 = arith.constant 5 : i32
      %swap3A_1595 = arith.index_cast %swap3A_1594 : i32 to index
      %swap3A_1596 = arith.constant 16 : index
      %swap3A_1597 = tpu.vector_load %arg7[%swap3A_1595, %swap3A_1596] {strides = array<i32>} : memref<16x64xf32, #tpu.memory_space<vmem>>, vector<16xf32>,
      tpu.vector_store %arg7[%swap3A_1595, %swap3A_1596], %div3A_1593 {strides = array<i32>} : memref<16x64xf32, #tpu.memory_space<vmem>>, vector<16xf32>,
      %div3A_1598 = vector.broadcast %reduce_sum3A_1585 : f32 to vector<16xf32>
      %div3A_1599 = arith.divf %gather3A_1571, %div3A_1598 : vector<16xf32>
      %swap3A_1600 = arith.constant 5 : i32
      %swap3A_1601 = arith.index_cast %swap3A_1600 : i32 to index
      %swap3A_1602 = arith.constant 32 : index
      %swap3A_1603 = tpu.vector_load %arg7[%swap3A_1601, %swap3A_1602] {strides = array<i32>} : memref<16x64xf32, #tpu.memory_space<vmem>>, vector<16xf32>,
      tpu.vector_store %arg7[%swap3A_1601, %swap3A_1602], %div3A_1599 {strides = array<i32>} : memref<16x64xf32, #tpu.memory_space<vmem>>, vector<16xf32>,
      %div3A_1604 = vector.broadcast %reduce_sum3A_1585 : f32 to vector<16xf32>
      %div3A_1605 = arith.divf %gather3A_1578, %div3A_1604 : vector<16xf32>
      %swap3A_1606 = arith.constant 5 : i32
      %swap3A_1607 = arith.index_cast %swap3A_1606 : i32 to index
      %swap3A_1608 = arith.constant 48 : index
      %swap3A_1609 = tpu.vector_load %arg7[%swap3A_1607, %swap3A_1608] {strides = array<i32>} : memref<16x64xf32, #tpu.memory_space<vmem>>, vector<16xf32>,
      tpu.vector_store %arg7[%swap3A_1607, %swap3A_1608], %div3A_1605 {strides = array<i32>} : memref<16x64xf32, #tpu.memory_space<vmem>>, vector<16xf32>,
      %shift_left3A_1610 = arith.constant 4 : i32
      %shift_left3A_1611 = vector.broadcast %shift_left3A_1610 : i32 to vector<16xi32>
      %shift_left3A_1612 = arith.shli %iota3A, %shift_left3A_1611 : vector<16xi32>
      %add3A_1613 = arith.constant 22 : i32
      %add3A_1614 = vector.broadcast %add3A_1613 : i32 to vector<16xi32>
      %add3A_1615 = arith.addi %shift_left3A_1612, %add3A_1614 : vector<16xi32>
      %gather3A_1616 = tpu.vector_load_idx %arg6[%add3A_1615] : memref<1040xf32, #tpu.memory_space<vmem>>[vector<16xi32>], vector<16xf32>,
      %shift_left3A_1617 = arith.constant 4 : i32
      %shift_left3A_1618 = vector.broadcast %shift_left3A_1617 : i32 to vector<16xi32>
      %shift_left3A_1619 = arith.shli %iota3A, %shift_left3A_1618 : vector<16xi32>
      %add3A_1620 = arith.constant 278 : i32
      %add3A_1621 = vector.broadcast %add3A_1620 : i32 to vector<16xi32>
      %add3A_1622 = arith.addi %shift_left3A_1619, %add3A_1621 : vector<16xi32>
      %gather3A_1623 = tpu.vector_load_idx %arg6[%add3A_1622] : memref<1040xf32, #tpu.memory_space<vmem>>[vector<16xi32>], vector<16xf32>,
      %shift_left3A_1624 = arith.constant 4 : i32
      %shift_left3A_1625 = vector.broadcast %shift_left3A_1624 : i32 to vector<16xi32>
      %shift_left3A_1626 = arith.shli %iota3A, %shift_left3A_1625 : vector<16xi32>
      %add3A_1627 = arith.constant 534 : i32
      %add3A_1628 = vector.broadcast %add3A_1627 : i32 to vector<16xi32>
      %add3A_1629 = arith.addi %shift_left3A_1626, %add3A_1628 : vector<16xi32>
      %gather3A_1630 = tpu.vector_load_idx %arg6[%add3A_1629] : memref<1040xf32, #tpu.memory_space<vmem>>[vector<16xi32>], vector<16xf32>,
      %shift_left3A_1631 = arith.constant 4 : i32
      %shift_left3A_1632 = vector.broadcast %shift_left3A_1631 : i32 to vector<16xi32>
      %shift_left3A_1633 = arith.shli %iota3A, %shift_left3A_1632 : vector<16xi32>
      %add3A_1634 = arith.constant 790 : i32
      %add3A_1635 = vector.broadcast %add3A_1634 : i32 to vector<16xi32>
      %add3A_1636 = arith.addi %shift_left3A_1633, %add3A_1635 : vector<16xi32>
      %gather3A_1637 = tpu.vector_load_idx %arg6[%add3A_1636] : memref<1040xf32, #tpu.memory_space<vmem>>[vector<16xi32>], vector<16xf32>,
      %add3A_1638 = arith.addf %gather3A_1616, %gather3A_1623 : vector<16xf32>
      %add3A_1639 = arith.addf %add3A_1638, %gather3A_1630 : vector<16xf32>
      %add3A_1640 = arith.addf %add3A_1639, %gather3A_1637 : vector<16xf32>
      %reduce_sum3A_1641 = arith.constant true
      %reduce_sum3A_1642 = vector.broadcast %reduce_sum3A_1641 : i1 to vector<16xi1>
      %reduce_sum3A_1643 = tpu.scan <sum>, %add3A_1640 masked %reduce_sum3A_1642 : vector<16xf32>, vector<16xi1> -> vector<16xf32>
      %reduce_sum3A_1644 = vector.extract %reduce_sum3A_1643[15] : f32 from vector<16xf32>
      %div3A_1645 = vector.broadcast %reduce_sum3A_1644 : f32 to vector<16xf32>
      %div3A_1646 = arith.divf %gather3A_1616, %div3A_1645 : vector<16xf32>
      %swap3A_1647 = arith.constant 6 : i32
      %swap3A_1648 = arith.index_cast %swap3A_1647 : i32 to index
      %swap3A_1649 = arith.constant 0 : index
      %swap3A_1650 = tpu.vector_load %arg7[%swap3A_1648, %swap3A_1649] {strides = array<i32>} : memref<16x64xf32, #tpu.memory_space<vmem>>, vector<16xf32>,
      tpu.vector_store %arg7[%swap3A_1648, %swap3A_1649], %div3A_1646 {strides = array<i32>} : memref<16x64xf32, #tpu.memory_space<vmem>>, vector<16xf32>,
      %div3A_1651 = vector.broadcast %reduce_sum3A_1644 : f32 to vector<16xf32>
      %div3A_1652 = arith.divf %gather3A_1623, %div3A_1651 : vector<16xf32>
      %swap3A_1653 = arith.constant 6 : i32
      %swap3A_1654 = arith.index_cast %swap3A_1653 : i32 to index
      %swap3A_1655 = arith.constant 16 : index
      %swap3A_1656 = tpu.vector_load %arg7[%swap3A_1654, %swap3A_1655] {strides = array<i32>} : memref<16x64xf32, #tpu.memory_space<vmem>>, vector<16xf32>,
      tpu.vector_store %arg7[%swap3A_1654, %swap3A_1655], %div3A_1652 {strides = array<i32>} : memref<16x64xf32, #tpu.memory_space<vmem>>, vector<16xf32>,
      %div3A_1657 = vector.broadcast %reduce_sum3A_1644 : f32 to vector<16xf32>
      %div3A_1658 = arith.divf %gather3A_1630, %div3A_1657 : vector<16xf32>
      %swap3A_1659 = arith.constant 6 : i32
      %swap3A_1660 = arith.index_cast %swap3A_1659 : i32 to index
      %swap3A_1661 = arith.constant 32 : index
      %swap3A_1662 = tpu.vector_load %arg7[%swap3A_1660, %swap3A_1661] {strides = array<i32>} : memref<16x64xf32, #tpu.memory_space<vmem>>, vector<16xf32>,
      tpu.vector_store %arg7[%swap3A_1660, %swap3A_1661], %div3A_1658 {strides = array<i32>} : memref<16x64xf32, #tpu.memory_space<vmem>>, vector<16xf32>,
      %div3A_1663 = vector.broadcast %reduce_sum3A_1644 : f32 to vector<16xf32>
      %div3A_1664 = arith.divf %gather3A_1637, %div3A_1663 : vector<16xf32>
      %swap3A_1665 = arith.constant 6 : i32
      %swap3A_1666 = arith.index_cast %swap3A_1665 : i32 to index
      %swap3A_1667 = arith.constant 48 : index
      %swap3A_1668 = tpu.vector_load %arg7[%swap3A_1666, %swap3A_1667] {strides = array<i32>} : memref<16x64xf32, #tpu.memory_space<vmem>>, vector<16xf32>,
      tpu.vector_store %arg7[%swap3A_1666, %swap3A_1667], %div3A_1664 {strides = array<i32>} : memref<16x64xf32, #tpu.memory_space<vmem>>, vector<16xf32>,
      %shift_left3A_1669 = arith.constant 4 : i32
      %shift_left3A_1670 = vector.broadcast %shift_left3A_1669 : i32 to vector<16xi32>
      %shift_left3A_1671 = arith.shli %iota3A, %shift_left3A_1670 : vector<16xi32>
      %add3A_1672 = arith.constant 23 : i32
      %add3A_1673 = vector.broadcast %add3A_1672 : i32 to vector<16xi32>
      %add3A_1674 = arith.addi %shift_left3A_1671, %add3A_1673 : vector<16xi32>
      %gather3A_1675 = tpu.vector_load_idx %arg6[%add3A_1674] : memref<1040xf32, #tpu.memory_space<vmem>>[vector<16xi32>], vector<16xf32>,
      %shift_left3A_1676 = arith.constant 4 : i32
      %shift_left3A_1677 = vector.broadcast %shift_left3A_1676 : i32 to vector<16xi32>
      %shift_left3A_1678 = arith.shli %iota3A, %shift_left3A_1677 : vector<16xi32>
      %add3A_1679 = arith.constant 279 : i32
      %add3A_1680 = vector.broadcast %add3A_1679 : i32 to vector<16xi32>
      %add3A_1681 = arith.addi %shift_left3A_1678, %add3A_1680 : vector<16xi32>
      %gather3A_1682 = tpu.vector_load_idx %arg6[%add3A_1681] : memref<1040xf32, #tpu.memory_space<vmem>>[vector<16xi32>], vector<16xf32>,
      %shift_left3A_1683 = arith.constant 4 : i32
      %shift_left3A_1684 = vector.broadcast %shift_left3A_1683 : i32 to vector<16xi32>
      %shift_left3A_1685 = arith.shli %iota3A, %shift_left3A_1684 : vector<16xi32>
      %add3A_1686 = arith.constant 535 : i32
      %add3A_1687 = vector.broadcast %add3A_1686 : i32 to vector<16xi32>
      %add3A_1688 = arith.addi %shift_left3A_1685, %add3A_1687 : vector<16xi32>
      %gather3A_1689 = tpu.vector_load_idx %arg6[%add3A_1688] : memref<1040xf32, #tpu.memory_space<vmem>>[vector<16xi32>], vector<16xf32>,
      %shift_left3A_1690 = arith.constant 4 : i32
      %shift_left3A_1691 = vector.broadcast %shift_left3A_1690 : i32 to vector<16xi32>
      %shift_left3A_1692 = arith.shli %iota3A, %shift_left3A_1691 : vector<16xi32>
      %add3A_1693 = arith.constant 791 : i32
      %add3A_1694 = vector.broadcast %add3A_1693 : i32 to vector<16xi32>
      %add3A_1695 = arith.addi %shift_left3A_1692, %add3A_1694 : vector<16xi32>
      %gather3A_1696 = tpu.vector_load_idx %arg6[%add3A_1695] : memref<1040xf32, #tpu.memory_space<vmem>>[vector<16xi32>], vector<16xf32>,
      %add3A_1697 = arith.addf %gather3A_1675, %gather3A_1682 : vector<16xf32>
      %add3A_1698 = arith.addf %add3A_1697, %gather3A_1689 : vector<16xf32>
      %add3A_1699 = arith.addf %add3A_1698, %gather3A_1696 : vector<16xf32>
      %reduce_sum3A_1700 = arith.constant true
      %reduce_sum3A_1701 = vector.broadcast %reduce_sum3A_1700 : i1 to vector<16xi1>
      %reduce_sum3A_1702 = tpu.scan <sum>, %add3A_1699 masked %reduce_sum3A_1701 : vector<16xf32>, vector<16xi1> -> vector<16xf32>
      %reduce_sum3A_1703 = vector.extract %reduce_sum3A_1702[15] : f32 from vector<16xf32>
      %div3A_1704 = vector.broadcast %reduce_sum3A_1703 : f32 to vector<16xf32>
      %div3A_1705 = arith.divf %gather3A_1675, %div3A_1704 : vector<16xf32>
      %swap3A_1706 = arith.constant 7 : i32
      %swap3A_1707 = arith.index_cast %swap3A_1706 : i32 to index
      %swap3A_1708 = arith.constant 0 : index
      %swap3A_1709 = tpu.vector_load %arg7[%swap3A_1707, %swap3A_1708] {strides = array<i32>} : memref<16x64xf32, #tpu.memory_space<vmem>>, vector<16xf32>,
      tpu.vector_store %arg7[%swap3A_1707, %swap3A_1708], %div3A_1705 {strides = array<i32>} : memref<16x64xf32, #tpu.memory_space<vmem>>, vector<16xf32>,
      %div3A_1710 = vector.broadcast %reduce_sum3A_1703 : f32 to vector<16xf32>
      %div3A_1711 = arith.divf %gather3A_1682, %div3A_1710 : vector<16xf32>
      %swap3A_1712 = arith.constant 7 : i32
      %swap3A_1713 = arith.index_cast %swap3A_1712 : i32 to index
      %swap3A_1714 = arith.constant 16 : index
      %swap3A_1715 = tpu.vector_load %arg7[%swap3A_1713, %swap3A_1714] {strides = array<i32>} : memref<16x64xf32, #tpu.memory_space<vmem>>, vector<16xf32>,
      tpu.vector_store %arg7[%swap3A_1713, %swap3A_1714], %div3A_1711 {strides = array<i32>} : memref<16x64xf32, #tpu.memory_space<vmem>>, vector<16xf32>,
      %div3A_1716 = vector.broadcast %reduce_sum3A_1703 : f32 to vector<16xf32>
      %div3A_1717 = arith.divf %gather3A_1689, %div3A_1716 : vector<16xf32>
      %swap3A_1718 = arith.constant 7 : i32
      %swap3A_1719 = arith.index_cast %swap3A_1718 : i32 to index
      %swap3A_1720 = arith.constant 32 : index
      %swap3A_1721 = tpu.vector_load %arg7[%swap3A_1719, %swap3A_1720] {strides = array<i32>} : memref<16x64xf32, #tpu.memory_space<vmem>>, vector<16xf32>,
      tpu.vector_store %arg7[%swap3A_1719, %swap3A_1720], %div3A_1717 {strides = array<i32>} : memref<16x64xf32, #tpu.memory_space<vmem>>, vector<16xf32>,
      %div3A_1722 = vector.broadcast %reduce_sum3A_1703 : f32 to vector<16xf32>
      %div3A_1723 = arith.divf %gather3A_1696, %div3A_1722 : vector<16xf32>
      %swap3A_1724 = arith.constant 7 : i32
      %swap3A_1725 = arith.index_cast %swap3A_1724 : i32 to index
      %swap3A_1726 = arith.constant 48 : index
      %swap3A_1727 = tpu.vector_load %arg7[%swap3A_1725, %swap3A_1726] {strides = array<i32>} : memref<16x64xf32, #tpu.memory_space<vmem>>, vector<16xf32>,
      tpu.vector_store %arg7[%swap3A_1725, %swap3A_1726], %div3A_1723 {strides = array<i32>} : memref<16x64xf32, #tpu.memory_space<vmem>>, vector<16xf32>,
      %shift_left3A_1728 = arith.constant 4 : i32
      %shift_left3A_1729 = vector.broadcast %shift_left3A_1728 : i32 to vector<16xi32>
      %shift_left3A_1730 = arith.shli %iota3A, %shift_left3A_1729 : vector<16xi32>
      %add3A_1731 = arith.constant 24 : i32
      %add3A_1732 = vector.broadcast %add3A_1731 : i32 to vector<16xi32>
      %add3A_1733 = arith.addi %shift_left3A_1730, %add3A_1732 : vector<16xi32>
      %gather3A_1734 = tpu.vector_load_idx %arg6[%add3A_1733] : memref<1040xf32, #tpu.memory_space<vmem>>[vector<16xi32>], vector<16xf32>,
      %shift_left3A_1735 = arith.constant 4 : i32
      %shift_left3A_1736 = vector.broadcast %shift_left3A_1735 : i32 to vector<16xi32>
      %shift_left3A_1737 = arith.shli %iota3A, %shift_left3A_1736 : vector<16xi32>
      %add3A_1738 = arith.constant 280 : i32
      %add3A_1739 = vector.broadcast %add3A_1738 : i32 to vector<16xi32>
      %add3A_1740 = arith.addi %shift_left3A_1737, %add3A_1739 : vector<16xi32>
      %gather3A_1741 = tpu.vector_load_idx %arg6[%add3A_1740] : memref<1040xf32, #tpu.memory_space<vmem>>[vector<16xi32>], vector<16xf32>,
      %shift_left3A_1742 = arith.constant 4 : i32
      %shift_left3A_1743 = vector.broadcast %shift_left3A_1742 : i32 to vector<16xi32>
      %shift_left3A_1744 = arith.shli %iota3A, %shift_left3A_1743 : vector<16xi32>
      %add3A_1745 = arith.constant 536 : i32
      %add3A_1746 = vector.broadcast %add3A_1745 : i32 to vector<16xi32>
      %add3A_1747 = arith.addi %shift_left3A_1744, %add3A_1746 : vector<16xi32>
      %gather3A_1748 = tpu.vector_load_idx %arg6[%add3A_1747] : memref<1040xf32, #tpu.memory_space<vmem>>[vector<16xi32>], vector<16xf32>,
      %shift_left3A_1749 = arith.constant 4 : i32
      %shift_left3A_1750 = vector.broadcast %shift_left3A_1749 : i32 to vector<16xi32>
      %shift_left3A_1751 = arith.shli %iota3A, %shift_left3A_1750 : vector<16xi32>
      %add3A_1752 = arith.constant 792 : i32
      %add3A_1753 = vector.broadcast %add3A_1752 : i32 to vector<16xi32>
      %add3A_1754 = arith.addi %shift_left3A_1751, %add3A_1753 : vector<16xi32>
      %gather3A_1755 = tpu.vector_load_idx %arg6[%add3A_1754] : memref<1040xf32, #tpu.memory_space<vmem>>[vector<16xi32>], vector<16xf32>,
      %add3A_1756 = arith.addf %gather3A_1734, %gather3A_1741 : vector<16xf32>
      %add3A_1757 = arith.addf %add3A_1756, %gather3A_1748 : vector<16xf32>
      %add3A_1758 = arith.addf %add3A_1757, %gather3A_1755 : vector<16xf32>
      %reduce_sum3A_1759 = arith.constant true
      %reduce_sum3A_1760 = vector.broadcast %reduce_sum3A_1759 : i1 to vector<16xi1>
      %reduce_sum3A_1761 = tpu.scan <sum>, %add3A_1758 masked %reduce_sum3A_1760 : vector<16xf32>, vector<16xi1> -> vector<16xf32>
      %reduce_sum3A_1762 = vector.extract %reduce_sum3A_1761[15] : f32 from vector<16xf32>
      %div3A_1763 = vector.broadcast %reduce_sum3A_1762 : f32 to vector<16xf32>
      %div3A_1764 = arith.divf %gather3A_1734, %div3A_1763 : vector<16xf32>
      %swap3A_1765 = arith.constant 8 : i32
      %swap3A_1766 = arith.index_cast %swap3A_1765 : i32 to index
      %swap3A_1767 = arith.constant 0 : index
      %swap3A_1768 = tpu.vector_load %arg7[%swap3A_1766, %swap3A_1767] {strides = array<i32>} : memref<16x64xf32, #tpu.memory_space<vmem>>, vector<16xf32>,
      tpu.vector_store %arg7[%swap3A_1766, %swap3A_1767], %div3A_1764 {strides = array<i32>} : memref<16x64xf32, #tpu.memory_space<vmem>>, vector<16xf32>,
      %div3A_1769 = vector.broadcast %reduce_sum3A_1762 : f32 to vector<16xf32>
      %div3A_1770 = arith.divf %gather3A_1741, %div3A_1769 : vector<16xf32>
      %swap3A_1771 = arith.constant 8 : i32
      %swap3A_1772 = arith.index_cast %swap3A_1771 : i32 to index
      %swap3A_1773 = arith.constant 16 : index
      %swap3A_1774 = tpu.vector_load %arg7[%swap3A_1772, %swap3A_1773] {strides = array<i32>} : memref<16x64xf32, #tpu.memory_space<vmem>>, vector<16xf32>,
      tpu.vector_store %arg7[%swap3A_1772, %swap3A_1773], %div3A_1770 {strides = array<i32>} : memref<16x64xf32, #tpu.memory_space<vmem>>, vector<16xf32>,
      %div3A_1775 = vector.broadcast %reduce_sum3A_1762 : f32 to vector<16xf32>
      %div3A_1776 = arith.divf %gather3A_1748, %div3A_1775 : vector<16xf32>
      %swap3A_1777 = arith.constant 8 : i32
      %swap3A_1778 = arith.index_cast %swap3A_1777 : i32 to index
      %swap3A_1779 = arith.constant 32 : index
      %swap3A_1780 = tpu.vector_load %arg7[%swap3A_1778, %swap3A_1779] {strides = array<i32>} : memref<16x64xf32, #tpu.memory_space<vmem>>, vector<16xf32>,
      tpu.vector_store %arg7[%swap3A_1778, %swap3A_1779], %div3A_1776 {strides = array<i32>} : memref<16x64xf32, #tpu.memory_space<vmem>>, vector<16xf32>,
      %div3A_1781 = vector.broadcast %reduce_sum3A_1762 : f32 to vector<16xf32>
      %div3A_1782 = arith.divf %gather3A_1755, %div3A_1781 : vector<16xf32>
      %swap3A_1783 = arith.constant 8 : i32
      %swap3A_1784 = arith.index_cast %swap3A_1783 : i32 to index
      %swap3A_1785 = arith.constant 48 : index
      %swap3A_1786 = tpu.vector_load %arg7[%swap3A_1784, %swap3A_1785] {strides = array<i32>} : memref<16x64xf32, #tpu.memory_space<vmem>>, vector<16xf32>,
      tpu.vector_store %arg7[%swap3A_1784, %swap3A_1785], %div3A_1782 {strides = array<i32>} : memref<16x64xf32, #tpu.memory_space<vmem>>, vector<16xf32>,
      %shift_left3A_1787 = arith.constant 4 : i32
      %shift_left3A_1788 = vector.broadcast %shift_left3A_1787 : i32 to vector<16xi32>
      %shift_left3A_1789 = arith.shli %iota3A, %shift_left3A_1788 : vector<16xi32>
      %add3A_1790 = arith.constant 25 : i32
      %add3A_1791 = vector.broadcast %add3A_1790 : i32 to vector<16xi32>
      %add3A_1792 = arith.addi %shift_left3A_1789, %add3A_1791 : vector<16xi32>
      %gather3A_1793 = tpu.vector_load_idx %arg6[%add3A_1792] : memref<1040xf32, #tpu.memory_space<vmem>>[vector<16xi32>], vector<16xf32>,
      %shift_left3A_1794 = arith.constant 4 : i32
      %shift_left3A_1795 = vector.broadcast %shift_left3A_1794 : i32 to vector<16xi32>
      %shift_left3A_1796 = arith.shli %iota3A, %shift_left3A_1795 : vector<16xi32>
      %add3A_1797 = arith.constant 281 : i32
      %add3A_1798 = vector.broadcast %add3A_1797 : i32 to vector<16xi32>
      %add3A_1799 = arith.addi %shift_left3A_1796, %add3A_1798 : vector<16xi32>
      %gather3A_1800 = tpu.vector_load_idx %arg6[%add3A_1799] : memref<1040xf32, #tpu.memory_space<vmem>>[vector<16xi32>], vector<16xf32>,
      %shift_left3A_1801 = arith.constant 4 : i32
      %shift_left3A_1802 = vector.broadcast %shift_left3A_1801 : i32 to vector<16xi32>
      %shift_left3A_1803 = arith.shli %iota3A, %shift_left3A_1802 : vector<16xi32>
      %add3A_1804 = arith.constant 537 : i32
      %add3A_1805 = vector.broadcast %add3A_1804 : i32 to vector<16xi32>
      %add3A_1806 = arith.addi %shift_left3A_1803, %add3A_1805 : vector<16xi32>
      %gather3A_1807 = tpu.vector_load_idx %arg6[%add3A_1806] : memref<1040xf32, #tpu.memory_space<vmem>>[vector<16xi32>], vector<16xf32>,
      %shift_left3A_1808 = arith.constant 4 : i32
      %shift_left3A_1809 = vector.broadcast %shift_left3A_1808 : i32 to vector<16xi32>
      %shift_left3A_1810 = arith.shli %iota3A, %shift_left3A_1809 : vector<16xi32>
      %add3A_1811 = arith.constant 793 : i32
      %add3A_1812 = vector.broadcast %add3A_1811 : i32 to vector<16xi32>
      %add3A_1813 = arith.addi %shift_left3A_1810, %add3A_1812 : vector<16xi32>
      %gather3A_1814 = tpu.vector_load_idx %arg6[%add3A_1813] : memref<1040xf32, #tpu.memory_space<vmem>>[vector<16xi32>], vector<16xf32>,
      %add3A_1815 = arith.addf %gather3A_1793, %gather3A_1800 : vector<16xf32>
      %add3A_1816 = arith.addf %add3A_1815, %gather3A_1807 : vector<16xf32>
      %add3A_1817 = arith.addf %add3A_1816, %gather3A_1814 : vector<16xf32>
      %reduce_sum3A_1818 = arith.constant true
      %reduce_sum3A_1819 = vector.broadcast %reduce_sum3A_1818 : i1 to vector<16xi1>
      %reduce_sum3A_1820 = tpu.scan <sum>, %add3A_1817 masked %reduce_sum3A_1819 : vector<16xf32>, vector<16xi1> -> vector<16xf32>
      %reduce_sum3A_1821 = vector.extract %reduce_sum3A_1820[15] : f32 from vector<16xf32>
      %div3A_1822 = vector.broadcast %reduce_sum3A_1821 : f32 to vector<16xf32>
      %div3A_1823 = arith.divf %gather3A_1793, %div3A_1822 : vector<16xf32>
      %swap3A_1824 = arith.constant 9 : i32
      %swap3A_1825 = arith.index_cast %swap3A_1824 : i32 to index
      %swap3A_1826 = arith.constant 0 : index
      %swap3A_1827 = tpu.vector_load %arg7[%swap3A_1825, %swap3A_1826] {strides = array<i32>} : memref<16x64xf32, #tpu.memory_space<vmem>>, vector<16xf32>,
      tpu.vector_store %arg7[%swap3A_1825, %swap3A_1826], %div3A_1823 {strides = array<i32>} : memref<16x64xf32, #tpu.memory_space<vmem>>, vector<16xf32>,
      %div3A_1828 = vector.broadcast %reduce_sum3A_1821 : f32 to vector<16xf32>
      %div3A_1829 = arith.divf %gather3A_1800, %div3A_1828 : vector<16xf32>
      %swap3A_1830 = arith.constant 9 : i32
      %swap3A_1831 = arith.index_cast %swap3A_1830 : i32 to index
      %swap3A_1832 = arith.constant 16 : index
      %swap3A_1833 = tpu.vector_load %arg7[%swap3A_1831, %swap3A_1832] {strides = array<i32>} : memref<16x64xf32, #tpu.memory_space<vmem>>, vector<16xf32>,
      tpu.vector_store %arg7[%swap3A_1831, %swap3A_1832], %div3A_1829 {strides = array<i32>} : memref<16x64xf32, #tpu.memory_space<vmem>>, vector<16xf32>,
      %div3A_1834 = vector.broadcast %reduce_sum3A_1821 : f32 to vector<16xf32>
      %div3A_1835 = arith.divf %gather3A_1807, %div3A_1834 : vector<16xf32>
      %swap3A_1836 = arith.constant 9 : i32
      %swap3A_1837 = arith.index_cast %swap3A_1836 : i32 to index
      %swap3A_1838 = arith.constant 32 : index
      %swap3A_1839 = tpu.vector_load %arg7[%swap3A_1837, %swap3A_1838] {strides = array<i32>} : memref<16x64xf32, #tpu.memory_space<vmem>>, vector<16xf32>,
      tpu.vector_store %arg7[%swap3A_1837, %swap3A_1838], %div3A_1835 {strides = array<i32>} : memref<16x64xf32, #tpu.memory_space<vmem>>, vector<16xf32>,
      %div3A_1840 = vector.broadcast %reduce_sum3A_1821 : f32 to vector<16xf32>
      %div3A_1841 = arith.divf %gather3A_1814, %div3A_1840 : vector<16xf32>
      %swap3A_1842 = arith.constant 9 : i32
      %swap3A_1843 = arith.index_cast %swap3A_1842 : i32 to index
      %swap3A_1844 = arith.constant 48 : index
      %swap3A_1845 = tpu.vector_load %arg7[%swap3A_1843, %swap3A_1844] {strides = array<i32>} : memref<16x64xf32, #tpu.memory_space<vmem>>, vector<16xf32>,
      tpu.vector_store %arg7[%swap3A_1843, %swap3A_1844], %div3A_1841 {strides = array<i32>} : memref<16x64xf32, #tpu.memory_space<vmem>>, vector<16xf32>,
      %shift_left3A_1846 = arith.constant 4 : i32
      %shift_left3A_1847 = vector.broadcast %shift_left3A_1846 : i32 to vector<16xi32>
      %shift_left3A_1848 = arith.shli %iota3A, %shift_left3A_1847 : vector<16xi32>
      %add3A_1849 = arith.constant 26 : i32
      %add3A_1850 = vector.broadcast %add3A_1849 : i32 to vector<16xi32>
      %add3A_1851 = arith.addi %shift_left3A_1848, %add3A_1850 : vector<16xi32>
      %gather3A_1852 = tpu.vector_load_idx %arg6[%add3A_1851] : memref<1040xf32, #tpu.memory_space<vmem>>[vector<16xi32>], vector<16xf32>,
      %shift_left3A_1853 = arith.constant 4 : i32
      %shift_left3A_1854 = vector.broadcast %shift_left3A_1853 : i32 to vector<16xi32>
      %shift_left3A_1855 = arith.shli %iota3A, %shift_left3A_1854 : vector<16xi32>
      %add3A_1856 = arith.constant 282 : i32
      %add3A_1857 = vector.broadcast %add3A_1856 : i32 to vector<16xi32>
      %add3A_1858 = arith.addi %shift_left3A_1855, %add3A_1857 : vector<16xi32>
      %gather3A_1859 = tpu.vector_load_idx %arg6[%add3A_1858] : memref<1040xf32, #tpu.memory_space<vmem>>[vector<16xi32>], vector<16xf32>,
      %shift_left3A_1860 = arith.constant 4 : i32
      %shift_left3A_1861 = vector.broadcast %shift_left3A_1860 : i32 to vector<16xi32>
      %shift_left3A_1862 = arith.shli %iota3A, %shift_left3A_1861 : vector<16xi32>
      %add3A_1863 = arith.constant 538 : i32
      %add3A_1864 = vector.broadcast %add3A_1863 : i32 to vector<16xi32>
      %add3A_1865 = arith.addi %shift_left3A_1862, %add3A_1864 : vector<16xi32>
      %gather3A_1866 = tpu.vector_load_idx %arg6[%add3A_1865] : memref<1040xf32, #tpu.memory_space<vmem>>[vector<16xi32>], vector<16xf32>,
      %shift_left3A_1867 = arith.constant 4 : i32
      %shift_left3A_1868 = vector.broadcast %shift_left3A_1867 : i32 to vector<16xi32>
      %shift_left3A_1869 = arith.shli %iota3A, %shift_left3A_1868 : vector<16xi32>
      %add3A_1870 = arith.constant 794 : i32
      %add3A_1871 = vector.broadcast %add3A_1870 : i32 to vector<16xi32>
      %add3A_1872 = arith.addi %shift_left3A_1869, %add3A_1871 : vector<16xi32>
      %gather3A_1873 = tpu.vector_load_idx %arg6[%add3A_1872] : memref<1040xf32, #tpu.memory_space<vmem>>[vector<16xi32>], vector<16xf32>,
      %add3A_1874 = arith.addf %gather3A_1852, %gather3A_1859 : vector<16xf32>
      %add3A_1875 = arith.addf %add3A_1874, %gather3A_1866 : vector<16xf32>
      %add3A_1876 = arith.addf %add3A_1875, %gather3A_1873 : vector<16xf32>
      %reduce_sum3A_1877 = arith.constant true
      %reduce_sum3A_1878 = vector.broadcast %reduce_sum3A_1877 : i1 to vector<16xi1>
      %reduce_sum3A_1879 = tpu.scan <sum>, %add3A_1876 masked %reduce_sum3A_1878 : vector<16xf32>, vector<16xi1> -> vector<16xf32>
      %reduce_sum3A_1880 = vector.extract %reduce_sum3A_1879[15] : f32 from vector<16xf32>
      %div3A_1881 = vector.broadcast %reduce_sum3A_1880 : f32 to vector<16xf32>
      %div3A_1882 = arith.divf %gather3A_1852, %div3A_1881 : vector<16xf32>
      %swap3A_1883 = arith.constant 10 : i32
      %swap3A_1884 = arith.index_cast %swap3A_1883 : i32 to index
      %swap3A_1885 = arith.constant 0 : index
      %swap3A_1886 = tpu.vector_load %arg7[%swap3A_1884, %swap3A_1885] {strides = array<i32>} : memref<16x64xf32, #tpu.memory_space<vmem>>, vector<16xf32>,
      tpu.vector_store %arg7[%swap3A_1884, %swap3A_1885], %div3A_1882 {strides = array<i32>} : memref<16x64xf32, #tpu.memory_space<vmem>>, vector<16xf32>,
      %div3A_1887 = vector.broadcast %reduce_sum3A_1880 : f32 to vector<16xf32>
      %div3A_1888 = arith.divf %gather3A_1859, %div3A_1887 : vector<16xf32>
      %swap3A_1889 = arith.constant 10 : i32
      %swap3A_1890 = arith.index_cast %swap3A_1889 : i32 to index
      %swap3A_1891 = arith.constant 16 : index
      %swap3A_1892 = tpu.vector_load %arg7[%swap3A_1890, %swap3A_1891] {strides = array<i32>} : memref<16x64xf32, #tpu.memory_space<vmem>>, vector<16xf32>,
      tpu.vector_store %arg7[%swap3A_1890, %swap3A_1891], %div3A_1888 {strides = array<i32>} : memref<16x64xf32, #tpu.memory_space<vmem>>, vector<16xf32>,
      %div3A_1893 = vector.broadcast %reduce_sum3A_1880 : f32 to vector<16xf32>
      %div3A_1894 = arith.divf %gather3A_1866, %div3A_1893 : vector<16xf32>
      %swap3A_1895 = arith.constant 10 : i32
      %swap3A_1896 = arith.index_cast %swap3A_1895 : i32 to index
      %swap3A_1897 = arith.constant 32 : index
      %swap3A_1898 = tpu.vector_load %arg7[%swap3A_1896, %swap3A_1897] {strides = array<i32>} : memref<16x64xf32, #tpu.memory_space<vmem>>, vector<16xf32>,
      tpu.vector_store %arg7[%swap3A_1896, %swap3A_1897], %div3A_1894 {strides = array<i32>} : memref<16x64xf32, #tpu.memory_space<vmem>>, vector<16xf32>,
      %div3A_1899 = vector.broadcast %reduce_sum3A_1880 : f32 to vector<16xf32>
      %div3A_1900 = arith.divf %gather3A_1873, %div3A_1899 : vector<16xf32>
      %swap3A_1901 = arith.constant 10 : i32
      %swap3A_1902 = arith.index_cast %swap3A_1901 : i32 to index
      %swap3A_1903 = arith.constant 48 : index
      %swap3A_1904 = tpu.vector_load %arg7[%swap3A_1902, %swap3A_1903] {strides = array<i32>} : memref<16x64xf32, #tpu.memory_space<vmem>>, vector<16xf32>,
      tpu.vector_store %arg7[%swap3A_1902, %swap3A_1903], %div3A_1900 {strides = array<i32>} : memref<16x64xf32, #tpu.memory_space<vmem>>, vector<16xf32>,
      %shift_left3A_1905 = arith.constant 4 : i32
      %shift_left3A_1906 = vector.broadcast %shift_left3A_1905 : i32 to vector<16xi32>
      %shift_left3A_1907 = arith.shli %iota3A, %shift_left3A_1906 : vector<16xi32>
      %add3A_1908 = arith.constant 27 : i32
      %add3A_1909 = vector.broadcast %add3A_1908 : i32 to vector<16xi32>
      %add3A_1910 = arith.addi %shift_left3A_1907, %add3A_1909 : vector<16xi32>
      %gather3A_1911 = tpu.vector_load_idx %arg6[%add3A_1910] : memref<1040xf32, #tpu.memory_space<vmem>>[vector<16xi32>], vector<16xf32>,
      %shift_left3A_1912 = arith.constant 4 : i32
      %shift_left3A_1913 = vector.broadcast %shift_left3A_1912 : i32 to vector<16xi32>
      %shift_left3A_1914 = arith.shli %iota3A, %shift_left3A_1913 : vector<16xi32>
      %add3A_1915 = arith.constant 283 : i32
      %add3A_1916 = vector.broadcast %add3A_1915 : i32 to vector<16xi32>
      %add3A_1917 = arith.addi %shift_left3A_1914, %add3A_1916 : vector<16xi32>
      %gather3A_1918 = tpu.vector_load_idx %arg6[%add3A_1917] : memref<1040xf32, #tpu.memory_space<vmem>>[vector<16xi32>], vector<16xf32>,
      %shift_left3A_1919 = arith.constant 4 : i32
      %shift_left3A_1920 = vector.broadcast %shift_left3A_1919 : i32 to vector<16xi32>
      %shift_left3A_1921 = arith.shli %iota3A, %shift_left3A_1920 : vector<16xi32>
      %add3A_1922 = arith.constant 539 : i32
      %add3A_1923 = vector.broadcast %add3A_1922 : i32 to vector<16xi32>
      %add3A_1924 = arith.addi %shift_left3A_1921, %add3A_1923 : vector<16xi32>
      %gather3A_1925 = tpu.vector_load_idx %arg6[%add3A_1924] : memref<1040xf32, #tpu.memory_space<vmem>>[vector<16xi32>], vector<16xf32>,
      %shift_left3A_1926 = arith.constant 4 : i32
      %shift_left3A_1927 = vector.broadcast %shift_left3A_1926 : i32 to vector<16xi32>
      %shift_left3A_1928 = arith.shli %iota3A, %shift_left3A_1927 : vector<16xi32>
      %add3A_1929 = arith.constant 795 : i32
      %add3A_1930 = vector.broadcast %add3A_1929 : i32 to vector<16xi32>
      %add3A_1931 = arith.addi %shift_left3A_1928, %add3A_1930 : vector<16xi32>
      %gather3A_1932 = tpu.vector_load_idx %arg6[%add3A_1931] : memref<1040xf32, #tpu.memory_space<vmem>>[vector<16xi32>], vector<16xf32>,
      %add3A_1933 = arith.addf %gather3A_1911, %gather3A_1918 : vector<16xf32>
      %add3A_1934 = arith.addf %add3A_1933, %gather3A_1925 : vector<16xf32>
      %add3A_1935 = arith.addf %add3A_1934, %gather3A_1932 : vector<16xf32>
      %reduce_sum3A_1936 = arith.constant true
      %reduce_sum3A_1937 = vector.broadcast %reduce_sum3A_1936 : i1 to vector<16xi1>
      %reduce_sum3A_1938 = tpu.scan <sum>, %add3A_1935 masked %reduce_sum3A_1937 : vector<16xf32>, vector<16xi1> -> vector<16xf32>
      %reduce_sum3A_1939 = vector.extract %reduce_sum3A_1938[15] : f32 from vector<16xf32>
      %div3A_1940 = vector.broadcast %reduce_sum3A_1939 : f32 to vector<16xf32>
      %div3A_1941 = arith.divf %gather3A_1911, %div3A_1940 : vector<16xf32>
      %swap3A_1942 = arith.constant 11 : i32
      %swap3A_1943 = arith.index_cast %swap3A_1942 : i32 to index
      %swap3A_1944 = arith.constant 0 : index
      %swap3A_1945 = tpu.vector_load %arg7[%swap3A_1943, %swap3A_1944] {strides = array<i32>} : memref<16x64xf32, #tpu.memory_space<vmem>>, vector<16xf32>,
      tpu.vector_store %arg7[%swap3A_1943, %swap3A_1944], %div3A_1941 {strides = array<i32>} : memref<16x64xf32, #tpu.memory_space<vmem>>, vector<16xf32>,
      %div3A_1946 = vector.broadcast %reduce_sum3A_1939 : f32 to vector<16xf32>
      %div3A_1947 = arith.divf %gather3A_1918, %div3A_1946 : vector<16xf32>
      %swap3A_1948 = arith.constant 11 : i32
      %swap3A_1949 = arith.index_cast %swap3A_1948 : i32 to index
      %swap3A_1950 = arith.constant 16 : index
      %swap3A_1951 = tpu.vector_load %arg7[%swap3A_1949, %swap3A_1950] {strides = array<i32>} : memref<16x64xf32, #tpu.memory_space<vmem>>, vector<16xf32>,
      tpu.vector_store %arg7[%swap3A_1949, %swap3A_1950], %div3A_1947 {strides = array<i32>} : memref<16x64xf32, #tpu.memory_space<vmem>>, vector<16xf32>,
      %div3A_1952 = vector.broadcast %reduce_sum3A_1939 : f32 to vector<16xf32>
      %div3A_1953 = arith.divf %gather3A_1925, %div3A_1952 : vector<16xf32>
      %swap3A_1954 = arith.constant 11 : i32
      %swap3A_1955 = arith.index_cast %swap3A_1954 : i32 to index
      %swap3A_1956 = arith.constant 32 : index
      %swap3A_1957 = tpu.vector_load %arg7[%swap3A_1955, %swap3A_1956] {strides = array<i32>} : memref<16x64xf32, #tpu.memory_space<vmem>>, vector<16xf32>,
      tpu.vector_store %arg7[%swap3A_1955, %swap3A_1956], %div3A_1953 {strides = array<i32>} : memref<16x64xf32, #tpu.memory_space<vmem>>, vector<16xf32>,
      %div3A_1958 = vector.broadcast %reduce_sum3A_1939 : f32 to vector<16xf32>
      %div3A_1959 = arith.divf %gather3A_1932, %div3A_1958 : vector<16xf32>
      %swap3A_1960 = arith.constant 11 : i32
      %swap3A_1961 = arith.index_cast %swap3A_1960 : i32 to index
      %swap3A_1962 = arith.constant 48 : index
      %swap3A_1963 = tpu.vector_load %arg7[%swap3A_1961, %swap3A_1962] {strides = array<i32>} : memref<16x64xf32, #tpu.memory_space<vmem>>, vector<16xf32>,
      tpu.vector_store %arg7[%swap3A_1961, %swap3A_1962], %div3A_1959 {strides = array<i32>} : memref<16x64xf32, #tpu.memory_space<vmem>>, vector<16xf32>,
      %shift_left3A_1964 = arith.constant 4 : i32
      %shift_left3A_1965 = vector.broadcast %shift_left3A_1964 : i32 to vector<16xi32>
      %shift_left3A_1966 = arith.shli %iota3A, %shift_left3A_1965 : vector<16xi32>
      %add3A_1967 = arith.constant 28 : i32
      %add3A_1968 = vector.broadcast %add3A_1967 : i32 to vector<16xi32>
      %add3A_1969 = arith.addi %shift_left3A_1966, %add3A_1968 : vector<16xi32>
      %gather3A_1970 = tpu.vector_load_idx %arg6[%add3A_1969] : memref<1040xf32, #tpu.memory_space<vmem>>[vector<16xi32>], vector<16xf32>,
      %shift_left3A_1971 = arith.constant 4 : i32
      %shift_left3A_1972 = vector.broadcast %shift_left3A_1971 : i32 to vector<16xi32>
      %shift_left3A_1973 = arith.shli %iota3A, %shift_left3A_1972 : vector<16xi32>
      %add3A_1974 = arith.constant 284 : i32
      %add3A_1975 = vector.broadcast %add3A_1974 : i32 to vector<16xi32>
      %add3A_1976 = arith.addi %shift_left3A_1973, %add3A_1975 : vector<16xi32>
      %gather3A_1977 = tpu.vector_load_idx %arg6[%add3A_1976] : memref<1040xf32, #tpu.memory_space<vmem>>[vector<16xi32>], vector<16xf32>,
      %shift_left3A_1978 = arith.constant 4 : i32
      %shift_left3A_1979 = vector.broadcast %shift_left3A_1978 : i32 to vector<16xi32>
      %shift_left3A_1980 = arith.shli %iota3A, %shift_left3A_1979 : vector<16xi32>
      %add3A_1981 = arith.constant 540 : i32
      %add3A_1982 = vector.broadcast %add3A_1981 : i32 to vector<16xi32>
      %add3A_1983 = arith.addi %shift_left3A_1980, %add3A_1982 : vector<16xi32>
      %gather3A_1984 = tpu.vector_load_idx %arg6[%add3A_1983] : memref<1040xf32, #tpu.memory_space<vmem>>[vector<16xi32>], vector<16xf32>,
      %shift_left3A_1985 = arith.constant 4 : i32
      %shift_left3A_1986 = vector.broadcast %shift_left3A_1985 : i32 to vector<16xi32>
      %shift_left3A_1987 = arith.shli %iota3A, %shift_left3A_1986 : vector<16xi32>
      %add3A_1988 = arith.constant 796 : i32
      %add3A_1989 = vector.broadcast %add3A_1988 : i32 to vector<16xi32>
      %add3A_1990 = arith.addi %shift_left3A_1987, %add3A_1989 : vector<16xi32>
      %gather3A_1991 = tpu.vector_load_idx %arg6[%add3A_1990] : memref<1040xf32, #tpu.memory_space<vmem>>[vector<16xi32>], vector<16xf32>,
      %add3A_1992 = arith.addf %gather3A_1970, %gather3A_1977 : vector<16xf32>
      %add3A_1993 = arith.addf %add3A_1992, %gather3A_1984 : vector<16xf32>
      %add3A_1994 = arith.addf %add3A_1993, %gather3A_1991 : vector<16xf32>
      %reduce_sum3A_1995 = arith.constant true
      %reduce_sum3A_1996 = vector.broadcast %reduce_sum3A_1995 : i1 to vector<16xi1>
      %reduce_sum3A_1997 = tpu.scan <sum>, %add3A_1994 masked %reduce_sum3A_1996 : vector<16xf32>, vector<16xi1> -> vector<16xf32>
      %reduce_sum3A_1998 = vector.extract %reduce_sum3A_1997[15] : f32 from vector<16xf32>
      %div3A_1999 = vector.broadcast %reduce_sum3A_1998 : f32 to vector<16xf32>
      %div3A_2000 = arith.divf %gather3A_1970, %div3A_1999 : vector<16xf32>
      %swap3A_2001 = arith.constant 12 : i32
      %swap3A_2002 = arith.index_cast %swap3A_2001 : i32 to index
      %swap3A_2003 = arith.constant 0 : index
      %swap3A_2004 = tpu.vector_load %arg7[%swap3A_2002, %swap3A_2003] {strides = array<i32>} : memref<16x64xf32, #tpu.memory_space<vmem>>, vector<16xf32>,
      tpu.vector_store %arg7[%swap3A_2002, %swap3A_2003], %div3A_2000 {strides = array<i32>} : memref<16x64xf32, #tpu.memory_space<vmem>>, vector<16xf32>,
      %div3A_2005 = vector.broadcast %reduce_sum3A_1998 : f32 to vector<16xf32>
      %div3A_2006 = arith.divf %gather3A_1977, %div3A_2005 : vector<16xf32>
      %swap3A_2007 = arith.constant 12 : i32
      %swap3A_2008 = arith.index_cast %swap3A_2007 : i32 to index
      %swap3A_2009 = arith.constant 16 : index
      %swap3A_2010 = tpu.vector_load %arg7[%swap3A_2008, %swap3A_2009] {strides = array<i32>} : memref<16x64xf32, #tpu.memory_space<vmem>>, vector<16xf32>,
      tpu.vector_store %arg7[%swap3A_2008, %swap3A_2009], %div3A_2006 {strides = array<i32>} : memref<16x64xf32, #tpu.memory_space<vmem>>, vector<16xf32>,
      %div3A_2011 = vector.broadcast %reduce_sum3A_1998 : f32 to vector<16xf32>
      %div3A_2012 = arith.divf %gather3A_1984, %div3A_2011 : vector<16xf32>
      %swap3A_2013 = arith.constant 12 : i32
      %swap3A_2014 = arith.index_cast %swap3A_2013 : i32 to index
      %swap3A_2015 = arith.constant 32 : index
      %swap3A_2016 = tpu.vector_load %arg7[%swap3A_2014, %swap3A_2015] {strides = array<i32>} : memref<16x64xf32, #tpu.memory_space<vmem>>, vector<16xf32>,
      tpu.vector_store %arg7[%swap3A_2014, %swap3A_2015], %div3A_2012 {strides = array<i32>} : memref<16x64xf32, #tpu.memory_space<vmem>>, vector<16xf32>,
      %div3A_2017 = vector.broadcast %reduce_sum3A_1998 : f32 to vector<16xf32>
      %div3A_2018 = arith.divf %gather3A_1991, %div3A_2017 : vector<16xf32>
      %swap3A_2019 = arith.constant 12 : i32
      %swap3A_2020 = arith.index_cast %swap3A_2019 : i32 to index
      %swap3A_2021 = arith.constant 48 : index
      %swap3A_2022 = tpu.vector_load %arg7[%swap3A_2020, %swap3A_2021] {strides = array<i32>} : memref<16x64xf32, #tpu.memory_space<vmem>>, vector<16xf32>,
      tpu.vector_store %arg7[%swap3A_2020, %swap3A_2021], %div3A_2018 {strides = array<i32>} : memref<16x64xf32, #tpu.memory_space<vmem>>, vector<16xf32>,
      %shift_left3A_2023 = arith.constant 4 : i32
      %shift_left3A_2024 = vector.broadcast %shift_left3A_2023 : i32 to vector<16xi32>
      %shift_left3A_2025 = arith.shli %iota3A, %shift_left3A_2024 : vector<16xi32>
      %add3A_2026 = arith.constant 29 : i32
      %add3A_2027 = vector.broadcast %add3A_2026 : i32 to vector<16xi32>
      %add3A_2028 = arith.addi %shift_left3A_2025, %add3A_2027 : vector<16xi32>
      %gather3A_2029 = tpu.vector_load_idx %arg6[%add3A_2028] : memref<1040xf32, #tpu.memory_space<vmem>>[vector<16xi32>], vector<16xf32>,
      %shift_left3A_2030 = arith.constant 4 : i32
      %shift_left3A_2031 = vector.broadcast %shift_left3A_2030 : i32 to vector<16xi32>
      %shift_left3A_2032 = arith.shli %iota3A, %shift_left3A_2031 : vector<16xi32>
      %add3A_2033 = arith.constant 285 : i32
      %add3A_2034 = vector.broadcast %add3A_2033 : i32 to vector<16xi32>
      %add3A_2035 = arith.addi %shift_left3A_2032, %add3A_2034 : vector<16xi32>
      %gather3A_2036 = tpu.vector_load_idx %arg6[%add3A_2035] : memref<1040xf32, #tpu.memory_space<vmem>>[vector<16xi32>], vector<16xf32>,
      %shift_left3A_2037 = arith.constant 4 : i32
      %shift_left3A_2038 = vector.broadcast %shift_left3A_2037 : i32 to vector<16xi32>
      %shift_left3A_2039 = arith.shli %iota3A, %shift_left3A_2038 : vector<16xi32>
      %add3A_2040 = arith.constant 541 : i32
      %add3A_2041 = vector.broadcast %add3A_2040 : i32 to vector<16xi32>
      %add3A_2042 = arith.addi %shift_left3A_2039, %add3A_2041 : vector<16xi32>
      %gather3A_2043 = tpu.vector_load_idx %arg6[%add3A_2042] : memref<1040xf32, #tpu.memory_space<vmem>>[vector<16xi32>], vector<16xf32>,
      %shift_left3A_2044 = arith.constant 4 : i32
      %shift_left3A_2045 = vector.broadcast %shift_left3A_2044 : i32 to vector<16xi32>
      %shift_left3A_2046 = arith.shli %iota3A, %shift_left3A_2045 : vector<16xi32>
      %add3A_2047 = arith.constant 797 : i32
      %add3A_2048 = vector.broadcast %add3A_2047 : i32 to vector<16xi32>
      %add3A_2049 = arith.addi %shift_left3A_2046, %add3A_2048 : vector<16xi32>
      %gather3A_2050 = tpu.vector_load_idx %arg6[%add3A_2049] : memref<1040xf32, #tpu.memory_space<vmem>>[vector<16xi32>], vector<16xf32>,
      %add3A_2051 = arith.addf %gather3A_2029, %gather3A_2036 : vector<16xf32>
      %add3A_2052 = arith.addf %add3A_2051, %gather3A_2043 : vector<16xf32>
      %add3A_2053 = arith.addf %add3A_2052, %gather3A_2050 : vector<16xf32>
      %reduce_sum3A_2054 = arith.constant true
      %reduce_sum3A_2055 = vector.broadcast %reduce_sum3A_2054 : i1 to vector<16xi1>
      %reduce_sum3A_2056 = tpu.scan <sum>, %add3A_2053 masked %reduce_sum3A_2055 : vector<16xf32>, vector<16xi1> -> vector<16xf32>
      %reduce_sum3A_2057 = vector.extract %reduce_sum3A_2056[15] : f32 from vector<16xf32>
      %div3A_2058 = vector.broadcast %reduce_sum3A_2057 : f32 to vector<16xf32>
      %div3A_2059 = arith.divf %gather3A_2029, %div3A_2058 : vector<16xf32>
      %swap3A_2060 = arith.constant 13 : i32
      %swap3A_2061 = arith.index_cast %swap3A_2060 : i32 to index
      %swap3A_2062 = arith.constant 0 : index
      %swap3A_2063 = tpu.vector_load %arg7[%swap3A_2061, %swap3A_2062] {strides = array<i32>} : memref<16x64xf32, #tpu.memory_space<vmem>>, vector<16xf32>,
      tpu.vector_store %arg7[%swap3A_2061, %swap3A_2062], %div3A_2059 {strides = array<i32>} : memref<16x64xf32, #tpu.memory_space<vmem>>, vector<16xf32>,
      %div3A_2064 = vector.broadcast %reduce_sum3A_2057 : f32 to vector<16xf32>
      %div3A_2065 = arith.divf %gather3A_2036, %div3A_2064 : vector<16xf32>
      %swap3A_2066 = arith.constant 13 : i32
      %swap3A_2067 = arith.index_cast %swap3A_2066 : i32 to index
      %swap3A_2068 = arith.constant 16 : index
      %swap3A_2069 = tpu.vector_load %arg7[%swap3A_2067, %swap3A_2068] {strides = array<i32>} : memref<16x64xf32, #tpu.memory_space<vmem>>, vector<16xf32>,
      tpu.vector_store %arg7[%swap3A_2067, %swap3A_2068], %div3A_2065 {strides = array<i32>} : memref<16x64xf32, #tpu.memory_space<vmem>>, vector<16xf32>,
      %div3A_2070 = vector.broadcast %reduce_sum3A_2057 : f32 to vector<16xf32>
      %div3A_2071 = arith.divf %gather3A_2043, %div3A_2070 : vector<16xf32>
      %swap3A_2072 = arith.constant 13 : i32
      %swap3A_2073 = arith.index_cast %swap3A_2072 : i32 to index
      %swap3A_2074 = arith.constant 32 : index
      %swap3A_2075 = tpu.vector_load %arg7[%swap3A_2073, %swap3A_2074] {strides = array<i32>} : memref<16x64xf32, #tpu.memory_space<vmem>>, vector<16xf32>,
      tpu.vector_store %arg7[%swap3A_2073, %swap3A_2074], %div3A_2071 {strides = array<i32>} : memref<16x64xf32, #tpu.memory_space<vmem>>, vector<16xf32>,
      %div3A_2076 = vector.broadcast %reduce_sum3A_2057 : f32 to vector<16xf32>
      %div3A_2077 = arith.divf %gather3A_2050, %div3A_2076 : vector<16xf32>
      %swap3A_2078 = arith.constant 13 : i32
      %swap3A_2079 = arith.index_cast %swap3A_2078 : i32 to index
      %swap3A_2080 = arith.constant 48 : index
      %swap3A_2081 = tpu.vector_load %arg7[%swap3A_2079, %swap3A_2080] {strides = array<i32>} : memref<16x64xf32, #tpu.memory_space<vmem>>, vector<16xf32>,
      tpu.vector_store %arg7[%swap3A_2079, %swap3A_2080], %div3A_2077 {strides = array<i32>} : memref<16x64xf32, #tpu.memory_space<vmem>>, vector<16xf32>,
      %shift_left3A_2082 = arith.constant 4 : i32
      %shift_left3A_2083 = vector.broadcast %shift_left3A_2082 : i32 to vector<16xi32>
      %shift_left3A_2084 = arith.shli %iota3A, %shift_left3A_2083 : vector<16xi32>
      %add3A_2085 = arith.constant 30 : i32
      %add3A_2086 = vector.broadcast %add3A_2085 : i32 to vector<16xi32>
      %add3A_2087 = arith.addi %shift_left3A_2084, %add3A_2086 : vector<16xi32>
      %gather3A_2088 = tpu.vector_load_idx %arg6[%add3A_2087] : memref<1040xf32, #tpu.memory_space<vmem>>[vector<16xi32>], vector<16xf32>,
      %shift_left3A_2089 = arith.constant 4 : i32
      %shift_left3A_2090 = vector.broadcast %shift_left3A_2089 : i32 to vector<16xi32>
      %shift_left3A_2091 = arith.shli %iota3A, %shift_left3A_2090 : vector<16xi32>
      %add3A_2092 = arith.constant 286 : i32
      %add3A_2093 = vector.broadcast %add3A_2092 : i32 to vector<16xi32>
      %add3A_2094 = arith.addi %shift_left3A_2091, %add3A_2093 : vector<16xi32>
      %gather3A_2095 = tpu.vector_load_idx %arg6[%add3A_2094] : memref<1040xf32, #tpu.memory_space<vmem>>[vector<16xi32>], vector<16xf32>,
      %shift_left3A_2096 = arith.constant 4 : i32
      %shift_left3A_2097 = vector.broadcast %shift_left3A_2096 : i32 to vector<16xi32>
      %shift_left3A_2098 = arith.shli %iota3A, %shift_left3A_2097 : vector<16xi32>
      %add3A_2099 = arith.constant 542 : i32
      %add3A_2100 = vector.broadcast %add3A_2099 : i32 to vector<16xi32>
      %add3A_2101 = arith.addi %shift_left3A_2098, %add3A_2100 : vector<16xi32>
      %gather3A_2102 = tpu.vector_load_idx %arg6[%add3A_2101] : memref<1040xf32, #tpu.memory_space<vmem>>[vector<16xi32>], vector<16xf32>,
      %shift_left3A_2103 = arith.constant 4 : i32
      %shift_left3A_2104 = vector.broadcast %shift_left3A_2103 : i32 to vector<16xi32>
      %shift_left3A_2105 = arith.shli %iota3A, %shift_left3A_2104 : vector<16xi32>
      %add3A_2106 = arith.constant 798 : i32
      %add3A_2107 = vector.broadcast %add3A_2106 : i32 to vector<16xi32>
      %add3A_2108 = arith.addi %shift_left3A_2105, %add3A_2107 : vector<16xi32>
      %gather3A_2109 = tpu.vector_load_idx %arg6[%add3A_2108] : memref<1040xf32, #tpu.memory_space<vmem>>[vector<16xi32>], vector<16xf32>,
      %add3A_2110 = arith.addf %gather3A_2088, %gather3A_2095 : vector<16xf32>
      %add3A_2111 = arith.addf %add3A_2110, %gather3A_2102 : vector<16xf32>
      %add3A_2112 = arith.addf %add3A_2111, %gather3A_2109 : vector<16xf32>
      %reduce_sum3A_2113 = arith.constant true
      %reduce_sum3A_2114 = vector.broadcast %reduce_sum3A_2113 : i1 to vector<16xi1>
      %reduce_sum3A_2115 = tpu.scan <sum>, %add3A_2112 masked %reduce_sum3A_2114 : vector<16xf32>, vector<16xi1> -> vector<16xf32>
      %reduce_sum3A_2116 = vector.extract %reduce_sum3A_2115[15] : f32 from vector<16xf32>
      %div3A_2117 = vector.broadcast %reduce_sum3A_2116 : f32 to vector<16xf32>
      %div3A_2118 = arith.divf %gather3A_2088, %div3A_2117 : vector<16xf32>
      %swap3A_2119 = arith.constant 14 : i32
      %swap3A_2120 = arith.index_cast %swap3A_2119 : i32 to index
      %swap3A_2121 = arith.constant 0 : index
      %swap3A_2122 = tpu.vector_load %arg7[%swap3A_2120, %swap3A_2121] {strides = array<i32>} : memref<16x64xf32, #tpu.memory_space<vmem>>, vector<16xf32>,
      tpu.vector_store %arg7[%swap3A_2120, %swap3A_2121], %div3A_2118 {strides = array<i32>} : memref<16x64xf32, #tpu.memory_space<vmem>>, vector<16xf32>,
      %div3A_2123 = vector.broadcast %reduce_sum3A_2116 : f32 to vector<16xf32>
      %div3A_2124 = arith.divf %gather3A_2095, %div3A_2123 : vector<16xf32>
      %swap3A_2125 = arith.constant 14 : i32
      %swap3A_2126 = arith.index_cast %swap3A_2125 : i32 to index
      %swap3A_2127 = arith.constant 16 : index
      %swap3A_2128 = tpu.vector_load %arg7[%swap3A_2126, %swap3A_2127] {strides = array<i32>} : memref<16x64xf32, #tpu.memory_space<vmem>>, vector<16xf32>,
      tpu.vector_store %arg7[%swap3A_2126, %swap3A_2127], %div3A_2124 {strides = array<i32>} : memref<16x64xf32, #tpu.memory_space<vmem>>, vector<16xf32>,
      %div3A_2129 = vector.broadcast %reduce_sum3A_2116 : f32 to vector<16xf32>
      %div3A_2130 = arith.divf %gather3A_2102, %div3A_2129 : vector<16xf32>
      %swap3A_2131 = arith.constant 14 : i32
      %swap3A_2132 = arith.index_cast %swap3A_2131 : i32 to index
      %swap3A_2133 = arith.constant 32 : index
      %swap3A_2134 = tpu.vector_load %arg7[%swap3A_2132, %swap3A_2133] {strides = array<i32>} : memref<16x64xf32, #tpu.memory_space<vmem>>, vector<16xf32>,
      tpu.vector_store %arg7[%swap3A_2132, %swap3A_2133], %div3A_2130 {strides = array<i32>} : memref<16x64xf32, #tpu.memory_space<vmem>>, vector<16xf32>,
      %div3A_2135 = vector.broadcast %reduce_sum3A_2116 : f32 to vector<16xf32>
      %div3A_2136 = arith.divf %gather3A_2109, %div3A_2135 : vector<16xf32>
      %swap3A_2137 = arith.constant 14 : i32
      %swap3A_2138 = arith.index_cast %swap3A_2137 : i32 to index
      %swap3A_2139 = arith.constant 48 : index
      %swap3A_2140 = tpu.vector_load %arg7[%swap3A_2138, %swap3A_2139] {strides = array<i32>} : memref<16x64xf32, #tpu.memory_space<vmem>>, vector<16xf32>,
      tpu.vector_store %arg7[%swap3A_2138, %swap3A_2139], %div3A_2136 {strides = array<i32>} : memref<16x64xf32, #tpu.memory_space<vmem>>, vector<16xf32>,
      %shift_left3A_2141 = arith.constant 4 : i32
      %shift_left3A_2142 = vector.broadcast %shift_left3A_2141 : i32 to vector<16xi32>
      %shift_left3A_2143 = arith.shli %iota3A, %shift_left3A_2142 : vector<16xi32>
      %add3A_2144 = arith.constant 31 : i32
      %add3A_2145 = vector.broadcast %add3A_2144 : i32 to vector<16xi32>
      %add3A_2146 = arith.addi %shift_left3A_2143, %add3A_2145 : vector<16xi32>
      %gather3A_2147 = tpu.vector_load_idx %arg6[%add3A_2146] : memref<1040xf32, #tpu.memory_space<vmem>>[vector<16xi32>], vector<16xf32>,
      %shift_left3A_2148 = arith.constant 4 : i32
      %shift_left3A_2149 = vector.broadcast %shift_left3A_2148 : i32 to vector<16xi32>
      %shift_left3A_2150 = arith.shli %iota3A, %shift_left3A_2149 : vector<16xi32>
      %add3A_2151 = arith.constant 287 : i32
      %add3A_2152 = vector.broadcast %add3A_2151 : i32 to vector<16xi32>
      %add3A_2153 = arith.addi %shift_left3A_2150, %add3A_2152 : vector<16xi32>
      %gather3A_2154 = tpu.vector_load_idx %arg6[%add3A_2153] : memref<1040xf32, #tpu.memory_space<vmem>>[vector<16xi32>], vector<16xf32>,
      %shift_left3A_2155 = arith.constant 4 : i32
      %shift_left3A_2156 = vector.broadcast %shift_left3A_2155 : i32 to vector<16xi32>
      %shift_left3A_2157 = arith.shli %iota3A, %shift_left3A_2156 : vector<16xi32>
      %add3A_2158 = arith.constant 543 : i32
      %add3A_2159 = vector.broadcast %add3A_2158 : i32 to vector<16xi32>
      %add3A_2160 = arith.addi %shift_left3A_2157, %add3A_2159 : vector<16xi32>
      %gather3A_2161 = tpu.vector_load_idx %arg6[%add3A_2160] : memref<1040xf32, #tpu.memory_space<vmem>>[vector<16xi32>], vector<16xf32>,
      %shift_left3A_2162 = arith.constant 4 : i32
      %shift_left3A_2163 = vector.broadcast %shift_left3A_2162 : i32 to vector<16xi32>
      %shift_left3A_2164 = arith.shli %iota3A, %shift_left3A_2163 : vector<16xi32>
      %add3A_2165 = arith.constant 799 : i32
      %add3A_2166 = vector.broadcast %add3A_2165 : i32 to vector<16xi32>
      %add3A_2167 = arith.addi %shift_left3A_2164, %add3A_2166 : vector<16xi32>
      %gather3A_2168 = tpu.vector_load_idx %arg6[%add3A_2167] : memref<1040xf32, #tpu.memory_space<vmem>>[vector<16xi32>], vector<16xf32>,
      %add3A_2169 = arith.addf %gather3A_2147, %gather3A_2154 : vector<16xf32>
      %add3A_2170 = arith.addf %add3A_2169, %gather3A_2161 : vector<16xf32>
      %add3A_2171 = arith.addf %add3A_2170, %gather3A_2168 : vector<16xf32>
      %reduce_sum3A_2172 = arith.constant true
      %reduce_sum3A_2173 = vector.broadcast %reduce_sum3A_2172 : i1 to vector<16xi1>
      %reduce_sum3A_2174 = tpu.scan <sum>, %add3A_2171 masked %reduce_sum3A_2173 : vector<16xf32>, vector<16xi1> -> vector<16xf32>
      %reduce_sum3A_2175 = vector.extract %reduce_sum3A_2174[15] : f32 from vector<16xf32>
      %div3A_2176 = vector.broadcast %reduce_sum3A_2175 : f32 to vector<16xf32>
      %div3A_2177 = arith.divf %gather3A_2147, %div3A_2176 : vector<16xf32>
      %swap3A_2178 = arith.constant 15 : i32
      %swap3A_2179 = arith.index_cast %swap3A_2178 : i32 to index
      %swap3A_2180 = arith.constant 0 : index
      %swap3A_2181 = tpu.vector_load %arg7[%swap3A_2179, %swap3A_2180] {strides = array<i32>} : memref<16x64xf32, #tpu.memory_space<vmem>>, vector<16xf32>,
      tpu.vector_store %arg7[%swap3A_2179, %swap3A_2180], %div3A_2177 {strides = array<i32>} : memref<16x64xf32, #tpu.memory_space<vmem>>, vector<16xf32>,
      %div3A_2182 = vector.broadcast %reduce_sum3A_2175 : f32 to vector<16xf32>
      %div3A_2183 = arith.divf %gather3A_2154, %div3A_2182 : vector<16xf32>
      %swap3A_2184 = arith.constant 15 : i32
      %swap3A_2185 = arith.index_cast %swap3A_2184 : i32 to index
      %swap3A_2186 = arith.constant 16 : index
      %swap3A_2187 = tpu.vector_load %arg7[%swap3A_2185, %swap3A_2186] {strides = array<i32>} : memref<16x64xf32, #tpu.memory_space<vmem>>, vector<16xf32>,
      tpu.vector_store %arg7[%swap3A_2185, %swap3A_2186], %div3A_2183 {strides = array<i32>} : memref<16x64xf32, #tpu.memory_space<vmem>>, vector<16xf32>,
      %div3A_2188 = vector.broadcast %reduce_sum3A_2175 : f32 to vector<16xf32>
      %div3A_2189 = arith.divf %gather3A_2161, %div3A_2188 : vector<16xf32>
      %swap3A_2190 = arith.constant 15 : i32
      %swap3A_2191 = arith.index_cast %swap3A_2190 : i32 to index
      %swap3A_2192 = arith.constant 32 : index
      %swap3A_2193 = tpu.vector_load %arg7[%swap3A_2191, %swap3A_2192] {strides = array<i32>} : memref<16x64xf32, #tpu.memory_space<vmem>>, vector<16xf32>,
      tpu.vector_store %arg7[%swap3A_2191, %swap3A_2192], %div3A_2189 {strides = array<i32>} : memref<16x64xf32, #tpu.memory_space<vmem>>, vector<16xf32>,
      %div3A_2194 = vector.broadcast %reduce_sum3A_2175 : f32 to vector<16xf32>
      %div3A_2195 = arith.divf %gather3A_2168, %div3A_2194 : vector<16xf32>
      %swap3A_2196 = arith.constant 15 : i32
      %swap3A_2197 = arith.index_cast %swap3A_2196 : i32 to index
      %swap3A_2198 = arith.constant 48 : index
      %swap3A_2199 = tpu.vector_load %arg7[%swap3A_2197, %swap3A_2198] {strides = array<i32>} : memref<16x64xf32, #tpu.memory_space<vmem>>, vector<16xf32>,
      tpu.vector_store %arg7[%swap3A_2197, %swap3A_2198], %div3A_2195 {strides = array<i32>} : memref<16x64xf32, #tpu.memory_space<vmem>>, vector<16xf32>,
      %mul3A_2200 = arith.constant 16 : i32
      %mul3A_2201 = arith.muli %add3A_1122, %mul3A_2200 : i32
      %add3A_2202 = arith.addi %mul3A_2, %mul3A_2201 : i32
      "tpu.region"() ({
        %run_scoped3A = tpu.sem_alloc : memref<!tpu.dma_semaphore, #tpu.memory_space<semaphore_mem>>
        %dma_start3A_2203 = arith.constant 0 : i32
        %dma_start3A_2204 = tpu.memref_slice %arg3[%add3A_2202, %dma_start3A_2203] : memref<16384x64xf32, #tpu.memory_space<hbm>> -> memref<16x64xf32, #tpu.memory_space<hbm>>
        %dma_start3A_2205 = arith.constant 0 : i32
        %dma_start3A_2206 = tpu.memref_slice %arg3[%add3A_2202, %dma_start3A_2205] : memref<16384x64xf32, #tpu.memory_space<hbm>> -> memref<16x64xf32, #tpu.memory_space<hbm>>
        tpu.enqueue_dma source(%arg7 : memref<16x64xf32, #tpu.memory_space<vmem>>) target(%dma_start3A_2206 : memref<16x64xf32, #tpu.memory_space<hbm>>) target_semaphore(%run_scoped3A : memref<!tpu.dma_semaphore, #tpu.memory_space<semaphore_mem>>)
        %dma_wait3A_2207 = arith.constant 0 : i32
        %dma_wait3A_2208 = tpu.memref_slice %arg3[%add3A_2202, %dma_wait3A_2207] : memref<16384x64xf32, #tpu.memory_space<hbm>> -> memref<16x64xf32, #tpu.memory_space<hbm>>
        %dma_wait3A_2209 = arith.constant 0 : i32
        %dma_wait3A_2210 = tpu.memref_slice %arg3[%add3A_2202, %dma_wait3A_2209] : memref<16384x64xf32, #tpu.memory_space<hbm>> -> memref<16x64xf32, #tpu.memory_space<hbm>>
        tpu.wait_dma2 semaphore(%run_scoped3A : memref<!tpu.dma_semaphore, #tpu.memory_space<semaphore_mem>>) src(%arg7 : memref<16x64xf32, #tpu.memory_space<vmem>>) dst(%dma_wait3A_2210 : memref<16x64xf32, #tpu.memory_space<hbm>>)
        tpu.yield
      }) : () -> ()
    }
    %scan3A_15 = arith.constant 16 : i32
    return
  }
}

module attributes {stable_mosaic.version = 14 : i64} {
  func.func @mlp_kernel(%arg0: i32, %arg1: memref<2048x64xf32, #tpu.memory_space<vmem>>, %arg2: memref<2048x1xi32, #tpu.memory_space<vmem>>, %arg3: memref<64x64xf32, #tpu.memory_space<vmem>>, %arg4: memref<64x1024xf32, #tpu.memory_space<vmem>>, %arg5: memref<64x1024xf32, #tpu.memory_space<vmem>>, %arg6: memref<1x1024xf32, #tpu.memory_space<vmem>>, %arg7: memref<1x1024xf32, #tpu.memory_space<vmem>>, %arg8: memref<1x1xf32, #tpu.memory_space<vmem>>, %arg9: memref<2048x1xf32, #tpu.memory_space<vmem>>) attributes {dimension_semantics = [#tpu.dimension_semantics<arbitrary>], iteration_bounds = array<i64: 8>, scalar_prefetch = 0 : i64, scratch_operands = 0 : i64, tpu.core_type = #tpu.core_type<tc>, window_params = [{transform_indices = @transform_0, window_bounds = array<i64: 2048, 64>}, {transform_indices = @transform_1, window_bounds = array<i64: 2048, 1>}, {pipeline_mode = #tpu.pipeline_mode<synchronous>, transform_indices = @transform_2, window_bounds = array<i64: 64, 64>}, {pipeline_mode = #tpu.pipeline_mode<synchronous>, transform_indices = @transform_3, window_bounds = array<i64: 64, 1024>}, {pipeline_mode = #tpu.pipeline_mode<synchronous>, transform_indices = @transform_4, window_bounds = array<i64: 64, 1024>}, {pipeline_mode = #tpu.pipeline_mode<synchronous>, transform_indices = @transform_5, window_bounds = array<i64: 1, 1024>}, {pipeline_mode = #tpu.pipeline_mode<synchronous>, transform_indices = @transform_6, window_bounds = array<i64: 1, 1024>}, {pipeline_mode = #tpu.pipeline_mode<synchronous>, transform_indices = @transform_7, window_bounds = array<i64: 1, 1>}, {transform_indices = @transform_8, window_bounds = array<i64: 2048, 1>}]} {
    %get3A = arith.constant 0 : index
    %get3A_0 = arith.constant 0 : index
    %get3A_1 = vector.load %arg3[%get3A, %get3A_0] : memref<64x64xf32, #tpu.memory_space<vmem>>, vector<64x64xf32>
    %mul3A = arith.mulf %get3A_1, %get3A_1 : vector<64x64xf32>
    %reduce_sum3A = arith.constant dense<0.000000e+00> : vector<64xf32>
    %reduce_sum3A_2 = vector.multi_reduction <add>, %mul3A, %reduce_sum3A [1] : vector<64x64xf32> to vector<64xf32>
    %broadcast_in_dim3A = vector.shape_cast %reduce_sum3A_2 : vector<64xf32> to vector<64x1xf32>
    %sqrt3A = math.sqrt %broadcast_in_dim3A : vector<64x1xf32>
    %gt3A = arith.constant 1.000000e+00 : f32
    %gt3A_3 = vector.broadcast %gt3A : f32 to vector<64x1xf32>
    %gt3A_4 = arith.cmpf ogt, %sqrt3A, %gt3A_3 : vector<64x1xf32>
    %max3A = arith.constant 1.000000e-07 : f32
    %max3A_5 = vector.broadcast %max3A : f32 to vector<64x1xf32>
    %max3A_6 = arith.maximumf %sqrt3A, %max3A_5 : vector<64x1xf32>
    %div3A = arith.constant 1.000000e+00 : f32
    %div3A_7 = vector.broadcast %div3A : f32 to vector<64x1xf32>
    %div3A_8 = arith.divf %div3A_7, %max3A_6 : vector<64x1xf32>
    %jit3A = arith.constant 1.000000e+00 : f32
    %broadcast_in_dim3A_9 = vector.broadcast %jit3A : f32 to vector<64x1xf32>
    %select_n3A = arith.select %gt3A_4, %div3A_8, %broadcast_in_dim3A_9 : vector<64x1xi1>, vector<64x1xf32>
    %mul3A_10 = vector.broadcast %select_n3A : vector<64x1xf32> to vector<64x64xf32>
    %mul3A_11 = arith.mulf %get3A_1, %mul3A_10 : vector<64x64xf32>
    %get3A_12 = arith.constant 0 : index
    %get3A_13 = arith.constant 0 : index
    %get3A_14 = vector.load %arg4[%get3A_12, %get3A_13] : memref<64x1024xf32, #tpu.memory_space<vmem>>, vector<64x1024xf32>
    %dot_general3A = arith.constant dense<0.000000e+00> : vector<64x1024xf32>
    %dot_general3A_15 = tpu.matmul %mul3A_11, %get3A_14, %dot_general3A {dimension_numbers = #tpu.dot_dimension_numbers<[1], [0], [0], [1], [0, 0, 1, 1], [], []>, transpose_lhs_hint = false} : vector<64x64xf32>, vector<64x1024xf32>, vector<64x1024xf32> -> vector<64x1024xf32>
    %get3A_16 = arith.constant 0 : index
    %get3A_17 = arith.constant 0 : index
    %get3A_18 = vector.load %arg2[%get3A_16, %get3A_17] : memref<2048x1xi32, #tpu.memory_space<vmem>>, vector<2048x1xi32>
    %iota3A = tpu.iota {dimensions = array<i32: 1>} : vector<1x64xi32>
    %eq3A = vector.broadcast %get3A_18 : vector<2048x1xi32> to vector<2048x64xi32>
    %eq3A_19 = vector.broadcast %iota3A : vector<1x64xi32> to vector<2048x64xi32>
    %eq3A_20 = arith.cmpi eq, %eq3A, %eq3A_19 : vector<2048x64xi32>
    %convert_element_type3A = arith.extui %eq3A_20 : vector<2048x64xi1> to vector<2048x64xi32>
    %convert_element_type3A_21 = arith.sitofp %convert_element_type3A : vector<2048x64xi32> to vector<2048x64xf32>
    %dot_general3A_22 = arith.constant dense<0.000000e+00> : vector<2048x1024xf32>
    %dot_general3A_23 = tpu.matmul %convert_element_type3A_21, %dot_general3A_15, %dot_general3A_22 {dimension_numbers = #tpu.dot_dimension_numbers<[1], [0], [0], [1], [0, 0, 1, 1], [], []>, transpose_lhs_hint = false} : vector<2048x64xf32>, vector<64x1024xf32>, vector<2048x1024xf32> -> vector<2048x1024xf32>
    %get3A_24 = arith.constant 0 : index
    %get3A_25 = arith.constant 0 : index
    %get3A_26 = vector.load %arg1[%get3A_24, %get3A_25] : memref<2048x64xf32, #tpu.memory_space<vmem>>, vector<2048x64xf32>
    %get3A_27 = arith.constant 0 : index
    %get3A_28 = arith.constant 0 : index
    %get3A_29 = vector.load %arg5[%get3A_27, %get3A_28] : memref<64x1024xf32, #tpu.memory_space<vmem>>, vector<64x1024xf32>
    %dot_general3A_30 = arith.constant dense<0.000000e+00> : vector<2048x1024xf32>
    %dot_general3A_31 = tpu.matmul %get3A_26, %get3A_29, %dot_general3A_30 {dimension_numbers = #tpu.dot_dimension_numbers<[1], [0], [0], [1], [0, 0, 1, 1], [], []>, transpose_lhs_hint = false} : vector<2048x64xf32>, vector<64x1024xf32>, vector<2048x1024xf32> -> vector<2048x1024xf32>
    %add3A = arith.addf %dot_general3A_23, %dot_general3A_31 : vector<2048x1024xf32>
    %get3A_32 = arith.constant 0 : index
    %get3A_33 = arith.constant 0 : index
    %get3A_34 = vector.load %arg6[%get3A_32, %get3A_33] : memref<1x1024xf32, #tpu.memory_space<vmem>>, vector<1x1024xf32>
    %add3A_35 = vector.broadcast %get3A_34 : vector<1x1024xf32> to vector<2048x1024xf32>
    %add3A_36 = arith.addf %add3A, %add3A_35 : vector<2048x1024xf32>
    %max3A_37 = arith.constant 0.000000e+00 : f32
    %max3A_38 = vector.broadcast %max3A_37 : f32 to vector<2048x1024xf32>
    %max3A_39 = arith.maximumf %add3A_36, %max3A_38 : vector<2048x1024xf32>
    %get3A_40 = arith.constant 0 : index
    %get3A_41 = arith.constant 0 : index
    %get3A_42 = vector.load %arg7[%get3A_40, %get3A_41] : memref<1x1024xf32, #tpu.memory_space<vmem>>, vector<1x1024xf32>
    %mul3A_43 = vector.broadcast %get3A_42 : vector<1x1024xf32> to vector<2048x1024xf32>
    %mul3A_44 = arith.mulf %max3A_39, %mul3A_43 : vector<2048x1024xf32>
    %reduce_sum3A_45 = arith.constant dense<0.000000e+00> : vector<2048xf32>
    %reduce_sum3A_46 = vector.multi_reduction <add>, %mul3A_44, %reduce_sum3A_45 [1] : vector<2048x1024xf32> to vector<2048xf32>
    %broadcast_in_dim3A_47 = vector.shape_cast %reduce_sum3A_46 : vector<2048xf32> to vector<2048x1xf32>
    %get3A_48 = arith.constant 0 : index
    %get3A_49 = arith.constant 0 : index
    %get3A_50 = vector.load %arg8[%get3A_48, %get3A_49] : memref<1x1xf32, #tpu.memory_space<vmem>>, vector<1x1xf32>
    %get3A_51 = vector.extract %get3A_50[0, 0] : f32 from vector<1x1xf32>
    %add3A_52 = vector.broadcast %get3A_51 : f32 to vector<2048x1xf32>
    %add3A_53 = arith.addf %broadcast_in_dim3A_47, %add3A_52 : vector<2048x1xf32>
    %swap3A = arith.constant 0 : index
    %swap3A_54 = arith.constant 0 : index
    %swap3A_55 = vector.load %arg9[%swap3A, %swap3A_54] : memref<2048x1xf32, #tpu.memory_space<vmem>>, vector<2048x1xf32>
    tpu.vector_store %arg9[%swap3A, %swap3A_54], %add3A_53 {strides = array<i32>} : memref<2048x1xf32, #tpu.memory_space<vmem>>, vector<2048x1xf32>,
    return
  }
  func.func @transform_0(%arg0: i32) -> (i32, i32) {
    %c0_i32 = arith.constant 0 : i32
    %c0_i32_0 = arith.constant 0 : i32
    return %arg0, %c0_i32 : i32, i32
  }
  func.func @transform_1(%arg0: i32) -> (i32, i32) {
    %c0_i32 = arith.constant 0 : i32
    %c0_i32_0 = arith.constant 0 : i32
    return %arg0, %c0_i32 : i32, i32
  }
  func.func @transform_2(%arg0: i32) -> (i32, i32) {
    %c0_i32 = arith.constant 0 : i32
    %c0_i32_0 = arith.constant 0 : i32
    %c0_i32_1 = arith.constant 0 : i32
    return %c0_i32, %c0_i32_0 : i32, i32
  }
  func.func @transform_3(%arg0: i32) -> (i32, i32) {
    %c0_i32 = arith.constant 0 : i32
    %c0_i32_0 = arith.constant 0 : i32
    %c0_i32_1 = arith.constant 0 : i32
    return %c0_i32, %c0_i32_0 : i32, i32
  }
  func.func @transform_4(%arg0: i32) -> (i32, i32) {
    %c0_i32 = arith.constant 0 : i32
    %c0_i32_0 = arith.constant 0 : i32
    %c0_i32_1 = arith.constant 0 : i32
    return %c0_i32, %c0_i32_0 : i32, i32
  }
  func.func @transform_5(%arg0: i32) -> (i32, i32) {
    %c0_i32 = arith.constant 0 : i32
    %c0_i32_0 = arith.constant 0 : i32
    %c0_i32_1 = arith.constant 0 : i32
    return %c0_i32, %c0_i32_0 : i32, i32
  }
  func.func @transform_6(%arg0: i32) -> (i32, i32) {
    %c0_i32 = arith.constant 0 : i32
    %c0_i32_0 = arith.constant 0 : i32
    %c0_i32_1 = arith.constant 0 : i32
    return %c0_i32, %c0_i32_0 : i32, i32
  }
  func.func @transform_7(%arg0: i32) -> (i32, i32) {
    %c0_i32 = arith.constant 0 : i32
    %c0_i32_0 = arith.constant 0 : i32
    %c0_i32_1 = arith.constant 0 : i32
    return %c0_i32, %c0_i32_0 : i32, i32
  }
  func.func @transform_8(%arg0: i32) -> (i32, i32) {
    %c0_i32 = arith.constant 0 : i32
    %c0_i32_0 = arith.constant 0 : i32
    return %arg0, %c0_i32 : i32, i32
  }
}

</mosaic_0001>

<sc_bundles>
// kernel: kernel.4.cloned.1.call-start
scs
__scs_entry_jumppad:
0x0: {  	(pc) =	sbr.rel $0x88, $3  }
0x1: {  	(tag) =	ssettag $0x0;
	lr =	simm.s32 $0x1  }
0x2: {  	[smem:$0x3F9A] =	sst lr;
	_ =	strace $0xD0000000  }
0x3: {  	_ = 	snop  }
0x4: {  	_ = 	snop  }
0x5: {  	_ = 	snop  }
0x6: {  	_ = 	snop  }
0x7: {  	_ = 	snop  }
__scs_overlays_trampoline_lowered:
0x8: {  	[smem:$0x3FA9] =	sst s0  }
0x9: {  	[smem:$0x3FAA] =	sst s1  }
0xa: {  	[smem:$0x3FAB] =	sst s2  }
0xb: {  	[smem:$0x3FAC] =	sst s3  }
0xc: {  	[smem:$0x3FAD] =	sst s4  }
0xd: {  	[smem:$0x3FAE] =	sst s5  }
0xe: {  	[smem:$0x3FAF] =	sst s6  }
0xf: {  	[smem:$0x3FB0] =	sst s7  }
0x10: {  	[smem:$0x3FB1] =	sst s8  }
0x11: {  	[smem:$0x3FB2] =	sst s9;
	s0 =	simm.s32 @!p0 $0x0  }
0x12: {  	s1 =	sld [smem:$0x3F98];
	s0 =	simm.s32 @p0 $0x1  }
0x13: {  	[smem:$0x3FB3] =	sst s0;
	s0 =	simm.s32 @!p1 $0x0  }
0x14: {  	s2 =	sld [smem:$0x3F97];
	s0 =	simm.s32 @p1 $0x1  }
0x15: {  	[smem:$0x3FB4] =	sst s0;
	s0 =	simm.s32 @!p2 $0x0  }
0x16: {  	s3 =	sld [smem:$0x3FDB];
	s0 =	simm.s32 @p2 $0x1  }
0x17: {  	s4 =	simm.s32 $0x1BF5;
	[smem:$0x3FB6] =	sst s0  }
0x18: {  	s0 =	sld [smem:$0x3F99];
	_ =	swait.ge [sflag:s4], $0x0  }
0x19: {  	s7 =	sld [smem:$0x3F9A]  }
0x1a: {  	s8 =	sadd.s32 $0xFFFFE003, lr  }
0x1b: {  	s9 =	sadd.s32 $0xFFFFFEF7, lr;
	s5 =	simm.s32 $0xFFFFFFFF;
	p2 =	slt.u32 s8, $0xFFFFF086  }
0x1c: {  	p1 =	slt.u32 s9, $0xF7A;
	s5 =	simm.s32 @!p2 $0x0  }
0x1d: {  	s5 =	simm.s32 @p1 $0x1;
	p0 =	seq.s32 s7, s2  }
0x1e: {  	s7 =	smul.u32 @!p0 $0xF7A, s2;
	p2 =	seq.s32 @!p0 s5, $0x0  }
0x1f: {  	s9 =	smul.u32 $0xF7A, s1;
	s8 =	simm.s32 @!p0 $0x1BF5;
	p2 =	por !p2, p0  }
0x20: {  	[sflag:s8] =	ssyncset.s32 @!p0 $0xFFFFF086;
	s6 =	sadd.s32 @!p0 s3, s7;
	s7 =	simm.s32 @!p0 $0x108  }
0x21: {  	s3 =	sadd.s32 s3, s9;
	s6 =	sadd.s32 @!p0 $0x88, s6;
	s7 =	simm.s32 @p2 $0x1082  }
0x22: {  	[simem:s7], [sflag:s8] =	dma.local @!p0 [hbm:s6], $0xF7A  }
0x23: {  	s9 =	sor.u32 $0xD0000000, s2;
	s6 =	simm.s32 $0x108;
	_ =	swait.ge @!p0 [sflag:s8], $0x0  }
0x24: {  	s3 =	sadd.s32 $0x88, s3;
	s6 =	simm.s32 @!p1 $0x1082;
	[sflag:s4] =	ssyncset.s32 $0xFFFFF086  }
0x25: {  	[simem:s6], [sflag:s4] =	dma.local [hbm:s3], $0xF7A  }
0x26: {  	[smem:$0x3F9A] =	sst s1;
	(tag) =	ssettag s2;
	_ =	strace s9  }
0x27: {  	s1 =	sld [smem:$0x3FAA]  }
0x28: {  	s2 =	sld [smem:$0x3FAB]  }
0x29: {  	s4 =	sld [smem:$0x3FAD]  }
0x2a: {  	p0 =	seq.s32 s5, $0x0;
	s5 =	sld [smem:$0x3FAE]  }
0x2b: {  	s6 =	sld [smem:$0x3FAF]  }
0x2c: {  	s7 =	sld [smem:$0x3FB0]  }
0x2d: {  	s3 =	simm.s32 $0x108;
	s8 =	sld [smem:$0x3FB1]  }
0x2e: {  	s3 =	simm.s32 @!p0 $0x1082;
	s9 =	sld [smem:$0x3FB2]  }
0x2f: {  	lr =	sadd.s32 s0, s3;
	s0 =	sld [smem:$0x3FA9]  }
0x30: {  	s3 =	sld [smem:$0x3FAC]  }
0x31: {  	[smem:$0x3FB5] =	sst s10  }
0x32: {  	s10 =	sld [smem:$0x3FB3];
	_ =	sdelay $0x3  }
0x33: {  	p0 =	seq.s32 s10, $0x1;
	s10 =	sld [smem:$0x3FB5];
	_ =	sdelay $0x3  }
0x34: {  	[smem:$0x3FB5] =	sst s10  }
0x35: {  	s10 =	sld [smem:$0x3FB4];
	_ =	sdelay $0x3  }
0x36: {  	p1 =	seq.s32 s10, $0x1;
	s10 =	sld [smem:$0x3FB5];
	_ =	sdelay $0x3  }
0x37: {  	[smem:$0x3FB5] =	sst s10  }
0x38: {  	s10 =	sld [smem:$0x3FB6]  }
0x39: {  	_ = 	snop;
	(pc) =	sbr.ind lr, $3  }
0x3a: {  	_ = 	snop  }
0x3b: {  	_ = 	snop  }
0x3c: {  	p2 =	seq.s32 s10, $0x1;
	s10 =	sld [smem:$0x3FB5]  }
0x3d: {  	_ =	shalt  }
0x3e: {  	_ =	shalt  }
0x3f: {  	_ =	shalt  }
0x40: {  	_ =	shalt  }
0x41: {  	_ =	shalt  }
0x42: {  	_ =	shalt  }
0x43: {  	_ =	shalt  }
0x44: {  	_ =	shalt  }
0x45: {  	_ =	shalt  }
0x46: {  	_ =	shalt  }
0x47: {  	_ =	shalt  }
0x48: {  	_ =	shalt  }
0x49: {  	_ =	shalt  }
0x4a: {  	_ =	shalt  }
0x4b: {  	_ =	shalt  }
0x4c: {  	_ =	shalt  }
0x4d: {  	_ =	shalt  }
0x4e: {  	_ =	shalt  }
0x4f: {  	_ =	shalt  }
0x50: {  	_ =	shalt  }
0x51: {  	_ =	shalt  }
0x52: {  	_ =	shalt  }
0x53: {  	_ =	shalt  }
0x54: {  	_ =	shalt  }
0x55: {  	_ =	shalt  }
0x56: {  	_ =	shalt  }
0x57: {  	_ =	shalt  }
0x58: {  	_ =	shalt  }
0x59: {  	_ =	shalt  }
0x5a: {  	_ =	shalt  }
0x5b: {  	_ =	shalt  }
0x5c: {  	_ =	shalt  }
0x5d: {  	_ =	shalt  }
0x5e: {  	_ =	shalt  }
0x5f: {  	_ =	shalt  }
0x60: {  	_ =	shalt  }
0x61: {  	_ =	shalt  }
0x62: {  	_ =	shalt  }
0x63: {  	_ =	shalt  }
0x64: {  	_ =	shalt  }
0x65: {  	_ =	shalt  }
0x66: {  	_ =	shalt  }
0x67: {  	_ =	shalt  }
0x68: {  	_ =	shalt  }
0x69: {  	_ =	shalt  }
0x6a: {  	_ =	shalt  }
0x6b: {  	_ =	shalt  }
0x6c: {  	_ =	shalt  }
0x6d: {  	_ =	shalt  }
0x6e: {  	_ =	shalt  }
0x6f: {  	_ =	shalt  }
0x70: {  	_ =	shalt  }
0x71: {  	_ =	shalt  }
0x72: {  	_ =	shalt  }
0x73: {  	_ =	shalt  }
0x74: {  	_ =	shalt  }
0x75: {  	_ =	shalt  }
0x76: {  	_ =	shalt  }
0x77: {  	_ =	shalt  }
0x78: {  	_ =	shalt  }
0x79: {  	_ =	shalt  }
0x7a: {  	_ =	shalt  }
0x7b: {  	_ =	shalt  }
0x7c: {  	_ =	shalt  }
0x7d: {  	_ =	shalt  }
0x7e: {  	_ =	shalt  }
0x7f: {  	_ =	shalt  }
0x80: {  	_ =	shalt  }
0x81: {  	_ =	shalt  }
0x82: {  	_ =	shalt  }
0x83: {  	_ =	shalt  }
0x84: {  	_ =	shalt  }
0x85: {  	_ =	shalt  }
0x86: {  	_ =	shalt  }
0x87: {  	_ =	shalt  }
.Lfunc_end0:
.L_simem_size_0:
called_computation_lowered:
.L_overlay_start_0:
0x88: {  	s2 =	sld [smem:$0x3FD9]  }
0x89: {  	s3 =	sld [smem:$0x3FFE];
	_ =	sdelay $0x1  }
0x8a: {  	s1 =	srdreg.scid  }
0x8b: {  	s0 =	sand.u32 $0x1, s1  }
0x8c: {  	s17 =	sshll.u32 s0, $0xA;
	s2 =	sadd.s32 s3, s2  }
0x8d: {  	s2 =	sadd.s32 s2, s17  }
0x8e: {  	[smem:$0x3FC1] =	sst s2  }
0x8f: {  	_ = 	snop  }
0x90: {  	s2 =	sld [smem:$0x3FC9];
	(tm) =	ssettm $0x1  }
0x91: {  	s18 =	sld [smem:$0x3FFB];
	_ =	sdelay $0x3  }
0x92: {  	_ =	strace s18  }
0x93: {  	s3 =	sld [smem:$0x3FFC];
	_ =	sdelay $0x3  }
0x94: {  	_ =	strace s3  }
0x95: {  	s3 =	sld [smem:$0x3FFD];
	_ =	sdelay $0x3  }
0x96: {  	_ =	strace s3  }
0x97: {  	_ =	strace $0x8FFFFFFF  }
0x98: {  	s19 =	sld [smem:$0x3FDB];
	_ =	sdelay $0x1  }
0x99: {  	s4 =	simm.s32 $_scs_section_size  }
0x9a: {  	s5 =	simm.s32 $_size__tile_overlayer_lowered;
	s6 =	simm.s32 $_tile_overlayer_lowered  }
0x9b: {  	s22 =	simm.s32 $0x1BFF;
	s21 =	sshll.u32 s6, $0x1;
	s3 =	sadd.s32 s4, s19  }
0x9c: {  	s7 =	simm.s32 $0x0;
	s20 =	sshll.u32 s5, $0x1;
	s5 =	sadd.s32 s21, s3  }
0x9d: {  	[timem:s7], [sflag:s22] =	dma.local [hbm:s5], s20  }
0x9e: {  	_ =	swait.ge [sflag:s22], s20  }
0x9f: {  	s4 =	ssub.s32 $0x0, s20;
	[sflag:s22] =	ssyncset.done $0x0  }
0xa0: {  	[sflag:s22] =	ssyncadd.s32 s4;
	_ =	sdelay $0x1  }
0xa1: {  	s23 =	simm.s32 $0x1B8B  }
0xa2: {  	_ =	swait.ge [sflag:s23], $0x1  }
0xa3: {  	[sflag:s23] =	ssyncset.done $0x0  }
0xa4: {  	s25 =	simm.s32 $0x1B8E;
	s24 =	sld [smem:$0x3FFE];
	[sflag:s23] =	ssyncadd.s32 $0xFFFFFFFF  }
0xa5: {  	s26 =	simm.s32 $execute0_lowered;
	[smem:$0x3FD2] =	sst s25  }
0xa6: {  	s5 =	sshll.u32 s26, $0x1;
	_ =	strace $0x80000046;
	[dreg:$0x1] =	wrdreg $0xFFFFFFFF  }
0xa7: {  	s28 =	simm.s32 $_size_execute0_lowered;
	s3 =	sadd.s32 s3, s5;
	[dreg:$0x0] =	wrdreg $0x0  }
0xa8: {  	s5 =	sshll.u32 s28, $0x1;
	[dreg:$0x2] =	wrdreg s3  }
0xa9: {  	[dreg:$0x3] =	wrdreg s5  }
0xaa: {  	[dreg:$0x4] =	wrdreg $0xC0  }
0xab: {  	_ =	task [dreg:s7], $0x5FFFF  }
0xac: {  	[dreg:$0x1] =	wrdreg $0xFFFFFFFF  }
0xad: {  	[dreg:$0x0] =	wrdreg $0x60  }
0xae: {  	[dreg:$0x2] =	wrdreg s2  }
0xaf: {  	[dreg:$0x3] =	wrdreg s24  }
0xb0: {  	[dreg:$0x4] =	wrdreg $0x9  }
0xb1: {  	_ =	task.clear_ibuf [dreg:s7], $0x5FFFF;
	_ =	strace $0x90000046  }
0xb2: {  	s29 =	simm.s32 $0x9;
	_ =	strace $0x80000048  }
0xb3: {  	_ =	swait.ge [sflag:s29], $0x1  }
0xb4: {  	[sflag:s29] =	ssyncadd.s32 $0xFFFFFFFF  }
0xb5: {  	_ =	strace $0x90000048  }
0xb6: {  	_ =	sfence  }
0xb7: {  	s30 =	sld [smem:$0x0];
	_ =	sdelay $0x2  }
0xb8: {  	s31 =	sshll.u32 s1, $0xD;
	s1 =	sshrl.u32 s1, $0x2  }
0xb9: {  	s3 =	sand.u32 $0x4000, s31;
	s1 =	sadd.s32 s1, s30  }
0xba: {  	s0 =	sor.u32 s3, s0;
	s1 =	sshll.u32 s1, $0x11  }
0xbb: {  	s0 =	sor.u32 s1, s0  }
0xbc: {  	s0 =	sadd.s32 $0x8F2B, s0  }
0xbd: {  	[sflag:s0] =	ssyncadd.remote.s32 $0x1  }
0xbe: {  	_ =	sfence.sel $0xFFFF  }
0xbf: {  	[dreg:$0x0] =	wrdreg $0xFFFFFFFF;
	(pc) =	sbr.abs _section_cstart, $3  }
0xc0: {  	[dreg:$0x1] =	wrdreg $0xFFFFFFFF  }
0xc1: {  	_ =	task.clear_ibuf [dreg:s7], $0x2FFFF;
	_ =	strace $0x9FFFFFFF  }
0xc2: {  	(tm) =	ssettm $0x7FFFFFFF  }
0xc3: {  	_ =	shalt  }
tec
execute0_lowered:
.L_overlay_start_1:
0x0: {  	(tag) =	ssettag $0x1  }
0x1: {  	v0 =	vimm.s32 $0x4380;
	vm0 =	vcmask $0x300  }
0x2: {  	vm14 =	vcmask $0x704;
	v0 =	vsel vm0, $0x0, v0  }
0x3: {  	vm15 =	vcmask $0xB08;
	v0 =	vsel vm14, $0x80, v0  }
0x4: {  	vm4 =	vcmask $0xF0C;
	v0 =	vsel vm15, $0x100, v0  }
0x5: {  	vm5 =	vcmask $0x1310;
	v0 =	vsel vm4, $0x180, v0  }
0x6: {  	vm6 =	vcmask $0x1714;
	v0 =	vsel vm5, $0x200, v0  }
0x7: {  	vm7 =	vcmask $0x1B18;
	v0 =	vsel vm6, $0x280, v0  }
0x8: {  	vm8 =	vcmask $0x1F1C;
	v0 =	vsel vm7, $0x300, v0  }
0x9: {  	vm9 =	vcmask $0x2320;
	v0 =	vsel vm8, $0x380, v0  }
0xa: {  	vm10 =	vcmask $0x2724;
	v0 =	vsel vm9, $0x4000, v0  }
0xb: {  	vm11 =	vcmask $0x2B28;
	v0 =	vsel vm10, $0x4080, v0  }
0xc: {  	vm12 =	vcmask $0x2F2C;
	v0 =	vsel vm11, $0x4100, v0  }
0xd: {  	vm13 =	vcmask $0x3330;
	v1 =	vsel vm12, $0x4180, v0  }
0xe: {  	vm14 =	vcmask $0x3734;
	v0 =	vlaneseq.u32;
	v1 =	vsel vm13, $0x4200, v1  }
0xf: {  	v3 =	vsel vm14, $0x4280, v1;
	v1 =	vmul.u32 $0x10, v0;
	_ =	sdelay $0x1  }
0x10: {  	v5 =	vadd.s32 $0x111, v1  }
0x11: {  	[tilespmem:$0x1FDC0] =	vst v5;
	v5 =	vadd.s32 $0x211, v1  }
0x12: {  	[tilespmem:$0x1FDD0] =	vst v5;
	v5 =	vadd.s32 $0x311, v1  }
0x13: {  	[tilespmem:$0x1FDE0] =	vst v5;
	v5 =	vadd.s32 $0x12, v1  }
0x14: {  	[tilespmem:$0x1FDF0] =	vst v5;
	v5 =	vadd.s32 $0x112, v1  }
0x15: {  	[tilespmem:$0x1FE00] =	vst v5;
	v5 =	vadd.s32 $0x212, v1  }
0x16: {  	[tilespmem:$0x1FE10] =	vst v5;
	v5 =	vadd.s32 $0x312, v1  }
0x17: {  	[tilespmem:$0x1FE20] =	vst v5;
	v5 =	vadd.s32 $0x13, v1  }
0x18: {  	[tilespmem:$0x1FE30] =	vst v5;
	v5 =	vadd.s32 $0x113, v1  }
0x19: {  	[tilespmem:$0x1FE40] =	vst v5;
	v5 =	vadd.s32 $0x213, v1  }
0x1a: {  	[tilespmem:$0x1FE50] =	vst v5;
	v5 =	vadd.s32 $0x313, v1  }
0x1b: {  	[tilespmem:$0x1FE60] =	vst v5;
	v5 =	vadd.s32 $0x14, v1  }
0x1c: {  	[tilespmem:$0x1FE70] =	vst v5;
	v5 =	vadd.s32 $0x114, v1  }
0x1d: {  	[tilespmem:$0x1FE80] =	vst v5;
	v5 =	vadd.s32 $0x214, v1  }
0x1e: {  	[tilespmem:$0x1FE90] =	vst v5;
	v5 =	vadd.s32 $0x314, v1  }
0x1f: {  	[tilespmem:$0x1FEA0] =	vst v5;
	v5 =	vadd.s32 $0x15, v1  }
0x20: {  	[tilespmem:$0x1FEB0] =	vst v5;
	v5 =	vadd.s32 $0x115, v1  }
0x21: {  	[tilespmem:$0x1FEC0] =	vst v5;
	v5 =	vadd.s32 $0x215, v1  }
0x22: {  	[tilespmem:$0x1FED0] =	vst v5;
	v5 =	vadd.s32 $0x315, v1  }
0x23: {  	[tilespmem:$0x1FEE0] =	vst v5;
	v5 =	vadd.s32 $0x16, v1  }
0x24: {  	[tilespmem:$0x1FEF0] =	vst v5;
	v5 =	vadd.s32 $0x116, v1  }
0x25: {  	[tilespmem:$0x1FF00] =	vst v5;
	v5 =	vadd.s32 $0x216, v1  }
0x26: {  	[tilespmem:$0x1FF10] =	vst v5;
	v5 =	vadd.s32 $0x316, v1  }
0x27: {  	[tilespmem:$0x1FF20] =	vst v5;
	v5 =	vadd.s32 $0x17, v1  }
0x28: {  	v2 =	vimm.f32 $0.0e+00;
	vm15 =	vcmask $0x3B38;
	[tilespmem:$0x1FF30] =	vst v5;
	v5 =	vadd.s32 $0x117, v1  }
0x29: {  	v4 =	vimm.f32 $1.000000000e+00;
	v3 =	vsel vm15, $0x4300, v3;
	[tilespmem:$0x1FF40] =	vst v5;
	v5 =	vadd.s32 $0x217, v1  }
0x2a: {  	s0 =	rddreg [dreg:$0x0];
	v36 =	vadd.s32 $0x10, v1;
	v37 =	vadd.s32 $0x110, v1;
	[tilespmem:$0x1FF50] =	vst v5;
	v5 =	vadd.s32 $0x317, v1  }
0x2b: {  	s4 =	rddreg [dreg:$0x1];
	v38 =	vadd.s32 $0x210, v1;
	v39 =	vadd.s32 $0x310, v1;
	[tilespmem:$0x1FF60] =	vst v5;
	v5 =	vadd.s32 $0x18, v1  }
0x2c: {  	s2 =	simm.s32 $0x0;
	s5 =	srdreg.scid;
	s3 =	stileid.u32;
	v40 =	vadd.s32 $0x11, v1;
	v46 =	vadd.s32 $0x11A, v1;
	[tilespmem:$0x1FF70] =	vst v5;
	v5 =	vadd.s32 $0x118, v1  }
0x2d: {  	s10 =	simm.s32 $0x1;
	s11 =	simm.s32 $0x8000;
	s12 =	simm.s32 $0x10000;
	v47 =	vadd.s32 $0x21A, v1;
	v48 =	vadd.s32 $0x31A, v1;
	[tilespmem:$0x1FF80] =	vst v5;
	v5 =	vadd.s32 $0x218, v1  }
0x2e: {  	s13 =	simm.s32 $0x10480;
	s14 =	simm.s32 $0x3;
	[smem:$0x7FF] =	sst s2;
	v49 =	vadd.s32 $0x1B, v1;
	v50 =	vadd.s32 $0x11B, v1;
	[tilespmem:$0x1FF90] =	vst v5;
	v5 =	vadd.s32 $0x318, v1  }
0x2f: {  	s15 =	simm.s32 $0x2;
	s5 =	sand.u32 $0x1, s5;
	v51 =	vadd.s32 $0x21B, v1;
	v52 =	vadd.s32 $0x31B, v1;
	_ =	strace $0x80000047;
	[tilespmem:$0x1FFA0] =	vst v5;
	v5 =	vadd.s32 $0x19, v1  }
0x30: {  	s7 =	sshll.u32 s3, $0xA;
	s6 =	ssub.s32 $0x2, s5;
	s5 =	sshll.u32 s5, $0x9;
	v53 =	vadd.s32 $0x1C, v1;
	v54 =	vadd.s32 $0x11C, v1;
	[tilespmem:$0x1FFB0] =	vst v5;
	v5 =	vadd.s32 $0x119, v1  }
0x31: {  	s16 =	simm.s32 $0x0;
	s8 =	sshrl.u32 s6, $0x1;
	s9 =	sor.u32 s5, s7;
	v55 =	vadd.s32 $0x21C, v1;
	v56 =	vadd.s32 $0x31C, v1;
	[tilespmem:$0x1FFC0] =	vst v5;
	v5 =	vadd.s32 $0x219, v1  }
0x32: {  	s4 =	sadd.s32 $0x1200, s4;
	s8 =	ssub.s32 s6, s8;
	s5 =	sshll.u32 s9, $0x8;
	v57 =	vadd.s32 $0x1D, v1;
	v58 =	vadd.s32 $0x11D, v1;
	[tilespmem:$0x1FFD0] =	vst v5;
	v5 =	vadd.s32 $0x319, v1  }
0x33: {  	s31 =	sshll.u32 s9, $0x4;
	s7 =	sor.u32 $0x20, s9;
	s9 =	sor.u32 $0x10, s9;
	v59 =	vadd.s32 $0x21D, v1;
	v60 =	vadd.s32 $0x31D, v1;
	[tilespmem:$0x1FFE0] =	vst v5;
	v5 =	vadd.s32 $0x1A, v1  }
0x34: {  	s5 =	sadd.s32 s0, s5;
	s6 =	sadd.s32 s4, s31;
	s8 =	smax.u32 s8, $0x1;
	v61 =	vadd.s32 $0x1E, v1;
	v62 =	vadd.s32 $0x11E, v1;
	v63 =	vadd.s32 $0x21E, v1;
	[tilespmem:$0x1FFF0] =	vst v5  }
.LBB2_1:
0x35: {  	[tilespmem:s2], [sflag:$0x1] =	stream.linear.gather [hbm4b:s5+s2], $0x8000, $0x38;
	[tilespmem:$0x10C80] =	vst v63  }
0x36: {  	s18 =	simm.s32 $0x0  }
.LBB2_2:
0x37: {  	s19 =	sshll.u32 s18, $0x5  }
0x38: {  	_ =	swait.ge [sflag:s10], $0x8000;
	s17 =	sor.u32 s9, s19  }
0x39: {  	[sflag:s10] =	ssyncset.done $0x0;
	s20 =	sshll.u32 s17, $0x8  }
0x3a: {  	s28 =	simm.s32 $0x0;
	[sflag:s10] =	ssyncadd.s32 $0xFFFF8000;
	s21 =	sadd.s32 s0, s20  }
0x3b: {  	[tilespmem:s11], [sflag:$0x2] =	stream.linear.gather [hbm4b:s21+s28], $0x8000, $0x38;
	[tilespmem:$0x10C80] =	vst v63  }
0x3c: {  	[tilespmem:$0x10000] =	vst v2  }
0x3d: {  	[tilespmem:$0x10010] =	vst v2  }
0x3e: {  	[tilespmem:$0x10020] =	vst v2  }
0x3f: {  	[tilespmem:$0x10030] =	vst v2  }
0x40: {  	[tilespmem:$0x10040] =	vst v2  }
0x41: {  	[tilespmem:$0x10050] =	vst v2  }
0x42: {  	[tilespmem:$0x10060] =	vst v2  }
0x43: {  	[tilespmem:$0x10070] =	vst v2  }
0x44: {  	[tilespmem:$0x10080] =	vst v2  }
0x45: {  	[tilespmem:$0x10090] =	vst v2  }
0x46: {  	[tilespmem:$0x100A0] =	vst v2  }
0x47: {  	[tilespmem:$0x100B0] =	vst v2  }
0x48: {  	[tilespmem:$0x100C0] =	vst v2  }
0x49: {  	[tilespmem:$0x100D0] =	vst v2  }
0x4a: {  	[tilespmem:$0x100E0] =	vst v2  }
0x4b: {  	[tilespmem:$0x100F0] =	vst v2  }
0x4c: {  	[tilespmem:$0x10100] =	vst v2  }
0x4d: {  	[tilespmem:$0x10110] =	vst v2  }
0x4e: {  	[tilespmem:$0x10120] =	vst v2  }
0x4f: {  	[tilespmem:$0x10130] =	vst v2  }
0x50: {  	[tilespmem:$0x10140] =	vst v2  }
0x51: {  	[tilespmem:$0x10150] =	vst v2  }
0x52: {  	[tilespmem:$0x10160] =	vst v2  }
0x53: {  	[tilespmem:$0x10170] =	vst v2  }
0x54: {  	[tilespmem:$0x10180] =	vst v2  }
0x55: {  	[tilespmem:$0x10190] =	vst v2  }
0x56: {  	[tilespmem:$0x101A0] =	vst v2  }
0x57: {  	[tilespmem:$0x101B0] =	vst v2  }
0x58: {  	[tilespmem:$0x101C0] =	vst v2  }
0x59: {  	[tilespmem:$0x101D0] =	vst v2  }
0x5a: {  	[tilespmem:$0x101E0] =	vst v2  }
0x5b: {  	[tilespmem:$0x101F0] =	vst v2  }
0x5c: {  	[tilespmem:$0x10200] =	vst v2  }
0x5d: {  	[tilespmem:$0x10210] =	vst v2  }
0x5e: {  	[tilespmem:$0x10220] =	vst v2  }
0x5f: {  	[tilespmem:$0x10230] =	vst v2  }
0x60: {  	[tilespmem:$0x10240] =	vst v2  }
0x61: {  	[tilespmem:$0x10250] =	vst v2  }
0x62: {  	[tilespmem:$0x10260] =	vst v2  }
0x63: {  	[tilespmem:$0x10270] =	vst v2  }
0x64: {  	[tilespmem:$0x10280] =	vst v2  }
0x65: {  	[tilespmem:$0x10290] =	vst v2  }
0x66: {  	[tilespmem:$0x102A0] =	vst v2  }
0x67: {  	[tilespmem:$0x102B0] =	vst v2  }
0x68: {  	[tilespmem:$0x102C0] =	vst v2  }
0x69: {  	[tilespmem:$0x102D0] =	vst v2  }
0x6a: {  	[tilespmem:$0x102E0] =	vst v2  }
0x6b: {  	[tilespmem:$0x102F0] =	vst v2  }
0x6c: {  	[tilespmem:$0x10300] =	vst v2  }
0x6d: {  	[tilespmem:$0x10310] =	vst v2  }
0x6e: {  	[tilespmem:$0x10320] =	vst v2  }
0x6f: {  	[tilespmem:$0x10330] =	vst v2  }
0x70: {  	[tilespmem:$0x10340] =	vst v2  }
0x71: {  	s30 =	simm.s32 $0x1;
	s22 =	simm.s32 $0xB;
	s29 =	sand.u32 $0x780, s28;
	[tilespmem:$0x10350] =	vst v2  }
0x72: {  	s23 =	simm.s32 $0x3;
	s31 =	simm.s32 $0x4;
	v6 =	vadd.s32 s30, v0;
	v7 =	vadd.s32 s22, v0;
	v5 =	vmov s29;
	[tilespmem:$0x10360] =	vst v2  }
0x73: {  	s24 =	simm.s32 $0x6;
	v8 =	vadd.s32 s31, v0;
	v9 =	vadd.s32 s23, v0;
	v5 =	vshrl.u32 v5, $0x7;
	[tilespmem:$0x10370] =	vst v2  }
0x74: {  	s1 =	simm.s32 $0x2;
	s25 =	simm.s32 $0x9;
	v10 =	vor.u32 s28, v0;
	v11 =	vadd.s32 s24, v0;
	v5 =	vshll.u32 v5, $0xA;
	[tilespmem:$0x10380] =	vst v2  }
0x75: {  	s26 =	simm.s32 $0xD;
	v12 =	vadd.s32 s1, v0;
	v13 =	vadd.s32 s25, v0;
	v5 =	vbroadcast v5, $0x0;
	[tilespmem:$0x10390] =	vst v2  }
0x76: {  	v14 =	vadd.s32 s26, v0;
	v10 =	vand.u32 $0x7F, v10;
	v6 =	vand.u32 $0x7F, v6;
	[tilespmem:$0x103A0] =	vst v2  }
0x77: {  	v7 =	vand.u32 $0x7F, v7;
	v12 =	vand.u32 $0x7F, v12;
	[tilespmem:$0x103B0] =	vst v2;
	v5 =	vor.u32 v3, v5  }
0x78: {  	s30 =	simm.s32 $0xA;
	s31 =	simm.s32 $0xE;
	v13 =	vand.u32 $0x7F, v13;
	v11 =	vand.u32 $0x7F, v11;
	[tilespmem:$0x103C0] =	vst v2;
	v7 =	vor.u32 v7, v5  }
0x79: {  	v17 =	vadd.s32 s30, v0;
	v18 =	vadd.s32 s31, v0;
	s28 =	simm.s32 $0xF;
	[tilespmem:$0x103D0] =	vst v2;
	v12 =	vor.u32 v12, v5  }
0x7a: {  	s1 =	simm.s32 $0x8;
	v14 =	vand.u32 $0x7F, v14;
	[tilespmem:$0x103E0] =	vst v2;
	v15 =	vadd.s32 s28, v0;
	v11 =	vor.u32 v11, v5  }
0x7b: {  	s22 =	simm.s32 $0xC;
	s29 =	simm.s32 $0x7;
	v19 =	vadd.s32 s1, v0;
	[tilespmem:$0x103F0] =	vst v2;
	v15 =	vand.u32 $0x7F, v15;
	v13 =	vor.u32 v13, v5  }
0x7c: {  	v20 =	vadd.s32 s22, v0;
	v16 =	vadd.s32 s29, v0;
	[tilespmem:$0x10400] =	vst v2;
	v15 =	vor.u32 v15, v5  }
0x7d: {  	s23 =	simm.s32 $0x5;
	v8 =	vand.u32 $0x7F, v8;
	v16 =	vand.u32 $0x7F, v16;
	v6 =	vor.u32 v6, v5;
	v7 =	vld.idx.msk [tilespmem:v7+s2+$0x0], $0xffff  }
0x7e: {  	v21 =	vadd.s32 s23, v0;
	v9 =	vand.u32 $0x7F, v9;
	v16 =	vor.u32 v16, v5;
	v12 =	vld.idx.msk [tilespmem:v12+s2+$0x0], $0xffff  }
0x7f: {  	v17 =	vand.u32 $0x7F, v17;
	v19 =	vand.u32 $0x7F, v19;
	v8 =	vor.u32 v8, v5;
	v11 =	vld.idx.msk [tilespmem:v11+s2+$0x0], $0xffff  }
0x80: {  	v18 =	vand.u32 $0x7F, v18;
	v20 =	vand.u32 $0x7F, v20;
	v14 =	vor.u32 v14, v5;
	v13 =	vld.idx.msk [tilespmem:v13+s2+$0x0], $0xffff  }
0x81: {  	v21 =	vand.u32 $0x7F, v21;
	v19 =	vor.u32 v19, v5;
	v20 =	vor.u32 v20, v5;
	v15 =	vld.idx.msk [tilespmem:v15+s2+$0x0], $0xffff  }
0x82: {  	s26 =	simm.s32 $0x11;
	v10 =	vor.u32 v10, v5;
	v18 =	vor.u32 v18, v5;
	v9 =	vor.u32 v9, v5;
	v6 =	vld.idx.msk [tilespmem:v6+s2+$0x0], $0xffff  }
0x83: {  	s24 =	simm.s32 $0x10;
	s31 =	simm.s32 $0x16;
	v21 =	vor.u32 v21, v5;
	v5 =	vor.u32 v17, v5;
	v17 =	vadd.s32 s26, v0;
	s26 =	simm.s32 $0x1F;
	v16 =	vld.idx.msk [tilespmem:v16+s2+$0x0], $0xffff  }
0x84: {  	v23 =	vor.u32 s24, v0;
	v25 =	vadd.s32 s31, v0;
	v28 =	vadd.s32 s26, v0;
	v8 =	vld.idx.msk [tilespmem:v8+s2+$0x0], $0xffff  }
0x85: {  	v28 =	vand.u32 $0x7F, v28;
	v14 =	vld.idx.msk [tilespmem:v14+s2+$0x0], $0xffff;
	v12 =	vshll.u32 v12, $0x4;
	v7 =	vshll.u32 v7, $0x4  }
0x86: {  	v13 =	vshll.u32 v13, $0x4;
	v15 =	vshll.u32 v15, $0x4;
	v12 =	vor.u32 v0, v12  }
0x87: {  	s28 =	simm.s32 $0x1B;
	v19 =	vld.idx.msk [tilespmem:v19+s2+$0x0], $0xffff;
	v22 =	vshll.u32 v11, $0x4;
	v24 =	vshll.u32 v6, $0x4;
	v7 =	vor.u32 v0, v7  }
0x88: {  	s25 =	sand.u32 $0x780, s24;
	v20 =	vld.idx.msk [tilespmem:v20+s2+$0x0], $0xffff;
	v6 =	vshll.u32 v16, $0x4;
	v16 =	vadd.s32 s28, v0;
	v13 =	vor.u32 v0, v13  }
0x89: {  	s1 =	simm.s32 $0x12;
	v18 =	vld.idx.msk [tilespmem:v18+s2+$0x0], $0xffff;
	v26 =	vshll.u32 v8, $0x4;
	v11 =	vor.u32 v0, v15;
	v15 =	vmov s25  }
0x8a: {  	v21 =	vld.idx.msk [tilespmem:v21+s2+$0x0], $0xffff;
	v8 =	vadd.s32 s1, v0;
	s28 =	simm.s32 $0x1C;
	v14 =	vshll.u32 v14, $0x4;
	v15 =	vshrl.u32 v15, $0x7  }
0x8b: {  	v6 =	vor.u32 v0, v6;
	v29 =	vadd.s32 s28, v0;
	v15 =	vshll.u32 v15, $0xA;
	[tilespmem:v12+s12+$0x0] =	vst.idx.add.f32.msk $0xffff, v4  }
0x8c: {  	s29 =	simm.s32 $0x14;
	v8 =	vand.u32 $0x7F, v8;
	v45 =	vor.u32 v0, v24;
	v15 =	vbroadcast v15, $0x0;
	[tilespmem:v7+s12+$0x0] =	vst.idx.add.f32.msk $0xffff, v4  }
0x8d: {  	v12 =	vshll.u32 v19, $0x4;
	v19 =	vadd.s32 s29, v0;
	v7 =	vshll.u32 v20, $0x4;
	[tilespmem:v13+s12+$0x0] =	vst.idx.add.f32.msk $0xffff, v4  }
0x8e: {  	s21 =	simm.s32 $0x19;
	v27 =	vor.u32 v3, v15;
	v13 =	vand.u32 $0x7F, v16;
	[tilespmem:v11+s12+$0x0] =	vst.idx.add.f32.msk $0xffff, v4;
	v11 =	vand.u32 $0x7F, v23  }
0x8f: {  	s24 =	simm.s32 $0x1D;
	v30 =	vld.idx.msk [tilespmem:v9+s2+$0x0], $0xffff;
	v15 =	vadd.s32 s21, v0;
	v16 =	vand.u32 $0x7F, v25;
	v13 =	vor.u32 v13, v27  }
0x90: {  	s23 =	simm.s32 $0x1E;
	s25 =	simm.s32 $0x1A;
	[tilespmem:v6+s12+$0x0] =	vst.idx.add.f32.msk $0xffff, v4;
	v6 =	vand.u32 $0x7F, v17;
	v17 =	vadd.s32 s24, v0;
	v16 =	vor.u32 v16, v27  }
0x91: {  	v23 =	vadd.s32 s23, v0;
	v25 =	vld.idx.msk [tilespmem:v5+s2+$0x0], $0xffff;
	v5 =	vadd.s32 s25, v0;
	s29 =	simm.s32 $0x17;
	v7 =	vor.u32 v0, v7  }
0x92: {  	v32 =	vld.idx.msk [tilespmem:v10+s2+$0x0], $0xffff;
	v15 =	vand.u32 $0x7F, v15;
	v28 =	vor.u32 v28, v27;
	v9 =	vadd.s32 s29, v0  }
0x93: {  	[tilespmem:v45+s12+$0x0] =	vst.idx.add.f32.msk $0xffff, v4;
	v44 =	vand.u32 $0x7F, v5;
	v10 =	vand.u32 $0x7F, v17;
	v8 =	vor.u32 v8, v27  }
0x94: {  	v17 =	vand.u32 $0x7F, v19;
	v19 =	vand.u32 $0x7F, v23;
	v15 =	vor.u32 v15, v27;
	v31 =	vld.idx.msk [tilespmem:v13+s2+$0x0], $0xffff  }
0x95: {  	v33 =	vor.u32 v6, v27;
	v12 =	vor.u32 v0, v12;
	v5 =	vand.u32 $0x7F, v9;
	v9 =	vld.idx.msk [tilespmem:v16+s2+$0x0], $0xffff  }
0x96: {  	s30 =	simm.s32 $0x13;
	v6 =	vor.u32 v11, v27;
	v11 =	vor.u32 v19, v27;
	v19 =	vshll.u32 v21, $0x4;
	[tilespmem:v7+s12+$0x0] =	vst.idx.add.f32.msk $0xffff, v4  }
0x97: {  	v20 =	vadd.s32 s30, v0;
	v21 =	vor.u32 v0, v19;
	v13 =	vand.u32 $0x7F, v29;
	v28 =	vld.idx.msk [tilespmem:v28+s2+$0x0], $0xffff  }
0x98: {  	s30 =	simm.s32 $0x18;
	v16 =	vor.u32 v5, v27;
	v5 =	vor.u32 v10, v27;
	v35 =	vld.idx.msk [tilespmem:v8+s2+$0x0], $0xffff;
	v13 =	vor.u32 v13, v27  }
0x99: {  	v10 =	vor.u32 v17, v27;
	v7 =	vadd.s32 s30, v0;
	v17 =	vld.idx.msk [tilespmem:v15+s2+$0x0], $0xffff;
	v15 =	vshll.u32 v18, $0x4  }
0x9a: {  	v24 =	vshll.u32 v30, $0x4;
	[tilespmem:v12+s12+$0x0] =	vst.idx.add.f32.msk $0xffff, v4;
	v7 =	vand.u32 $0x7F, v7;
	v18 =	vor.u32 v0, v15  }
0x9b: {  	s31 =	simm.s32 $0x15;
	v22 =	vor.u32 v0, v22;
	v34 =	vor.u32 v7, v27;
	v7 =	vand.u32 $0x7F, v20;
	v20 =	vld.idx.msk [tilespmem:v33+s2+$0x0], $0xffff  }
0x9c: {  	v23 =	vadd.s32 s31, v0;
	v19 =	vor.u32 v0, v14;
	v25 =	vshll.u32 v25, $0x4;
	[tilespmem:v21+s12+$0x0] =	vst.idx.add.f32.msk $0xffff, v4  }
0x9d: {  	v14 =	vshll.u32 v32, $0x4;
	v25 =	vor.u32 v0, v25;
	v7 =	vor.u32 v7, v27;
	v15 =	vld.idx.msk [tilespmem:v13+s2+$0x0], $0xffff  }
0x9e: {  	v12 =	vshll.u32 v31, $0x4;
	v13 =	vld.idx.msk [tilespmem:v10+s2+$0x0], $0xffff;
	v10 =	vand.u32 $0x7F, v23;
	v23 =	vor.u32 v0, v26  }
0x9f: {  	v17 =	vshll.u32 v17, $0x4;
	v26 =	vor.u32 v0, v14;
	v21 =	vor.u32 v0, v12;
	[tilespmem:v18+s12+$0x0] =	vst.idx.add.f32.msk $0xffff, v4  }
0xa0: {  	v12 =	vshll.u32 v35, $0x4;
	v14 =	vshll.u32 v28, $0x4;
	v18 =	vor.u32 v0, v24;
	v24 =	vld.idx.msk [tilespmem:v34+s2+$0x0], $0xffff  }
0xa1: {  	s24 =	simm.s32 $0x20;
	v16 =	vld.idx.msk [tilespmem:v16+s2+$0x0], $0xffff;
	v8 =	vor.u32 v10, v27;
	v10 =	vor.u32 v44, v27;
	v17 =	vor.u32 v0, v17  }
.LBB2_3:
0xa2: {  	s20 =	sand.u32 $0x780, s24  }
0xa3: {  	s21 =	sadd.s32 $0x1, s24;
	s25 =	sadd.s32 $0x3, s24;
	v27 =	vor.u32 v0, v12;
	v12 =	vshll.u32 v9, $0x4;
	v9 =	vor.u32 v0, v14;
	[tilespmem:v23+s12+$0x0] =	vst.idx.add.f32.msk $0xffff, v4;
	s26 =	smov.u32 s24  }
0xa4: {  	s23 =	sadd.s32 $0xB, s24;
	v14 =	vshll.u32 v20, $0x4;
	v23 =	vmov s20;
	v28 =	vadd.s32 s21, v0;
	s20 =	sadd.s32 $0x4, s24;
	s21 =	sadd.s32 $0x5, s24;
	[tilespmem:v26+s12+$0x0] =	vst.idx.add.f32.msk $0xffff, v4  }
0xa5: {  	s22 =	sadd.s32 $0x7, s24;
	s28 =	sadd.s32 $0x9, s24;
	s29 =	sadd.s32 $0xE, s24;
	v24 =	vshll.u32 v24, $0x4;
	v20 =	vshrl.u32 v23, $0x7;
	v23 =	vadd.s32 s23, v0;
	[tilespmem:v25+s12+$0x0] =	vst.idx.add.f32.msk $0xffff, v4  }
0xa6: {  	s30 =	sadd.s32 $0xA, s24;
	s31 =	sadd.s32 $0xC, s24;
	v15 =	vshll.u32 v15, $0x4;
	v25 =	vadd.s32 s20, v0;
	s23 =	sadd.s32 $0x8, s24;
	v20 =	vshll.u32 v20, $0xA;
	[tilespmem:v19+s12+$0x0] =	vst.idx.add.f32.msk $0xffff, v4  }
0xa7: {  	v16 =	vshll.u32 v16, $0x4;
	s1 =	sadd.s32 $0x2, s26;
	s20 =	sadd.s32 $0x10, s24;
	v19 =	vbroadcast v20, $0x0;
	v20 =	vadd.s32 s25, v0;
	s25 =	sadd.s32 $0x6, s26;
	[tilespmem:v18+s12+$0x0] =	vst.idx.add.f32.msk $0xffff, v4  }
0xa8: {  	p0 =	slt.u32 s24, $0x7F0;
	v13 =	vshll.u32 v13, $0x4;
	v18 =	vor.u32 s26, v0;
	v26 =	vadd.s32 s25, v0;
	[tilespmem:v22+s12+$0x0] =	vst.idx.add.f32.msk $0xffff, v4  }
0xa9: {  	v16 =	vor.u32 v0, v16;
	v22 =	vor.u32 v3, v19;
	v19 =	vadd.s32 s1, v0;
	[tilespmem:v27+s12+$0x0] =	vst.idx.add.f32.msk $0xffff, v4  }
0xaa: {  	v18 =	vand.u32 $0x7F, v18;
	v27 =	vand.u32 $0x7F, v28;
	v28 =	vadd.s32 s28, v0;
	s1 =	sadd.s32 $0xD, s26;
	[tilespmem:v21+s12+$0x0] =	vst.idx.add.f32.msk $0xffff, v4  }
0xab: {  	v29 =	vadd.s32 s29, v0;
	v21 =	vand.u32 $0x7F, v28;
	v28 =	vadd.s32 s1, v0;
	v11 =	vld.idx.msk [tilespmem:v11+s2+$0x0], $0xffff  }
0xac: {  	v30 =	vadd.s32 s30, v0;
	v23 =	vand.u32 $0x7F, v23;
	v26 =	vand.u32 $0x7F, v26;
	s1 =	sadd.s32 $0xF, s26;
	[tilespmem:v17+s12+$0x0] =	vst.idx.add.f32.msk $0xffff, v4  }
0xad: {  	v23 =	vor.u32 v23, v22;
	v17 =	vand.u32 $0x7F, v30;
	v30 =	vadd.s32 s1, v0;
	[tilespmem:v9+s12+$0x0] =	vst.idx.add.f32.msk $0xffff, v4  }
0xae: {  	v21 =	vor.u32 v21, v22;
	v9 =	vand.u32 $0x7F, v28;
	v28 =	vand.u32 $0x7F, v30;
	[tilespmem:v16+s12+$0x0] =	vst.idx.add.f32.msk $0xffff, v4  }
0xaf: {  	v16 =	vand.u32 $0x7F, v29;
	v28 =	vor.u32 v28, v22;
	v29 =	vld.idx.msk [tilespmem:v5+s2+$0x0], $0xffff;
	v5 =	vor.u32 v9, v22  }
0xb0: {  	v9 =	vor.u32 v26, v22;
	v26 =	vadd.s32 s31, v0;
	v30 =	vld.idx.msk [tilespmem:v10+s2+$0x0], $0xffff;
	v10 =	vor.u32 v0, v15  }
0xb1: {  	v15 =	vand.u32 $0x7F, v19;
	v19 =	vadd.s32 s23, v0;
	v31 =	vld.idx.msk [tilespmem:v8+s2+$0x0], $0xffff;
	v8 =	vshll.u32 v11, $0x4  }
0xb2: {  	v32 =	vor.u32 v15, v22;
	v11 =	vadd.s32 s22, v0;
	v33 =	vld.idx.msk [tilespmem:v7+s2+$0x0], $0xffff;
	v34 =	vor.u32 v0, v8  }
0xb3: {  	v15 =	vand.u32 $0x7F, v26;
	v7 =	vand.u32 $0x7F, v25;
	v8 =	vand.u32 $0x7F, v19;
	v35 =	vld.idx.msk [tilespmem:v23+s2+$0x0], $0xffff  }
0xb4: {  	v27 =	vor.u32 v27, v22;
	v11 =	vand.u32 $0x7F, v11;
	v15 =	vor.u32 v15, v22;
	v25 =	vld.idx.msk [tilespmem:v6+s2+$0x0], $0xffff  }
0xb5: {  	v6 =	vor.u32 v18, v22;
	v18 =	vor.u32 v11, v22;
	v19 =	vshll.u32 v29, $0x4;
	v9 =	vld.idx.msk [tilespmem:v9+s2+$0x0], $0xffff  }
0xb6: {  	v26 =	vor.u32 v7, v22;
	v7 =	vadd.s32 s21, v0;
	v11 =	vor.u32 v16, v22;
	v21 =	vld.idx.msk [tilespmem:v21+s2+$0x0], $0xffff  }
0xb7: {  	v16 =	vand.u32 $0x7F, v20;
	v20 =	vand.u32 $0x7F, v7;
	v29 =	vor.u32 v8, v22;
	[tilespmem:v10+s12+$0x0] =	vst.idx.add.f32.msk $0xffff, v4  }
0xb8: {  	v23 =	vor.u32 v0, v13;
	v7 =	vor.u32 v16, v22;
	v8 =	vor.u32 v20, v22;
	v28 =	vld.idx.msk [tilespmem:v28+s2+$0x0], $0xffff  }
0xb9: {  	v19 =	vor.u32 v0, v19;
	v20 =	vshll.u32 v31, $0x4;
	v13 =	vshll.u32 v33, $0x4;
	v15 =	vld.idx.msk [tilespmem:v15+s2+$0x0], $0xffff  }
0xba: {  	v10 =	vor.u32 v17, v22;
	v31 =	vor.u32 v0, v20;
	v16 =	vld.idx.msk [tilespmem:v18+s2+$0x0], $0xffff;
	v18 =	vor.u32 v0, v13  }
0xbb: {  	v33 =	vor.u32 v0, v24;
	v20 =	vshll.u32 v30, $0x4;
	v17 =	vshll.u32 v25, $0x4;
	v13 =	vld.idx.msk [tilespmem:v26+s2+$0x0], $0xffff  }
0xbc: {  	v25 =	vor.u32 v0, v20;
	v21 =	vshll.u32 v21, $0x4;
	v26 =	vor.u32 v0, v17;
	v30 =	vld.idx.msk [tilespmem:v32+s2+$0x0], $0xffff  }
0xbd: {  	v22 =	vor.u32 v0, v12;
	v17 =	vor.u32 v0, v21;
	v20 =	vld.idx.msk [tilespmem:v27+s2+$0x0], $0xffff;
	v27 =	vor.u32 v0, v14  }
.Ltmp0:
0xbe: {  	v12 =	vshll.u32 v35, $0x4;
	[tilespmem:v34+s12+$0x0] =	vst.idx.add.f32.msk $0xffff, v4;
	(pc) =	sbr.rel @p0 .LBB2_3-.Ltmp0, $4  }
0xbf: {  	v21 =	vor.u32 v0, v12;
	v24 =	vld.idx.msk [tilespmem:v29+s2+$0x0], $0xffff  }
0xc0: {  	[tilespmem:v33+s12+$0x0] =	vst.idx.add.f32.msk $0xffff, v4  }
0xc1: {  	[tilespmem:v31+s12+$0x0] =	vst.idx.add.f32.msk $0xffff, v4  }
0xc2: {  	s24 =	smov.u32 s20;
	v14 =	vshll.u32 v28, $0x4;
	v12 =	vshll.u32 v30, $0x4;
	[tilespmem:v27+s12+$0x0] =	vst.idx.add.f32.msk $0xffff, v4  }
0xc3: {  	_ =	sdelay $0x3  }
0xc4: {  	[tilespmem:v23+s12+$0x0] =	vst.idx.add.f32.msk $0xffff, v4  }
0xc5: {  	[tilespmem:v26+s12+$0x0] =	vst.idx.add.f32.msk $0xffff, v4  }
0xc6: {  	[tilespmem:v25+s12+$0x0] =	vst.idx.add.f32.msk $0xffff, v4  }
0xc7: {  	[tilespmem:v19+s12+$0x0] =	vst.idx.add.f32.msk $0xffff, v4  }
0xc8: {  	[tilespmem:v18+s12+$0x0] =	vst.idx.add.f32.msk $0xffff, v4  }
0xc9: {  	[tilespmem:v22+s12+$0x0] =	vst.idx.add.f32.msk $0xffff, v4  }
0xca: {  	v12 =	vor.u32 v0, v12;
	v11 =	vld.idx.msk [tilespmem:v11+s2+$0x0], $0xffff  }
0xcb: {  	v14 =	vor.u32 v0, v14;
	[tilespmem:v21+s12+$0x0] =	vst.idx.add.f32.msk $0xffff, v4  }
0xcc: {  	v8 =	vld.idx.msk [tilespmem:v8+s2+$0x0], $0xffff  }
0xcd: {  	v6 =	vld.idx.msk [tilespmem:v6+s2+$0x0], $0xffff  }
0xce: {  	v10 =	vld.idx.msk [tilespmem:v10+s2+$0x0], $0xffff;
	v13 =	vshll.u32 v13, $0x4  }
0xcf: {  	v15 =	vshll.u32 v15, $0x4;
	v13 =	vor.u32 v0, v13;
	[tilespmem:v12+s12+$0x0] =	vst.idx.add.f32.msk $0xffff, v4  }
0xd0: {  	v12 =	vshll.u32 v16, $0x4;
	[tilespmem:v14+s12+$0x0] =	vst.idx.add.f32.msk $0xffff, v4;
	v14 =	vor.u32 v0, v15  }
0xd1: {  	v5 =	vld.idx.msk [tilespmem:v5+s2+$0x0], $0xffff;
	v11 =	vshll.u32 v11, $0x4;
	v12 =	vor.u32 v0, v12  }
0xd2: {  	v7 =	vld.idx.msk [tilespmem:v7+s2+$0x0], $0xffff;
	v15 =	vshll.u32 v24, $0x4;
	v11 =	vor.u32 v0, v11  }
0xd3: {  	[tilespmem:v17+s12+$0x0] =	vst.idx.add.f32.msk $0xffff, v4;
	v8 =	vshll.u32 v8, $0x4;
	v15 =	vor.u32 v0, v15  }
0xd4: {  	v6 =	vshll.u32 v6, $0x4;
	v8 =	vor.u32 v0, v8;
	[tilespmem:v13+s12+$0x0] =	vst.idx.add.f32.msk $0xffff, v4  }
0xd5: {  	v10 =	vshll.u32 v10, $0x4;
	v6 =	vor.u32 v0, v6;
	[tilespmem:v14+s12+$0x0] =	vst.idx.add.f32.msk $0xffff, v4  }
0xd6: {  	v5 =	vshll.u32 v5, $0x4;
	v10 =	vor.u32 v0, v10;
	[tilespmem:v12+s12+$0x0] =	vst.idx.add.f32.msk $0xffff, v4  }
0xd7: {  	v7 =	vshll.u32 v7, $0x4;
	v5 =	vor.u32 v0, v5;
	[tilespmem:v11+s12+$0x0] =	vst.idx.add.f32.msk $0xffff, v4  }
0xd8: {  	v16 =	vshll.u32 v20, $0x4;
	v7 =	vor.u32 v0, v7;
	[tilespmem:v15+s12+$0x0] =	vst.idx.add.f32.msk $0xffff, v4  }
0xd9: {  	v12 =	vor.u32 v0, v16;
	[tilespmem:v8+s12+$0x0] =	vst.idx.add.f32.msk $0xffff, v4;
	v8 =	vshll.u32 v9, $0x4  }
0xda: {  	[tilespmem:v6+s12+$0x0] =	vst.idx.add.f32.msk $0xffff, v4;
	v8 =	vor.u32 v0, v8  }
0xdb: {  	[tilespmem:v10+s12+$0x0] =	vst.idx.add.f32.msk $0xffff, v4  }
0xdc: {  	[tilespmem:v5+s12+$0x0] =	vst.idx.add.f32.msk $0xffff, v4  }
0xdd: {  	[tilespmem:v7+s12+$0x0] =	vst.idx.add.f32.msk $0xffff, v4  }
0xde: {  	[tilespmem:v12+s12+$0x0] =	vst.idx.add.f32.msk $0xffff, v4  }
0xdf: {  	[tilespmem:v8+s12+$0x0] =	vst.idx.add.f32.msk $0xffff, v4  }
0xe0: {  	v5 =	vld.idx.msk [tilespmem:v36+s12+$0x0], $0xffff  }
0xe1: {  	v6 =	vld.idx.msk [tilespmem:v37+s12+$0x0], $0xffff;
	_ =	sdelay $0x1  }
0xe2: {  	v7 =	vld.idx.msk [tilespmem:v38+s12+$0x0], $0xffff;
	_ =	sdelay $0x1  }
0xe3: {  	v8 =	vld.idx.msk [tilespmem:v39+s12+$0x0], $0xffff  }
0xe4: {  	v9 =	vadd.f32 v6, v5;
	_ =	sdelay $0x1  }
0xe5: {  	v9 =	vadd.f32 v7, v9;
	_ =	sdelay $0x1  }
0xe6: {  	v9 =	vadd.f32 v8, v9;
	_ =	sdelay $0x1  }
0xe7: {  	(xrf2) =	vadd.scan.msk.f32 $0xffff, v9;
	_ =	sdelay $0x9  }
0xe8: {  	v9, _, _ =	vpop (xrf2)  }
0xe9: {  	v9 =	vbroadcast v9, $0xF;
	_ =	sdelay $0x1  }
0xea: {  	(erf) = vrcp.f32 v9;
	_ =	sdelay $0x8  }
0xeb: {  	v9 =	vpop (erf)  }
0xec: {  	v6 =	vmul.f32 v9, v6;
	_ =	sdelay $0x1  }
0xed: {  	[tilespmem:$0x10490] =	vst v6;
	v6 =	vmul.f32 v9, v8;
	_ =	sdelay $0x1  }
0xee: {  	v5 =	vmul.f32 v9, v5;
	[tilespmem:$0x104B0] =	vst v6;
	v6 =	vld [tilespmem:$0x1FDC0];
	_ =	sdelay $0x1  }
0xef: {  	[tilespmem:$0x10480] =	vst v5;
	v5 =	vmul.f32 v9, v7;
	v7 =	vld [tilespmem:$0x1FDD0];
	_ =	sdelay $0x1  }
0xf0: {  	v8 =	vld [tilespmem:$0x1FDE0];
	_ =	sdelay $0x1  }
0xf1: {  	[tilespmem:$0x104A0] =	vst v5  }
0xf2: {  	v5 =	vld.idx.msk [tilespmem:v40+s12+$0x0], $0xffff  }
0xf3: {  	v6 =	vld.idx.msk [tilespmem:v6+s12+$0x0], $0xffff;
	_ =	sdelay $0x1  }
0xf4: {  	v7 =	vld.idx.msk [tilespmem:v7+s12+$0x0], $0xffff;
	_ =	sdelay $0x1  }
0xf5: {  	v8 =	vld.idx.msk [tilespmem:v8+s12+$0x0], $0xffff  }
0xf6: {  	v9 =	vadd.f32 v6, v5;
	_ =	sdelay $0x1  }
0xf7: {  	v9 =	vadd.f32 v7, v9;
	_ =	sdelay $0x1  }
0xf8: {  	v9 =	vadd.f32 v8, v9;
	_ =	sdelay $0x1  }
0xf9: {  	(xrf2) =	vadd.scan.msk.f32 $0xffff, v9;
	_ =	sdelay $0x9  }
0xfa: {  	v9, _, _ =	vpop (xrf2)  }
0xfb: {  	v9 =	vbroadcast v9, $0xF;
	_ =	sdelay $0x1  }
0xfc: {  	(erf) = vrcp.f32 v9;
	_ =	sdelay $0x8  }
0xfd: {  	v9 =	vpop (erf)  }
0xfe: {  	v5 =	vmul.f32 v9, v5  }
0xff: {  	v6 =	vmul.f32 v9, v6  }
0x100: {  	[tilespmem:$0x10500] =	vst v5;
	v5 =	vmul.f32 v9, v7  }
0x101: {  	[tilespmem:$0x10510] =	vst v6;
	v6 =	vmul.f32 v9, v8  }
0x102: {  	[tilespmem:$0x10520] =	vst v5;
	v5 =	vld [tilespmem:$0x1FDF0]  }
0x103: {  	[tilespmem:$0x10530] =	vst v6;
	v6 =	vld [tilespmem:$0x1FE00];
	_ =	sdelay $0x1  }
0x104: {  	v7 =	vld [tilespmem:$0x1FE10];
	_ =	sdelay $0x1  }
0x105: {  	v8 =	vld [tilespmem:$0x1FE20];
	_ =	sdelay $0x2  }
0x106: {  	v5 =	vld.idx.msk [tilespmem:v5+s12+$0x0], $0xffff  }
0x107: {  	v6 =	vld.idx.msk [tilespmem:v6+s12+$0x0], $0xffff;
	_ =	sdelay $0x1  }
0x108: {  	v7 =	vld.idx.msk [tilespmem:v7+s12+$0x0], $0xffff;
	_ =	sdelay $0x1  }
0x109: {  	v8 =	vld.idx.msk [tilespmem:v8+s12+$0x0], $0xffff  }
0x10a: {  	v9 =	vadd.f32 v6, v5;
	_ =	sdelay $0x1  }
0x10b: {  	v9 =	vadd.f32 v7, v9;
	_ =	sdelay $0x1  }
0x10c: {  	v9 =	vadd.f32 v8, v9;
	_ =	sdelay $0x1  }
0x10d: {  	(xrf2) =	vadd.scan.msk.f32 $0xffff, v9;
	_ =	sdelay $0x9  }
0x10e: {  	v9, _, _ =	vpop (xrf2)  }
0x10f: {  	v9 =	vbroadcast v9, $0xF;
	_ =	sdelay $0x1  }
0x110: {  	(erf) = vrcp.f32 v9;
	_ =	sdelay $0x8  }
0x111: {  	v9 =	vpop (erf)  }
0x112: {  	v5 =	vmul.f32 v9, v5  }
0x113: {  	v6 =	vmul.f32 v9, v6  }
0x114: {  	[tilespmem:$0x10580] =	vst v5;
	v5 =	vmul.f32 v9, v7  }
0x115: {  	[tilespmem:$0x10590] =	vst v6;
	v6 =	vmul.f32 v9, v8  }
0x116: {  	[tilespmem:$0x105A0] =	vst v5;
	v5 =	vld [tilespmem:$0x1FE30]  }
0x117: {  	[tilespmem:$0x105B0] =	vst v6;
	v6 =	vld [tilespmem:$0x1FE40];
	_ =	sdelay $0x1  }
0x118: {  	v7 =	vld [tilespmem:$0x1FE50];
	_ =	sdelay $0x1  }
0x119: {  	v8 =	vld [tilespmem:$0x1FE60];
	_ =	sdelay $0x2  }
0x11a: {  	v5 =	vld.idx.msk [tilespmem:v5+s12+$0x0], $0xffff  }
0x11b: {  	v6 =	vld.idx.msk [tilespmem:v6+s12+$0x0], $0xffff;
	_ =	sdelay $0x1  }
0x11c: {  	v7 =	vld.idx.msk [tilespmem:v7+s12+$0x0], $0xffff;
	_ =	sdelay $0x1  }
0x11d: {  	v8 =	vld.idx.msk [tilespmem:v8+s12+$0x0], $0xffff  }
0x11e: {  	v9 =	vadd.f32 v6, v5;
	_ =	sdelay $0x1  }
0x11f: {  	v9 =	vadd.f32 v7, v9;
	_ =	sdelay $0x1  }
0x120: {  	v9 =	vadd.f32 v8, v9;
	_ =	sdelay $0x1  }
0x121: {  	(xrf2) =	vadd.scan.msk.f32 $0xffff, v9;
	_ =	sdelay $0x9  }
0x122: {  	v9, _, _ =	vpop (xrf2)  }
0x123: {  	v9 =	vbroadcast v9, $0xF;
	_ =	sdelay $0x1  }
0x124: {  	(erf) = vrcp.f32 v9;
	_ =	sdelay $0x8  }
0x125: {  	v9 =	vpop (erf)  }
0x126: {  	v5 =	vmul.f32 v9, v5  }
0x127: {  	v6 =	vmul.f32 v9, v6  }
0x128: {  	[tilespmem:$0x10600] =	vst v5;
	v5 =	vmul.f32 v9, v7  }
0x129: {  	[tilespmem:$0x10610] =	vst v6;
	v6 =	vmul.f32 v9, v8  }
0x12a: {  	[tilespmem:$0x10620] =	vst v5;
	v5 =	vld [tilespmem:$0x1FE70]  }
0x12b: {  	[tilespmem:$0x10630] =	vst v6;
	v6 =	vld [tilespmem:$0x1FE80];
	_ =	sdelay $0x1  }
0x12c: {  	v7 =	vld [tilespmem:$0x1FE90];
	_ =	sdelay $0x1  }
0x12d: {  	v8 =	vld [tilespmem:$0x1FEA0];
	_ =	sdelay $0x2  }
0x12e: {  	v5 =	vld.idx.msk [tilespmem:v5+s12+$0x0], $0xffff  }
0x12f: {  	v6 =	vld.idx.msk [tilespmem:v6+s12+$0x0], $0xffff;
	_ =	sdelay $0x1  }
0x130: {  	v7 =	vld.idx.msk [tilespmem:v7+s12+$0x0], $0xffff;
	_ =	sdelay $0x1  }
0x131: {  	v8 =	vld.idx.msk [tilespmem:v8+s12+$0x0], $0xffff  }
0x132: {  	v9 =	vadd.f32 v6, v5;
	_ =	sdelay $0x1  }
0x133: {  	v9 =	vadd.f32 v7, v9;
	_ =	sdelay $0x1  }
0x134: {  	v9 =	vadd.f32 v8, v9;
	_ =	sdelay $0x1  }
0x135: {  	(xrf2) =	vadd.scan.msk.f32 $0xffff, v9;
	_ =	sdelay $0x9  }
0x136: {  	v9, _, _ =	vpop (xrf2)  }
0x137: {  	v9 =	vbroadcast v9, $0xF;
	_ =	sdelay $0x1  }
0x138: {  	(erf) = vrcp.f32 v9;
	_ =	sdelay $0x8  }
0x139: {  	v9 =	vpop (erf)  }
0x13a: {  	v5 =	vmul.f32 v9, v5  }
0x13b: {  	v6 =	vmul.f32 v9, v6  }
0x13c: {  	[tilespmem:$0x10680] =	vst v5;
	v5 =	vmul.f32 v9, v7  }
0x13d: {  	[tilespmem:$0x10690] =	vst v6;
	v6 =	vmul.f32 v9, v8  }
0x13e: {  	[tilespmem:$0x106A0] =	vst v5;
	v5 =	vld [tilespmem:$0x1FEB0]  }
0x13f: {  	[tilespmem:$0x106B0] =	vst v6;
	v6 =	vld [tilespmem:$0x1FEC0];
	_ =	sdelay $0x1  }
0x140: {  	v7 =	vld [tilespmem:$0x1FED0];
	_ =	sdelay $0x1  }
0x141: {  	v8 =	vld [tilespmem:$0x1FEE0];
	_ =	sdelay $0x2  }
0x142: {  	v5 =	vld.idx.msk [tilespmem:v5+s12+$0x0], $0xffff  }
0x143: {  	v6 =	vld.idx.msk [tilespmem:v6+s12+$0x0], $0xffff;
	_ =	sdelay $0x1  }
0x144: {  	v7 =	vld.idx.msk [tilespmem:v7+s12+$0x0], $0xffff;
	_ =	sdelay $0x1  }
0x145: {  	v8 =	vld.idx.msk [tilespmem:v8+s12+$0x0], $0xffff  }
0x146: {  	v9 =	vadd.f32 v6, v5;
	_ =	sdelay $0x1  }
0x147: {  	v9 =	vadd.f32 v7, v9;
	_ =	sdelay $0x1  }
0x148: {  	v9 =	vadd.f32 v8, v9;
	_ =	sdelay $0x1  }
0x149: {  	(xrf2) =	vadd.scan.msk.f32 $0xffff, v9;
	_ =	sdelay $0x9  }
0x14a: {  	v9, _, _ =	vpop (xrf2)  }
0x14b: {  	v9 =	vbroadcast v9, $0xF;
	_ =	sdelay $0x1  }
0x14c: {  	(erf) = vrcp.f32 v9;
	_ =	sdelay $0x8  }
0x14d: {  	v9 =	vpop (erf)  }
0x14e: {  	v5 =	vmul.f32 v9, v5  }
0x14f: {  	v6 =	vmul.f32 v9, v6  }
0x150: {  	[tilespmem:$0x10700] =	vst v5;
	v5 =	vmul.f32 v9, v7  }
0x151: {  	[tilespmem:$0x10710] =	vst v6;
	v6 =	vmul.f32 v9, v8  }
0x152: {  	[tilespmem:$0x10720] =	vst v5;
	v5 =	vld [tilespmem:$0x1FEF0]  }
0x153: {  	[tilespmem:$0x10730] =	vst v6;
	v6 =	vld [tilespmem:$0x1FF00];
	_ =	sdelay $0x1  }
0x154: {  	v7 =	vld [tilespmem:$0x1FF10];
	_ =	sdelay $0x1  }
0x155: {  	v8 =	vld [tilespmem:$0x1FF20];
	_ =	sdelay $0x2  }
0x156: {  	v5 =	vld.idx.msk [tilespmem:v5+s12+$0x0], $0xffff  }
0x157: {  	v6 =	vld.idx.msk [tilespmem:v6+s12+$0x0], $0xffff;
	_ =	sdelay $0x1  }
0x158: {  	v7 =	vld.idx.msk [tilespmem:v7+s12+$0x0], $0xffff;
	_ =	sdelay $0x1  }
0x159: {  	v8 =	vld.idx.msk [tilespmem:v8+s12+$0x0], $0xffff  }
0x15a: {  	v9 =	vadd.f32 v6, v5;
	_ =	sdelay $0x1  }
0x15b: {  	v9 =	vadd.f32 v7, v9;
	_ =	sdelay $0x1  }
0x15c: {  	v9 =	vadd.f32 v8, v9;
	_ =	sdelay $0x1  }
0x15d: {  	(xrf2) =	vadd.scan.msk.f32 $0xffff, v9;
	_ =	sdelay $0x9  }
0x15e: {  	v9, _, _ =	vpop (xrf2)  }
0x15f: {  	v9 =	vbroadcast v9, $0xF;
	_ =	sdelay $0x1  }
0x160: {  	(erf) = vrcp.f32 v9;
	_ =	sdelay $0x8  }
0x161: {  	v9 =	vpop (erf)  }
0x162: {  	v5 =	vmul.f32 v9, v5  }
0x163: {  	v6 =	vmul.f32 v9, v6  }
0x164: {  	[tilespmem:$0x10780] =	vst v5;
	v5 =	vmul.f32 v9, v7  }
0x165: {  	[tilespmem:$0x10790] =	vst v6;
	v6 =	vmul.f32 v9, v8  }
0x166: {  	[tilespmem:$0x107A0] =	vst v5;
	v5 =	vld [tilespmem:$0x1FF30]  }
0x167: {  	[tilespmem:$0x107B0] =	vst v6;
	v6 =	vld [tilespmem:$0x1FF40];
	_ =	sdelay $0x1  }
0x168: {  	v7 =	vld [tilespmem:$0x1FF50];
	_ =	sdelay $0x1  }
0x169: {  	v8 =	vld [tilespmem:$0x1FF60];
	_ =	sdelay $0x2  }
0x16a: {  	v5 =	vld.idx.msk [tilespmem:v5+s12+$0x0], $0xffff  }
0x16b: {  	v6 =	vld.idx.msk [tilespmem:v6+s12+$0x0], $0xffff;
	_ =	sdelay $0x1  }
0x16c: {  	v7 =	vld.idx.msk [tilespmem:v7+s12+$0x0], $0xffff;
	_ =	sdelay $0x1  }
0x16d: {  	v8 =	vld.idx.msk [tilespmem:v8+s12+$0x0], $0xffff  }
0x16e: {  	v9 =	vadd.f32 v6, v5;
	_ =	sdelay $0x1  }
0x16f: {  	v9 =	vadd.f32 v7, v9;
	_ =	sdelay $0x1  }
0x170: {  	v9 =	vadd.f32 v8, v9;
	_ =	sdelay $0x1  }
0x171: {  	(xrf2) =	vadd.scan.msk.f32 $0xffff, v9;
	_ =	sdelay $0x9  }
0x172: {  	v9, _, _ =	vpop (xrf2)  }
0x173: {  	v9 =	vbroadcast v9, $0xF;
	_ =	sdelay $0x1  }
0x174: {  	(erf) = vrcp.f32 v9;
	_ =	sdelay $0x8  }
0x175: {  	v9 =	vpop (erf)  }
0x176: {  	v5 =	vmul.f32 v9, v5  }
0x177: {  	v6 =	vmul.f32 v9, v6  }
0x178: {  	[tilespmem:$0x10800] =	vst v5;
	v5 =	vmul.f32 v9, v7  }
0x179: {  	[tilespmem:$0x10810] =	vst v6;
	v6 =	vmul.f32 v9, v8  }
0x17a: {  	[tilespmem:$0x10820] =	vst v5;
	v5 =	vld [tilespmem:$0x1FF70]  }
0x17b: {  	[tilespmem:$0x10830] =	vst v6;
	v6 =	vld [tilespmem:$0x1FF80];
	_ =	sdelay $0x1  }
0x17c: {  	v7 =	vld [tilespmem:$0x1FF90];
	_ =	sdelay $0x1  }
0x17d: {  	v8 =	vld [tilespmem:$0x1FFA0];
	_ =	sdelay $0x2  }
0x17e: {  	v5 =	vld.idx.msk [tilespmem:v5+s12+$0x0], $0xffff  }
0x17f: {  	v6 =	vld.idx.msk [tilespmem:v6+s12+$0x0], $0xffff;
	_ =	sdelay $0x1  }
0x180: {  	v7 =	vld.idx.msk [tilespmem:v7+s12+$0x0], $0xffff;
	_ =	sdelay $0x1  }
0x181: {  	v8 =	vld.idx.msk [tilespmem:v8+s12+$0x0], $0xffff  }
0x182: {  	v9 =	vadd.f32 v6, v5;
	_ =	sdelay $0x1  }
0x183: {  	v9 =	vadd.f32 v7, v9;
	_ =	sdelay $0x1  }
0x184: {  	v9 =	vadd.f32 v8, v9;
	_ =	sdelay $0x1  }
0x185: {  	(xrf2) =	vadd.scan.msk.f32 $0xffff, v9;
	_ =	sdelay $0x9  }
0x186: {  	v9, _, _ =	vpop (xrf2)  }
0x187: {  	v9 =	vbroadcast v9, $0xF;
	_ =	sdelay $0x1  }
0x188: {  	(erf) = vrcp.f32 v9;
	_ =	sdelay $0x8  }
0x189: {  	v9 =	vpop (erf)  }
0x18a: {  	v5 =	vmul.f32 v9, v5  }
0x18b: {  	v6 =	vmul.f32 v9, v6  }
0x18c: {  	[tilespmem:$0x10880] =	vst v5;
	v5 =	vmul.f32 v9, v7  }
0x18d: {  	[tilespmem:$0x10890] =	vst v6;
	v6 =	vmul.f32 v9, v8  }
0x18e: {  	[tilespmem:$0x108A0] =	vst v5;
	v5 =	vld [tilespmem:$0x1FFB0]  }
0x18f: {  	[tilespmem:$0x108B0] =	vst v6;
	v6 =	vld [tilespmem:$0x1FFC0];
	_ =	sdelay $0x1  }
0x190: {  	v7 =	vld [tilespmem:$0x1FFD0];
	_ =	sdelay $0x1  }
0x191: {  	v8 =	vld [tilespmem:$0x1FFE0];
	_ =	sdelay $0x2  }
0x192: {  	v5 =	vld.idx.msk [tilespmem:v5+s12+$0x0], $0xffff  }
0x193: {  	v6 =	vld.idx.msk [tilespmem:v6+s12+$0x0], $0xffff;
	_ =	sdelay $0x1  }
0x194: {  	v7 =	vld.idx.msk [tilespmem:v7+s12+$0x0], $0xffff;
	_ =	sdelay $0x1  }
0x195: {  	v8 =	vld.idx.msk [tilespmem:v8+s12+$0x0], $0xffff  }
0x196: {  	v9 =	vadd.f32 v6, v5;
	_ =	sdelay $0x1  }
0x197: {  	v9 =	vadd.f32 v7, v9;
	_ =	sdelay $0x1  }
0x198: {  	v9 =	vadd.f32 v8, v9;
	_ =	sdelay $0x1  }
0x199: {  	(xrf2) =	vadd.scan.msk.f32 $0xffff, v9;
	_ =	sdelay $0x9  }
0x19a: {  	v9, _, _ =	vpop (xrf2)  }
0x19b: {  	v9 =	vbroadcast v9, $0xF;
	_ =	sdelay $0x1  }
0x19c: {  	(erf) = vrcp.f32 v9;
	_ =	sdelay $0x8  }
0x19d: {  	v9 =	vpop (erf)  }
0x19e: {  	v5 =	vmul.f32 v9, v5;
	_ =	sdelay $0x1  }
0x19f: {  	[tilespmem:$0x10900] =	vst v5;
	v5 =	vmul.f32 v9, v7;
	_ =	sdelay $0x1  }
0x1a0: {  	[tilespmem:$0x10920] =	vst v5;
	v5 =	vld [tilespmem:$0x1FFF0];
	_ =	sdelay $0x1  }
0x1a1: {  	v6 =	vmul.f32 v9, v6;
	_ =	sdelay $0x1  }
0x1a2: {  	[tilespmem:$0x10910] =	vst v6;
	v6 =	vmul.f32 v9, v8;
	_ =	sdelay $0x1  }
0x1a3: {  	[tilespmem:$0x10930] =	vst v6  }
0x1a4: {  	v6 =	vld.idx.msk [tilespmem:v46+s12+$0x0], $0xffff  }
0x1a5: {  	v5 =	vld.idx.msk [tilespmem:v5+s12+$0x0], $0xffff;
	_ =	sdelay $0x1  }
0x1a6: {  	v7 =	vld.idx.msk [tilespmem:v47+s12+$0x0], $0xffff;
	_ =	sdelay $0x1  }
0x1a7: {  	v8 =	vld.idx.msk [tilespmem:v48+s12+$0x0], $0xffff  }
0x1a8: {  	v9 =	vadd.f32 v6, v5;
	_ =	sdelay $0x1  }
0x1a9: {  	v9 =	vadd.f32 v7, v9;
	_ =	sdelay $0x1  }
0x1aa: {  	v9 =	vadd.f32 v8, v9;
	_ =	sdelay $0x1  }
0x1ab: {  	(xrf2) =	vadd.scan.msk.f32 $0xffff, v9;
	_ =	sdelay $0x9  }
0x1ac: {  	v9, _, _ =	vpop (xrf2)  }
0x1ad: {  	v9 =	vbroadcast v9, $0xF;
	_ =	sdelay $0x1  }
0x1ae: {  	(erf) = vrcp.f32 v9;
	_ =	sdelay $0x8  }
0x1af: {  	v9 =	vpop (erf)  }
0x1b0: {  	v5 =	vmul.f32 v9, v5  }
0x1b1: {  	v6 =	vmul.f32 v9, v6  }
0x1b2: {  	[tilespmem:$0x10980] =	vst v5;
	v5 =	vmul.f32 v9, v7  }
0x1b3: {  	[tilespmem:$0x10990] =	vst v6;
	v6 =	vmul.f32 v9, v8  }
0x1b4: {  	[tilespmem:$0x109A0] =	vst v5  }
0x1b5: {  	[tilespmem:$0x109B0] =	vst v6  }
0x1b6: {  	v5 =	vld.idx.msk [tilespmem:v49+s12+$0x0], $0xffff  }
0x1b7: {  	v6 =	vld.idx.msk [tilespmem:v50+s12+$0x0], $0xffff;
	_ =	sdelay $0x1  }
0x1b8: {  	v7 =	vld.idx.msk [tilespmem:v51+s12+$0x0], $0xffff;
	_ =	sdelay $0x1  }
0x1b9: {  	v8 =	vld.idx.msk [tilespmem:v52+s12+$0x0], $0xffff  }
0x1ba: {  	v9 =	vadd.f32 v6, v5;
	_ =	sdelay $0x1  }
0x1bb: {  	v9 =	vadd.f32 v7, v9;
	_ =	sdelay $0x1  }
0x1bc: {  	v9 =	vadd.f32 v8, v9;
	_ =	sdelay $0x1  }
0x1bd: {  	(xrf2) =	vadd.scan.msk.f32 $0xffff, v9;
	_ =	sdelay $0x9  }
0x1be: {  	v9, _, _ =	vpop (xrf2)  }
0x1bf: {  	v9 =	vbroadcast v9, $0xF;
	_ =	sdelay $0x1  }
0x1c0: {  	(erf) = vrcp.f32 v9;
	_ =	sdelay $0x8  }
0x1c1: {  	v9 =	vpop (erf)  }
0x1c2: {  	v5 =	vmul.f32 v9, v5  }
0x1c3: {  	v6 =	vmul.f32 v9, v6  }
0x1c4: {  	[tilespmem:$0x10A00] =	vst v5;
	v5 =	vmul.f32 v9, v7  }
0x1c5: {  	[tilespmem:$0x10A10] =	vst v6;
	v6 =	vmul.f32 v9, v8  }
0x1c6: {  	[tilespmem:$0x10A20] =	vst v5  }
0x1c7: {  	[tilespmem:$0x10A30] =	vst v6  }
0x1c8: {  	v5 =	vld.idx.msk [tilespmem:v53+s12+$0x0], $0xffff  }
0x1c9: {  	v6 =	vld.idx.msk [tilespmem:v54+s12+$0x0], $0xffff;
	_ =	sdelay $0x1  }
0x1ca: {  	v7 =	vld.idx.msk [tilespmem:v55+s12+$0x0], $0xffff;
	_ =	sdelay $0x1  }
0x1cb: {  	v8 =	vld.idx.msk [tilespmem:v56+s12+$0x0], $0xffff  }
0x1cc: {  	v9 =	vadd.f32 v6, v5;
	_ =	sdelay $0x1  }
0x1cd: {  	v9 =	vadd.f32 v7, v9;
	_ =	sdelay $0x1  }
0x1ce: {  	v9 =	vadd.f32 v8, v9;
	_ =	sdelay $0x1  }
0x1cf: {  	(xrf2) =	vadd.scan.msk.f32 $0xffff, v9;
	_ =	sdelay $0x9  }
0x1d0: {  	v9, _, _ =	vpop (xrf2)  }
0x1d1: {  	v9 =	vbroadcast v9, $0xF;
	_ =	sdelay $0x1  }
0x1d2: {  	(erf) = vrcp.f32 v9;
	_ =	sdelay $0x8  }
0x1d3: {  	v9 =	vpop (erf)  }
0x1d4: {  	v5 =	vmul.f32 v9, v5  }
0x1d5: {  	v6 =	vmul.f32 v9, v6  }
0x1d6: {  	[tilespmem:$0x10A80] =	vst v5;
	v5 =	vmul.f32 v9, v7  }
0x1d7: {  	[tilespmem:$0x10A90] =	vst v6;
	v6 =	vmul.f32 v9, v8  }
0x1d8: {  	[tilespmem:$0x10AA0] =	vst v5  }
0x1d9: {  	[tilespmem:$0x10AB0] =	vst v6  }
0x1da: {  	v5 =	vld.idx.msk [tilespmem:v57+s12+$0x0], $0xffff  }
0x1db: {  	v6 =	vld.idx.msk [tilespmem:v58+s12+$0x0], $0xffff;
	_ =	sdelay $0x1  }
0x1dc: {  	v7 =	vld.idx.msk [tilespmem:v59+s12+$0x0], $0xffff;
	_ =	sdelay $0x1  }
0x1dd: {  	v8 =	vld.idx.msk [tilespmem:v60+s12+$0x0], $0xffff  }
0x1de: {  	v9 =	vadd.f32 v6, v5;
	_ =	sdelay $0x1  }
0x1df: {  	v9 =	vadd.f32 v7, v9;
	_ =	sdelay $0x1  }
0x1e0: {  	v9 =	vadd.f32 v8, v9;
	_ =	sdelay $0x1  }
0x1e1: {  	(xrf2) =	vadd.scan.msk.f32 $0xffff, v9;
	_ =	sdelay $0x9  }
0x1e2: {  	v9, _, _ =	vpop (xrf2)  }
0x1e3: {  	v9 =	vbroadcast v9, $0xF;
	_ =	sdelay $0x1  }
0x1e4: {  	(erf) = vrcp.f32 v9;
	_ =	sdelay $0x8  }
0x1e5: {  	v9 =	vpop (erf)  }
0x1e6: {  	v5 =	vmul.f32 v9, v5  }
0x1e7: {  	v6 =	vmul.f32 v9, v6  }
0x1e8: {  	[tilespmem:$0x10B00] =	vst v5;
	v5 =	vmul.f32 v9, v7  }
0x1e9: {  	[tilespmem:$0x10B10] =	vst v6;
	v6 =	vmul.f32 v9, v8  }
0x1ea: {  	[tilespmem:$0x10B20] =	vst v5  }
0x1eb: {  	[tilespmem:$0x10B30] =	vst v6  }
0x1ec: {  	v7 =	vadd.s32 $0x31E, v1;
	v5 =	vld.idx.msk [tilespmem:v61+s12+$0x0], $0xffff  }
0x1ed: {  	v6 =	vld.idx.msk [tilespmem:v62+s12+$0x0], $0xffff;
	_ =	sdelay $0x1  }
0x1ee: {  	v8 =	vld.idx.msk [tilespmem:v63+s12+$0x0], $0xffff;
	_ =	sdelay $0x1  }
0x1ef: {  	v9 =	vld.idx.msk [tilespmem:v7+s12+$0x0], $0xffff  }
0x1f0: {  	v10 =	vadd.f32 v6, v5;
	_ =	sdelay $0x1  }
0x1f1: {  	v10 =	vadd.f32 v8, v10;
	_ =	sdelay $0x1  }
0x1f2: {  	v10 =	vadd.f32 v9, v10;
	_ =	sdelay $0x1  }
0x1f3: {  	(xrf2) =	vadd.scan.msk.f32 $0xffff, v10;
	_ =	sdelay $0x9  }
0x1f4: {  	v10, _, _ =	vpop (xrf2)  }
0x1f5: {  	v10 =	vbroadcast v10, $0xF;
	_ =	sdelay $0x1  }
0x1f6: {  	(erf) = vrcp.f32 v10;
	_ =	sdelay $0x8  }
0x1f7: {  	v10 =	vpop (erf)  }
0x1f8: {  	v11 =	vmul.f32 v10, v5  }
0x1f9: {  	v12 =	vmul.f32 v10, v6;
	v5 =	vadd.s32 $0x1F, v1  }
0x1fa: {  	v8 =	vmul.f32 v10, v8;
	v6 =	vadd.s32 $0x11F, v1;
	[tilespmem:$0x10B80] =	vst v11  }
0x1fb: {  	v9 =	vmul.f32 v10, v9;
	[tilespmem:$0x10B90] =	vst v12  }
0x1fc: {  	[tilespmem:$0x10BA0] =	vst v8;
	v8 =	vadd.s32 $0x21F, v1  }
0x1fd: {  	[tilespmem:$0x10BB0] =	vst v9  }
0x1fe: {  	v9 =	vadd.s32 $0x31F, v1;
	v10 =	vld.idx.msk [tilespmem:v5+s12+$0x0], $0xffff  }
0x1ff: {  	v11 =	vld.idx.msk [tilespmem:v6+s12+$0x0], $0xffff;
	_ =	sdelay $0x1  }
0x200: {  	v12 =	vld.idx.msk [tilespmem:v8+s12+$0x0], $0xffff;
	_ =	sdelay $0x1  }
0x201: {  	v13 =	vld.idx.msk [tilespmem:v9+s12+$0x0], $0xffff  }
0x202: {  	v14 =	vadd.f32 v11, v10;
	_ =	sdelay $0x1  }
0x203: {  	v14 =	vadd.f32 v12, v14;
	_ =	sdelay $0x1  }
0x204: {  	v14 =	vadd.f32 v13, v14;
	_ =	sdelay $0x1  }
0x205: {  	(xrf2) =	vadd.scan.msk.f32 $0xffff, v14;
	_ =	sdelay $0x9  }
0x206: {  	v14, _, _ =	vpop (xrf2)  }
0x207: {  	v14 =	vbroadcast v14, $0xF;
	_ =	sdelay $0x1  }
0x208: {  	(erf) = vrcp.f32 v14;
	_ =	sdelay $0x8  }
0x209: {  	v14 =	vpop (erf)  }
0x20a: {  	v10 =	vmul.f32 v14, v10  }
0x20b: {  	v11 =	vmul.f32 v14, v11  }
0x20c: {  	[tilespmem:$0x10C00] =	vst v10;
	v10 =	vmul.f32 v14, v12  }
0x20d: {  	[tilespmem:$0x10C10] =	vst v11;
	v11 =	vmul.f32 v14, v13  }
0x20e: {  	s1 =	sshll.u32 s18, $0x9;
	[tilespmem:$0x10C20] =	vst v10  }
0x20f: {  	s1 =	sadd.s32 s1, s6;
	[tilespmem:$0x10C30] =	vst v11  }
0x210: {  	[hbm4b:s1+s2] =	stream.linear.scatter [tilespmem:s13], [sflag:$0x3], $0x800, $0x38;
	[tilespmem:$0x10C80] =	vst v63  }
0x211: {  	_ =	swait.ge [sflag:s14], $0x800  }
0x212: {  	[sflag:s14] =	ssyncset.done $0x0  }
0x213: {  	p0 =	seq.s32 s18, $0xF;
	[sflag:s14] =	ssyncadd.s32 $0xFFFFF800  }
0x214: {  	s1 =	sadd.s32 @!p0 s19, s7;
	_ =	swait.ge [sflag:s15], $0x8000  }
0x215: {  	s1 =	sshll.u32 @!p0 s1, $0x8;
	[sflag:s15] =	ssyncset.done $0x0  }
0x216: {  	s19 =	simm.s32 @!p0 $0x0;
	s1 =	sadd.s32 @!p0 s0, s1;
	[sflag:s15] =	ssyncadd.s32 $0xFFFF8000  }
0x217: {  	[tilespmem:s19], [sflag:$0x1] =	stream.linear.gather @!p0 [hbm4b:s1+s19], $0x8000, $0x38;
	[tilespmem:$0x10C80] =	vst v63  }
0x218: {  	[tilespmem:$0x10000] =	vst v2  }
0x219: {  	[tilespmem:$0x10010] =	vst v2  }
0x21a: {  	[tilespmem:$0x10020] =	vst v2  }
0x21b: {  	[tilespmem:$0x10030] =	vst v2  }
0x21c: {  	[tilespmem:$0x10040] =	vst v2  }
0x21d: {  	[tilespmem:$0x10050] =	vst v2  }
0x21e: {  	[tilespmem:$0x10060] =	vst v2  }
0x21f: {  	[tilespmem:$0x10070] =	vst v2  }
0x220: {  	[tilespmem:$0x10080] =	vst v2  }
0x221: {  	[tilespmem:$0x10090] =	vst v2  }
0x222: {  	[tilespmem:$0x100A0] =	vst v2  }
0x223: {  	[tilespmem:$0x100B0] =	vst v2  }
0x224: {  	[tilespmem:$0x100C0] =	vst v2  }
0x225: {  	[tilespmem:$0x100D0] =	vst v2  }
0x226: {  	[tilespmem:$0x100E0] =	vst v2  }
0x227: {  	[tilespmem:$0x100F0] =	vst v2  }
0x228: {  	[tilespmem:$0x10100] =	vst v2  }
0x229: {  	[tilespmem:$0x10110] =	vst v2  }
0x22a: {  	[tilespmem:$0x10120] =	vst v2  }
0x22b: {  	[tilespmem:$0x10130] =	vst v2  }
0x22c: {  	[tilespmem:$0x10140] =	vst v2  }
0x22d: {  	[tilespmem:$0x10150] =	vst v2  }
0x22e: {  	[tilespmem:$0x10160] =	vst v2  }
0x22f: {  	[tilespmem:$0x10170] =	vst v2  }
0x230: {  	[tilespmem:$0x10180] =	vst v2  }
0x231: {  	[tilespmem:$0x10190] =	vst v2  }
0x232: {  	[tilespmem:$0x101A0] =	vst v2  }
0x233: {  	[tilespmem:$0x101B0] =	vst v2  }
0x234: {  	[tilespmem:$0x101C0] =	vst v2  }
0x235: {  	[tilespmem:$0x101D0] =	vst v2  }
0x236: {  	[tilespmem:$0x101E0] =	vst v2  }
0x237: {  	[tilespmem:$0x101F0] =	vst v2  }
0x238: {  	[tilespmem:$0x10200] =	vst v2  }
0x239: {  	[tilespmem:$0x10210] =	vst v2  }
0x23a: {  	[tilespmem:$0x10220] =	vst v2  }
0x23b: {  	[tilespmem:$0x10230] =	vst v2  }
0x23c: {  	[tilespmem:$0x10240] =	vst v2  }
0x23d: {  	[tilespmem:$0x10250] =	vst v2  }
0x23e: {  	[tilespmem:$0x10260] =	vst v2  }
0x23f: {  	[tilespmem:$0x10270] =	vst v2  }
0x240: {  	[tilespmem:$0x10280] =	vst v2  }
0x241: {  	[tilespmem:$0x10290] =	vst v2  }
0x242: {  	[tilespmem:$0x102A0] =	vst v2  }
0x243: {  	[tilespmem:$0x102B0] =	vst v2  }
0x244: {  	[tilespmem:$0x102C0] =	vst v2  }
0x245: {  	[tilespmem:$0x102D0] =	vst v2  }
0x246: {  	[tilespmem:$0x102E0] =	vst v2  }
0x247: {  	[tilespmem:$0x102F0] =	vst v2  }
0x248: {  	[tilespmem:$0x10300] =	vst v2  }
0x249: {  	[tilespmem:$0x10310] =	vst v2  }
0x24a: {  	[tilespmem:$0x10320] =	vst v2  }
0x24b: {  	[tilespmem:$0x10330] =	vst v2  }
0x24c: {  	s22 =	simm.s32 $0x0;
	s26 =	simm.s32 $0x2;
	s29 =	simm.s32 $0x9;
	[tilespmem:$0x10340] =	vst v2  }
0x24d: {  	s30 =	simm.s32 $0xD;
	s23 =	sand.u32 $0x780, s22;
	v17 =	vadd.s32 s26, v0;
	v18 =	vadd.s32 s29, v0;
	[tilespmem:$0x10350] =	vst v2  }
0x24e: {  	s31 =	simm.s32 $0xE;
	v19 =	vadd.s32 s30, v0;
	v18 =	vand.u32 $0x7F, v18;
	v10 =	vmov s23;
	[tilespmem:$0x10360] =	vst v2  }
0x24f: {  	v17 =	vand.u32 $0x7F, v17;
	v20 =	vadd.s32 s31, v0;
	v10 =	vshrl.u32 v10, $0x7;
	[tilespmem:$0x10370] =	vst v2  }
0x250: {  	s28 =	simm.s32 $0x6;
	v19 =	vand.u32 $0x7F, v19;
	v20 =	vand.u32 $0x7F, v20;
	v10 =	vshll.u32 v10, $0xA;
	[tilespmem:$0x10380] =	vst v2  }
0x251: {  	s20 =	simm.s32 $0xB;
	v15 =	vor.u32 s22, v0;
	v16 =	vadd.s32 s28, v0;
	v10 =	vbroadcast v10, $0x0;
	[tilespmem:$0x10390] =	vst v2  }
0x252: {  	s22 =	simm.s32 $0x8;
	v15 =	vand.u32 $0x7F, v15;
	v16 =	vand.u32 $0x7F, v16;
	v12 =	vadd.s32 s20, v0;
	[tilespmem:$0x103A0] =	vst v2  }
0x253: {  	s25 =	simm.s32 $0x4;
	v24 =	vadd.s32 s22, v0;
	v12 =	vand.u32 $0x7F, v12;
	v10 =	vor.u32 v3, v10;
	[tilespmem:$0x103B0] =	vst v2  }
0x254: {  	s21 =	simm.s32 $0x3;
	v24 =	vand.u32 $0x7F, v24;
	v13 =	vadd.s32 s25, v0;
	s20 =	simm.s32 $0x7;
	v12 =	vor.u32 v12, v10;
	[tilespmem:$0x103C0] =	vst v2  }
0x255: {  	s24 =	simm.s32 $0x1;
	v14 =	vadd.s32 s21, v0;
	v22 =	vadd.s32 s20, v0;
	v17 =	vor.u32 v17, v10;
	[tilespmem:$0x103D0] =	vst v2  }
0x256: {  	s21 =	simm.s32 $0xA;
	v11 =	vadd.s32 s24, v0;
	v22 =	vand.u32 $0x7F, v22;
	v18 =	vor.u32 v18, v10;
	[tilespmem:$0x103E0] =	vst v2  }
0x257: {  	v23 =	vadd.s32 s21, v0;
	s23 =	simm.s32 $0xC;
	v11 =	vand.u32 $0x7F, v11;
	v22 =	vor.u32 v22, v10;
	[tilespmem:$0x103F0] =	vst v2  }
0x258: {  	v13 =	vand.u32 $0x7F, v13;
	v25 =	vadd.s32 s23, v0;
	v11 =	vor.u32 v11, v10;
	[tilespmem:$0x10400] =	vst v2  }
0x259: {  	v14 =	vand.u32 $0x7F, v14;
	s24 =	simm.s32 $0x5;
	v25 =	vand.u32 $0x7F, v25;
	v24 =	vor.u32 v24, v10;
	v12 =	vld.idx.msk [tilespmem:v12+s11+$0x0], $0xffff  }
0x25a: {  	v23 =	vand.u32 $0x7F, v23;
	v26 =	vadd.s32 s24, v0;
	v25 =	vor.u32 v25, v10;
	s19 =	simm.s32 $0xF;
	v17 =	vld.idx.msk [tilespmem:v17+s11+$0x0], $0xffff  }
0x25b: {  	v26 =	vand.u32 $0x7F, v26;
	v16 =	vor.u32 v16, v10;
	v21 =	vadd.s32 s19, v0;
	v18 =	vld.idx.msk [tilespmem:v18+s11+$0x0], $0xffff  }
0x25c: {  	v19 =	vor.u32 v19, v10;
	v26 =	vor.u32 v26, v10;
	v21 =	vand.u32 $0x7F, v21;
	v22 =	vld.idx.msk [tilespmem:v22+s11+$0x0], $0xffff  }
0x25d: {  	v15 =	vor.u32 v15, v10;
	v13 =	vor.u32 v13, v10;
	v21 =	vor.u32 v21, v10;
	v11 =	vld.idx.msk [tilespmem:v11+s11+$0x0], $0xffff  }
0x25e: {  	v20 =	vor.u32 v20, v10;
	v14 =	vor.u32 v14, v10;
	v10 =	vor.u32 v23, v10;
	v23 =	vld.idx.msk [tilespmem:v24+s11+$0x0], $0xffff  }
0x25f: {  	v24 =	vld.idx.msk [tilespmem:v25+s11+$0x0], $0xffff  }
0x260: {  	v25 =	vld.idx.msk [tilespmem:v16+s11+$0x0], $0xffff  }
0x261: {  	s30 =	simm.s32 $0x14;
	v26 =	vld.idx.msk [tilespmem:v26+s11+$0x0], $0xffff  }
0x262: {  	v29 =	vadd.s32 s30, v0;
	s28 =	simm.s32 $0x11;
	s25 =	simm.s32 $0x10;
	v21 =	vld.idx.msk [tilespmem:v21+s11+$0x0], $0xffff  }
0x263: {  	v27 =	vadd.s32 s28, v0;
	s20 =	simm.s32 $0x16;
	v30 =	vor.u32 s25, v0;
	v19 =	vld.idx.msk [tilespmem:v19+s11+$0x0], $0xffff;
	v17 =	vshll.u32 v17, $0x4  }
0x264: {  	v31 =	vadd.s32 s20, v0;
	v18 =	vshll.u32 v18, $0x4;
	v17 =	vor.u32 v0, v17  }
0x265: {  	v12 =	vshll.u32 v12, $0x4;
	v11 =	vshll.u32 v11, $0x4;
	v18 =	vor.u32 v0, v18  }
0x266: {  	v23 =	vshll.u32 v23, $0x4;
	v22 =	vshll.u32 v22, $0x4;
	v12 =	vor.u32 v0, v12  }
0x267: {  	v28 =	vld.idx.msk [tilespmem:v13+s11+$0x0], $0xffff;
	v26 =	vshll.u32 v26, $0x4;
	v25 =	vshll.u32 v25, $0x4;
	v21 =	vshll.u32 v21, $0x4  }
0x268: {  	s26 =	sand.u32 $0x780, s25;
	v20 =	vld.idx.msk [tilespmem:v20+s11+$0x0], $0xffff;
	v19 =	vshll.u32 v19, $0x4;
	v23 =	vor.u32 v0, v23;
	v16 =	vor.u32 v0, v21  }
0x269: {  	s31 =	simm.s32 $0x13;
	v21 =	vmov s26;
	[tilespmem:v17+s12+$0x0] =	vst.idx.add.f32.msk $0xffff, v4;
	v17 =	vor.u32 v0, v22;
	v22 =	vshll.u32 v24, $0x4  }
0x26a: {  	s29 =	simm.s32 $0x1B;
	v24 =	vadd.s32 s31, v0;
	[tilespmem:v18+s12+$0x0] =	vst.idx.add.f32.msk $0xffff, v4;
	v18 =	vand.u32 $0x7F, v27;
	v13 =	vshrl.u32 v21, $0x7  }
0x26b: {  	s21 =	simm.s32 $0x19;
	[tilespmem:v12+s12+$0x0] =	vst.idx.add.f32.msk $0xffff, v4;
	v21 =	vadd.s32 s29, v0;
	v12 =	vor.u32 v0, v22;
	v13 =	vshll.u32 v13, $0xA  }
0x26c: {  	s23 =	simm.s32 $0x1E;
	v22 =	vand.u32 $0x7F, v30;
	v30 =	vadd.s32 s21, v0;
	v13 =	vbroadcast v13, $0x0  }
0x26d: {  	s22 =	simm.s32 $0x12;
	v35 =	vld.idx.msk [tilespmem:v15+s11+$0x0], $0xffff;
	v27 =	vand.u32 $0x7F, v30;
	v30 =	vadd.s32 s23, v0;
	v21 =	vand.u32 $0x7F, v21  }
0x26e: {  	s25 =	simm.s32 $0x1A;
	v32 =	vor.u32 v3, v13;
	v13 =	vadd.s32 s22, v0;
	[tilespmem:v16+s12+$0x0] =	vst.idx.add.f32.msk $0xffff, v4;
	v16 =	vshll.u32 v20, $0x4  }
0x26f: {  	s24 =	simm.s32 $0x1D;
	[tilespmem:v17+s12+$0x0] =	vst.idx.add.f32.msk $0xffff, v4;
	v17 =	vand.u32 $0x7F, v31;
	v31 =	vadd.s32 s25, v0;
	v16 =	vor.u32 v0, v16  }
0x270: {  	s26 =	simm.s32 $0x1F;
	v20 =	vadd.s32 s24, v0;
	[tilespmem:v12+s12+$0x0] =	vst.idx.add.f32.msk $0xffff, v4;
	v12 =	vor.u32 v0, v26;
	v26 =	vand.u32 $0x7F, v31  }
0x271: {  	v33 =	vld.idx.msk [tilespmem:v10+s11+$0x0], $0xffff;
	v21 =	vor.u32 v21, v32;
	v31 =	vadd.s32 s26, v0;
	v27 =	vor.u32 v27, v32  }
0x272: {  	[tilespmem:v23+s12+$0x0] =	vst.idx.add.f32.msk $0xffff, v4;
	v10 =	vand.u32 $0x7F, v20;
	v17 =	vor.u32 v17, v32;
	v13 =	vand.u32 $0x7F, v13  }
0x273: {  	s29 =	simm.s32 $0x1C;
	v20 =	vand.u32 $0x7F, v31;
	v31 =	vld.idx.msk [tilespmem:v14+s11+$0x0], $0xffff;
	v14 =	vand.u32 $0x7F, v30;
	v30 =	vor.u32 v0, v11  }
0x274: {  	v18 =	vor.u32 v18, v32;
	v10 =	vor.u32 v10, v32;
	v11 =	vadd.s32 s29, v0;
	[tilespmem:v16+s12+$0x0] =	vst.idx.add.f32.msk $0xffff, v4  }
0x275: {  	s30 =	simm.s32 $0x17;
	s28 =	simm.s32 $0x18;
	v23 =	vor.u32 v13, v32;
	v13 =	vand.u32 $0x7F, v29;
	v20 =	vor.u32 v20, v32;
	[tilespmem:v12+s12+$0x0] =	vst.idx.add.f32.msk $0xffff, v4  }
0x276: {  	v11 =	vand.u32 $0x7F, v11;
	v16 =	vadd.s32 s28, v0;
	v12 =	vadd.s32 s30, v0;
	v34 =	vld.idx.msk [tilespmem:v21+s11+$0x0], $0xffff  }
0x277: {  	v41 =	vmovc v36;
	v36 =	vor.u32 v13, v32;
	v29 =	vand.u32 $0x7F, v16;
	v12 =	vand.u32 $0x7F, v12;
	v16 =	vld.idx.msk [tilespmem:v17+s11+$0x0], $0xffff  }
0x278: {  	s31 =	simm.s32 $0x15;
	v15 =	vor.u32 v14, v32;
	v13 =	vand.u32 $0x7F, v24;
	[tilespmem:v30+s12+$0x0] =	vst.idx.add.f32.msk $0xffff, v4;
	v17 =	vor.u32 v12, v32  }
0x279: {  	v42 =	vmovc v37;
	v21 =	vor.u32 v11, v32;
	v11 =	vor.u32 v22, v32;
	v30 =	vld.idx.msk [tilespmem:v27+s11+$0x0], $0xffff;
	v12 =	vadd.s32 s31, v0  }
0x27a: {  	v45 =	vmovc v40;
	v40 =	vld.idx.msk [tilespmem:v23+s11+$0x0], $0xffff;
	v37 =	vor.u32 v29, v32;
	v14 =	vand.u32 $0x7F, v12;
	v12 =	vor.u32 v13, v32  }
0x27b: {  	v13 =	vor.u32 v14, v32;
	v14 =	vor.u32 v26, v32;
	v32 =	vld.idx.msk [tilespmem:v20+s11+$0x0], $0xffff;
	v20 =	vshll.u32 v28, $0x4  }
0x27c: {  	v24 =	vor.u32 v0, v19;
	v19 =	vld.idx.msk [tilespmem:v36+s11+$0x0], $0xffff;
	v27 =	vor.u32 v0, v20;
	v20 =	vshll.u32 v31, $0x4  }
0x27d: {  	v23 =	vor.u32 v0, v20;
	v20 =	vshll.u32 v33, $0x4;
	v22 =	vld.idx.msk [tilespmem:v17+s11+$0x0], $0xffff;
	v17 =	vshll.u32 v35, $0x4  }
0x27e: {  	v28 =	vld.idx.msk [tilespmem:v18+s11+$0x0], $0xffff;
	v26 =	vshll.u32 v30, $0x4;
	v29 =	vor.u32 v0, v20;
	v31 =	vor.u32 v0, v17  }
0x27f: {  	v20 =	vor.u32 v0, v26;
	v26 =	vor.u32 v0, v25;
	v30 =	vld.idx.msk [tilespmem:v37+s11+$0x0], $0xffff;
	v17 =	vshll.u32 v34, $0x4  }
0x280: {  	v43 =	vmovc v38;
	v44 =	vmovc v39;
	s18 =	sadd.s32 $0x1, s18;
	s23 =	simm.s32 $0x20;
	v21 =	vld.idx.msk [tilespmem:v21+s11+$0x0], $0xffff;
	v25 =	vor.u32 v0, v17;
	v17 =	vshll.u32 v40, $0x4;
	v18 =	vshll.u32 v32, $0x4  }
.LBB2_5:
0x281: {  	s1 =	sand.u32 $0x780, s23  }
0x282: {  	s19 =	sadd.s32 $0x1, s23;
	s24 =	sadd.s32 $0x3, s23;
	v32 =	vor.u32 v0, v17;
	v17 =	vshll.u32 v16, $0x4;
	v16 =	vor.u32 v0, v18;
	[tilespmem:v27+s12+$0x0] =	vst.idx.add.f32.msk $0xffff, v4;
	s25 =	smov.u32 s23  }
0x283: {  	s20 =	sadd.s32 $0x5, s23;
	v18 =	vshll.u32 v28, $0x4;
	v27 =	vmov s1;
	v33 =	vadd.s32 s19, v0;
	s1 =	sadd.s32 $0x4, s23;
	s19 =	sadd.s32 $0xB, s23;
	[tilespmem:v31+s12+$0x0] =	vst.idx.add.f32.msk $0xffff, v4  }
0x284: {  	s21 =	sadd.s32 $0x7, s23;
	s26 =	sadd.s32 $0x9, s23;
	s28 =	sadd.s32 $0xE, s23;
	v30 =	vshll.u32 v30, $0x4;
	v27 =	vshrl.u32 v27, $0x7;
	v28 =	vadd.s32 s19, v0;
	[tilespmem:v29+s12+$0x0] =	vst.idx.add.f32.msk $0xffff, v4  }
0x285: {  	s22 =	sadd.s32 $0x8, s23;
	s29 =	sadd.s32 $0xC, s23;
	v21 =	vshll.u32 v21, $0x4;
	v29 =	vadd.s32 s1, v0;
	s1 =	sadd.s32 $0xA, s23;
	v27 =	vshll.u32 v27, $0xA;
	[tilespmem:v24+s12+$0x0] =	vst.idx.add.f32.msk $0xffff, v4  }
0x286: {  	v22 =	vshll.u32 v22, $0x4;
	s30 =	sadd.s32 $0x2, s25;
	s19 =	sadd.s32 $0x10, s23;
	v24 =	vbroadcast v27, $0x0;
	v27 =	vadd.s32 s24, v0;
	s24 =	sadd.s32 $0x6, s25;
	[tilespmem:v23+s12+$0x0] =	vst.idx.add.f32.msk $0xffff, v4  }
0x287: {  	p0 =	slt.u32 s23, $0x7F0;
	v19 =	vshll.u32 v19, $0x4;
	v23 =	vor.u32 s25, v0;
	v31 =	vadd.s32 s24, v0;
	[tilespmem:v26+s12+$0x0] =	vst.idx.add.f32.msk $0xffff, v4  }
0x288: {  	v22 =	vor.u32 v0, v22;
	v26 =	vor.u32 v3, v24;
	v24 =	vadd.s32 s30, v0;
	[tilespmem:v32+s12+$0x0] =	vst.idx.add.f32.msk $0xffff, v4  }
0x289: {  	s23 =	sadd.s32 $0xD, s25;
	v23 =	vand.u32 $0x7F, v23;
	v32 =	vand.u32 $0x7F, v33;
	v33 =	vadd.s32 s26, v0;
	[tilespmem:v25+s12+$0x0] =	vst.idx.add.f32.msk $0xffff, v4  }
0x28a: {  	v34 =	vadd.s32 s28, v0;
	v25 =	vand.u32 $0x7F, v33;
	v33 =	vadd.s32 s23, v0;
	v15 =	vld.idx.msk [tilespmem:v15+s11+$0x0], $0xffff  }
0x28b: {  	v35 =	vadd.s32 s1, v0;
	v28 =	vand.u32 $0x7F, v28;
	s1 =	sadd.s32 $0xF, s25;
	v31 =	vand.u32 $0x7F, v31;
	[tilespmem:v20+s12+$0x0] =	vst.idx.add.f32.msk $0xffff, v4  }
0x28c: {  	v28 =	vor.u32 v28, v26;
	v20 =	vand.u32 $0x7F, v35;
	v35 =	vadd.s32 s1, v0;
	[tilespmem:v16+s12+$0x0] =	vst.idx.add.f32.msk $0xffff, v4  }
0x28d: {  	v25 =	vor.u32 v25, v26;
	v16 =	vand.u32 $0x7F, v33;
	v33 =	vand.u32 $0x7F, v35;
	[tilespmem:v22+s12+$0x0] =	vst.idx.add.f32.msk $0xffff, v4  }
0x28e: {  	v22 =	vand.u32 $0x7F, v34;
	v33 =	vor.u32 v33, v26;
	v34 =	vld.idx.msk [tilespmem:v10+s11+$0x0], $0xffff;
	v10 =	vor.u32 v16, v26  }
0x28f: {  	v16 =	vor.u32 v31, v26;
	v31 =	vadd.s32 s29, v0;
	v35 =	vld.idx.msk [tilespmem:v14+s11+$0x0], $0xffff;
	v14 =	vor.u32 v0, v21  }
0x290: {  	v21 =	vand.u32 $0x7F, v24;
	v24 =	vadd.s32 s22, v0;
	v36 =	vld.idx.msk [tilespmem:v13+s11+$0x0], $0xffff;
	v13 =	vshll.u32 v15, $0x4  }
0x291: {  	v37 =	vor.u32 v21, v26;
	v15 =	vadd.s32 s21, v0;
	v38 =	vld.idx.msk [tilespmem:v12+s11+$0x0], $0xffff;
	v39 =	vor.u32 v0, v13  }
0x292: {  	v21 =	vand.u32 $0x7F, v31;
	v12 =	vand.u32 $0x7F, v29;
	v13 =	vand.u32 $0x7F, v24;
	v40 =	vld.idx.msk [tilespmem:v28+s11+$0x0], $0xffff  }
0x293: {  	v15 =	vand.u32 $0x7F, v15;
	v21 =	vor.u32 v21, v26;
	v28 =	vor.u32 v32, v26;
	v29 =	vld.idx.msk [tilespmem:v11+s11+$0x0], $0xffff  }
0x294: {  	v11 =	vor.u32 v23, v26;
	v23 =	vor.u32 v15, v26;
	v24 =	vshll.u32 v34, $0x4;
	v16 =	vld.idx.msk [tilespmem:v16+s11+$0x0], $0xffff  }
0x295: {  	v31 =	vor.u32 v12, v26;
	v12 =	vadd.s32 s20, v0;
	v15 =	vor.u32 v22, v26;
	v25 =	vld.idx.msk [tilespmem:v25+s11+$0x0], $0xffff  }
0x296: {  	v32 =	vor.u32 v13, v26;
	v22 =	vand.u32 $0x7F, v27;
	v27 =	vand.u32 $0x7F, v12;
	[tilespmem:v14+s12+$0x0] =	vst.idx.add.f32.msk $0xffff, v4  }
0x297: {  	v12 =	vor.u32 v22, v26;
	v13 =	vor.u32 v27, v26;
	v27 =	vor.u32 v0, v19;
	v33 =	vld.idx.msk [tilespmem:v33+s11+$0x0], $0xffff  }
0x298: {  	v24 =	vor.u32 v0, v24;
	v34 =	vshll.u32 v36, $0x4;
	v19 =	vshll.u32 v38, $0x4;
	v21 =	vld.idx.msk [tilespmem:v21+s11+$0x0], $0xffff  }
0x299: {  	v14 =	vor.u32 v20, v26;
	v34 =	vor.u32 v0, v34;
	v22 =	vld.idx.msk [tilespmem:v23+s11+$0x0], $0xffff;
	v23 =	vor.u32 v0, v19  }
0x29a: {  	v36 =	vor.u32 v0, v30;
	v26 =	vshll.u32 v35, $0x4;
	v20 =	vshll.u32 v29, $0x4;
	v19 =	vld.idx.msk [tilespmem:v31+s11+$0x0], $0xffff  }
0x29b: {  	v29 =	vor.u32 v0, v26;
	v25 =	vshll.u32 v25, $0x4;
	v31 =	vor.u32 v0, v20;
	v35 =	vld.idx.msk [tilespmem:v37+s11+$0x0], $0xffff  }
0x29c: {  	v26 =	vor.u32 v0, v17;
	v20 =	vor.u32 v0, v25;
	v37 =	vor.u32 v0, v18;
	v28 =	vld.idx.msk [tilespmem:v28+s11+$0x0], $0xffff  }
.Ltmp1:
0x29d: {  	v17 =	vshll.u32 v40, $0x4;
	[tilespmem:v39+s12+$0x0] =	vst.idx.add.f32.msk $0xffff, v4;
	(pc) =	sbr.rel @p0 .LBB2_5-.Ltmp1, $4  }
0x29e: {  	v25 =	vor.u32 v0, v17;
	v30 =	vld.idx.msk [tilespmem:v32+s11+$0x0], $0xffff  }
0x29f: {  	[tilespmem:v36+s12+$0x0] =	vst.idx.add.f32.msk $0xffff, v4  }
0x2a0: {  	[tilespmem:v34+s12+$0x0] =	vst.idx.add.f32.msk $0xffff, v4  }
0x2a1: {  	s23 =	smov.u32 s19;
	v18 =	vshll.u32 v33, $0x4;
	v17 =	vshll.u32 v35, $0x4;
	[tilespmem:v37+s12+$0x0] =	vst.idx.add.f32.msk $0xffff, v4  }
0x2a2: {  	_ =	sdelay $0x3  }
0x2a3: {  	[tilespmem:v27+s12+$0x0] =	vst.idx.add.f32.msk $0xffff, v4  }
0x2a4: {  	[tilespmem:v31+s12+$0x0] =	vst.idx.add.f32.msk $0xffff, v4  }
0x2a5: {  	[tilespmem:v29+s12+$0x0] =	vst.idx.add.f32.msk $0xffff, v4  }
0x2a6: {  	[tilespmem:v24+s12+$0x0] =	vst.idx.add.f32.msk $0xffff, v4  }
0x2a7: {  	[tilespmem:v23+s12+$0x0] =	vst.idx.add.f32.msk $0xffff, v4  }
0x2a8: {  	[tilespmem:v26+s12+$0x0] =	vst.idx.add.f32.msk $0xffff, v4  }
0x2a9: {  	v15 =	vld.idx.msk [tilespmem:v15+s11+$0x0], $0xffff  }
0x2aa: {  	[tilespmem:v25+s12+$0x0] =	vst.idx.add.f32.msk $0xffff, v4  }
0x2ab: {  	v13 =	vld.idx.msk [tilespmem:v13+s11+$0x0], $0xffff  }
0x2ac: {  	v17 =	vor.u32 v0, v17;
	[tilespmem:v20+s12+$0x0] =	vst.idx.add.f32.msk $0xffff, v4  }
0x2ad: {  	v24 =	vor.u32 v0, v18;
	v26 =	vshll.u32 v22, $0x4;
	v11 =	vld.idx.msk [tilespmem:v11+s11+$0x0], $0xffff  }
0x2ae: {  	v14 =	vld.idx.msk [tilespmem:v14+s11+$0x0], $0xffff;
	v31 =	vshll.u32 v19, $0x4;
	v18 =	vor.u32 v0, v26  }
0x2af: {  	v10 =	vld.idx.msk [tilespmem:v10+s11+$0x0], $0xffff;
	v29 =	vshll.u32 v30, $0x4;
	v33 =	vor.u32 v0, v31  }
0x2b0: {  	v12 =	vld.idx.msk [tilespmem:v12+s11+$0x0], $0xffff;
	v30 =	vshll.u32 v28, $0x4;
	v20 =	vor.u32 v0, v29  }
0x2b1: {  	v27 =	vshll.u32 v21, $0x4;
	v32 =	vor.u32 v0, v30;
	[tilespmem:v17+s12+$0x0] =	vst.idx.add.f32.msk $0xffff, v4  }
0x2b2: {  	[tilespmem:v24+s12+$0x0] =	vst.idx.add.f32.msk $0xffff, v4;
	v17 =	vor.u32 v0, v27;
	v15 =	vshll.u32 v15, $0x4  }
0x2b3: {  	v13 =	vshll.u32 v13, $0x4;
	v15 =	vor.u32 v0, v15;
	[tilespmem:v18+s12+$0x0] =	vst.idx.add.f32.msk $0xffff, v4  }
0x2b4: {  	v11 =	vshll.u32 v11, $0x4;
	v13 =	vor.u32 v0, v13;
	[tilespmem:v33+s12+$0x0] =	vst.idx.add.f32.msk $0xffff, v4  }
0x2b5: {  	v14 =	vshll.u32 v14, $0x4;
	v11 =	vor.u32 v0, v11;
	[tilespmem:v20+s12+$0x0] =	vst.idx.add.f32.msk $0xffff, v4  }
0x2b6: {  	v10 =	vshll.u32 v10, $0x4;
	v14 =	vor.u32 v0, v14;
	[tilespmem:v32+s12+$0x0] =	vst.idx.add.f32.msk $0xffff, v4  }
0x2b7: {  	v12 =	vshll.u32 v12, $0x4;
	v10 =	vor.u32 v0, v10;
	[tilespmem:v17+s12+$0x0] =	vst.idx.add.f32.msk $0xffff, v4  }
0x2b8: {  	v34 =	vshll.u32 v16, $0x4;
	v12 =	vor.u32 v0, v12;
	[tilespmem:v15+s12+$0x0] =	vst.idx.add.f32.msk $0xffff, v4  }
0x2b9: {  	[tilespmem:v13+s12+$0x0] =	vst.idx.add.f32.msk $0xffff, v4;
	v13 =	vor.u32 v0, v34  }
0x2ba: {  	[tilespmem:v11+s12+$0x0] =	vst.idx.add.f32.msk $0xffff, v4  }
0x2bb: {  	[tilespmem:v14+s12+$0x0] =	vst.idx.add.f32.msk $0xffff, v4  }
0x2bc: {  	[tilespmem:v10+s12+$0x0] =	vst.idx.add.f32.msk $0xffff, v4  }
0x2bd: {  	[tilespmem:v12+s12+$0x0] =	vst.idx.add.f32.msk $0xffff, v4  }
0x2be: {  	[tilespmem:v13+s12+$0x0] =	vst.idx.add.f32.msk $0xffff, v4  }
0x2bf: {  	v10 =	vld.idx.msk [tilespmem:v41+s12+$0x0], $0xffff  }
0x2c0: {  	v11 =	vld.idx.msk [tilespmem:v42+s12+$0x0], $0xffff;
	_ =	sdelay $0x1  }
0x2c1: {  	v12 =	vld.idx.msk [tilespmem:v43+s12+$0x0], $0xffff;
	_ =	sdelay $0x1  }
0x2c2: {  	v13 =	vld.idx.msk [tilespmem:v44+s12+$0x0], $0xffff  }
0x2c3: {  	v35 =	vadd.f32 v11, v10;
	_ =	sdelay $0x1  }
0x2c4: {  	v14 =	vadd.f32 v12, v35;
	_ =	sdelay $0x1  }
0x2c5: {  	v14 =	vadd.f32 v13, v14;
	_ =	sdelay $0x1  }
0x2c6: {  	(xrf2) =	vadd.scan.msk.f32 $0xffff, v14;
	_ =	sdelay $0x9  }
0x2c7: {  	v14, _, _ =	vpop (xrf2)  }
0x2c8: {  	v14 =	vbroadcast v14, $0xF;
	_ =	sdelay $0x1  }
0x2c9: {  	(erf) = vrcp.f32 v14;
	_ =	sdelay $0x8  }
0x2ca: {  	v37 =	vmov v42;
	v42 =	vld [tilespmem:$0x1FDC0];
	v14 =	vpop (erf)  }
0x2cb: {  	v10 =	vmul.f32 v14, v10  }
0x2cc: {  	v38 =	vmov v43;
	v43 =	vld [tilespmem:$0x1FDD0];
	v11 =	vmul.f32 v14, v11  }
0x2cd: {  	v40 =	vmul.f32 v14, v12;
	[tilespmem:$0x10480] =	vst v10  }
0x2ce: {  	v36 =	vmov v41;
	v39 =	vmov v44;
	v44 =	vld [tilespmem:$0x1FDE0];
	v41 =	vmul.f32 v14, v13;
	[tilespmem:$0x10490] =	vst v11  }
0x2cf: {  	[tilespmem:$0x104A0] =	vst v40  }
0x2d0: {  	[tilespmem:$0x104B0] =	vst v41  }
0x2d1: {  	v10 =	vld.idx.msk [tilespmem:v45+s12+$0x0], $0xffff  }
0x2d2: {  	v11 =	vld.idx.msk [tilespmem:v42+s12+$0x0], $0xffff;
	_ =	sdelay $0x1  }
0x2d3: {  	v12 =	vld.idx.msk [tilespmem:v43+s12+$0x0], $0xffff;
	_ =	sdelay $0x1  }
0x2d4: {  	v13 =	vld.idx.msk [tilespmem:v44+s12+$0x0], $0xffff  }
0x2d5: {  	v40 =	vmov v45;
	v45 =	vadd.f32 v11, v10;
	_ =	sdelay $0x1  }
0x2d6: {  	v14 =	vadd.f32 v12, v45;
	_ =	sdelay $0x1  }
0x2d7: {  	v14 =	vadd.f32 v13, v14;
	_ =	sdelay $0x1  }
0x2d8: {  	(xrf2) =	vadd.scan.msk.f32 $0xffff, v14;
	_ =	sdelay $0x9  }
0x2d9: {  	v14, _, _ =	vpop (xrf2)  }
0x2da: {  	v14 =	vbroadcast v14, $0xF;
	_ =	sdelay $0x1  }
0x2db: {  	(erf) = vrcp.f32 v14;
	_ =	sdelay $0x7  }
0x2dc: {  	v15 =	vld [tilespmem:$0x1FDF0]  }
0x2dd: {  	v16 =	vld [tilespmem:$0x1FE00];
	v14 =	vpop (erf)  }
0x2de: {  	v10 =	vmul.f32 v14, v10  }
0x2df: {  	v17 =	vld [tilespmem:$0x1FE10];
	v11 =	vmul.f32 v14, v11  }
0x2e0: {  	v12 =	vmul.f32 v14, v12;
	[tilespmem:$0x10500] =	vst v10  }
0x2e1: {  	v18 =	vld [tilespmem:$0x1FE20];
	v14 =	vmul.f32 v14, v13;
	[tilespmem:$0x10510] =	vst v11  }
0x2e2: {  	[tilespmem:$0x10520] =	vst v12  }
0x2e3: {  	[tilespmem:$0x10530] =	vst v14  }
0x2e4: {  	v10 =	vld.idx.msk [tilespmem:v15+s12+$0x0], $0xffff  }
0x2e5: {  	v11 =	vld.idx.msk [tilespmem:v16+s12+$0x0], $0xffff;
	_ =	sdelay $0x1  }
0x2e6: {  	v12 =	vld.idx.msk [tilespmem:v17+s12+$0x0], $0xffff;
	_ =	sdelay $0x1  }
0x2e7: {  	v13 =	vld.idx.msk [tilespmem:v18+s12+$0x0], $0xffff  }
0x2e8: {  	v19 =	vadd.f32 v11, v10;
	_ =	sdelay $0x1  }
0x2e9: {  	v14 =	vadd.f32 v12, v19;
	_ =	sdelay $0x1  }
0x2ea: {  	v14 =	vadd.f32 v13, v14;
	_ =	sdelay $0x1  }
0x2eb: {  	(xrf2) =	vadd.scan.msk.f32 $0xffff, v14;
	_ =	sdelay $0x9  }
0x2ec: {  	v14, _, _ =	vpop (xrf2)  }
0x2ed: {  	v14 =	vbroadcast v14, $0xF;
	_ =	sdelay $0x1  }
0x2ee: {  	(erf) = vrcp.f32 v14;
	_ =	sdelay $0x7  }
0x2ef: {  	v22 =	vld [tilespmem:$0x1FE30]  }
0x2f0: {  	v23 =	vld [tilespmem:$0x1FE40];
	v14 =	vpop (erf)  }
0x2f1: {  	v10 =	vmul.f32 v14, v10  }
0x2f2: {  	v24 =	vld [tilespmem:$0x1FE50];
	v11 =	vmul.f32 v14, v11  }
0x2f3: {  	v20 =	vmul.f32 v14, v12;
	[tilespmem:$0x10580] =	vst v10  }
0x2f4: {  	v25 =	vld [tilespmem:$0x1FE60];
	v21 =	vmul.f32 v14, v13;
	[tilespmem:$0x10590] =	vst v11  }
0x2f5: {  	[tilespmem:$0x105A0] =	vst v20  }
0x2f6: {  	[tilespmem:$0x105B0] =	vst v21  }
0x2f7: {  	v10 =	vld.idx.msk [tilespmem:v22+s12+$0x0], $0xffff  }
0x2f8: {  	v11 =	vld.idx.msk [tilespmem:v23+s12+$0x0], $0xffff;
	_ =	sdelay $0x1  }
0x2f9: {  	v12 =	vld.idx.msk [tilespmem:v24+s12+$0x0], $0xffff;
	_ =	sdelay $0x1  }
0x2fa: {  	v13 =	vld.idx.msk [tilespmem:v25+s12+$0x0], $0xffff  }
0x2fb: {  	v26 =	vadd.f32 v11, v10;
	_ =	sdelay $0x1  }
0x2fc: {  	v14 =	vadd.f32 v12, v26;
	_ =	sdelay $0x1  }
0x2fd: {  	v14 =	vadd.f32 v13, v14;
	_ =	sdelay $0x1  }
0x2fe: {  	(xrf2) =	vadd.scan.msk.f32 $0xffff, v14;
	_ =	sdelay $0x9  }
0x2ff: {  	v14, _, _ =	vpop (xrf2)  }
0x300: {  	v14 =	vbroadcast v14, $0xF;
	_ =	sdelay $0x1  }
0x301: {  	(erf) = vrcp.f32 v14;
	_ =	sdelay $0x7  }
0x302: {  	v29 =	vld [tilespmem:$0x1FE70]  }
0x303: {  	v30 =	vld [tilespmem:$0x1FE80];
	v14 =	vpop (erf)  }
0x304: {  	v10 =	vmul.f32 v14, v10  }
0x305: {  	v31 =	vld [tilespmem:$0x1FE90];
	v11 =	vmul.f32 v14, v11  }
0x306: {  	v27 =	vmul.f32 v14, v12;
	[tilespmem:$0x10600] =	vst v10  }
0x307: {  	v32 =	vld [tilespmem:$0x1FEA0];
	v28 =	vmul.f32 v14, v13;
	[tilespmem:$0x10610] =	vst v11  }
0x308: {  	[tilespmem:$0x10620] =	vst v27  }
0x309: {  	[tilespmem:$0x10630] =	vst v28  }
0x30a: {  	v10 =	vld.idx.msk [tilespmem:v29+s12+$0x0], $0xffff  }
0x30b: {  	v11 =	vld.idx.msk [tilespmem:v30+s12+$0x0], $0xffff;
	_ =	sdelay $0x1  }
0x30c: {  	v12 =	vld.idx.msk [tilespmem:v31+s12+$0x0], $0xffff;
	_ =	sdelay $0x1  }
0x30d: {  	v13 =	vld.idx.msk [tilespmem:v32+s12+$0x0], $0xffff  }
0x30e: {  	v33 =	vadd.f32 v11, v10;
	_ =	sdelay $0x1  }
0x30f: {  	v14 =	vadd.f32 v12, v33;
	_ =	sdelay $0x1  }
0x310: {  	v14 =	vadd.f32 v13, v14;
	_ =	sdelay $0x1  }
0x311: {  	(xrf2) =	vadd.scan.msk.f32 $0xffff, v14;
	_ =	sdelay $0x9  }
0x312: {  	v14, _, _ =	vpop (xrf2)  }
0x313: {  	v14 =	vbroadcast v14, $0xF;
	_ =	sdelay $0x1  }
0x314: {  	(erf) = vrcp.f32 v14;
	_ =	sdelay $0x7  }
0x315: {  	v41 =	vld [tilespmem:$0x1FEB0]  }
0x316: {  	v42 =	vld [tilespmem:$0x1FEC0];
	v14 =	vpop (erf)  }
0x317: {  	v10 =	vmul.f32 v14, v10  }
0x318: {  	v43 =	vld [tilespmem:$0x1FED0];
	v11 =	vmul.f32 v14, v11  }
0x319: {  	v34 =	vmul.f32 v14, v12;
	[tilespmem:$0x10680] =	vst v10  }
0x31a: {  	v44 =	vld [tilespmem:$0x1FEE0];
	v35 =	vmul.f32 v14, v13;
	[tilespmem:$0x10690] =	vst v11  }
0x31b: {  	[tilespmem:$0x106A0] =	vst v34  }
0x31c: {  	[tilespmem:$0x106B0] =	vst v35  }
0x31d: {  	v10 =	vld.idx.msk [tilespmem:v41+s12+$0x0], $0xffff  }
0x31e: {  	v11 =	vld.idx.msk [tilespmem:v42+s12+$0x0], $0xffff;
	_ =	sdelay $0x1  }
0x31f: {  	v12 =	vld.idx.msk [tilespmem:v43+s12+$0x0], $0xffff;
	_ =	sdelay $0x1  }
0x320: {  	v13 =	vld.idx.msk [tilespmem:v44+s12+$0x0], $0xffff  }
0x321: {  	v45 =	vadd.f32 v11, v10;
	_ =	sdelay $0x1  }
0x322: {  	v14 =	vadd.f32 v12, v45;
	_ =	sdelay $0x1  }
0x323: {  	v14 =	vadd.f32 v13, v14;
	_ =	sdelay $0x1  }
0x324: {  	(xrf2) =	vadd.scan.msk.f32 $0xffff, v14;
	_ =	sdelay $0x9  }
0x325: {  	v14, _, _ =	vpop (xrf2)  }
0x326: {  	v14 =	vbroadcast v14, $0xF;
	_ =	sdelay $0x1  }
0x327: {  	(erf) = vrcp.f32 v14;
	_ =	sdelay $0x7  }
0x328: {  	v15 =	vld [tilespmem:$0x1FEF0]  }
0x329: {  	v16 =	vld [tilespmem:$0x1FF00];
	v14 =	vpop (erf)  }
0x32a: {  	v10 =	vmul.f32 v14, v10  }
0x32b: {  	v17 =	vld [tilespmem:$0x1FF10];
	v11 =	vmul.f32 v14, v11  }
0x32c: {  	v12 =	vmul.f32 v14, v12;
	[tilespmem:$0x10700] =	vst v10  }
0x32d: {  	v18 =	vld [tilespmem:$0x1FF20];
	v14 =	vmul.f32 v14, v13;
	[tilespmem:$0x10710] =	vst v11  }
0x32e: {  	[tilespmem:$0x10720] =	vst v12  }
0x32f: {  	[tilespmem:$0x10730] =	vst v14  }
0x330: {  	v10 =	vld.idx.msk [tilespmem:v15+s12+$0x0], $0xffff  }
0x331: {  	v11 =	vld.idx.msk [tilespmem:v16+s12+$0x0], $0xffff;
	_ =	sdelay $0x1  }
0x332: {  	v12 =	vld.idx.msk [tilespmem:v17+s12+$0x0], $0xffff;
	_ =	sdelay $0x1  }
0x333: {  	v13 =	vld.idx.msk [tilespmem:v18+s12+$0x0], $0xffff  }
0x334: {  	v19 =	vadd.f32 v11, v10;
	_ =	sdelay $0x1  }
0x335: {  	v14 =	vadd.f32 v12, v19;
	_ =	sdelay $0x1  }
0x336: {  	v14 =	vadd.f32 v13, v14;
	_ =	sdelay $0x1  }
0x337: {  	(xrf2) =	vadd.scan.msk.f32 $0xffff, v14;
	_ =	sdelay $0x9  }
0x338: {  	v14, _, _ =	vpop (xrf2)  }
0x339: {  	v14 =	vbroadcast v14, $0xF;
	_ =	sdelay $0x1  }
0x33a: {  	(erf) = vrcp.f32 v14;
	_ =	sdelay $0x7  }
0x33b: {  	v22 =	vld [tilespmem:$0x1FF30]  }
0x33c: {  	v23 =	vld [tilespmem:$0x1FF40];
	v14 =	vpop (erf)  }
0x33d: {  	v10 =	vmul.f32 v14, v10  }
0x33e: {  	v24 =	vld [tilespmem:$0x1FF50];
	v11 =	vmul.f32 v14, v11  }
0x33f: {  	v20 =	vmul.f32 v14, v12;
	[tilespmem:$0x10780] =	vst v10  }
0x340: {  	v25 =	vld [tilespmem:$0x1FF60];
	v21 =	vmul.f32 v14, v13;
	[tilespmem:$0x10790] =	vst v11  }
0x341: {  	[tilespmem:$0x107A0] =	vst v20  }
0x342: {  	[tilespmem:$0x107B0] =	vst v21  }
0x343: {  	v10 =	vld.idx.msk [tilespmem:v22+s12+$0x0], $0xffff  }
0x344: {  	v11 =	vld.idx.msk [tilespmem:v23+s12+$0x0], $0xffff;
	_ =	sdelay $0x1  }
0x345: {  	v12 =	vld.idx.msk [tilespmem:v24+s12+$0x0], $0xffff;
	_ =	sdelay $0x1  }
0x346: {  	v13 =	vld.idx.msk [tilespmem:v25+s12+$0x0], $0xffff  }
0x347: {  	v26 =	vadd.f32 v11, v10;
	_ =	sdelay $0x1  }
0x348: {  	v14 =	vadd.f32 v12, v26;
	_ =	sdelay $0x1  }
0x349: {  	v14 =	vadd.f32 v13, v14;
	_ =	sdelay $0x1  }
0x34a: {  	(xrf2) =	vadd.scan.msk.f32 $0xffff, v14;
	_ =	sdelay $0x9  }
0x34b: {  	v14, _, _ =	vpop (xrf2)  }
0x34c: {  	v14 =	vbroadcast v14, $0xF;
	_ =	sdelay $0x1  }
0x34d: {  	(erf) = vrcp.f32 v14;
	_ =	sdelay $0x7  }
0x34e: {  	v29 =	vld [tilespmem:$0x1FF70]  }
0x34f: {  	v30 =	vld [tilespmem:$0x1FF80];
	v14 =	vpop (erf)  }
0x350: {  	v10 =	vmul.f32 v14, v10  }
0x351: {  	v31 =	vld [tilespmem:$0x1FF90];
	v11 =	vmul.f32 v14, v11  }
0x352: {  	v27 =	vmul.f32 v14, v12;
	[tilespmem:$0x10800] =	vst v10  }
0x353: {  	v32 =	vld [tilespmem:$0x1FFA0];
	v28 =	vmul.f32 v14, v13;
	[tilespmem:$0x10810] =	vst v11  }
0x354: {  	[tilespmem:$0x10820] =	vst v27  }
0x355: {  	[tilespmem:$0x10830] =	vst v28  }
0x356: {  	v10 =	vld.idx.msk [tilespmem:v29+s12+$0x0], $0xffff  }
0x357: {  	v11 =	vld.idx.msk [tilespmem:v30+s12+$0x0], $0xffff;
	_ =	sdelay $0x1  }
0x358: {  	v12 =	vld.idx.msk [tilespmem:v31+s12+$0x0], $0xffff;
	_ =	sdelay $0x1  }
0x359: {  	v13 =	vld.idx.msk [tilespmem:v32+s12+$0x0], $0xffff  }
0x35a: {  	v33 =	vadd.f32 v11, v10;
	_ =	sdelay $0x1  }
0x35b: {  	v14 =	vadd.f32 v12, v33;
	_ =	sdelay $0x1  }
0x35c: {  	v14 =	vadd.f32 v13, v14;
	_ =	sdelay $0x1  }
0x35d: {  	(xrf2) =	vadd.scan.msk.f32 $0xffff, v14;
	_ =	sdelay $0x9  }
0x35e: {  	v14, _, _ =	vpop (xrf2)  }
0x35f: {  	v14 =	vbroadcast v14, $0xF;
	_ =	sdelay $0x1  }
0x360: {  	(erf) = vrcp.f32 v14;
	_ =	sdelay $0x7  }
0x361: {  	v41 =	vld [tilespmem:$0x1FFB0]  }
0x362: {  	v42 =	vld [tilespmem:$0x1FFC0];
	v14 =	vpop (erf)  }
0x363: {  	v10 =	vmul.f32 v14, v10  }
0x364: {  	v43 =	vld [tilespmem:$0x1FFD0];
	v11 =	vmul.f32 v14, v11  }
0x365: {  	v34 =	vmul.f32 v14, v12;
	[tilespmem:$0x10880] =	vst v10  }
0x366: {  	v44 =	vld [tilespmem:$0x1FFE0];
	v35 =	vmul.f32 v14, v13;
	[tilespmem:$0x10890] =	vst v11  }
0x367: {  	[tilespmem:$0x108A0] =	vst v34  }
0x368: {  	[tilespmem:$0x108B0] =	vst v35  }
0x369: {  	v10 =	vld.idx.msk [tilespmem:v41+s12+$0x0], $0xffff  }
0x36a: {  	v11 =	vld.idx.msk [tilespmem:v42+s12+$0x0], $0xffff;
	_ =	sdelay $0x1  }
0x36b: {  	v12 =	vld.idx.msk [tilespmem:v43+s12+$0x0], $0xffff;
	_ =	sdelay $0x1  }
0x36c: {  	v13 =	vld.idx.msk [tilespmem:v44+s12+$0x0], $0xffff  }
0x36d: {  	v45 =	vadd.f32 v11, v10;
	_ =	sdelay $0x1  }
0x36e: {  	v14 =	vadd.f32 v12, v45;
	_ =	sdelay $0x1  }
0x36f: {  	v14 =	vadd.f32 v13, v14;
	_ =	sdelay $0x1  }
0x370: {  	(xrf2) =	vadd.scan.msk.f32 $0xffff, v14;
	_ =	sdelay $0x9  }
0x371: {  	v14, _, _ =	vpop (xrf2)  }
0x372: {  	v14 =	vbroadcast v14, $0xF;
	_ =	sdelay $0x1  }
0x373: {  	(erf) = vrcp.f32 v14;
	_ =	sdelay $0x7  }
0x374: {  	v15 =	vld [tilespmem:$0x1FFF0]  }
0x375: {  	v14 =	vpop (erf)  }
0x376: {  	v10 =	vmul.f32 v14, v10  }
0x377: {  	v11 =	vmul.f32 v14, v11  }
0x378: {  	v12 =	vmul.f32 v14, v12;
	[tilespmem:$0x10900] =	vst v10  }
0x379: {  	v14 =	vmul.f32 v14, v13;
	[tilespmem:$0x10910] =	vst v11  }
0x37a: {  	[tilespmem:$0x10920] =	vst v12  }
0x37b: {  	[tilespmem:$0x10930] =	vst v14  }
0x37c: {  	v10 =	vld.idx.msk [tilespmem:v15+s12+$0x0], $0xffff  }
0x37d: {  	v11 =	vld.idx.msk [tilespmem:v46+s12+$0x0], $0xffff;
	_ =	sdelay $0x1  }
0x37e: {  	v16 =	vld.idx.msk [tilespmem:v47+s12+$0x0], $0xffff;
	_ =	sdelay $0x1  }
0x37f: {  	v17 =	vld.idx.msk [tilespmem:v48+s12+$0x0], $0xffff  }
0x380: {  	v18 =	vadd.f32 v11, v10;
	_ =	sdelay $0x1  }
0x381: {  	v14 =	vadd.f32 v16, v18;
	_ =	sdelay $0x1  }
0x382: {  	v14 =	vadd.f32 v17, v14;
	_ =	sdelay $0x1  }
0x383: {  	(xrf2) =	vadd.scan.msk.f32 $0xffff, v14;
	_ =	sdelay $0x9  }
0x384: {  	v14, _, _ =	vpop (xrf2)  }
0x385: {  	v14 =	vbroadcast v14, $0xF;
	_ =	sdelay $0x1  }
0x386: {  	(erf) = vrcp.f32 v14;
	_ =	sdelay $0x8  }
0x387: {  	v14 =	vpop (erf)  }
0x388: {  	v10 =	vmul.f32 v14, v10  }
0x389: {  	v11 =	vmul.f32 v14, v11  }
0x38a: {  	v19 =	vmul.f32 v14, v16;
	[tilespmem:$0x10980] =	vst v10  }
0x38b: {  	v20 =	vmul.f32 v14, v17;
	[tilespmem:$0x10990] =	vst v11  }
0x38c: {  	[tilespmem:$0x109A0] =	vst v19  }
0x38d: {  	[tilespmem:$0x109B0] =	vst v20  }
0x38e: {  	v10 =	vld.idx.msk [tilespmem:v49+s12+$0x0], $0xffff  }
0x38f: {  	v11 =	vld.idx.msk [tilespmem:v50+s12+$0x0], $0xffff;
	_ =	sdelay $0x1  }
0x390: {  	v21 =	vld.idx.msk [tilespmem:v51+s12+$0x0], $0xffff;
	_ =	sdelay $0x1  }
0x391: {  	v22 =	vld.idx.msk [tilespmem:v52+s12+$0x0], $0xffff  }
0x392: {  	v23 =	vadd.f32 v11, v10;
	_ =	sdelay $0x1  }
0x393: {  	v14 =	vadd.f32 v21, v23;
	_ =	sdelay $0x1  }
0x394: {  	v14 =	vadd.f32 v22, v14;
	_ =	sdelay $0x1  }
0x395: {  	(xrf2) =	vadd.scan.msk.f32 $0xffff, v14;
	_ =	sdelay $0x9  }
0x396: {  	v14, _, _ =	vpop (xrf2)  }
0x397: {  	v14 =	vbroadcast v14, $0xF;
	_ =	sdelay $0x1  }
0x398: {  	(erf) = vrcp.f32 v14;
	_ =	sdelay $0x8  }
0x399: {  	v14 =	vpop (erf)  }
0x39a: {  	v10 =	vmul.f32 v14, v10  }
0x39b: {  	v11 =	vmul.f32 v14, v11  }
0x39c: {  	v24 =	vmul.f32 v14, v21;
	[tilespmem:$0x10A00] =	vst v10  }
0x39d: {  	v25 =	vmul.f32 v14, v22;
	[tilespmem:$0x10A10] =	vst v11  }
0x39e: {  	[tilespmem:$0x10A20] =	vst v24  }
0x39f: {  	[tilespmem:$0x10A30] =	vst v25  }
0x3a0: {  	v10 =	vld.idx.msk [tilespmem:v53+s12+$0x0], $0xffff  }
0x3a1: {  	v11 =	vld.idx.msk [tilespmem:v54+s12+$0x0], $0xffff;
	_ =	sdelay $0x1  }
0x3a2: {  	v26 =	vld.idx.msk [tilespmem:v55+s12+$0x0], $0xffff;
	_ =	sdelay $0x1  }
0x3a3: {  	v27 =	vld.idx.msk [tilespmem:v56+s12+$0x0], $0xffff  }
0x3a4: {  	v28 =	vadd.f32 v11, v10;
	_ =	sdelay $0x1  }
0x3a5: {  	v14 =	vadd.f32 v26, v28;
	_ =	sdelay $0x1  }
0x3a6: {  	v14 =	vadd.f32 v27, v14;
	_ =	sdelay $0x1  }
0x3a7: {  	(xrf2) =	vadd.scan.msk.f32 $0xffff, v14;
	_ =	sdelay $0x9  }
0x3a8: {  	v14, _, _ =	vpop (xrf2)  }
0x3a9: {  	v14 =	vbroadcast v14, $0xF;
	_ =	sdelay $0x1  }
0x3aa: {  	(erf) = vrcp.f32 v14;
	_ =	sdelay $0x8  }
0x3ab: {  	v14 =	vpop (erf)  }
0x3ac: {  	v10 =	vmul.f32 v14, v10  }
0x3ad: {  	v11 =	vmul.f32 v14, v11  }
0x3ae: {  	v29 =	vmul.f32 v14, v26;
	[tilespmem:$0x10A80] =	vst v10  }
0x3af: {  	v30 =	vmul.f32 v14, v27;
	[tilespmem:$0x10A90] =	vst v11  }
0x3b0: {  	[tilespmem:$0x10AA0] =	vst v29  }
0x3b1: {  	[tilespmem:$0x10AB0] =	vst v30  }
0x3b2: {  	v10 =	vld.idx.msk [tilespmem:v57+s12+$0x0], $0xffff  }
0x3b3: {  	v11 =	vld.idx.msk [tilespmem:v58+s12+$0x0], $0xffff;
	_ =	sdelay $0x1  }
0x3b4: {  	v31 =	vld.idx.msk [tilespmem:v59+s12+$0x0], $0xffff;
	_ =	sdelay $0x1  }
0x3b5: {  	v32 =	vld.idx.msk [tilespmem:v60+s12+$0x0], $0xffff  }
0x3b6: {  	v33 =	vadd.f32 v11, v10;
	_ =	sdelay $0x1  }
0x3b7: {  	v14 =	vadd.f32 v31, v33;
	_ =	sdelay $0x1  }
0x3b8: {  	v14 =	vadd.f32 v32, v14;
	_ =	sdelay $0x1  }
0x3b9: {  	(xrf2) =	vadd.scan.msk.f32 $0xffff, v14;
	_ =	sdelay $0x9  }
0x3ba: {  	v14, _, _ =	vpop (xrf2)  }
0x3bb: {  	v14 =	vbroadcast v14, $0xF;
	_ =	sdelay $0x1  }
0x3bc: {  	(erf) = vrcp.f32 v14;
	_ =	sdelay $0x8  }
0x3bd: {  	v14 =	vpop (erf)  }
0x3be: {  	v10 =	vmul.f32 v14, v10  }
0x3bf: {  	v11 =	vmul.f32 v14, v11  }
0x3c0: {  	v34 =	vmul.f32 v14, v31;
	[tilespmem:$0x10B00] =	vst v10  }
0x3c1: {  	v35 =	vmul.f32 v14, v32;
	[tilespmem:$0x10B10] =	vst v11  }
0x3c2: {  	[tilespmem:$0x10B20] =	vst v34  }
0x3c3: {  	[tilespmem:$0x10B30] =	vst v35  }
0x3c4: {  	v10 =	vld.idx.msk [tilespmem:v61+s12+$0x0], $0xffff  }
0x3c5: {  	v11 =	vld.idx.msk [tilespmem:v62+s12+$0x0], $0xffff;
	_ =	sdelay $0x1  }
0x3c6: {  	v41 =	vld.idx.msk [tilespmem:v63+s12+$0x0], $0xffff;
	_ =	sdelay $0x1  }
0x3c7: {  	v7 =	vld.idx.msk [tilespmem:v7+s12+$0x0], $0xffff  }
0x3c8: {  	v42 =	vadd.f32 v11, v10;
	_ =	sdelay $0x1  }
0x3c9: {  	v13 =	vadd.f32 v41, v42;
	_ =	sdelay $0x1  }
0x3ca: {  	v13 =	vadd.f32 v7, v13;
	_ =	sdelay $0x1  }
0x3cb: {  	(xrf2) =	vadd.scan.msk.f32 $0xffff, v13;
	_ =	sdelay $0x9  }
0x3cc: {  	v13, _, _ =	vpop (xrf2)  }
0x3cd: {  	v13 =	vbroadcast v13, $0xF;
	_ =	sdelay $0x1  }
0x3ce: {  	(erf) = vrcp.f32 v13;
	_ =	sdelay $0x8  }
0x3cf: {  	v13 =	vpop (erf)  }
0x3d0: {  	v10 =	vmul.f32 v13, v10  }
0x3d1: {  	v11 =	vmul.f32 v13, v11  }
0x3d2: {  	v43 =	vmul.f32 v13, v41;
	[tilespmem:$0x10B80] =	vst v10  }
0x3d3: {  	v7 =	vmul.f32 v13, v7;
	[tilespmem:$0x10B90] =	vst v11  }
0x3d4: {  	[tilespmem:$0x10BA0] =	vst v43  }
0x3d5: {  	[tilespmem:$0x10BB0] =	vst v7  }
0x3d6: {  	v5 =	vld.idx.msk [tilespmem:v5+s12+$0x0], $0xffff  }
0x3d7: {  	v6 =	vld.idx.msk [tilespmem:v6+s12+$0x0], $0xffff;
	_ =	sdelay $0x1  }
0x3d8: {  	v7 =	vld.idx.msk [tilespmem:v8+s12+$0x0], $0xffff;
	_ =	sdelay $0x1  }
0x3d9: {  	v44 =	vld.idx.msk [tilespmem:v9+s12+$0x0], $0xffff  }
0x3da: {  	v45 =	vadd.f32 v6, v5;
	_ =	sdelay $0x1  }
0x3db: {  	v9 =	vadd.f32 v7, v45;
	_ =	sdelay $0x1  }
0x3dc: {  	v9 =	vadd.f32 v44, v9;
	_ =	sdelay $0x1  }
0x3dd: {  	(xrf2) =	vadd.scan.msk.f32 $0xffff, v9;
	_ =	sdelay $0x9  }
0x3de: {  	v9, _, _ =	vpop (xrf2)  }
0x3df: {  	v9 =	vbroadcast v9, $0xF;
	_ =	sdelay $0x1  }
0x3e0: {  	(erf) = vrcp.f32 v9;
	_ =	sdelay $0x8  }
0x3e1: {  	v9 =	vpop (erf)  }
0x3e2: {  	v5 =	vmul.f32 v9, v5  }
0x3e3: {  	v6 =	vmul.f32 v9, v6  }
0x3e4: {  	[tilespmem:$0x10C00] =	vst v5;
	v5 =	vmul.f32 v9, v7  }
0x3e5: {  	[tilespmem:$0x10C10] =	vst v6;
	v6 =	vmul.f32 v9, v44  }
0x3e6: {  	s1 =	sshll.u32 s17, $0x4;
	p0 =	sne.s32 s18, $0x10;
	[tilespmem:$0x10C20] =	vst v5  }
.Ltmp2:
0x3e7: {  	s1 =	sadd.s32 s4, s1;
	[tilespmem:$0x10C30] =	vst v6;
	(pc) =	sbr.rel @p0 .LBB2_2-.Ltmp2, $4  }
0x3e8: {  	[hbm4b:s1+s2] =	stream.linear.scatter [tilespmem:s13], [sflag:$0x3], $0x800, $0x38;
	[tilespmem:$0x10C80] =	vst v63  }
0x3e9: {  	_ =	swait.ge [sflag:s14], $0x800  }
0x3ea: {  	[sflag:s14] =	ssyncset.done $0x0  }
0x3eb: {  	[sflag:s14] =	ssyncadd.s32 $0xFFFFF800  }
0x3ec: {  	s16 =	sadd.s32 $0x1, s16  }
0x3ed: {  	p0 =	sne.s32 s16, s8  }
.Ltmp3:
0x3ee: {  	_ = 	snop;
	(pc) =	sbr.rel @p0 .LBB2_1-.Ltmp3, $1  }
0x3ef: {  	_ =	sdelay $0x3  }
0x3f0: {  	_ =	sfence.sel $0x180000  }
0x3f1: {  	[bflag:$0x0] =	sbarrier.arrive $0xFFFF  }
0x3f2: {  	_ =	strace $0x90000047  }
0x3f3: {  	[bflag:$0x2] =	sbarrier.arrive $0xFFFF  }
0x3f4: {  	p0 =	sne.s32 s3, $0x0;
	s0 =	rddreg [dreg:$0x2]  }
0x3f5: {  	s0 =	sadd.s32 @!p0 $0x100000, s0  }
0x3f6: {  	[sflag:s0] =	ssyncadd.tile.s32 @!p0 $0x1;
	_ =	shalt  }
.Lfunc_end2:
_tile_overlayer_lowered:
.L_overlay_start_2:
0x3f7: {  	(tag) =	ssettag $0x2  }
0x3f8: {  	s0 =	rddreg [dreg:$0x0];
	s2 =	stileid.u32  }
0x3f9: {  	s1 =	rddreg [dreg:$0x1];
	p0 =	sne.s32 s2, $0x0  }
0x3fa: {  	s3 =	rddreg [dreg:$0x2];
	[bflag:$0x3] =	sbarrier.arrive $0xFFFF;
	s2 =	simm.s32 @!p0 $0x1C03  }
0x3fb: {  	[timem:s3], [sflag:s2] =	dma.local @!p0 [hbm:s0], s1  }
0x3fc: {  	s0 =	simm.s32 @!p0 $0x3  }
0x3fd: {  	_ =	swait.ge @!p0 [sflag:s0], s1  }
0x3fe: {  	s1 =	ssub.s32 @!p0 $0x0, s1;
	[sflag:s0] =	ssyncset.done @!p0 $0x0  }
0x3ff: {  	[sflag:s0] =	ssyncadd.s32 @!p0 s1  }
0x400: {  	[bflag:$0x3] =	sbarrier.arrive $0xFFFF  }
0x401: {  	_ =	shalt  }

</sc_bundles>
